<compile_context>
chip_gen: v7x
topology: tpu7x:2x2x1
jax: 0.10.2.dev20260603
libtpu: 0.0.44.dev20260713+nightly
codegen_flags: <defaults>
</compile_context>

<pallas_src>
import functools

import jax
import jax.numpy as jnp
from jax import lax
from jax.experimental import pallas as pl
from jax.experimental.pallas import tpu as pltpu
from jax.experimental.pallas import tpu_sc as plsc

N = 10000
D = 128
DH = D // 2
NPAD = 10240
E = 320000
EPAD = 327680
B = 4096

NC = 2
NS = 16
NW = NC * NS
CH = 128
EPT = EPAD // NS
NCHUNK = EPT // CH
RPT = NPAD // NS
BPW = B // NW

_mesh = plsc.VectorSubcoreMesh(core_axis_name="c", subcore_axis_name="s")
_f32 = jnp.float32



def _renorm(t):
    n = jnp.sqrt(jnp.sum(t * t, axis=-1, keepdims=True))
    scale = jnp.minimum(1.0, 1.0 / jnp.maximum(n, 1e-12))
    return t * scale


def _renorm_body(x_ref, lo_ref, hi_ref):
    x = _renorm(x_ref[...])
    lo_ref[...] = x[:, :DH]
    hi_ref[...] = x[:, DH:]


def _dense_layer(lo_ref, hi_ref, agg_ref, deg_ref, ws_ref, wn_ref, b_ref):
    x = jnp.concatenate([lo_ref[...], hi_ref[...]], axis=1)
    agg = jnp.concatenate([agg_ref[0], agg_ref[1]], axis=1)
    deg = deg_ref[:, 0:1]
    mean = agg / jnp.maximum(deg, 1.0)
    return (jnp.dot(x, ws_ref[...], preferred_element_type=_f32)
            + jnp.dot(mean, wn_ref[...], preferred_element_type=_f32)
            + b_ref[...])


def _layer1_body(lo_ref, hi_ref, agg_ref, deg_ref, ws_ref, wn_ref, b_ref,
                 olo_ref, ohi_ref):
    h = _dense_layer(lo_ref, hi_ref, agg_ref, deg_ref, ws_ref, wn_ref, b_ref)
    h = jnp.maximum(h, 0.0)
    rows = lax.broadcasted_iota(jnp.int32, (NPAD, 1), 0)
    h = jnp.where(rows < N, h, 0.0)
    olo_ref[...] = h[:, :DH]
    ohi_ref[...] = h[:, DH:]


def _layer2_body(lo_ref, hi_ref, agg_ref, deg_ref, ws_ref, wn_ref, b_ref,
                 uraw_ref, o_ref, un_ref):
    o_ref[...] = _dense_layer(lo_ref, hi_ref, agg_ref, deg_ref,
                              ws_ref, wn_ref, b_ref)
    un_ref[...] = _renorm(uraw_ref[...])



def _zero_vmem(ref, nrows, ncols):
    zero16 = jnp.zeros((16,), _f32)

    def zfill(r, carry):
        for j in range(ncols // 16):
            ref[r, pl.ds(j * 16, 16)] = zero16
        return carry

    lax.fori_loop(0, nrows, zfill, None)


def _edge_pass(x_half, src_hbm, dst_hbm, sidx, didx, rows, acc, gsem,
               s, with_deg, ones16, dacc):
    def chunk(t, carry):
        base = s * EPT + t * CH
        pltpu.sync_copy(src_hbm.at[pl.ds(base, CH)], sidx)
        pltpu.sync_copy(dst_hbm.at[pl.ds(base, CH)], didx)
        pltpu.async_copy(x_half.at[sidx], rows, gsem).wait()
        pltpu.sync_copy(rows, acc.at[didx], add=True)
        if with_deg:
            pltpu.sync_copy(ones16, dacc.at[didx], add=True)
        return carry

    lax.fori_loop(0, NCHUNK, chunk, None)


def _agg1_body(xlo_hbm, xhi_hbm, src_hbm, dst_hbm, u_hbm, uemb_hbm,
               agg_hbm, deg_hbm, uraw_hbm,
               sidx, didx, rows, ones16, zbuf, urows, acc, dacc, gsem):
    c = lax.axis_index("c")
    s = lax.axis_index("s")
    wid = s * NC + c

    _zero_vmem(zbuf, CH, DH)
    _zero_vmem(ones16, CH, 16)

    def zcopy(k, carry):
        base = s * RPT + k * CH
        pltpu.sync_copy(zbuf, acc.at[pl.ds(base, CH)])
        pltpu.sync_copy(ones16, dacc.at[pl.ds(base, CH)])
        return carry

    lax.fori_loop(0, RPT // CH, zcopy, None)

    one16 = jnp.ones((16,), _f32)

    def ofill(r, carry):
        ones16[r, pl.ds(0, 16)] = one16
        return carry

    lax.fori_loop(0, CH, ofill, None)
    plsc.subcore_barrier()

    @pl.when(c == 0)
    def _():
        _edge_pass(xlo_hbm, src_hbm, dst_hbm, sidx, didx, rows, acc, gsem,
                   s, True, ones16, dacc)

    @pl.when(c == 1)
    def _():
        _edge_pass(xhi_hbm, src_hbm, dst_hbm, sidx, didx, rows, acc, gsem,
                   s, False, ones16, dacc)

    ub = wid * BPW
    pltpu.sync_copy(u_hbm.at[pl.ds(ub, BPW)], sidx)
    pltpu.async_copy(uemb_hbm.at[sidx], urows, gsem).wait()
    pltpu.sync_copy(urows, uraw_hbm.at[pl.ds(ub, BPW)])

    plsc.subcore_barrier()
    ob = s * RPT
    pltpu.sync_copy(acc.at[pl.ds(ob, RPT)], agg_hbm.at[c, pl.ds(ob, RPT)])

    @pl.when(c == 0)
    def _():
        pltpu.sync_copy(dacc.at[pl.ds(ob, RPT)], deg_hbm.at[pl.ds(ob, RPT)])


def _agg2_body(hlo_hbm, hhi_hbm, src_hbm, dst_hbm, agg_hbm,
               sidx, didx, rows, zbuf, acc, gsem):
    c = lax.axis_index("c")
    s = lax.axis_index("s")

    _zero_vmem(zbuf, CH, DH)

    def zcopy(k, carry):
        pltpu.sync_copy(zbuf, acc.at[pl.ds(s * RPT + k * CH, CH)])
        return carry

    lax.fori_loop(0, RPT // CH, zcopy, None)
    plsc.subcore_barrier()

    @pl.when(c == 0)
    def _():
        _edge_pass(hlo_hbm, src_hbm, dst_hbm, sidx, didx, rows, acc, gsem,
                   s, False, None, None)

    @pl.when(c == 1)
    def _():
        _edge_pass(hhi_hbm, src_hbm, dst_hbm, sidx, didx, rows, acc, gsem,
                   s, False, None, None)

    plsc.subcore_barrier()
    ob = s * RPT
    pltpu.sync_copy(acc.at[pl.ds(ob, RPT)], agg_hbm.at[c, pl.ds(ob, RPT)])


def _final_body(o2_hbm, un_hbm, i_hbm, o_hbm,
                iidx, items, urows, res, gsem):
    c = lax.axis_index("c")
    s = lax.axis_index("s")
    wid = s * NC + c
    base = wid * BPW

    pltpu.sync_copy(i_hbm.at[pl.ds(base, BPW)], iidx)
    pltpu.async_copy(o2_hbm.at[iidx], items, gsem).wait()
    pltpu.sync_copy(un_hbm.at[pl.ds(base, BPW)], urows)

    lane = lax.iota(jnp.int32, 16)

    def dotgroup(g, carry):
        out16 = jnp.zeros((16,), _f32)
        for r16 in range(16):
            r = g * 16 + r16
            accv = jnp.zeros((16,), _f32)
            for j in range(D // 16):
                accv = accv + (items[r, pl.ds(j * 16, 16)]
                               * urows[r, pl.ds(j * 16, 16)])
            out16 = jnp.where(lane == r16, jnp.sum(accv), out16)
        res[pl.ds(g * 16, 16)] = 1.0 / (1.0 + jnp.exp(-out16))
        return carry

    lax.fori_loop(0, BPW // 16, dotgroup, None)
    pltpu.sync_copy(res, o_hbm.at[pl.ds(base, BPW)])



_sc_params = pltpu.CompilerParams(use_tc_tiling_on_sc=False, needs_layout_passes=False)

_sc_pass1 = pl.kernel(
    _agg1_body,
    compiler_params=_sc_params,
    out_type=(
        jax.ShapeDtypeStruct((NC, NPAD, DH), _f32),
        jax.ShapeDtypeStruct((NPAD, 16), _f32),
        jax.ShapeDtypeStruct((B, D), _f32),
    ),
    mesh=_mesh,
    scratch_types=[
        pltpu.VMEM((CH,), jnp.int32),
        pltpu.VMEM((CH,), jnp.int32),
        pltpu.VMEM((CH, DH), _f32),
        pltpu.VMEM((CH, 16), _f32),
        pltpu.VMEM((CH, DH), _f32),
        pltpu.VMEM((BPW, D), _f32),
        pltpu.VMEM_SHARED((NPAD, DH), _f32),
        pltpu.VMEM_SHARED((NPAD, 16), _f32),
        pltpu.SemaphoreType.DMA,
    ],
)

_sc_pass2 = pl.kernel(
    _agg2_body,
    compiler_params=_sc_params,
    out_type=jax.ShapeDtypeStruct((NC, NPAD, DH), _f32),
    mesh=_mesh,
    scratch_types=[
        pltpu.VMEM((CH,), jnp.int32),
        pltpu.VMEM((CH,), jnp.int32),
        pltpu.VMEM((CH, DH), _f32),
        pltpu.VMEM((CH, DH), _f32),
        pltpu.VMEM_SHARED((NPAD, DH), _f32),
        pltpu.SemaphoreType.DMA,
    ],
)

_sc_final = pl.kernel(
    _final_body,
    compiler_params=_sc_params,
    out_type=jax.ShapeDtypeStruct((B,), _f32),
    mesh=_mesh,
    scratch_types=[
        pltpu.VMEM((BPW,), jnp.int32),
        pltpu.VMEM((BPW, D), _f32),
        pltpu.VMEM((BPW, D), _f32),
        pltpu.VMEM((BPW,), _f32),
        pltpu.SemaphoreType.DMA,
    ],
)

_tc_renorm = pl.pallas_call(
    _renorm_body,
    out_shape=(
        jax.ShapeDtypeStruct((NPAD, DH), _f32),
        jax.ShapeDtypeStruct((NPAD, DH), _f32),
    ),
)

_tc_layer1 = pl.pallas_call(
    _layer1_body,
    out_shape=(
        jax.ShapeDtypeStruct((NPAD, DH), _f32),
        jax.ShapeDtypeStruct((NPAD, DH), _f32),
    ),
)

_tc_layer2 = pl.pallas_call(
    _layer2_body,
    out_shape=(
        jax.ShapeDtypeStruct((NPAD, D), _f32),
        jax.ShapeDtypeStruct((B, D), _f32),
    ),
)


def kernel(u, i, edge_index, user_emb, entity_emb,
           W1_self, W1_neigh, b1, W2_self, W2_neigh, b2):
    src = edge_index[0].astype(jnp.int32)
    dst = edge_index[1].astype(jnp.int32)
    pad = jnp.full((EPAD - E,), N, jnp.int32)
    srcp = jnp.concatenate([src, pad])
    dstp = jnp.concatenate([dst, pad])
    u32 = u.astype(jnp.int32)
    i32 = i.astype(jnp.int32)

    x_in = jnp.pad(entity_emb.astype(_f32), ((0, NPAD - N), (0, 0)))
    xlo, xhi = _tc_renorm(x_in)

    agg1, deg, uraw = _sc_pass1(xlo, xhi, srcp, dstp, u32,
                                user_emb.astype(_f32))
    hlo, hhi = _tc_layer1(xlo, xhi, agg1, deg, W1_self, W1_neigh,
                          b1.reshape(1, D))
    agg2 = _sc_pass2(hlo, hhi, srcp, dstp)
    out2, un = _tc_layer2(hlo, hhi, agg2, deg, W2_self, W2_neigh,
                          b2.reshape(1, D), uraw)
    return _sc_final(out2, un, i32)

# --- scband reference (transcript-rebuilt; emitter-appended) ---
"""Pipeline reference for scband-gcn4-rec-56109452755129 (READ-ONLY COPY).

The authoritative reference and input builder live on the scoring server;
editing this copy changes nothing except your own understanding.
"""

import jax, jax.numpy as jnp
import numpy as np

N_USERS = 100000
N_ENT = 10000
DIM = 128
HID = 128
E = 320000
B = 4096


def _renorm(t, max_norm=1.0):
    # emulate nn.Embedding(max_norm=1): rows with L2 norm > 1 are rescaled to norm 1
    n = jnp.linalg.norm(t, axis=-1, keepdims=True)
    scale = jnp.minimum(1.0, max_norm / jnp.maximum(n, 1e-12))
    return t * scale


def _sage_mean(x, src, dst, W_self, W_neigh, b, n_nodes):
    # DGL SAGEConv with 'mean' aggregator: out = x @ W_self + mean_{j in N(i)} x_j @ W_neigh + b
    msg = jnp.take(x, src, axis=0)
    agg = jax.ops.segment_sum(msg, dst, num_segments=n_nodes)
    deg = jax.ops.segment_sum(jnp.ones((src.shape[0],), x.dtype), dst, num_segments=n_nodes)
    mean = agg / jnp.maximum(deg, 1.0)[:, None]
    return x @ W_self + mean @ W_neigh + b


def setup_inputs(seed: int = 0) -> dict:
    key = jax.random.key(seed)
    ks = jax.random.split(key, 10)
    s1 = 1.0 / np.sqrt(DIM)
    s2 = 1.0 / np.sqrt(HID)
    return {
        "u": jax.random.randint(ks[0], (B,), 0, N_USERS, dtype=jnp.int64) if jax.config.jax_enable_x64 else jax.random.randint(ks[0], (B,), 0, N_USERS),
        "i": jax.random.randint(ks[1], (B,), 0, N_ENT),
        "edge_index": jax.random.randint(ks[2], (2, E), 0, N_ENT),
        "user_emb": jax.random.normal(ks[3], (N_USERS, DIM), jnp.float32) * 0.05,
        "entity_emb": jax.random.normal(ks[4], (N_ENT, DIM), jnp.float32) * 0.05,
        "W1_self": jax.random.uniform(ks[5], (DIM, HID), jnp.float32, -s1, s1),
        "W1_neigh": jax.random.uniform(ks[6], (DIM, HID), jnp.float32, -s1, s1),
        "b1": jnp.zeros((HID,), jnp.float32),
        "W2_self": jax.random.uniform(ks[7], (HID, DIM), jnp.float32, -s2, s2),
        "W2_neigh": jax.random.uniform(ks[8], (HID, DIM), jnp.float32, -s2, s2),
        "b2": jnp.zeros((DIM,), jnp.float32),
    }


def reference(u, i, edge_index, user_emb, entity_emb, W1_self, W1_neigh, b1, W2_self, W2_neigh, b2):
    src = edge_index[0]
    dst = edge_index[1]
    # gnnForward: embed all entities (max_norm=1 renorm), two SAGE layers (dropout treated as identity / eval)
    x = _renorm(entity_emb)
    h = jax.nn.relu(_sage_mean(x, src, dst, W1_self, W1_neigh, b1, N_ENT))
    h = _sage_mean(h, src, dst, W2_self, W2_neigh, b2, N_ENT)
    items = jnp.take(h, i, axis=0)
    users = _renorm(jnp.take(user_emb, u, axis=0))
    uv = jnp.sum(users * items, axis=1)
    return jax.nn.sigmoid(uv)

if __name__ == "__main__":
    import jax
    _d = setup_inputs()
    print(jax.jit(kernel)(*tuple(_d.values())))

</pallas_src>

<mosaic_0001>
#map = affine_map<(d0, d1) -> (0, 0)>
#map1 = affine_map<(d0, d1) -> (0)>
module attributes {stable_mosaic.version = 14 : i64} {
  func.func @_final_body(%arg0: i32, %arg1: i32, %arg2: memref<10240x128xf32, #tpu.memory_space<hbm>>, %arg3: memref<4096x128xf32, #tpu.memory_space<hbm>>, %arg4: memref<4096xi32, #tpu.memory_space<hbm>>, %arg5: memref<4096xf32, #tpu.memory_space<hbm>>, %arg6: memref<128xi32, #tpu.memory_space<vmem>>, %arg7: memref<128x128xf32, #tpu.memory_space<vmem>>, %arg8: memref<128x128xf32, #tpu.memory_space<vmem>>, %arg9: memref<128xf32, #tpu.memory_space<vmem>>, %arg10: memref<!tpu.dma_semaphore, #tpu.memory_space<semaphore_mem>>) attributes {dimension_semantics = [#tpu.dimension_semantics<core_parallel>, #tpu.dimension_semantics<subcore_parallel>], iteration_bounds = array<i64: 2, 16>, scalar_prefetch = 0 : i64, scratch_operands = 5 : i64, tpu.core_type = #tpu.core_type<sc_vector_subcore>, window_params = [{transform_indices = #map}, {transform_indices = #map}, {transform_indices = #map1}, {transform_indices = #map1}]} {
    %mul3A = arith.constant 2 : i32
    %mul3A_0 = arith.muli %arg1, %mul3A : i32
    %add3A = arith.addi %mul3A_0, %arg0 : i32
    %mul3A_1 = arith.constant 128 : i32
    %mul3A_2 = arith.muli %add3A, %mul3A_1 : i32
    "tpu.region"() ({
      %run_scoped3A = tpu.sem_alloc : memref<!tpu.dma_semaphore, #tpu.memory_space<semaphore_mem>>
      %dma_start3A_11 = tpu.memref_slice %arg4[%mul3A_2] : memref<4096xi32, #tpu.memory_space<hbm>> -> memref<128xi32, #tpu.memory_space<hbm>>
      %dma_start3A_12 = tpu.memref_slice %arg4[%mul3A_2] : memref<4096xi32, #tpu.memory_space<hbm>> -> memref<128xi32, #tpu.memory_space<hbm>>
      tpu.enqueue_dma source(%dma_start3A_12 : memref<128xi32, #tpu.memory_space<hbm>>) target(%arg6 : memref<128xi32, #tpu.memory_space<vmem>>) target_semaphore(%run_scoped3A : memref<!tpu.dma_semaphore, #tpu.memory_space<semaphore_mem>>)
      %dma_wait3A_13 = tpu.memref_slice %arg4[%mul3A_2] : memref<4096xi32, #tpu.memory_space<hbm>> -> memref<128xi32, #tpu.memory_space<hbm>>
      %dma_wait3A_14 = tpu.memref_slice %arg4[%mul3A_2] : memref<4096xi32, #tpu.memory_space<hbm>> -> memref<128xi32, #tpu.memory_space<hbm>>
      tpu.wait_dma2 semaphore(%run_scoped3A : memref<!tpu.dma_semaphore, #tpu.memory_space<semaphore_mem>>) src(%dma_wait3A_14 : memref<128xi32, #tpu.memory_space<hbm>>) dst(%arg6 : memref<128xi32, #tpu.memory_space<vmem>>)
      tpu.yield
    }) : () -> ()
    %dma_start3A = arith.constant 0 : i32
    %dma_start3A_3 = arith.constant 0 : i32
    %dma_start3A_4 = tpu.memref_slice %arg2[%dma_start3A, %dma_start3A_3] : memref<10240x128xf32, #tpu.memory_space<hbm>> -> memref<10240x128xf32, #tpu.memory_space<hbm>>
    tpu.enqueue_indirect_dma source(%dma_start3A_4 : memref<10240x128xf32, #tpu.memory_space<hbm>>) target(%arg7 : memref<128x128xf32, #tpu.memory_space<vmem>>) offsets(%arg6 : memref<128xi32, #tpu.memory_space<vmem>>) semaphore(%arg10 : memref<!tpu.dma_semaphore, #tpu.memory_space<semaphore_mem>>)
    %dma_wait3A = arith.constant 0 : i32
    %dma_wait3A_5 = arith.constant 0 : i32
    %dma_wait3A_6 = tpu.memref_slice %arg2[%dma_wait3A, %dma_wait3A_5] : memref<10240x128xf32, #tpu.memory_space<hbm>> -> memref<10240x128xf32, #tpu.memory_space<hbm>>
    tpu.wait_indirect_dma semaphore(%arg10 : memref<!tpu.dma_semaphore, #tpu.memory_space<semaphore_mem>>) src(%dma_wait3A_6 : memref<10240x128xf32, #tpu.memory_space<hbm>>) dst(%arg7 : memref<128x128xf32, #tpu.memory_space<vmem>>)
    "tpu.region"() ({
      %run_scoped3A = tpu.sem_alloc : memref<!tpu.dma_semaphore, #tpu.memory_space<semaphore_mem>>
      %dma_start3A_11 = arith.constant 0 : i32
      %dma_start3A_12 = tpu.memref_slice %arg3[%mul3A_2, %dma_start3A_11] : memref<4096x128xf32, #tpu.memory_space<hbm>> -> memref<128x128xf32, #tpu.memory_space<hbm>>
      %dma_start3A_13 = arith.constant 0 : i32
      %dma_start3A_14 = tpu.memref_slice %arg3[%mul3A_2, %dma_start3A_13] : memref<4096x128xf32, #tpu.memory_space<hbm>> -> memref<128x128xf32, #tpu.memory_space<hbm>>
      tpu.enqueue_dma source(%dma_start3A_14 : memref<128x128xf32, #tpu.memory_space<hbm>>) target(%arg8 : memref<128x128xf32, #tpu.memory_space<vmem>>) target_semaphore(%run_scoped3A : memref<!tpu.dma_semaphore, #tpu.memory_space<semaphore_mem>>)
      %dma_wait3A_15 = arith.constant 0 : i32
      %dma_wait3A_16 = tpu.memref_slice %arg3[%mul3A_2, %dma_wait3A_15] : memref<4096x128xf32, #tpu.memory_space<hbm>> -> memref<128x128xf32, #tpu.memory_space<hbm>>
      %dma_wait3A_17 = arith.constant 0 : i32
      %dma_wait3A_18 = tpu.memref_slice %arg3[%mul3A_2, %dma_wait3A_17] : memref<4096x128xf32, #tpu.memory_space<hbm>> -> memref<128x128xf32, #tpu.memory_space<hbm>>
      tpu.wait_dma2 semaphore(%run_scoped3A : memref<!tpu.dma_semaphore, #tpu.memory_space<semaphore_mem>>) src(%dma_wait3A_18 : memref<128x128xf32, #tpu.memory_space<hbm>>) dst(%arg8 : memref<128x128xf32, #tpu.memory_space<vmem>>)
      tpu.yield
    }) : () -> ()
    %iota3A = tpu.iota {dimensions = array<i32: 0>} : vector<16xi32>
    %scan3A = arith.constant 0 : i32
    %scan3A_7 = arith.constant 8 : i32
    %scan3A_8 = arith.addi %scan3A, %scan3A_7 : i32
    %scan3A_9 = arith.constant 1 : i32
    scf.for %scan3A_11 = %scan3A to %scan3A_8 step %scan3A_9  : i32 {
      %broadcast_in_dim3A = arith.constant 0.000000e+00 : f32
      %broadcast_in_dim3A_12 = vector.broadcast %broadcast_in_dim3A : f32 to vector<16xf32>
      %mul3A_13 = arith.constant 16 : i32
      %mul3A_14 = arith.muli %scan3A_11, %mul3A_13 : i32
      %add3A_15 = arith.constant 0 : i32
      %add3A_16 = arith.addi %mul3A_14, %add3A_15 : i32
      %broadcast_in_dim3A_17 = arith.constant 0.000000e+00 : f32
      %broadcast_in_dim3A_18 = vector.broadcast %broadcast_in_dim3A_17 : f32 to vector<16xf32>
      %get3A = arith.index_cast %add3A_16 : i32 to index
      %get3A_19 = arith.constant 0 : index
      %get3A_20 = tpu.vector_load %arg7[%get3A, %get3A_19] {strides = array<i32>} : memref<128x128xf32, #tpu.memory_space<vmem>>, vector<16xf32>,
      %get3A_21 = arith.index_cast %add3A_16 : i32 to index
      %get3A_22 = arith.constant 0 : index
      %get3A_23 = tpu.vector_load %arg8[%get3A_21, %get3A_22] {strides = array<i32>} : memref<128x128xf32, #tpu.memory_space<vmem>>, vector<16xf32>,
      %mul3A_24 = arith.mulf %get3A_20, %get3A_23 : vector<16xf32>
      %add3A_25 = arith.addf %broadcast_in_dim3A_18, %mul3A_24 : vector<16xf32>
      %get3A_26 = arith.index_cast %add3A_16 : i32 to index
      %get3A_27 = arith.constant 16 : index
      %get3A_28 = tpu.vector_load %arg7[%get3A_26, %get3A_27] {strides = array<i32>} : memref<128x128xf32, #tpu.memory_space<vmem>>, vector<16xf32>,
      %get3A_29 = arith.index_cast %add3A_16 : i32 to index
      %get3A_30 = arith.constant 16 : index
      %get3A_31 = tpu.vector_load %arg8[%get3A_29, %get3A_30] {strides = array<i32>} : memref<128x128xf32, #tpu.memory_space<vmem>>, vector<16xf32>,
      %mul3A_32 = arith.mulf %get3A_28, %get3A_31 : vector<16xf32>
      %add3A_33 = arith.addf %add3A_25, %mul3A_32 : vector<16xf32>
      %get3A_34 = arith.index_cast %add3A_16 : i32 to index
      %get3A_35 = arith.constant 32 : index
      %get3A_36 = tpu.vector_load %arg7[%get3A_34, %get3A_35] {strides = array<i32>} : memref<128x128xf32, #tpu.memory_space<vmem>>, vector<16xf32>,
      %get3A_37 = arith.index_cast %add3A_16 : i32 to index
      %get3A_38 = arith.constant 32 : index
      %get3A_39 = tpu.vector_load %arg8[%get3A_37, %get3A_38] {strides = array<i32>} : memref<128x128xf32, #tpu.memory_space<vmem>>, vector<16xf32>,
      %mul3A_40 = arith.mulf %get3A_36, %get3A_39 : vector<16xf32>
      %add3A_41 = arith.addf %add3A_33, %mul3A_40 : vector<16xf32>
      %get3A_42 = arith.index_cast %add3A_16 : i32 to index
      %get3A_43 = arith.constant 48 : index
      %get3A_44 = tpu.vector_load %arg7[%get3A_42, %get3A_43] {strides = array<i32>} : memref<128x128xf32, #tpu.memory_space<vmem>>, vector<16xf32>,
      %get3A_45 = arith.index_cast %add3A_16 : i32 to index
      %get3A_46 = arith.constant 48 : index
      %get3A_47 = tpu.vector_load %arg8[%get3A_45, %get3A_46] {strides = array<i32>} : memref<128x128xf32, #tpu.memory_space<vmem>>, vector<16xf32>,
      %mul3A_48 = arith.mulf %get3A_44, %get3A_47 : vector<16xf32>
      %add3A_49 = arith.addf %add3A_41, %mul3A_48 : vector<16xf32>
      %get3A_50 = arith.index_cast %add3A_16 : i32 to index
      %get3A_51 = arith.constant 64 : index
      %get3A_52 = tpu.vector_load %arg7[%get3A_50, %get3A_51] {strides = array<i32>} : memref<128x128xf32, #tpu.memory_space<vmem>>, vector<16xf32>,
      %get3A_53 = arith.index_cast %add3A_16 : i32 to index
      %get3A_54 = arith.constant 64 : index
      %get3A_55 = tpu.vector_load %arg8[%get3A_53, %get3A_54] {strides = array<i32>} : memref<128x128xf32, #tpu.memory_space<vmem>>, vector<16xf32>,
      %mul3A_56 = arith.mulf %get3A_52, %get3A_55 : vector<16xf32>
      %add3A_57 = arith.addf %add3A_49, %mul3A_56 : vector<16xf32>
      %get3A_58 = arith.index_cast %add3A_16 : i32 to index
      %get3A_59 = arith.constant 80 : index
      %get3A_60 = tpu.vector_load %arg7[%get3A_58, %get3A_59] {strides = array<i32>} : memref<128x128xf32, #tpu.memory_space<vmem>>, vector<16xf32>,
      %get3A_61 = arith.index_cast %add3A_16 : i32 to index
      %get3A_62 = arith.constant 80 : index
      %get3A_63 = tpu.vector_load %arg8[%get3A_61, %get3A_62] {strides = array<i32>} : memref<128x128xf32, #tpu.memory_space<vmem>>, vector<16xf32>,
      %mul3A_64 = arith.mulf %get3A_60, %get3A_63 : vector<16xf32>
      %add3A_65 = arith.addf %add3A_57, %mul3A_64 : vector<16xf32>
      %get3A_66 = arith.index_cast %add3A_16 : i32 to index
      %get3A_67 = arith.constant 96 : index
      %get3A_68 = tpu.vector_load %arg7[%get3A_66, %get3A_67] {strides = array<i32>} : memref<128x128xf32, #tpu.memory_space<vmem>>, vector<16xf32>,
      %get3A_69 = arith.index_cast %add3A_16 : i32 to index
      %get3A_70 = arith.constant 96 : index
      %get3A_71 = tpu.vector_load %arg8[%get3A_69, %get3A_70] {strides = array<i32>} : memref<128x128xf32, #tpu.memory_space<vmem>>, vector<16xf32>,
      %mul3A_72 = arith.mulf %get3A_68, %get3A_71 : vector<16xf32>
      %add3A_73 = arith.addf %add3A_65, %mul3A_72 : vector<16xf32>
      %get3A_74 = arith.index_cast %add3A_16 : i32 to index
      %get3A_75 = arith.constant 112 : index
      %get3A_76 = tpu.vector_load %arg7[%get3A_74, %get3A_75] {strides = array<i32>} : memref<128x128xf32, #tpu.memory_space<vmem>>, vector<16xf32>,
      %get3A_77 = arith.index_cast %add3A_16 : i32 to index
      %get3A_78 = arith.constant 112 : index
      %get3A_79 = tpu.vector_load %arg8[%get3A_77, %get3A_78] {strides = array<i32>} : memref<128x128xf32, #tpu.memory_space<vmem>>, vector<16xf32>,
      %mul3A_80 = arith.mulf %get3A_76, %get3A_79 : vector<16xf32>
      %add3A_81 = arith.addf %add3A_73, %mul3A_80 : vector<16xf32>
      %eq3A = arith.constant 0 : i32
      %eq3A_82 = vector.broadcast %eq3A : i32 to vector<16xi32>
      %eq3A_83 = arith.cmpi eq, %iota3A, %eq3A_82 : vector<16xi32>
      %reduce_sum3A = arith.constant true
      %reduce_sum3A_84 = vector.broadcast %reduce_sum3A : i1 to vector<16xi1>
      %reduce_sum3A_85 = tpu.scan <sum>, %add3A_81 masked %reduce_sum3A_84 : vector<16xf32>, vector<16xi1> -> vector<16xf32>
      %reduce_sum3A_86 = vector.extract %reduce_sum3A_85[15] : f32 from vector<16xf32>
      %broadcast_in_dim3A_87 = vector.broadcast %reduce_sum3A_86 : f32 to vector<16xf32>
      %select_n3A = arith.select %eq3A_83, %broadcast_in_dim3A_87, %broadcast_in_dim3A_12 : vector<16xi1>, vector<16xf32>
      %mul3A_88 = arith.constant 16 : i32
      %mul3A_89 = arith.muli %scan3A_11, %mul3A_88 : i32
      %add3A_90 = arith.constant 1 : i32
      %add3A_91 = arith.addi %mul3A_89, %add3A_90 : i32
      %broadcast_in_dim3A_92 = arith.constant 0.000000e+00 : f32
      %broadcast_in_dim3A_93 = vector.broadcast %broadcast_in_dim3A_92 : f32 to vector<16xf32>
      %get3A_94 = arith.index_cast %add3A_91 : i32 to index
      %get3A_95 = arith.constant 0 : index
      %get3A_96 = tpu.vector_load %arg7[%get3A_94, %get3A_95] {strides = array<i32>} : memref<128x128xf32, #tpu.memory_space<vmem>>, vector<16xf32>,
      %get3A_97 = arith.index_cast %add3A_91 : i32 to index
      %get3A_98 = arith.constant 0 : index
      %get3A_99 = tpu.vector_load %arg8[%get3A_97, %get3A_98] {strides = array<i32>} : memref<128x128xf32, #tpu.memory_space<vmem>>, vector<16xf32>,
      %mul3A_100 = arith.mulf %get3A_96, %get3A_99 : vector<16xf32>
      %add3A_101 = arith.addf %broadcast_in_dim3A_93, %mul3A_100 : vector<16xf32>
      %get3A_102 = arith.index_cast %add3A_91 : i32 to index
      %get3A_103 = arith.constant 16 : index
      %get3A_104 = tpu.vector_load %arg7[%get3A_102, %get3A_103] {strides = array<i32>} : memref<128x128xf32, #tpu.memory_space<vmem>>, vector<16xf32>,
      %get3A_105 = arith.index_cast %add3A_91 : i32 to index
      %get3A_106 = arith.constant 16 : index
      %get3A_107 = tpu.vector_load %arg8[%get3A_105, %get3A_106] {strides = array<i32>} : memref<128x128xf32, #tpu.memory_space<vmem>>, vector<16xf32>,
      %mul3A_108 = arith.mulf %get3A_104, %get3A_107 : vector<16xf32>
      %add3A_109 = arith.addf %add3A_101, %mul3A_108 : vector<16xf32>
      %get3A_110 = arith.index_cast %add3A_91 : i32 to index
      %get3A_111 = arith.constant 32 : index
      %get3A_112 = tpu.vector_load %arg7[%get3A_110, %get3A_111] {strides = array<i32>} : memref<128x128xf32, #tpu.memory_space<vmem>>, vector<16xf32>,
      %get3A_113 = arith.index_cast %add3A_91 : i32 to index
      %get3A_114 = arith.constant 32 : index
      %get3A_115 = tpu.vector_load %arg8[%get3A_113, %get3A_114] {strides = array<i32>} : memref<128x128xf32, #tpu.memory_space<vmem>>, vector<16xf32>,
      %mul3A_116 = arith.mulf %get3A_112, %get3A_115 : vector<16xf32>
      %add3A_117 = arith.addf %add3A_109, %mul3A_116 : vector<16xf32>
      %get3A_118 = arith.index_cast %add3A_91 : i32 to index
      %get3A_119 = arith.constant 48 : index
      %get3A_120 = tpu.vector_load %arg7[%get3A_118, %get3A_119] {strides = array<i32>} : memref<128x128xf32, #tpu.memory_space<vmem>>, vector<16xf32>,
      %get3A_121 = arith.index_cast %add3A_91 : i32 to index
      %get3A_122 = arith.constant 48 : index
      %get3A_123 = tpu.vector_load %arg8[%get3A_121, %get3A_122] {strides = array<i32>} : memref<128x128xf32, #tpu.memory_space<vmem>>, vector<16xf32>,
      %mul3A_124 = arith.mulf %get3A_120, %get3A_123 : vector<16xf32>
      %add3A_125 = arith.addf %add3A_117, %mul3A_124 : vector<16xf32>
      %get3A_126 = arith.index_cast %add3A_91 : i32 to index
      %get3A_127 = arith.constant 64 : index
      %get3A_128 = tpu.vector_load %arg7[%get3A_126, %get3A_127] {strides = array<i32>} : memref<128x128xf32, #tpu.memory_space<vmem>>, vector<16xf32>,
      %get3A_129 = arith.index_cast %add3A_91 : i32 to index
      %get3A_130 = arith.constant 64 : index
      %get3A_131 = tpu.vector_load %arg8[%get3A_129, %get3A_130] {strides = array<i32>} : memref<128x128xf32, #tpu.memory_space<vmem>>, vector<16xf32>,
      %mul3A_132 = arith.mulf %get3A_128, %get3A_131 : vector<16xf32>
      %add3A_133 = arith.addf %add3A_125, %mul3A_132 : vector<16xf32>
      %get3A_134 = arith.index_cast %add3A_91 : i32 to index
      %get3A_135 = arith.constant 80 : index
      %get3A_136 = tpu.vector_load %arg7[%get3A_134, %get3A_135] {strides = array<i32>} : memref<128x128xf32, #tpu.memory_space<vmem>>, vector<16xf32>,
      %get3A_137 = arith.index_cast %add3A_91 : i32 to index
      %get3A_138 = arith.constant 80 : index
      %get3A_139 = tpu.vector_load %arg8[%get3A_137, %get3A_138] {strides = array<i32>} : memref<128x128xf32, #tpu.memory_space<vmem>>, vector<16xf32>,
      %mul3A_140 = arith.mulf %get3A_136, %get3A_139 : vector<16xf32>
      %add3A_141 = arith.addf %add3A_133, %mul3A_140 : vector<16xf32>
      %get3A_142 = arith.index_cast %add3A_91 : i32 to index
      %get3A_143 = arith.constant 96 : index
      %get3A_144 = tpu.vector_load %arg7[%get3A_142, %get3A_143] {strides = array<i32>} : memref<128x128xf32, #tpu.memory_space<vmem>>, vector<16xf32>,
      %get3A_145 = arith.index_cast %add3A_91 : i32 to index
      %get3A_146 = arith.constant 96 : index
      %get3A_147 = tpu.vector_load %arg8[%get3A_145, %get3A_146] {strides = array<i32>} : memref<128x128xf32, #tpu.memory_space<vmem>>, vector<16xf32>,
      %mul3A_148 = arith.mulf %get3A_144, %get3A_147 : vector<16xf32>
      %add3A_149 = arith.addf %add3A_141, %mul3A_148 : vector<16xf32>
      %get3A_150 = arith.index_cast %add3A_91 : i32 to index
      %get3A_151 = arith.constant 112 : index
      %get3A_152 = tpu.vector_load %arg7[%get3A_150, %get3A_151] {strides = array<i32>} : memref<128x128xf32, #tpu.memory_space<vmem>>, vector<16xf32>,
      %get3A_153 = arith.index_cast %add3A_91 : i32 to index
      %get3A_154 = arith.constant 112 : index
      %get3A_155 = tpu.vector_load %arg8[%get3A_153, %get3A_154] {strides = array<i32>} : memref<128x128xf32, #tpu.memory_space<vmem>>, vector<16xf32>,
      %mul3A_156 = arith.mulf %get3A_152, %get3A_155 : vector<16xf32>
      %add3A_157 = arith.addf %add3A_149, %mul3A_156 : vector<16xf32>
      %eq3A_158 = arith.constant 1 : i32
      %eq3A_159 = vector.broadcast %eq3A_158 : i32 to vector<16xi32>
      %eq3A_160 = arith.cmpi eq, %iota3A, %eq3A_159 : vector<16xi32>
      %reduce_sum3A_161 = arith.constant true
      %reduce_sum3A_162 = vector.broadcast %reduce_sum3A_161 : i1 to vector<16xi1>
      %reduce_sum3A_163 = tpu.scan <sum>, %add3A_157 masked %reduce_sum3A_162 : vector<16xf32>, vector<16xi1> -> vector<16xf32>
      %reduce_sum3A_164 = vector.extract %reduce_sum3A_163[15] : f32 from vector<16xf32>
      %broadcast_in_dim3A_165 = vector.broadcast %reduce_sum3A_164 : f32 to vector<16xf32>
      %select_n3A_166 = arith.select %eq3A_160, %broadcast_in_dim3A_165, %select_n3A : vector<16xi1>, vector<16xf32>
      %mul3A_167 = arith.constant 16 : i32
      %mul3A_168 = arith.muli %scan3A_11, %mul3A_167 : i32
      %add3A_169 = arith.constant 2 : i32
      %add3A_170 = arith.addi %mul3A_168, %add3A_169 : i32
      %broadcast_in_dim3A_171 = arith.constant 0.000000e+00 : f32
      %broadcast_in_dim3A_172 = vector.broadcast %broadcast_in_dim3A_171 : f32 to vector<16xf32>
      %get3A_173 = arith.index_cast %add3A_170 : i32 to index
      %get3A_174 = arith.constant 0 : index
      %get3A_175 = tpu.vector_load %arg7[%get3A_173, %get3A_174] {strides = array<i32>} : memref<128x128xf32, #tpu.memory_space<vmem>>, vector<16xf32>,
      %get3A_176 = arith.index_cast %add3A_170 : i32 to index
      %get3A_177 = arith.constant 0 : index
      %get3A_178 = tpu.vector_load %arg8[%get3A_176, %get3A_177] {strides = array<i32>} : memref<128x128xf32, #tpu.memory_space<vmem>>, vector<16xf32>,
      %mul3A_179 = arith.mulf %get3A_175, %get3A_178 : vector<16xf32>
      %add3A_180 = arith.addf %broadcast_in_dim3A_172, %mul3A_179 : vector<16xf32>
      %get3A_181 = arith.index_cast %add3A_170 : i32 to index
      %get3A_182 = arith.constant 16 : index
      %get3A_183 = tpu.vector_load %arg7[%get3A_181, %get3A_182] {strides = array<i32>} : memref<128x128xf32, #tpu.memory_space<vmem>>, vector<16xf32>,
      %get3A_184 = arith.index_cast %add3A_170 : i32 to index
      %get3A_185 = arith.constant 16 : index
      %get3A_186 = tpu.vector_load %arg8[%get3A_184, %get3A_185] {strides = array<i32>} : memref<128x128xf32, #tpu.memory_space<vmem>>, vector<16xf32>,
      %mul3A_187 = arith.mulf %get3A_183, %get3A_186 : vector<16xf32>
      %add3A_188 = arith.addf %add3A_180, %mul3A_187 : vector<16xf32>
      %get3A_189 = arith.index_cast %add3A_170 : i32 to index
      %get3A_190 = arith.constant 32 : index
      %get3A_191 = tpu.vector_load %arg7[%get3A_189, %get3A_190] {strides = array<i32>} : memref<128x128xf32, #tpu.memory_space<vmem>>, vector<16xf32>,
      %get3A_192 = arith.index_cast %add3A_170 : i32 to index
      %get3A_193 = arith.constant 32 : index
      %get3A_194 = tpu.vector_load %arg8[%get3A_192, %get3A_193] {strides = array<i32>} : memref<128x128xf32, #tpu.memory_space<vmem>>, vector<16xf32>,
      %mul3A_195 = arith.mulf %get3A_191, %get3A_194 : vector<16xf32>
      %add3A_196 = arith.addf %add3A_188, %mul3A_195 : vector<16xf32>
      %get3A_197 = arith.index_cast %add3A_170 : i32 to index
      %get3A_198 = arith.constant 48 : index
      %get3A_199 = tpu.vector_load %arg7[%get3A_197, %get3A_198] {strides = array<i32>} : memref<128x128xf32, #tpu.memory_space<vmem>>, vector<16xf32>,
      %get3A_200 = arith.index_cast %add3A_170 : i32 to index
      %get3A_201 = arith.constant 48 : index
      %get3A_202 = tpu.vector_load %arg8[%get3A_200, %get3A_201] {strides = array<i32>} : memref<128x128xf32, #tpu.memory_space<vmem>>, vector<16xf32>,
      %mul3A_203 = arith.mulf %get3A_199, %get3A_202 : vector<16xf32>
      %add3A_204 = arith.addf %add3A_196, %mul3A_203 : vector<16xf32>
      %get3A_205 = arith.index_cast %add3A_170 : i32 to index
      %get3A_206 = arith.constant 64 : index
      %get3A_207 = tpu.vector_load %arg7[%get3A_205, %get3A_206] {strides = array<i32>} : memref<128x128xf32, #tpu.memory_space<vmem>>, vector<16xf32>,
      %get3A_208 = arith.index_cast %add3A_170 : i32 to index
      %get3A_209 = arith.constant 64 : index
      %get3A_210 = tpu.vector_load %arg8[%get3A_208, %get3A_209] {strides = array<i32>} : memref<128x128xf32, #tpu.memory_space<vmem>>, vector<16xf32>,
      %mul3A_211 = arith.mulf %get3A_207, %get3A_210 : vector<16xf32>
      %add3A_212 = arith.addf %add3A_204, %mul3A_211 : vector<16xf32>
      %get3A_213 = arith.index_cast %add3A_170 : i32 to index
      %get3A_214 = arith.constant 80 : index
      %get3A_215 = tpu.vector_load %arg7[%get3A_213, %get3A_214] {strides = array<i32>} : memref<128x128xf32, #tpu.memory_space<vmem>>, vector<16xf32>,
      %get3A_216 = arith.index_cast %add3A_170 : i32 to index
      %get3A_217 = arith.constant 80 : index
      %get3A_218 = tpu.vector_load %arg8[%get3A_216, %get3A_217] {strides = array<i32>} : memref<128x128xf32, #tpu.memory_space<vmem>>, vector<16xf32>,
      %mul3A_219 = arith.mulf %get3A_215, %get3A_218 : vector<16xf32>
      %add3A_220 = arith.addf %add3A_212, %mul3A_219 : vector<16xf32>
      %get3A_221 = arith.index_cast %add3A_170 : i32 to index
      %get3A_222 = arith.constant 96 : index
      %get3A_223 = tpu.vector_load %arg7[%get3A_221, %get3A_222] {strides = array<i32>} : memref<128x128xf32, #tpu.memory_space<vmem>>, vector<16xf32>,
      %get3A_224 = arith.index_cast %add3A_170 : i32 to index
      %get3A_225 = arith.constant 96 : index
      %get3A_226 = tpu.vector_load %arg8[%get3A_224, %get3A_225] {strides = array<i32>} : memref<128x128xf32, #tpu.memory_space<vmem>>, vector<16xf32>,
      %mul3A_227 = arith.mulf %get3A_223, %get3A_226 : vector<16xf32>
      %add3A_228 = arith.addf %add3A_220, %mul3A_227 : vector<16xf32>
      %get3A_229 = arith.index_cast %add3A_170 : i32 to index
      %get3A_230 = arith.constant 112 : index
      %get3A_231 = tpu.vector_load %arg7[%get3A_229, %get3A_230] {strides = array<i32>} : memref<128x128xf32, #tpu.memory_space<vmem>>, vector<16xf32>,
      %get3A_232 = arith.index_cast %add3A_170 : i32 to index
      %get3A_233 = arith.constant 112 : index
      %get3A_234 = tpu.vector_load %arg8[%get3A_232, %get3A_233] {strides = array<i32>} : memref<128x128xf32, #tpu.memory_space<vmem>>, vector<16xf32>,
      %mul3A_235 = arith.mulf %get3A_231, %get3A_234 : vector<16xf32>
      %add3A_236 = arith.addf %add3A_228, %mul3A_235 : vector<16xf32>
      %eq3A_237 = arith.constant 2 : i32
      %eq3A_238 = vector.broadcast %eq3A_237 : i32 to vector<16xi32>
      %eq3A_239 = arith.cmpi eq, %iota3A, %eq3A_238 : vector<16xi32>
      %reduce_sum3A_240 = arith.constant true
      %reduce_sum3A_241 = vector.broadcast %reduce_sum3A_240 : i1 to vector<16xi1>
      %reduce_sum3A_242 = tpu.scan <sum>, %add3A_236 masked %reduce_sum3A_241 : vector<16xf32>, vector<16xi1> -> vector<16xf32>
      %reduce_sum3A_243 = vector.extract %reduce_sum3A_242[15] : f32 from vector<16xf32>
      %broadcast_in_dim3A_244 = vector.broadcast %reduce_sum3A_243 : f32 to vector<16xf32>
      %select_n3A_245 = arith.select %eq3A_239, %broadcast_in_dim3A_244, %select_n3A_166 : vector<16xi1>, vector<16xf32>
      %mul3A_246 = arith.constant 16 : i32
      %mul3A_247 = arith.muli %scan3A_11, %mul3A_246 : i32
      %add3A_248 = arith.constant 3 : i32
      %add3A_249 = arith.addi %mul3A_247, %add3A_248 : i32
      %broadcast_in_dim3A_250 = arith.constant 0.000000e+00 : f32
      %broadcast_in_dim3A_251 = vector.broadcast %broadcast_in_dim3A_250 : f32 to vector<16xf32>
      %get3A_252 = arith.index_cast %add3A_249 : i32 to index
      %get3A_253 = arith.constant 0 : index
      %get3A_254 = tpu.vector_load %arg7[%get3A_252, %get3A_253] {strides = array<i32>} : memref<128x128xf32, #tpu.memory_space<vmem>>, vector<16xf32>,
      %get3A_255 = arith.index_cast %add3A_249 : i32 to index
      %get3A_256 = arith.constant 0 : index
      %get3A_257 = tpu.vector_load %arg8[%get3A_255, %get3A_256] {strides = array<i32>} : memref<128x128xf32, #tpu.memory_space<vmem>>, vector<16xf32>,
      %mul3A_258 = arith.mulf %get3A_254, %get3A_257 : vector<16xf32>
      %add3A_259 = arith.addf %broadcast_in_dim3A_251, %mul3A_258 : vector<16xf32>
      %get3A_260 = arith.index_cast %add3A_249 : i32 to index
      %get3A_261 = arith.constant 16 : index
      %get3A_262 = tpu.vector_load %arg7[%get3A_260, %get3A_261] {strides = array<i32>} : memref<128x128xf32, #tpu.memory_space<vmem>>, vector<16xf32>,
      %get3A_263 = arith.index_cast %add3A_249 : i32 to index
      %get3A_264 = arith.constant 16 : index
      %get3A_265 = tpu.vector_load %arg8[%get3A_263, %get3A_264] {strides = array<i32>} : memref<128x128xf32, #tpu.memory_space<vmem>>, vector<16xf32>,
      %mul3A_266 = arith.mulf %get3A_262, %get3A_265 : vector<16xf32>
      %add3A_267 = arith.addf %add3A_259, %mul3A_266 : vector<16xf32>
      %get3A_268 = arith.index_cast %add3A_249 : i32 to index
      %get3A_269 = arith.constant 32 : index
      %get3A_270 = tpu.vector_load %arg7[%get3A_268, %get3A_269] {strides = array<i32>} : memref<128x128xf32, #tpu.memory_space<vmem>>, vector<16xf32>,
      %get3A_271 = arith.index_cast %add3A_249 : i32 to index
      %get3A_272 = arith.constant 32 : index
      %get3A_273 = tpu.vector_load %arg8[%get3A_271, %get3A_272] {strides = array<i32>} : memref<128x128xf32, #tpu.memory_space<vmem>>, vector<16xf32>,
      %mul3A_274 = arith.mulf %get3A_270, %get3A_273 : vector<16xf32>
      %add3A_275 = arith.addf %add3A_267, %mul3A_274 : vector<16xf32>
      %get3A_276 = arith.index_cast %add3A_249 : i32 to index
      %get3A_277 = arith.constant 48 : index
      %get3A_278 = tpu.vector_load %arg7[%get3A_276, %get3A_277] {strides = array<i32>} : memref<128x128xf32, #tpu.memory_space<vmem>>, vector<16xf32>,
      %get3A_279 = arith.index_cast %add3A_249 : i32 to index
      %get3A_280 = arith.constant 48 : index
      %get3A_281 = tpu.vector_load %arg8[%get3A_279, %get3A_280] {strides = array<i32>} : memref<128x128xf32, #tpu.memory_space<vmem>>, vector<16xf32>,
      %mul3A_282 = arith.mulf %get3A_278, %get3A_281 : vector<16xf32>
      %add3A_283 = arith.addf %add3A_275, %mul3A_282 : vector<16xf32>
      %get3A_284 = arith.index_cast %add3A_249 : i32 to index
      %get3A_285 = arith.constant 64 : index
      %get3A_286 = tpu.vector_load %arg7[%get3A_284, %get3A_285] {strides = array<i32>} : memref<128x128xf32, #tpu.memory_space<vmem>>, vector<16xf32>,
      %get3A_287 = arith.index_cast %add3A_249 : i32 to index
      %get3A_288 = arith.constant 64 : index
      %get3A_289 = tpu.vector_load %arg8[%get3A_287, %get3A_288] {strides = array<i32>} : memref<128x128xf32, #tpu.memory_space<vmem>>, vector<16xf32>,
      %mul3A_290 = arith.mulf %get3A_286, %get3A_289 : vector<16xf32>
      %add3A_291 = arith.addf %add3A_283, %mul3A_290 : vector<16xf32>
      %get3A_292 = arith.index_cast %add3A_249 : i32 to index
      %get3A_293 = arith.constant 80 : index
      %get3A_294 = tpu.vector_load %arg7[%get3A_292, %get3A_293] {strides = array<i32>} : memref<128x128xf32, #tpu.memory_space<vmem>>, vector<16xf32>,
      %get3A_295 = arith.index_cast %add3A_249 : i32 to index
      %get3A_296 = arith.constant 80 : index
      %get3A_297 = tpu.vector_load %arg8[%get3A_295, %get3A_296] {strides = array<i32>} : memref<128x128xf32, #tpu.memory_space<vmem>>, vector<16xf32>,
      %mul3A_298 = arith.mulf %get3A_294, %get3A_297 : vector<16xf32>
      %add3A_299 = arith.addf %add3A_291, %mul3A_298 : vector<16xf32>
      %get3A_300 = arith.index_cast %add3A_249 : i32 to index
      %get3A_301 = arith.constant 96 : index
      %get3A_302 = tpu.vector_load %arg7[%get3A_300, %get3A_301] {strides = array<i32>} : memref<128x128xf32, #tpu.memory_space<vmem>>, vector<16xf32>,
      %get3A_303 = arith.index_cast %add3A_249 : i32 to index
      %get3A_304 = arith.constant 96 : index
      %get3A_305 = tpu.vector_load %arg8[%get3A_303, %get3A_304] {strides = array<i32>} : memref<128x128xf32, #tpu.memory_space<vmem>>, vector<16xf32>,
      %mul3A_306 = arith.mulf %get3A_302, %get3A_305 : vector<16xf32>
      %add3A_307 = arith.addf %add3A_299, %mul3A_306 : vector<16xf32>
      %get3A_308 = arith.index_cast %add3A_249 : i32 to index
      %get3A_309 = arith.constant 112 : index
      %get3A_310 = tpu.vector_load %arg7[%get3A_308, %get3A_309] {strides = array<i32>} : memref<128x128xf32, #tpu.memory_space<vmem>>, vector<16xf32>,
      %get3A_311 = arith.index_cast %add3A_249 : i32 to index
      %get3A_312 = arith.constant 112 : index
      %get3A_313 = tpu.vector_load %arg8[%get3A_311, %get3A_312] {strides = array<i32>} : memref<128x128xf32, #tpu.memory_space<vmem>>, vector<16xf32>,
      %mul3A_314 = arith.mulf %get3A_310, %get3A_313 : vector<16xf32>
      %add3A_315 = arith.addf %add3A_307, %mul3A_314 : vector<16xf32>
      %eq3A_316 = arith.constant 3 : i32
      %eq3A_317 = vector.broadcast %eq3A_316 : i32 to vector<16xi32>
      %eq3A_318 = arith.cmpi eq, %iota3A, %eq3A_317 : vector<16xi32>
      %reduce_sum3A_319 = arith.constant true
      %reduce_sum3A_320 = vector.broadcast %reduce_sum3A_319 : i1 to vector<16xi1>
      %reduce_sum3A_321 = tpu.scan <sum>, %add3A_315 masked %reduce_sum3A_320 : vector<16xf32>, vector<16xi1> -> vector<16xf32>
      %reduce_sum3A_322 = vector.extract %reduce_sum3A_321[15] : f32 from vector<16xf32>
      %broadcast_in_dim3A_323 = vector.broadcast %reduce_sum3A_322 : f32 to vector<16xf32>
      %select_n3A_324 = arith.select %eq3A_318, %broadcast_in_dim3A_323, %select_n3A_245 : vector<16xi1>, vector<16xf32>
      %mul3A_325 = arith.constant 16 : i32
      %mul3A_326 = arith.muli %scan3A_11, %mul3A_325 : i32
      %add3A_327 = arith.constant 4 : i32
      %add3A_328 = arith.addi %mul3A_326, %add3A_327 : i32
      %broadcast_in_dim3A_329 = arith.constant 0.000000e+00 : f32
      %broadcast_in_dim3A_330 = vector.broadcast %broadcast_in_dim3A_329 : f32 to vector<16xf32>
      %get3A_331 = arith.index_cast %add3A_328 : i32 to index
      %get3A_332 = arith.constant 0 : index
      %get3A_333 = tpu.vector_load %arg7[%get3A_331, %get3A_332] {strides = array<i32>} : memref<128x128xf32, #tpu.memory_space<vmem>>, vector<16xf32>,
      %get3A_334 = arith.index_cast %add3A_328 : i32 to index
      %get3A_335 = arith.constant 0 : index
      %get3A_336 = tpu.vector_load %arg8[%get3A_334, %get3A_335] {strides = array<i32>} : memref<128x128xf32, #tpu.memory_space<vmem>>, vector<16xf32>,
      %mul3A_337 = arith.mulf %get3A_333, %get3A_336 : vector<16xf32>
      %add3A_338 = arith.addf %broadcast_in_dim3A_330, %mul3A_337 : vector<16xf32>
      %get3A_339 = arith.index_cast %add3A_328 : i32 to index
      %get3A_340 = arith.constant 16 : index
      %get3A_341 = tpu.vector_load %arg7[%get3A_339, %get3A_340] {strides = array<i32>} : memref<128x128xf32, #tpu.memory_space<vmem>>, vector<16xf32>,
      %get3A_342 = arith.index_cast %add3A_328 : i32 to index
      %get3A_343 = arith.constant 16 : index
      %get3A_344 = tpu.vector_load %arg8[%get3A_342, %get3A_343] {strides = array<i32>} : memref<128x128xf32, #tpu.memory_space<vmem>>, vector<16xf32>,
      %mul3A_345 = arith.mulf %get3A_341, %get3A_344 : vector<16xf32>
      %add3A_346 = arith.addf %add3A_338, %mul3A_345 : vector<16xf32>
      %get3A_347 = arith.index_cast %add3A_328 : i32 to index
      %get3A_348 = arith.constant 32 : index
      %get3A_349 = tpu.vector_load %arg7[%get3A_347, %get3A_348] {strides = array<i32>} : memref<128x128xf32, #tpu.memory_space<vmem>>, vector<16xf32>,
      %get3A_350 = arith.index_cast %add3A_328 : i32 to index
      %get3A_351 = arith.constant 32 : index
      %get3A_352 = tpu.vector_load %arg8[%get3A_350, %get3A_351] {strides = array<i32>} : memref<128x128xf32, #tpu.memory_space<vmem>>, vector<16xf32>,
      %mul3A_353 = arith.mulf %get3A_349, %get3A_352 : vector<16xf32>
      %add3A_354 = arith.addf %add3A_346, %mul3A_353 : vector<16xf32>
      %get3A_355 = arith.index_cast %add3A_328 : i32 to index
      %get3A_356 = arith.constant 48 : index
      %get3A_357 = tpu.vector_load %arg7[%get3A_355, %get3A_356] {strides = array<i32>} : memref<128x128xf32, #tpu.memory_space<vmem>>, vector<16xf32>,
      %get3A_358 = arith.index_cast %add3A_328 : i32 to index
      %get3A_359 = arith.constant 48 : index
      %get3A_360 = tpu.vector_load %arg8[%get3A_358, %get3A_359] {strides = array<i32>} : memref<128x128xf32, #tpu.memory_space<vmem>>, vector<16xf32>,
      %mul3A_361 = arith.mulf %get3A_357, %get3A_360 : vector<16xf32>
      %add3A_362 = arith.addf %add3A_354, %mul3A_361 : vector<16xf32>
      %get3A_363 = arith.index_cast %add3A_328 : i32 to index
      %get3A_364 = arith.constant 64 : index
      %get3A_365 = tpu.vector_load %arg7[%get3A_363, %get3A_364] {strides = array<i32>} : memref<128x128xf32, #tpu.memory_space<vmem>>, vector<16xf32>,
      %get3A_366 = arith.index_cast %add3A_328 : i32 to index
      %get3A_367 = arith.constant 64 : index
      %get3A_368 = tpu.vector_load %arg8[%get3A_366, %get3A_367] {strides = array<i32>} : memref<128x128xf32, #tpu.memory_space<vmem>>, vector<16xf32>,
      %mul3A_369 = arith.mulf %get3A_365, %get3A_368 : vector<16xf32>
      %add3A_370 = arith.addf %add3A_362, %mul3A_369 : vector<16xf32>
      %get3A_371 = arith.index_cast %add3A_328 : i32 to index
      %get3A_372 = arith.constant 80 : index
      %get3A_373 = tpu.vector_load %arg7[%get3A_371, %get3A_372] {strides = array<i32>} : memref<128x128xf32, #tpu.memory_space<vmem>>, vector<16xf32>,
      %get3A_374 = arith.index_cast %add3A_328 : i32 to index
      %get3A_375 = arith.constant 80 : index
      %get3A_376 = tpu.vector_load %arg8[%get3A_374, %get3A_375] {strides = array<i32>} : memref<128x128xf32, #tpu.memory_space<vmem>>, vector<16xf32>,
      %mul3A_377 = arith.mulf %get3A_373, %get3A_376 : vector<16xf32>
      %add3A_378 = arith.addf %add3A_370, %mul3A_377 : vector<16xf32>
      %get3A_379 = arith.index_cast %add3A_328 : i32 to index
      %get3A_380 = arith.constant 96 : index
      %get3A_381 = tpu.vector_load %arg7[%get3A_379, %get3A_380] {strides = array<i32>} : memref<128x128xf32, #tpu.memory_space<vmem>>, vector<16xf32>,
      %get3A_382 = arith.index_cast %add3A_328 : i32 to index
      %get3A_383 = arith.constant 96 : index
      %get3A_384 = tpu.vector_load %arg8[%get3A_382, %get3A_383] {strides = array<i32>} : memref<128x128xf32, #tpu.memory_space<vmem>>, vector<16xf32>,
      %mul3A_385 = arith.mulf %get3A_381, %get3A_384 : vector<16xf32>
      %add3A_386 = arith.addf %add3A_378, %mul3A_385 : vector<16xf32>
      %get3A_387 = arith.index_cast %add3A_328 : i32 to index
      %get3A_388 = arith.constant 112 : index
      %get3A_389 = tpu.vector_load %arg7[%get3A_387, %get3A_388] {strides = array<i32>} : memref<128x128xf32, #tpu.memory_space<vmem>>, vector<16xf32>,
      %get3A_390 = arith.index_cast %add3A_328 : i32 to index
      %get3A_391 = arith.constant 112 : index
      %get3A_392 = tpu.vector_load %arg8[%get3A_390, %get3A_391] {strides = array<i32>} : memref<128x128xf32, #tpu.memory_space<vmem>>, vector<16xf32>,
      %mul3A_393 = arith.mulf %get3A_389, %get3A_392 : vector<16xf32>
      %add3A_394 = arith.addf %add3A_386, %mul3A_393 : vector<16xf32>
      %eq3A_395 = arith.constant 4 : i32
      %eq3A_396 = vector.broadcast %eq3A_395 : i32 to vector<16xi32>
      %eq3A_397 = arith.cmpi eq, %iota3A, %eq3A_396 : vector<16xi32>
      %reduce_sum3A_398 = arith.constant true
      %reduce_sum3A_399 = vector.broadcast %reduce_sum3A_398 : i1 to vector<16xi1>
      %reduce_sum3A_400 = tpu.scan <sum>, %add3A_394 masked %reduce_sum3A_399 : vector<16xf32>, vector<16xi1> -> vector<16xf32>
      %reduce_sum3A_401 = vector.extract %reduce_sum3A_400[15] : f32 from vector<16xf32>
      %broadcast_in_dim3A_402 = vector.broadcast %reduce_sum3A_401 : f32 to vector<16xf32>
      %select_n3A_403 = arith.select %eq3A_397, %broadcast_in_dim3A_402, %select_n3A_324 : vector<16xi1>, vector<16xf32>
      %mul3A_404 = arith.constant 16 : i32
      %mul3A_405 = arith.muli %scan3A_11, %mul3A_404 : i32
      %add3A_406 = arith.constant 5 : i32
      %add3A_407 = arith.addi %mul3A_405, %add3A_406 : i32
      %broadcast_in_dim3A_408 = arith.constant 0.000000e+00 : f32
      %broadcast_in_dim3A_409 = vector.broadcast %broadcast_in_dim3A_408 : f32 to vector<16xf32>
      %get3A_410 = arith.index_cast %add3A_407 : i32 to index
      %get3A_411 = arith.constant 0 : index
      %get3A_412 = tpu.vector_load %arg7[%get3A_410, %get3A_411] {strides = array<i32>} : memref<128x128xf32, #tpu.memory_space<vmem>>, vector<16xf32>,
      %get3A_413 = arith.index_cast %add3A_407 : i32 to index
      %get3A_414 = arith.constant 0 : index
      %get3A_415 = tpu.vector_load %arg8[%get3A_413, %get3A_414] {strides = array<i32>} : memref<128x128xf32, #tpu.memory_space<vmem>>, vector<16xf32>,
      %mul3A_416 = arith.mulf %get3A_412, %get3A_415 : vector<16xf32>
      %add3A_417 = arith.addf %broadcast_in_dim3A_409, %mul3A_416 : vector<16xf32>
      %get3A_418 = arith.index_cast %add3A_407 : i32 to index
      %get3A_419 = arith.constant 16 : index
      %get3A_420 = tpu.vector_load %arg7[%get3A_418, %get3A_419] {strides = array<i32>} : memref<128x128xf32, #tpu.memory_space<vmem>>, vector<16xf32>,
      %get3A_421 = arith.index_cast %add3A_407 : i32 to index
      %get3A_422 = arith.constant 16 : index
      %get3A_423 = tpu.vector_load %arg8[%get3A_421, %get3A_422] {strides = array<i32>} : memref<128x128xf32, #tpu.memory_space<vmem>>, vector<16xf32>,
      %mul3A_424 = arith.mulf %get3A_420, %get3A_423 : vector<16xf32>
      %add3A_425 = arith.addf %add3A_417, %mul3A_424 : vector<16xf32>
      %get3A_426 = arith.index_cast %add3A_407 : i32 to index
      %get3A_427 = arith.constant 32 : index
      %get3A_428 = tpu.vector_load %arg7[%get3A_426, %get3A_427] {strides = array<i32>} : memref<128x128xf32, #tpu.memory_space<vmem>>, vector<16xf32>,
      %get3A_429 = arith.index_cast %add3A_407 : i32 to index
      %get3A_430 = arith.constant 32 : index
      %get3A_431 = tpu.vector_load %arg8[%get3A_429, %get3A_430] {strides = array<i32>} : memref<128x128xf32, #tpu.memory_space<vmem>>, vector<16xf32>,
      %mul3A_432 = arith.mulf %get3A_428, %get3A_431 : vector<16xf32>
      %add3A_433 = arith.addf %add3A_425, %mul3A_432 : vector<16xf32>
      %get3A_434 = arith.index_cast %add3A_407 : i32 to index
      %get3A_435 = arith.constant 48 : index
      %get3A_436 = tpu.vector_load %arg7[%get3A_434, %get3A_435] {strides = array<i32>} : memref<128x128xf32, #tpu.memory_space<vmem>>, vector<16xf32>,
      %get3A_437 = arith.index_cast %add3A_407 : i32 to index
      %get3A_438 = arith.constant 48 : index
      %get3A_439 = tpu.vector_load %arg8[%get3A_437, %get3A_438] {strides = array<i32>} : memref<128x128xf32, #tpu.memory_space<vmem>>, vector<16xf32>,
      %mul3A_440 = arith.mulf %get3A_436, %get3A_439 : vector<16xf32>
      %add3A_441 = arith.addf %add3A_433, %mul3A_440 : vector<16xf32>
      %get3A_442 = arith.index_cast %add3A_407 : i32 to index
      %get3A_443 = arith.constant 64 : index
      %get3A_444 = tpu.vector_load %arg7[%get3A_442, %get3A_443] {strides = array<i32>} : memref<128x128xf32, #tpu.memory_space<vmem>>, vector<16xf32>,
      %get3A_445 = arith.index_cast %add3A_407 : i32 to index
      %get3A_446 = arith.constant 64 : index
      %get3A_447 = tpu.vector_load %arg8[%get3A_445, %get3A_446] {strides = array<i32>} : memref<128x128xf32, #tpu.memory_space<vmem>>, vector<16xf32>,
      %mul3A_448 = arith.mulf %get3A_444, %get3A_447 : vector<16xf32>
      %add3A_449 = arith.addf %add3A_441, %mul3A_448 : vector<16xf32>
      %get3A_450 = arith.index_cast %add3A_407 : i32 to index
      %get3A_451 = arith.constant 80 : index
      %get3A_452 = tpu.vector_load %arg7[%get3A_450, %get3A_451] {strides = array<i32>} : memref<128x128xf32, #tpu.memory_space<vmem>>, vector<16xf32>,
      %get3A_453 = arith.index_cast %add3A_407 : i32 to index
      %get3A_454 = arith.constant 80 : index
      %get3A_455 = tpu.vector_load %arg8[%get3A_453, %get3A_454] {strides = array<i32>} : memref<128x128xf32, #tpu.memory_space<vmem>>, vector<16xf32>,
      %mul3A_456 = arith.mulf %get3A_452, %get3A_455 : vector<16xf32>
      %add3A_457 = arith.addf %add3A_449, %mul3A_456 : vector<16xf32>
      %get3A_458 = arith.index_cast %add3A_407 : i32 to index
      %get3A_459 = arith.constant 96 : index
      %get3A_460 = tpu.vector_load %arg7[%get3A_458, %get3A_459] {strides = array<i32>} : memref<128x128xf32, #tpu.memory_space<vmem>>, vector<16xf32>,
      %get3A_461 = arith.index_cast %add3A_407 : i32 to index
      %get3A_462 = arith.constant 96 : index
      %get3A_463 = tpu.vector_load %arg8[%get3A_461, %get3A_462] {strides = array<i32>} : memref<128x128xf32, #tpu.memory_space<vmem>>, vector<16xf32>,
      %mul3A_464 = arith.mulf %get3A_460, %get3A_463 : vector<16xf32>
      %add3A_465 = arith.addf %add3A_457, %mul3A_464 : vector<16xf32>
      %get3A_466 = arith.index_cast %add3A_407 : i32 to index
      %get3A_467 = arith.constant 112 : index
      %get3A_468 = tpu.vector_load %arg7[%get3A_466, %get3A_467] {strides = array<i32>} : memref<128x128xf32, #tpu.memory_space<vmem>>, vector<16xf32>,
      %get3A_469 = arith.index_cast %add3A_407 : i32 to index
      %get3A_470 = arith.constant 112 : index
      %get3A_471 = tpu.vector_load %arg8[%get3A_469, %get3A_470] {strides = array<i32>} : memref<128x128xf32, #tpu.memory_space<vmem>>, vector<16xf32>,
      %mul3A_472 = arith.mulf %get3A_468, %get3A_471 : vector<16xf32>
      %add3A_473 = arith.addf %add3A_465, %mul3A_472 : vector<16xf32>
      %eq3A_474 = arith.constant 5 : i32
      %eq3A_475 = vector.broadcast %eq3A_474 : i32 to vector<16xi32>
      %eq3A_476 = arith.cmpi eq, %iota3A, %eq3A_475 : vector<16xi32>
      %reduce_sum3A_477 = arith.constant true
      %reduce_sum3A_478 = vector.broadcast %reduce_sum3A_477 : i1 to vector<16xi1>
      %reduce_sum3A_479 = tpu.scan <sum>, %add3A_473 masked %reduce_sum3A_478 : vector<16xf32>, vector<16xi1> -> vector<16xf32>
      %reduce_sum3A_480 = vector.extract %reduce_sum3A_479[15] : f32 from vector<16xf32>
      %broadcast_in_dim3A_481 = vector.broadcast %reduce_sum3A_480 : f32 to vector<16xf32>
      %select_n3A_482 = arith.select %eq3A_476, %broadcast_in_dim3A_481, %select_n3A_403 : vector<16xi1>, vector<16xf32>
      %mul3A_483 = arith.constant 16 : i32
      %mul3A_484 = arith.muli %scan3A_11, %mul3A_483 : i32
      %add3A_485 = arith.constant 6 : i32
      %add3A_486 = arith.addi %mul3A_484, %add3A_485 : i32
      %broadcast_in_dim3A_487 = arith.constant 0.000000e+00 : f32
      %broadcast_in_dim3A_488 = vector.broadcast %broadcast_in_dim3A_487 : f32 to vector<16xf32>
      %get3A_489 = arith.index_cast %add3A_486 : i32 to index
      %get3A_490 = arith.constant 0 : index
      %get3A_491 = tpu.vector_load %arg7[%get3A_489, %get3A_490] {strides = array<i32>} : memref<128x128xf32, #tpu.memory_space<vmem>>, vector<16xf32>,
      %get3A_492 = arith.index_cast %add3A_486 : i32 to index
      %get3A_493 = arith.constant 0 : index
      %get3A_494 = tpu.vector_load %arg8[%get3A_492, %get3A_493] {strides = array<i32>} : memref<128x128xf32, #tpu.memory_space<vmem>>, vector<16xf32>,
      %mul3A_495 = arith.mulf %get3A_491, %get3A_494 : vector<16xf32>
      %add3A_496 = arith.addf %broadcast_in_dim3A_488, %mul3A_495 : vector<16xf32>
      %get3A_497 = arith.index_cast %add3A_486 : i32 to index
      %get3A_498 = arith.constant 16 : index
      %get3A_499 = tpu.vector_load %arg7[%get3A_497, %get3A_498] {strides = array<i32>} : memref<128x128xf32, #tpu.memory_space<vmem>>, vector<16xf32>,
      %get3A_500 = arith.index_cast %add3A_486 : i32 to index
      %get3A_501 = arith.constant 16 : index
      %get3A_502 = tpu.vector_load %arg8[%get3A_500, %get3A_501] {strides = array<i32>} : memref<128x128xf32, #tpu.memory_space<vmem>>, vector<16xf32>,
      %mul3A_503 = arith.mulf %get3A_499, %get3A_502 : vector<16xf32>
      %add3A_504 = arith.addf %add3A_496, %mul3A_503 : vector<16xf32>
      %get3A_505 = arith.index_cast %add3A_486 : i32 to index
      %get3A_506 = arith.constant 32 : index
      %get3A_507 = tpu.vector_load %arg7[%get3A_505, %get3A_506] {strides = array<i32>} : memref<128x128xf32, #tpu.memory_space<vmem>>, vector<16xf32>,
      %get3A_508 = arith.index_cast %add3A_486 : i32 to index
      %get3A_509 = arith.constant 32 : index
      %get3A_510 = tpu.vector_load %arg8[%get3A_508, %get3A_509] {strides = array<i32>} : memref<128x128xf32, #tpu.memory_space<vmem>>, vector<16xf32>,
      %mul3A_511 = arith.mulf %get3A_507, %get3A_510 : vector<16xf32>
      %add3A_512 = arith.addf %add3A_504, %mul3A_511 : vector<16xf32>
      %get3A_513 = arith.index_cast %add3A_486 : i32 to index
      %get3A_514 = arith.constant 48 : index
      %get3A_515 = tpu.vector_load %arg7[%get3A_513, %get3A_514] {strides = array<i32>} : memref<128x128xf32, #tpu.memory_space<vmem>>, vector<16xf32>,
      %get3A_516 = arith.index_cast %add3A_486 : i32 to index
      %get3A_517 = arith.constant 48 : index
      %get3A_518 = tpu.vector_load %arg8[%get3A_516, %get3A_517] {strides = array<i32>} : memref<128x128xf32, #tpu.memory_space<vmem>>, vector<16xf32>,
      %mul3A_519 = arith.mulf %get3A_515, %get3A_518 : vector<16xf32>
      %add3A_520 = arith.addf %add3A_512, %mul3A_519 : vector<16xf32>
      %get3A_521 = arith.index_cast %add3A_486 : i32 to index
      %get3A_522 = arith.constant 64 : index
      %get3A_523 = tpu.vector_load %arg7[%get3A_521, %get3A_522] {strides = array<i32>} : memref<128x128xf32, #tpu.memory_space<vmem>>, vector<16xf32>,
      %get3A_524 = arith.index_cast %add3A_486 : i32 to index
      %get3A_525 = arith.constant 64 : index
      %get3A_526 = tpu.vector_load %arg8[%get3A_524, %get3A_525] {strides = array<i32>} : memref<128x128xf32, #tpu.memory_space<vmem>>, vector<16xf32>,
      %mul3A_527 = arith.mulf %get3A_523, %get3A_526 : vector<16xf32>
      %add3A_528 = arith.addf %add3A_520, %mul3A_527 : vector<16xf32>
      %get3A_529 = arith.index_cast %add3A_486 : i32 to index
      %get3A_530 = arith.constant 80 : index
      %get3A_531 = tpu.vector_load %arg7[%get3A_529, %get3A_530] {strides = array<i32>} : memref<128x128xf32, #tpu.memory_space<vmem>>, vector<16xf32>,
      %get3A_532 = arith.index_cast %add3A_486 : i32 to index
      %get3A_533 = arith.constant 80 : index
      %get3A_534 = tpu.vector_load %arg8[%get3A_532, %get3A_533] {strides = array<i32>} : memref<128x128xf32, #tpu.memory_space<vmem>>, vector<16xf32>,
      %mul3A_535 = arith.mulf %get3A_531, %get3A_534 : vector<16xf32>
      %add3A_536 = arith.addf %add3A_528, %mul3A_535 : vector<16xf32>
      %get3A_537 = arith.index_cast %add3A_486 : i32 to index
      %get3A_538 = arith.constant 96 : index
      %get3A_539 = tpu.vector_load %arg7[%get3A_537, %get3A_538] {strides = array<i32>} : memref<128x128xf32, #tpu.memory_space<vmem>>, vector<16xf32>,
      %get3A_540 = arith.index_cast %add3A_486 : i32 to index
      %get3A_541 = arith.constant 96 : index
      %get3A_542 = tpu.vector_load %arg8[%get3A_540, %get3A_541] {strides = array<i32>} : memref<128x128xf32, #tpu.memory_space<vmem>>, vector<16xf32>,
      %mul3A_543 = arith.mulf %get3A_539, %get3A_542 : vector<16xf32>
      %add3A_544 = arith.addf %add3A_536, %mul3A_543 : vector<16xf32>
      %get3A_545 = arith.index_cast %add3A_486 : i32 to index
      %get3A_546 = arith.constant 112 : index
      %get3A_547 = tpu.vector_load %arg7[%get3A_545, %get3A_546] {strides = array<i32>} : memref<128x128xf32, #tpu.memory_space<vmem>>, vector<16xf32>,
      %get3A_548 = arith.index_cast %add3A_486 : i32 to index
      %get3A_549 = arith.constant 112 : index
      %get3A_550 = tpu.vector_load %arg8[%get3A_548, %get3A_549] {strides = array<i32>} : memref<128x128xf32, #tpu.memory_space<vmem>>, vector<16xf32>,
      %mul3A_551 = arith.mulf %get3A_547, %get3A_550 : vector<16xf32>
      %add3A_552 = arith.addf %add3A_544, %mul3A_551 : vector<16xf32>
      %eq3A_553 = arith.constant 6 : i32
      %eq3A_554 = vector.broadcast %eq3A_553 : i32 to vector<16xi32>
      %eq3A_555 = arith.cmpi eq, %iota3A, %eq3A_554 : vector<16xi32>
      %reduce_sum3A_556 = arith.constant true
      %reduce_sum3A_557 = vector.broadcast %reduce_sum3A_556 : i1 to vector<16xi1>
      %reduce_sum3A_558 = tpu.scan <sum>, %add3A_552 masked %reduce_sum3A_557 : vector<16xf32>, vector<16xi1> -> vector<16xf32>
      %reduce_sum3A_559 = vector.extract %reduce_sum3A_558[15] : f32 from vector<16xf32>
      %broadcast_in_dim3A_560 = vector.broadcast %reduce_sum3A_559 : f32 to vector<16xf32>
      %select_n3A_561 = arith.select %eq3A_555, %broadcast_in_dim3A_560, %select_n3A_482 : vector<16xi1>, vector<16xf32>
      %mul3A_562 = arith.constant 16 : i32
      %mul3A_563 = arith.muli %scan3A_11, %mul3A_562 : i32
      %add3A_564 = arith.constant 7 : i32
      %add3A_565 = arith.addi %mul3A_563, %add3A_564 : i32
      %broadcast_in_dim3A_566 = arith.constant 0.000000e+00 : f32
      %broadcast_in_dim3A_567 = vector.broadcast %broadcast_in_dim3A_566 : f32 to vector<16xf32>
      %get3A_568 = arith.index_cast %add3A_565 : i32 to index
      %get3A_569 = arith.constant 0 : index
      %get3A_570 = tpu.vector_load %arg7[%get3A_568, %get3A_569] {strides = array<i32>} : memref<128x128xf32, #tpu.memory_space<vmem>>, vector<16xf32>,
      %get3A_571 = arith.index_cast %add3A_565 : i32 to index
      %get3A_572 = arith.constant 0 : index
      %get3A_573 = tpu.vector_load %arg8[%get3A_571, %get3A_572] {strides = array<i32>} : memref<128x128xf32, #tpu.memory_space<vmem>>, vector<16xf32>,
      %mul3A_574 = arith.mulf %get3A_570, %get3A_573 : vector<16xf32>
      %add3A_575 = arith.addf %broadcast_in_dim3A_567, %mul3A_574 : vector<16xf32>
      %get3A_576 = arith.index_cast %add3A_565 : i32 to index
      %get3A_577 = arith.constant 16 : index
      %get3A_578 = tpu.vector_load %arg7[%get3A_576, %get3A_577] {strides = array<i32>} : memref<128x128xf32, #tpu.memory_space<vmem>>, vector<16xf32>,
      %get3A_579 = arith.index_cast %add3A_565 : i32 to index
      %get3A_580 = arith.constant 16 : index
      %get3A_581 = tpu.vector_load %arg8[%get3A_579, %get3A_580] {strides = array<i32>} : memref<128x128xf32, #tpu.memory_space<vmem>>, vector<16xf32>,
      %mul3A_582 = arith.mulf %get3A_578, %get3A_581 : vector<16xf32>
      %add3A_583 = arith.addf %add3A_575, %mul3A_582 : vector<16xf32>
      %get3A_584 = arith.index_cast %add3A_565 : i32 to index
      %get3A_585 = arith.constant 32 : index
      %get3A_586 = tpu.vector_load %arg7[%get3A_584, %get3A_585] {strides = array<i32>} : memref<128x128xf32, #tpu.memory_space<vmem>>, vector<16xf32>,
      %get3A_587 = arith.index_cast %add3A_565 : i32 to index
      %get3A_588 = arith.constant 32 : index
      %get3A_589 = tpu.vector_load %arg8[%get3A_587, %get3A_588] {strides = array<i32>} : memref<128x128xf32, #tpu.memory_space<vmem>>, vector<16xf32>,
      %mul3A_590 = arith.mulf %get3A_586, %get3A_589 : vector<16xf32>
      %add3A_591 = arith.addf %add3A_583, %mul3A_590 : vector<16xf32>
      %get3A_592 = arith.index_cast %add3A_565 : i32 to index
      %get3A_593 = arith.constant 48 : index
      %get3A_594 = tpu.vector_load %arg7[%get3A_592, %get3A_593] {strides = array<i32>} : memref<128x128xf32, #tpu.memory_space<vmem>>, vector<16xf32>,
      %get3A_595 = arith.index_cast %add3A_565 : i32 to index
      %get3A_596 = arith.constant 48 : index
      %get3A_597 = tpu.vector_load %arg8[%get3A_595, %get3A_596] {strides = array<i32>} : memref<128x128xf32, #tpu.memory_space<vmem>>, vector<16xf32>,
      %mul3A_598 = arith.mulf %get3A_594, %get3A_597 : vector<16xf32>
      %add3A_599 = arith.addf %add3A_591, %mul3A_598 : vector<16xf32>
      %get3A_600 = arith.index_cast %add3A_565 : i32 to index
      %get3A_601 = arith.constant 64 : index
      %get3A_602 = tpu.vector_load %arg7[%get3A_600, %get3A_601] {strides = array<i32>} : memref<128x128xf32, #tpu.memory_space<vmem>>, vector<16xf32>,
      %get3A_603 = arith.index_cast %add3A_565 : i32 to index
      %get3A_604 = arith.constant 64 : index
      %get3A_605 = tpu.vector_load %arg8[%get3A_603, %get3A_604] {strides = array<i32>} : memref<128x128xf32, #tpu.memory_space<vmem>>, vector<16xf32>,
      %mul3A_606 = arith.mulf %get3A_602, %get3A_605 : vector<16xf32>
      %add3A_607 = arith.addf %add3A_599, %mul3A_606 : vector<16xf32>
      %get3A_608 = arith.index_cast %add3A_565 : i32 to index
      %get3A_609 = arith.constant 80 : index
      %get3A_610 = tpu.vector_load %arg7[%get3A_608, %get3A_609] {strides = array<i32>} : memref<128x128xf32, #tpu.memory_space<vmem>>, vector<16xf32>,
      %get3A_611 = arith.index_cast %add3A_565 : i32 to index
      %get3A_612 = arith.constant 80 : index
      %get3A_613 = tpu.vector_load %arg8[%get3A_611, %get3A_612] {strides = array<i32>} : memref<128x128xf32, #tpu.memory_space<vmem>>, vector<16xf32>,
      %mul3A_614 = arith.mulf %get3A_610, %get3A_613 : vector<16xf32>
      %add3A_615 = arith.addf %add3A_607, %mul3A_614 : vector<16xf32>
      %get3A_616 = arith.index_cast %add3A_565 : i32 to index
      %get3A_617 = arith.constant 96 : index
      %get3A_618 = tpu.vector_load %arg7[%get3A_616, %get3A_617] {strides = array<i32>} : memref<128x128xf32, #tpu.memory_space<vmem>>, vector<16xf32>,
      %get3A_619 = arith.index_cast %add3A_565 : i32 to index
      %get3A_620 = arith.constant 96 : index
      %get3A_621 = tpu.vector_load %arg8[%get3A_619, %get3A_620] {strides = array<i32>} : memref<128x128xf32, #tpu.memory_space<vmem>>, vector<16xf32>,
      %mul3A_622 = arith.mulf %get3A_618, %get3A_621 : vector<16xf32>
      %add3A_623 = arith.addf %add3A_615, %mul3A_622 : vector<16xf32>
      %get3A_624 = arith.index_cast %add3A_565 : i32 to index
      %get3A_625 = arith.constant 112 : index
      %get3A_626 = tpu.vector_load %arg7[%get3A_624, %get3A_625] {strides = array<i32>} : memref<128x128xf32, #tpu.memory_space<vmem>>, vector<16xf32>,
      %get3A_627 = arith.index_cast %add3A_565 : i32 to index
      %get3A_628 = arith.constant 112 : index
      %get3A_629 = tpu.vector_load %arg8[%get3A_627, %get3A_628] {strides = array<i32>} : memref<128x128xf32, #tpu.memory_space<vmem>>, vector<16xf32>,
      %mul3A_630 = arith.mulf %get3A_626, %get3A_629 : vector<16xf32>
      %add3A_631 = arith.addf %add3A_623, %mul3A_630 : vector<16xf32>
      %eq3A_632 = arith.constant 7 : i32
      %eq3A_633 = vector.broadcast %eq3A_632 : i32 to vector<16xi32>
      %eq3A_634 = arith.cmpi eq, %iota3A, %eq3A_633 : vector<16xi32>
      %reduce_sum3A_635 = arith.constant true
      %reduce_sum3A_636 = vector.broadcast %reduce_sum3A_635 : i1 to vector<16xi1>
      %reduce_sum3A_637 = tpu.scan <sum>, %add3A_631 masked %reduce_sum3A_636 : vector<16xf32>, vector<16xi1> -> vector<16xf32>
      %reduce_sum3A_638 = vector.extract %reduce_sum3A_637[15] : f32 from vector<16xf32>
      %broadcast_in_dim3A_639 = vector.broadcast %reduce_sum3A_638 : f32 to vector<16xf32>
      %select_n3A_640 = arith.select %eq3A_634, %broadcast_in_dim3A_639, %select_n3A_561 : vector<16xi1>, vector<16xf32>
      %mul3A_641 = arith.constant 16 : i32
      %mul3A_642 = arith.muli %scan3A_11, %mul3A_641 : i32
      %add3A_643 = arith.constant 8 : i32
      %add3A_644 = arith.addi %mul3A_642, %add3A_643 : i32
      %broadcast_in_dim3A_645 = arith.constant 0.000000e+00 : f32
      %broadcast_in_dim3A_646 = vector.broadcast %broadcast_in_dim3A_645 : f32 to vector<16xf32>
      %get3A_647 = arith.index_cast %add3A_644 : i32 to index
      %get3A_648 = arith.constant 0 : index
      %get3A_649 = tpu.vector_load %arg7[%get3A_647, %get3A_648] {strides = array<i32>} : memref<128x128xf32, #tpu.memory_space<vmem>>, vector<16xf32>,
      %get3A_650 = arith.index_cast %add3A_644 : i32 to index
      %get3A_651 = arith.constant 0 : index
      %get3A_652 = tpu.vector_load %arg8[%get3A_650, %get3A_651] {strides = array<i32>} : memref<128x128xf32, #tpu.memory_space<vmem>>, vector<16xf32>,
      %mul3A_653 = arith.mulf %get3A_649, %get3A_652 : vector<16xf32>
      %add3A_654 = arith.addf %broadcast_in_dim3A_646, %mul3A_653 : vector<16xf32>
      %get3A_655 = arith.index_cast %add3A_644 : i32 to index
      %get3A_656 = arith.constant 16 : index
      %get3A_657 = tpu.vector_load %arg7[%get3A_655, %get3A_656] {strides = array<i32>} : memref<128x128xf32, #tpu.memory_space<vmem>>, vector<16xf32>,
      %get3A_658 = arith.index_cast %add3A_644 : i32 to index
      %get3A_659 = arith.constant 16 : index
      %get3A_660 = tpu.vector_load %arg8[%get3A_658, %get3A_659] {strides = array<i32>} : memref<128x128xf32, #tpu.memory_space<vmem>>, vector<16xf32>,
      %mul3A_661 = arith.mulf %get3A_657, %get3A_660 : vector<16xf32>
      %add3A_662 = arith.addf %add3A_654, %mul3A_661 : vector<16xf32>
      %get3A_663 = arith.index_cast %add3A_644 : i32 to index
      %get3A_664 = arith.constant 32 : index
      %get3A_665 = tpu.vector_load %arg7[%get3A_663, %get3A_664] {strides = array<i32>} : memref<128x128xf32, #tpu.memory_space<vmem>>, vector<16xf32>,
      %get3A_666 = arith.index_cast %add3A_644 : i32 to index
      %get3A_667 = arith.constant 32 : index
      %get3A_668 = tpu.vector_load %arg8[%get3A_666, %get3A_667] {strides = array<i32>} : memref<128x128xf32, #tpu.memory_space<vmem>>, vector<16xf32>,
      %mul3A_669 = arith.mulf %get3A_665, %get3A_668 : vector<16xf32>
      %add3A_670 = arith.addf %add3A_662, %mul3A_669 : vector<16xf32>
      %get3A_671 = arith.index_cast %add3A_644 : i32 to index
      %get3A_672 = arith.constant 48 : index
      %get3A_673 = tpu.vector_load %arg7[%get3A_671, %get3A_672] {strides = array<i32>} : memref<128x128xf32, #tpu.memory_space<vmem>>, vector<16xf32>,
      %get3A_674 = arith.index_cast %add3A_644 : i32 to index
      %get3A_675 = arith.constant 48 : index
      %get3A_676 = tpu.vector_load %arg8[%get3A_674, %get3A_675] {strides = array<i32>} : memref<128x128xf32, #tpu.memory_space<vmem>>, vector<16xf32>,
      %mul3A_677 = arith.mulf %get3A_673, %get3A_676 : vector<16xf32>
      %add3A_678 = arith.addf %add3A_670, %mul3A_677 : vector<16xf32>
      %get3A_679 = arith.index_cast %add3A_644 : i32 to index
      %get3A_680 = arith.constant 64 : index
      %get3A_681 = tpu.vector_load %arg7[%get3A_679, %get3A_680] {strides = array<i32>} : memref<128x128xf32, #tpu.memory_space<vmem>>, vector<16xf32>,
      %get3A_682 = arith.index_cast %add3A_644 : i32 to index
      %get3A_683 = arith.constant 64 : index
      %get3A_684 = tpu.vector_load %arg8[%get3A_682, %get3A_683] {strides = array<i32>} : memref<128x128xf32, #tpu.memory_space<vmem>>, vector<16xf32>,
      %mul3A_685 = arith.mulf %get3A_681, %get3A_684 : vector<16xf32>
      %add3A_686 = arith.addf %add3A_678, %mul3A_685 : vector<16xf32>
      %get3A_687 = arith.index_cast %add3A_644 : i32 to index
      %get3A_688 = arith.constant 80 : index
      %get3A_689 = tpu.vector_load %arg7[%get3A_687, %get3A_688] {strides = array<i32>} : memref<128x128xf32, #tpu.memory_space<vmem>>, vector<16xf32>,
      %get3A_690 = arith.index_cast %add3A_644 : i32 to index
      %get3A_691 = arith.constant 80 : index
      %get3A_692 = tpu.vector_load %arg8[%get3A_690, %get3A_691] {strides = array<i32>} : memref<128x128xf32, #tpu.memory_space<vmem>>, vector<16xf32>,
      %mul3A_693 = arith.mulf %get3A_689, %get3A_692 : vector<16xf32>
      %add3A_694 = arith.addf %add3A_686, %mul3A_693 : vector<16xf32>
      %get3A_695 = arith.index_cast %add3A_644 : i32 to index
      %get3A_696 = arith.constant 96 : index
      %get3A_697 = tpu.vector_load %arg7[%get3A_695, %get3A_696] {strides = array<i32>} : memref<128x128xf32, #tpu.memory_space<vmem>>, vector<16xf32>,
      %get3A_698 = arith.index_cast %add3A_644 : i32 to index
      %get3A_699 = arith.constant 96 : index
      %get3A_700 = tpu.vector_load %arg8[%get3A_698, %get3A_699] {strides = array<i32>} : memref<128x128xf32, #tpu.memory_space<vmem>>, vector<16xf32>,
      %mul3A_701 = arith.mulf %get3A_697, %get3A_700 : vector<16xf32>
      %add3A_702 = arith.addf %add3A_694, %mul3A_701 : vector<16xf32>
      %get3A_703 = arith.index_cast %add3A_644 : i32 to index
      %get3A_704 = arith.constant 112 : index
      %get3A_705 = tpu.vector_load %arg7[%get3A_703, %get3A_704] {strides = array<i32>} : memref<128x128xf32, #tpu.memory_space<vmem>>, vector<16xf32>,
      %get3A_706 = arith.index_cast %add3A_644 : i32 to index
      %get3A_707 = arith.constant 112 : index
      %get3A_708 = tpu.vector_load %arg8[%get3A_706, %get3A_707] {strides = array<i32>} : memref<128x128xf32, #tpu.memory_space<vmem>>, vector<16xf32>,
      %mul3A_709 = arith.mulf %get3A_705, %get3A_708 : vector<16xf32>
      %add3A_710 = arith.addf %add3A_702, %mul3A_709 : vector<16xf32>
      %eq3A_711 = arith.constant 8 : i32
      %eq3A_712 = vector.broadcast %eq3A_711 : i32 to vector<16xi32>
      %eq3A_713 = arith.cmpi eq, %iota3A, %eq3A_712 : vector<16xi32>
      %reduce_sum3A_714 = arith.constant true
      %reduce_sum3A_715 = vector.broadcast %reduce_sum3A_714 : i1 to vector<16xi1>
      %reduce_sum3A_716 = tpu.scan <sum>, %add3A_710 masked %reduce_sum3A_715 : vector<16xf32>, vector<16xi1> -> vector<16xf32>
      %reduce_sum3A_717 = vector.extract %reduce_sum3A_716[15] : f32 from vector<16xf32>
      %broadcast_in_dim3A_718 = vector.broadcast %reduce_sum3A_717 : f32 to vector<16xf32>
      %select_n3A_719 = arith.select %eq3A_713, %broadcast_in_dim3A_718, %select_n3A_640 : vector<16xi1>, vector<16xf32>
      %mul3A_720 = arith.constant 16 : i32
      %mul3A_721 = arith.muli %scan3A_11, %mul3A_720 : i32
      %add3A_722 = arith.constant 9 : i32
      %add3A_723 = arith.addi %mul3A_721, %add3A_722 : i32
      %broadcast_in_dim3A_724 = arith.constant 0.000000e+00 : f32
      %broadcast_in_dim3A_725 = vector.broadcast %broadcast_in_dim3A_724 : f32 to vector<16xf32>
      %get3A_726 = arith.index_cast %add3A_723 : i32 to index
      %get3A_727 = arith.constant 0 : index
      %get3A_728 = tpu.vector_load %arg7[%get3A_726, %get3A_727] {strides = array<i32>} : memref<128x128xf32, #tpu.memory_space<vmem>>, vector<16xf32>,
      %get3A_729 = arith.index_cast %add3A_723 : i32 to index
      %get3A_730 = arith.constant 0 : index
      %get3A_731 = tpu.vector_load %arg8[%get3A_729, %get3A_730] {strides = array<i32>} : memref<128x128xf32, #tpu.memory_space<vmem>>, vector<16xf32>,
      %mul3A_732 = arith.mulf %get3A_728, %get3A_731 : vector<16xf32>
      %add3A_733 = arith.addf %broadcast_in_dim3A_725, %mul3A_732 : vector<16xf32>
      %get3A_734 = arith.index_cast %add3A_723 : i32 to index
      %get3A_735 = arith.constant 16 : index
      %get3A_736 = tpu.vector_load %arg7[%get3A_734, %get3A_735] {strides = array<i32>} : memref<128x128xf32, #tpu.memory_space<vmem>>, vector<16xf32>,
      %get3A_737 = arith.index_cast %add3A_723 : i32 to index
      %get3A_738 = arith.constant 16 : index
      %get3A_739 = tpu.vector_load %arg8[%get3A_737, %get3A_738] {strides = array<i32>} : memref<128x128xf32, #tpu.memory_space<vmem>>, vector<16xf32>,
      %mul3A_740 = arith.mulf %get3A_736, %get3A_739 : vector<16xf32>
      %add3A_741 = arith.addf %add3A_733, %mul3A_740 : vector<16xf32>
      %get3A_742 = arith.index_cast %add3A_723 : i32 to index
      %get3A_743 = arith.constant 32 : index
      %get3A_744 = tpu.vector_load %arg7[%get3A_742, %get3A_743] {strides = array<i32>} : memref<128x128xf32, #tpu.memory_space<vmem>>, vector<16xf32>,
      %get3A_745 = arith.index_cast %add3A_723 : i32 to index
      %get3A_746 = arith.constant 32 : index
      %get3A_747 = tpu.vector_load %arg8[%get3A_745, %get3A_746] {strides = array<i32>} : memref<128x128xf32, #tpu.memory_space<vmem>>, vector<16xf32>,
      %mul3A_748 = arith.mulf %get3A_744, %get3A_747 : vector<16xf32>
      %add3A_749 = arith.addf %add3A_741, %mul3A_748 : vector<16xf32>
      %get3A_750 = arith.index_cast %add3A_723 : i32 to index
      %get3A_751 = arith.constant 48 : index
      %get3A_752 = tpu.vector_load %arg7[%get3A_750, %get3A_751] {strides = array<i32>} : memref<128x128xf32, #tpu.memory_space<vmem>>, vector<16xf32>,
      %get3A_753 = arith.index_cast %add3A_723 : i32 to index
      %get3A_754 = arith.constant 48 : index
      %get3A_755 = tpu.vector_load %arg8[%get3A_753, %get3A_754] {strides = array<i32>} : memref<128x128xf32, #tpu.memory_space<vmem>>, vector<16xf32>,
      %mul3A_756 = arith.mulf %get3A_752, %get3A_755 : vector<16xf32>
      %add3A_757 = arith.addf %add3A_749, %mul3A_756 : vector<16xf32>
      %get3A_758 = arith.index_cast %add3A_723 : i32 to index
      %get3A_759 = arith.constant 64 : index
      %get3A_760 = tpu.vector_load %arg7[%get3A_758, %get3A_759] {strides = array<i32>} : memref<128x128xf32, #tpu.memory_space<vmem>>, vector<16xf32>,
      %get3A_761 = arith.index_cast %add3A_723 : i32 to index
      %get3A_762 = arith.constant 64 : index
      %get3A_763 = tpu.vector_load %arg8[%get3A_761, %get3A_762] {strides = array<i32>} : memref<128x128xf32, #tpu.memory_space<vmem>>, vector<16xf32>,
      %mul3A_764 = arith.mulf %get3A_760, %get3A_763 : vector<16xf32>
      %add3A_765 = arith.addf %add3A_757, %mul3A_764 : vector<16xf32>
      %get3A_766 = arith.index_cast %add3A_723 : i32 to index
      %get3A_767 = arith.constant 80 : index
      %get3A_768 = tpu.vector_load %arg7[%get3A_766, %get3A_767] {strides = array<i32>} : memref<128x128xf32, #tpu.memory_space<vmem>>, vector<16xf32>,
      %get3A_769 = arith.index_cast %add3A_723 : i32 to index
      %get3A_770 = arith.constant 80 : index
      %get3A_771 = tpu.vector_load %arg8[%get3A_769, %get3A_770] {strides = array<i32>} : memref<128x128xf32, #tpu.memory_space<vmem>>, vector<16xf32>,
      %mul3A_772 = arith.mulf %get3A_768, %get3A_771 : vector<16xf32>
      %add3A_773 = arith.addf %add3A_765, %mul3A_772 : vector<16xf32>
      %get3A_774 = arith.index_cast %add3A_723 : i32 to index
      %get3A_775 = arith.constant 96 : index
      %get3A_776 = tpu.vector_load %arg7[%get3A_774, %get3A_775] {strides = array<i32>} : memref<128x128xf32, #tpu.memory_space<vmem>>, vector<16xf32>,
      %get3A_777 = arith.index_cast %add3A_723 : i32 to index
      %get3A_778 = arith.constant 96 : index
      %get3A_779 = tpu.vector_load %arg8[%get3A_777, %get3A_778] {strides = array<i32>} : memref<128x128xf32, #tpu.memory_space<vmem>>, vector<16xf32>,
      %mul3A_780 = arith.mulf %get3A_776, %get3A_779 : vector<16xf32>
      %add3A_781 = arith.addf %add3A_773, %mul3A_780 : vector<16xf32>
      %get3A_782 = arith.index_cast %add3A_723 : i32 to index
      %get3A_783 = arith.constant 112 : index
      %get3A_784 = tpu.vector_load %arg7[%get3A_782, %get3A_783] {strides = array<i32>} : memref<128x128xf32, #tpu.memory_space<vmem>>, vector<16xf32>,
      %get3A_785 = arith.index_cast %add3A_723 : i32 to index
      %get3A_786 = arith.constant 112 : index
      %get3A_787 = tpu.vector_load %arg8[%get3A_785, %get3A_786] {strides = array<i32>} : memref<128x128xf32, #tpu.memory_space<vmem>>, vector<16xf32>,
      %mul3A_788 = arith.mulf %get3A_784, %get3A_787 : vector<16xf32>
      %add3A_789 = arith.addf %add3A_781, %mul3A_788 : vector<16xf32>
      %eq3A_790 = arith.constant 9 : i32
      %eq3A_791 = vector.broadcast %eq3A_790 : i32 to vector<16xi32>
      %eq3A_792 = arith.cmpi eq, %iota3A, %eq3A_791 : vector<16xi32>
      %reduce_sum3A_793 = arith.constant true
      %reduce_sum3A_794 = vector.broadcast %reduce_sum3A_793 : i1 to vector<16xi1>
      %reduce_sum3A_795 = tpu.scan <sum>, %add3A_789 masked %reduce_sum3A_794 : vector<16xf32>, vector<16xi1> -> vector<16xf32>
      %reduce_sum3A_796 = vector.extract %reduce_sum3A_795[15] : f32 from vector<16xf32>
      %broadcast_in_dim3A_797 = vector.broadcast %reduce_sum3A_796 : f32 to vector<16xf32>
      %select_n3A_798 = arith.select %eq3A_792, %broadcast_in_dim3A_797, %select_n3A_719 : vector<16xi1>, vector<16xf32>
      %mul3A_799 = arith.constant 16 : i32
      %mul3A_800 = arith.muli %scan3A_11, %mul3A_799 : i32
      %add3A_801 = arith.constant 10 : i32
      %add3A_802 = arith.addi %mul3A_800, %add3A_801 : i32
      %broadcast_in_dim3A_803 = arith.constant 0.000000e+00 : f32
      %broadcast_in_dim3A_804 = vector.broadcast %broadcast_in_dim3A_803 : f32 to vector<16xf32>
      %get3A_805 = arith.index_cast %add3A_802 : i32 to index
      %get3A_806 = arith.constant 0 : index
      %get3A_807 = tpu.vector_load %arg7[%get3A_805, %get3A_806] {strides = array<i32>} : memref<128x128xf32, #tpu.memory_space<vmem>>, vector<16xf32>,
      %get3A_808 = arith.index_cast %add3A_802 : i32 to index
      %get3A_809 = arith.constant 0 : index
      %get3A_810 = tpu.vector_load %arg8[%get3A_808, %get3A_809] {strides = array<i32>} : memref<128x128xf32, #tpu.memory_space<vmem>>, vector<16xf32>,
      %mul3A_811 = arith.mulf %get3A_807, %get3A_810 : vector<16xf32>
      %add3A_812 = arith.addf %broadcast_in_dim3A_804, %mul3A_811 : vector<16xf32>
      %get3A_813 = arith.index_cast %add3A_802 : i32 to index
      %get3A_814 = arith.constant 16 : index
      %get3A_815 = tpu.vector_load %arg7[%get3A_813, %get3A_814] {strides = array<i32>} : memref<128x128xf32, #tpu.memory_space<vmem>>, vector<16xf32>,
      %get3A_816 = arith.index_cast %add3A_802 : i32 to index
      %get3A_817 = arith.constant 16 : index
      %get3A_818 = tpu.vector_load %arg8[%get3A_816, %get3A_817] {strides = array<i32>} : memref<128x128xf32, #tpu.memory_space<vmem>>, vector<16xf32>,
      %mul3A_819 = arith.mulf %get3A_815, %get3A_818 : vector<16xf32>
      %add3A_820 = arith.addf %add3A_812, %mul3A_819 : vector<16xf32>
      %get3A_821 = arith.index_cast %add3A_802 : i32 to index
      %get3A_822 = arith.constant 32 : index
      %get3A_823 = tpu.vector_load %arg7[%get3A_821, %get3A_822] {strides = array<i32>} : memref<128x128xf32, #tpu.memory_space<vmem>>, vector<16xf32>,
      %get3A_824 = arith.index_cast %add3A_802 : i32 to index
      %get3A_825 = arith.constant 32 : index
      %get3A_826 = tpu.vector_load %arg8[%get3A_824, %get3A_825] {strides = array<i32>} : memref<128x128xf32, #tpu.memory_space<vmem>>, vector<16xf32>,
      %mul3A_827 = arith.mulf %get3A_823, %get3A_826 : vector<16xf32>
      %add3A_828 = arith.addf %add3A_820, %mul3A_827 : vector<16xf32>
      %get3A_829 = arith.index_cast %add3A_802 : i32 to index
      %get3A_830 = arith.constant 48 : index
      %get3A_831 = tpu.vector_load %arg7[%get3A_829, %get3A_830] {strides = array<i32>} : memref<128x128xf32, #tpu.memory_space<vmem>>, vector<16xf32>,
      %get3A_832 = arith.index_cast %add3A_802 : i32 to index
      %get3A_833 = arith.constant 48 : index
      %get3A_834 = tpu.vector_load %arg8[%get3A_832, %get3A_833] {strides = array<i32>} : memref<128x128xf32, #tpu.memory_space<vmem>>, vector<16xf32>,
      %mul3A_835 = arith.mulf %get3A_831, %get3A_834 : vector<16xf32>
      %add3A_836 = arith.addf %add3A_828, %mul3A_835 : vector<16xf32>
      %get3A_837 = arith.index_cast %add3A_802 : i32 to index
      %get3A_838 = arith.constant 64 : index
      %get3A_839 = tpu.vector_load %arg7[%get3A_837, %get3A_838] {strides = array<i32>} : memref<128x128xf32, #tpu.memory_space<vmem>>, vector<16xf32>,
      %get3A_840 = arith.index_cast %add3A_802 : i32 to index
      %get3A_841 = arith.constant 64 : index
      %get3A_842 = tpu.vector_load %arg8[%get3A_840, %get3A_841] {strides = array<i32>} : memref<128x128xf32, #tpu.memory_space<vmem>>, vector<16xf32>,
      %mul3A_843 = arith.mulf %get3A_839, %get3A_842 : vector<16xf32>
      %add3A_844 = arith.addf %add3A_836, %mul3A_843 : vector<16xf32>
      %get3A_845 = arith.index_cast %add3A_802 : i32 to index
      %get3A_846 = arith.constant 80 : index
      %get3A_847 = tpu.vector_load %arg7[%get3A_845, %get3A_846] {strides = array<i32>} : memref<128x128xf32, #tpu.memory_space<vmem>>, vector<16xf32>,
      %get3A_848 = arith.index_cast %add3A_802 : i32 to index
      %get3A_849 = arith.constant 80 : index
      %get3A_850 = tpu.vector_load %arg8[%get3A_848, %get3A_849] {strides = array<i32>} : memref<128x128xf32, #tpu.memory_space<vmem>>, vector<16xf32>,
      %mul3A_851 = arith.mulf %get3A_847, %get3A_850 : vector<16xf32>
      %add3A_852 = arith.addf %add3A_844, %mul3A_851 : vector<16xf32>
      %get3A_853 = arith.index_cast %add3A_802 : i32 to index
      %get3A_854 = arith.constant 96 : index
      %get3A_855 = tpu.vector_load %arg7[%get3A_853, %get3A_854] {strides = array<i32>} : memref<128x128xf32, #tpu.memory_space<vmem>>, vector<16xf32>,
      %get3A_856 = arith.index_cast %add3A_802 : i32 to index
      %get3A_857 = arith.constant 96 : index
      %get3A_858 = tpu.vector_load %arg8[%get3A_856, %get3A_857] {strides = array<i32>} : memref<128x128xf32, #tpu.memory_space<vmem>>, vector<16xf32>,
      %mul3A_859 = arith.mulf %get3A_855, %get3A_858 : vector<16xf32>
      %add3A_860 = arith.addf %add3A_852, %mul3A_859 : vector<16xf32>
      %get3A_861 = arith.index_cast %add3A_802 : i32 to index
      %get3A_862 = arith.constant 112 : index
      %get3A_863 = tpu.vector_load %arg7[%get3A_861, %get3A_862] {strides = array<i32>} : memref<128x128xf32, #tpu.memory_space<vmem>>, vector<16xf32>,
      %get3A_864 = arith.index_cast %add3A_802 : i32 to index
      %get3A_865 = arith.constant 112 : index
      %get3A_866 = tpu.vector_load %arg8[%get3A_864, %get3A_865] {strides = array<i32>} : memref<128x128xf32, #tpu.memory_space<vmem>>, vector<16xf32>,
      %mul3A_867 = arith.mulf %get3A_863, %get3A_866 : vector<16xf32>
      %add3A_868 = arith.addf %add3A_860, %mul3A_867 : vector<16xf32>
      %eq3A_869 = arith.constant 10 : i32
      %eq3A_870 = vector.broadcast %eq3A_869 : i32 to vector<16xi32>
      %eq3A_871 = arith.cmpi eq, %iota3A, %eq3A_870 : vector<16xi32>
      %reduce_sum3A_872 = arith.constant true
      %reduce_sum3A_873 = vector.broadcast %reduce_sum3A_872 : i1 to vector<16xi1>
      %reduce_sum3A_874 = tpu.scan <sum>, %add3A_868 masked %reduce_sum3A_873 : vector<16xf32>, vector<16xi1> -> vector<16xf32>
      %reduce_sum3A_875 = vector.extract %reduce_sum3A_874[15] : f32 from vector<16xf32>
      %broadcast_in_dim3A_876 = vector.broadcast %reduce_sum3A_875 : f32 to vector<16xf32>
      %select_n3A_877 = arith.select %eq3A_871, %broadcast_in_dim3A_876, %select_n3A_798 : vector<16xi1>, vector<16xf32>
      %mul3A_878 = arith.constant 16 : i32
      %mul3A_879 = arith.muli %scan3A_11, %mul3A_878 : i32
      %add3A_880 = arith.constant 11 : i32
      %add3A_881 = arith.addi %mul3A_879, %add3A_880 : i32
      %broadcast_in_dim3A_882 = arith.constant 0.000000e+00 : f32
      %broadcast_in_dim3A_883 = vector.broadcast %broadcast_in_dim3A_882 : f32 to vector<16xf32>
      %get3A_884 = arith.index_cast %add3A_881 : i32 to index
      %get3A_885 = arith.constant 0 : index
      %get3A_886 = tpu.vector_load %arg7[%get3A_884, %get3A_885] {strides = array<i32>} : memref<128x128xf32, #tpu.memory_space<vmem>>, vector<16xf32>,
      %get3A_887 = arith.index_cast %add3A_881 : i32 to index
      %get3A_888 = arith.constant 0 : index
      %get3A_889 = tpu.vector_load %arg8[%get3A_887, %get3A_888] {strides = array<i32>} : memref<128x128xf32, #tpu.memory_space<vmem>>, vector<16xf32>,
      %mul3A_890 = arith.mulf %get3A_886, %get3A_889 : vector<16xf32>
      %add3A_891 = arith.addf %broadcast_in_dim3A_883, %mul3A_890 : vector<16xf32>
      %get3A_892 = arith.index_cast %add3A_881 : i32 to index
      %get3A_893 = arith.constant 16 : index
      %get3A_894 = tpu.vector_load %arg7[%get3A_892, %get3A_893] {strides = array<i32>} : memref<128x128xf32, #tpu.memory_space<vmem>>, vector<16xf32>,
      %get3A_895 = arith.index_cast %add3A_881 : i32 to index
      %get3A_896 = arith.constant 16 : index
      %get3A_897 = tpu.vector_load %arg8[%get3A_895, %get3A_896] {strides = array<i32>} : memref<128x128xf32, #tpu.memory_space<vmem>>, vector<16xf32>,
      %mul3A_898 = arith.mulf %get3A_894, %get3A_897 : vector<16xf32>
      %add3A_899 = arith.addf %add3A_891, %mul3A_898 : vector<16xf32>
      %get3A_900 = arith.index_cast %add3A_881 : i32 to index
      %get3A_901 = arith.constant 32 : index
      %get3A_902 = tpu.vector_load %arg7[%get3A_900, %get3A_901] {strides = array<i32>} : memref<128x128xf32, #tpu.memory_space<vmem>>, vector<16xf32>,
      %get3A_903 = arith.index_cast %add3A_881 : i32 to index
      %get3A_904 = arith.constant 32 : index
      %get3A_905 = tpu.vector_load %arg8[%get3A_903, %get3A_904] {strides = array<i32>} : memref<128x128xf32, #tpu.memory_space<vmem>>, vector<16xf32>,
      %mul3A_906 = arith.mulf %get3A_902, %get3A_905 : vector<16xf32>
      %add3A_907 = arith.addf %add3A_899, %mul3A_906 : vector<16xf32>
      %get3A_908 = arith.index_cast %add3A_881 : i32 to index
      %get3A_909 = arith.constant 48 : index
      %get3A_910 = tpu.vector_load %arg7[%get3A_908, %get3A_909] {strides = array<i32>} : memref<128x128xf32, #tpu.memory_space<vmem>>, vector<16xf32>,
      %get3A_911 = arith.index_cast %add3A_881 : i32 to index
      %get3A_912 = arith.constant 48 : index
      %get3A_913 = tpu.vector_load %arg8[%get3A_911, %get3A_912] {strides = array<i32>} : memref<128x128xf32, #tpu.memory_space<vmem>>, vector<16xf32>,
      %mul3A_914 = arith.mulf %get3A_910, %get3A_913 : vector<16xf32>
      %add3A_915 = arith.addf %add3A_907, %mul3A_914 : vector<16xf32>
      %get3A_916 = arith.index_cast %add3A_881 : i32 to index
      %get3A_917 = arith.constant 64 : index
      %get3A_918 = tpu.vector_load %arg7[%get3A_916, %get3A_917] {strides = array<i32>} : memref<128x128xf32, #tpu.memory_space<vmem>>, vector<16xf32>,
      %get3A_919 = arith.index_cast %add3A_881 : i32 to index
      %get3A_920 = arith.constant 64 : index
      %get3A_921 = tpu.vector_load %arg8[%get3A_919, %get3A_920] {strides = array<i32>} : memref<128x128xf32, #tpu.memory_space<vmem>>, vector<16xf32>,
      %mul3A_922 = arith.mulf %get3A_918, %get3A_921 : vector<16xf32>
      %add3A_923 = arith.addf %add3A_915, %mul3A_922 : vector<16xf32>
      %get3A_924 = arith.index_cast %add3A_881 : i32 to index
      %get3A_925 = arith.constant 80 : index
      %get3A_926 = tpu.vector_load %arg7[%get3A_924, %get3A_925] {strides = array<i32>} : memref<128x128xf32, #tpu.memory_space<vmem>>, vector<16xf32>,
      %get3A_927 = arith.index_cast %add3A_881 : i32 to index
      %get3A_928 = arith.constant 80 : index
      %get3A_929 = tpu.vector_load %arg8[%get3A_927, %get3A_928] {strides = array<i32>} : memref<128x128xf32, #tpu.memory_space<vmem>>, vector<16xf32>,
      %mul3A_930 = arith.mulf %get3A_926, %get3A_929 : vector<16xf32>
      %add3A_931 = arith.addf %add3A_923, %mul3A_930 : vector<16xf32>
      %get3A_932 = arith.index_cast %add3A_881 : i32 to index
      %get3A_933 = arith.constant 96 : index
      %get3A_934 = tpu.vector_load %arg7[%get3A_932, %get3A_933] {strides = array<i32>} : memref<128x128xf32, #tpu.memory_space<vmem>>, vector<16xf32>,
      %get3A_935 = arith.index_cast %add3A_881 : i32 to index
      %get3A_936 = arith.constant 96 : index
      %get3A_937 = tpu.vector_load %arg8[%get3A_935, %get3A_936] {strides = array<i32>} : memref<128x128xf32, #tpu.memory_space<vmem>>, vector<16xf32>,
      %mul3A_938 = arith.mulf %get3A_934, %get3A_937 : vector<16xf32>
      %add3A_939 = arith.addf %add3A_931, %mul3A_938 : vector<16xf32>
      %get3A_940 = arith.index_cast %add3A_881 : i32 to index
      %get3A_941 = arith.constant 112 : index
      %get3A_942 = tpu.vector_load %arg7[%get3A_940, %get3A_941] {strides = array<i32>} : memref<128x128xf32, #tpu.memory_space<vmem>>, vector<16xf32>,
      %get3A_943 = arith.index_cast %add3A_881 : i32 to index
      %get3A_944 = arith.constant 112 : index
      %get3A_945 = tpu.vector_load %arg8[%get3A_943, %get3A_944] {strides = array<i32>} : memref<128x128xf32, #tpu.memory_space<vmem>>, vector<16xf32>,
      %mul3A_946 = arith.mulf %get3A_942, %get3A_945 : vector<16xf32>
      %add3A_947 = arith.addf %add3A_939, %mul3A_946 : vector<16xf32>
      %eq3A_948 = arith.constant 11 : i32
      %eq3A_949 = vector.broadcast %eq3A_948 : i32 to vector<16xi32>
      %eq3A_950 = arith.cmpi eq, %iota3A, %eq3A_949 : vector<16xi32>
      %reduce_sum3A_951 = arith.constant true
      %reduce_sum3A_952 = vector.broadcast %reduce_sum3A_951 : i1 to vector<16xi1>
      %reduce_sum3A_953 = tpu.scan <sum>, %add3A_947 masked %reduce_sum3A_952 : vector<16xf32>, vector<16xi1> -> vector<16xf32>
      %reduce_sum3A_954 = vector.extract %reduce_sum3A_953[15] : f32 from vector<16xf32>
      %broadcast_in_dim3A_955 = vector.broadcast %reduce_sum3A_954 : f32 to vector<16xf32>
      %select_n3A_956 = arith.select %eq3A_950, %broadcast_in_dim3A_955, %select_n3A_877 : vector<16xi1>, vector<16xf32>
      %mul3A_957 = arith.constant 16 : i32
      %mul3A_958 = arith.muli %scan3A_11, %mul3A_957 : i32
      %add3A_959 = arith.constant 12 : i32
      %add3A_960 = arith.addi %mul3A_958, %add3A_959 : i32
      %broadcast_in_dim3A_961 = arith.constant 0.000000e+00 : f32
      %broadcast_in_dim3A_962 = vector.broadcast %broadcast_in_dim3A_961 : f32 to vector<16xf32>
      %get3A_963 = arith.index_cast %add3A_960 : i32 to index
      %get3A_964 = arith.constant 0 : index
      %get3A_965 = tpu.vector_load %arg7[%get3A_963, %get3A_964] {strides = array<i32>} : memref<128x128xf32, #tpu.memory_space<vmem>>, vector<16xf32>,
      %get3A_966 = arith.index_cast %add3A_960 : i32 to index
      %get3A_967 = arith.constant 0 : index
      %get3A_968 = tpu.vector_load %arg8[%get3A_966, %get3A_967] {strides = array<i32>} : memref<128x128xf32, #tpu.memory_space<vmem>>, vector<16xf32>,
      %mul3A_969 = arith.mulf %get3A_965, %get3A_968 : vector<16xf32>
      %add3A_970 = arith.addf %broadcast_in_dim3A_962, %mul3A_969 : vector<16xf32>
      %get3A_971 = arith.index_cast %add3A_960 : i32 to index
      %get3A_972 = arith.constant 16 : index
      %get3A_973 = tpu.vector_load %arg7[%get3A_971, %get3A_972] {strides = array<i32>} : memref<128x128xf32, #tpu.memory_space<vmem>>, vector<16xf32>,
      %get3A_974 = arith.index_cast %add3A_960 : i32 to index
      %get3A_975 = arith.constant 16 : index
      %get3A_976 = tpu.vector_load %arg8[%get3A_974, %get3A_975] {strides = array<i32>} : memref<128x128xf32, #tpu.memory_space<vmem>>, vector<16xf32>,
      %mul3A_977 = arith.mulf %get3A_973, %get3A_976 : vector<16xf32>
      %add3A_978 = arith.addf %add3A_970, %mul3A_977 : vector<16xf32>
      %get3A_979 = arith.index_cast %add3A_960 : i32 to index
      %get3A_980 = arith.constant 32 : index
      %get3A_981 = tpu.vector_load %arg7[%get3A_979, %get3A_980] {strides = array<i32>} : memref<128x128xf32, #tpu.memory_space<vmem>>, vector<16xf32>,
      %get3A_982 = arith.index_cast %add3A_960 : i32 to index
      %get3A_983 = arith.constant 32 : index
      %get3A_984 = tpu.vector_load %arg8[%get3A_982, %get3A_983] {strides = array<i32>} : memref<128x128xf32, #tpu.memory_space<vmem>>, vector<16xf32>,
      %mul3A_985 = arith.mulf %get3A_981, %get3A_984 : vector<16xf32>
      %add3A_986 = arith.addf %add3A_978, %mul3A_985 : vector<16xf32>
      %get3A_987 = arith.index_cast %add3A_960 : i32 to index
      %get3A_988 = arith.constant 48 : index
      %get3A_989 = tpu.vector_load %arg7[%get3A_987, %get3A_988] {strides = array<i32>} : memref<128x128xf32, #tpu.memory_space<vmem>>, vector<16xf32>,
      %get3A_990 = arith.index_cast %add3A_960 : i32 to index
      %get3A_991 = arith.constant 48 : index
      %get3A_992 = tpu.vector_load %arg8[%get3A_990, %get3A_991] {strides = array<i32>} : memref<128x128xf32, #tpu.memory_space<vmem>>, vector<16xf32>,
      %mul3A_993 = arith.mulf %get3A_989, %get3A_992 : vector<16xf32>
      %add3A_994 = arith.addf %add3A_986, %mul3A_993 : vector<16xf32>
      %get3A_995 = arith.index_cast %add3A_960 : i32 to index
      %get3A_996 = arith.constant 64 : index
      %get3A_997 = tpu.vector_load %arg7[%get3A_995, %get3A_996] {strides = array<i32>} : memref<128x128xf32, #tpu.memory_space<vmem>>, vector<16xf32>,
      %get3A_998 = arith.index_cast %add3A_960 : i32 to index
      %get3A_999 = arith.constant 64 : index
      %get3A_1000 = tpu.vector_load %arg8[%get3A_998, %get3A_999] {strides = array<i32>} : memref<128x128xf32, #tpu.memory_space<vmem>>, vector<16xf32>,
      %mul3A_1001 = arith.mulf %get3A_997, %get3A_1000 : vector<16xf32>
      %add3A_1002 = arith.addf %add3A_994, %mul3A_1001 : vector<16xf32>
      %get3A_1003 = arith.index_cast %add3A_960 : i32 to index
      %get3A_1004 = arith.constant 80 : index
      %get3A_1005 = tpu.vector_load %arg7[%get3A_1003, %get3A_1004] {strides = array<i32>} : memref<128x128xf32, #tpu.memory_space<vmem>>, vector<16xf32>,
      %get3A_1006 = arith.index_cast %add3A_960 : i32 to index
      %get3A_1007 = arith.constant 80 : index
      %get3A_1008 = tpu.vector_load %arg8[%get3A_1006, %get3A_1007] {strides = array<i32>} : memref<128x128xf32, #tpu.memory_space<vmem>>, vector<16xf32>,
      %mul3A_1009 = arith.mulf %get3A_1005, %get3A_1008 : vector<16xf32>
      %add3A_1010 = arith.addf %add3A_1002, %mul3A_1009 : vector<16xf32>
      %get3A_1011 = arith.index_cast %add3A_960 : i32 to index
      %get3A_1012 = arith.constant 96 : index
      %get3A_1013 = tpu.vector_load %arg7[%get3A_1011, %get3A_1012] {strides = array<i32>} : memref<128x128xf32, #tpu.memory_space<vmem>>, vector<16xf32>,
      %get3A_1014 = arith.index_cast %add3A_960 : i32 to index
      %get3A_1015 = arith.constant 96 : index
      %get3A_1016 = tpu.vector_load %arg8[%get3A_1014, %get3A_1015] {strides = array<i32>} : memref<128x128xf32, #tpu.memory_space<vmem>>, vector<16xf32>,
      %mul3A_1017 = arith.mulf %get3A_1013, %get3A_1016 : vector<16xf32>
      %add3A_1018 = arith.addf %add3A_1010, %mul3A_1017 : vector<16xf32>
      %get3A_1019 = arith.index_cast %add3A_960 : i32 to index
      %get3A_1020 = arith.constant 112 : index
      %get3A_1021 = tpu.vector_load %arg7[%get3A_1019, %get3A_1020] {strides = array<i32>} : memref<128x128xf32, #tpu.memory_space<vmem>>, vector<16xf32>,
      %get3A_1022 = arith.index_cast %add3A_960 : i32 to index
      %get3A_1023 = arith.constant 112 : index
      %get3A_1024 = tpu.vector_load %arg8[%get3A_1022, %get3A_1023] {strides = array<i32>} : memref<128x128xf32, #tpu.memory_space<vmem>>, vector<16xf32>,
      %mul3A_1025 = arith.mulf %get3A_1021, %get3A_1024 : vector<16xf32>
      %add3A_1026 = arith.addf %add3A_1018, %mul3A_1025 : vector<16xf32>
      %eq3A_1027 = arith.constant 12 : i32
      %eq3A_1028 = vector.broadcast %eq3A_1027 : i32 to vector<16xi32>
      %eq3A_1029 = arith.cmpi eq, %iota3A, %eq3A_1028 : vector<16xi32>
      %reduce_sum3A_1030 = arith.constant true
      %reduce_sum3A_1031 = vector.broadcast %reduce_sum3A_1030 : i1 to vector<16xi1>
      %reduce_sum3A_1032 = tpu.scan <sum>, %add3A_1026 masked %reduce_sum3A_1031 : vector<16xf32>, vector<16xi1> -> vector<16xf32>
      %reduce_sum3A_1033 = vector.extract %reduce_sum3A_1032[15] : f32 from vector<16xf32>
      %broadcast_in_dim3A_1034 = vector.broadcast %reduce_sum3A_1033 : f32 to vector<16xf32>
      %select_n3A_1035 = arith.select %eq3A_1029, %broadcast_in_dim3A_1034, %select_n3A_956 : vector<16xi1>, vector<16xf32>
      %mul3A_1036 = arith.constant 16 : i32
      %mul3A_1037 = arith.muli %scan3A_11, %mul3A_1036 : i32
      %add3A_1038 = arith.constant 13 : i32
      %add3A_1039 = arith.addi %mul3A_1037, %add3A_1038 : i32
      %broadcast_in_dim3A_1040 = arith.constant 0.000000e+00 : f32
      %broadcast_in_dim3A_1041 = vector.broadcast %broadcast_in_dim3A_1040 : f32 to vector<16xf32>
      %get3A_1042 = arith.index_cast %add3A_1039 : i32 to index
      %get3A_1043 = arith.constant 0 : index
      %get3A_1044 = tpu.vector_load %arg7[%get3A_1042, %get3A_1043] {strides = array<i32>} : memref<128x128xf32, #tpu.memory_space<vmem>>, vector<16xf32>,
      %get3A_1045 = arith.index_cast %add3A_1039 : i32 to index
      %get3A_1046 = arith.constant 0 : index
      %get3A_1047 = tpu.vector_load %arg8[%get3A_1045, %get3A_1046] {strides = array<i32>} : memref<128x128xf32, #tpu.memory_space<vmem>>, vector<16xf32>,
      %mul3A_1048 = arith.mulf %get3A_1044, %get3A_1047 : vector<16xf32>
      %add3A_1049 = arith.addf %broadcast_in_dim3A_1041, %mul3A_1048 : vector<16xf32>
      %get3A_1050 = arith.index_cast %add3A_1039 : i32 to index
      %get3A_1051 = arith.constant 16 : index
      %get3A_1052 = tpu.vector_load %arg7[%get3A_1050, %get3A_1051] {strides = array<i32>} : memref<128x128xf32, #tpu.memory_space<vmem>>, vector<16xf32>,
      %get3A_1053 = arith.index_cast %add3A_1039 : i32 to index
      %get3A_1054 = arith.constant 16 : index
      %get3A_1055 = tpu.vector_load %arg8[%get3A_1053, %get3A_1054] {strides = array<i32>} : memref<128x128xf32, #tpu.memory_space<vmem>>, vector<16xf32>,
      %mul3A_1056 = arith.mulf %get3A_1052, %get3A_1055 : vector<16xf32>
      %add3A_1057 = arith.addf %add3A_1049, %mul3A_1056 : vector<16xf32>
      %get3A_1058 = arith.index_cast %add3A_1039 : i32 to index
      %get3A_1059 = arith.constant 32 : index
      %get3A_1060 = tpu.vector_load %arg7[%get3A_1058, %get3A_1059] {strides = array<i32>} : memref<128x128xf32, #tpu.memory_space<vmem>>, vector<16xf32>,
      %get3A_1061 = arith.index_cast %add3A_1039 : i32 to index
      %get3A_1062 = arith.constant 32 : index
      %get3A_1063 = tpu.vector_load %arg8[%get3A_1061, %get3A_1062] {strides = array<i32>} : memref<128x128xf32, #tpu.memory_space<vmem>>, vector<16xf32>,
      %mul3A_1064 = arith.mulf %get3A_1060, %get3A_1063 : vector<16xf32>
      %add3A_1065 = arith.addf %add3A_1057, %mul3A_1064 : vector<16xf32>
      %get3A_1066 = arith.index_cast %add3A_1039 : i32 to index
      %get3A_1067 = arith.constant 48 : index
      %get3A_1068 = tpu.vector_load %arg7[%get3A_1066, %get3A_1067] {strides = array<i32>} : memref<128x128xf32, #tpu.memory_space<vmem>>, vector<16xf32>,
      %get3A_1069 = arith.index_cast %add3A_1039 : i32 to index
      %get3A_1070 = arith.constant 48 : index
      %get3A_1071 = tpu.vector_load %arg8[%get3A_1069, %get3A_1070] {strides = array<i32>} : memref<128x128xf32, #tpu.memory_space<vmem>>, vector<16xf32>,
      %mul3A_1072 = arith.mulf %get3A_1068, %get3A_1071 : vector<16xf32>
      %add3A_1073 = arith.addf %add3A_1065, %mul3A_1072 : vector<16xf32>
      %get3A_1074 = arith.index_cast %add3A_1039 : i32 to index
      %get3A_1075 = arith.constant 64 : index
      %get3A_1076 = tpu.vector_load %arg7[%get3A_1074, %get3A_1075] {strides = array<i32>} : memref<128x128xf32, #tpu.memory_space<vmem>>, vector<16xf32>,
      %get3A_1077 = arith.index_cast %add3A_1039 : i32 to index
      %get3A_1078 = arith.constant 64 : index
      %get3A_1079 = tpu.vector_load %arg8[%get3A_1077, %get3A_1078] {strides = array<i32>} : memref<128x128xf32, #tpu.memory_space<vmem>>, vector<16xf32>,
      %mul3A_1080 = arith.mulf %get3A_1076, %get3A_1079 : vector<16xf32>
      %add3A_1081 = arith.addf %add3A_1073, %mul3A_1080 : vector<16xf32>
      %get3A_1082 = arith.index_cast %add3A_1039 : i32 to index
      %get3A_1083 = arith.constant 80 : index
      %get3A_1084 = tpu.vector_load %arg7[%get3A_1082, %get3A_1083] {strides = array<i32>} : memref<128x128xf32, #tpu.memory_space<vmem>>, vector<16xf32>,
      %get3A_1085 = arith.index_cast %add3A_1039 : i32 to index
      %get3A_1086 = arith.constant 80 : index
      %get3A_1087 = tpu.vector_load %arg8[%get3A_1085, %get3A_1086] {strides = array<i32>} : memref<128x128xf32, #tpu.memory_space<vmem>>, vector<16xf32>,
      %mul3A_1088 = arith.mulf %get3A_1084, %get3A_1087 : vector<16xf32>
      %add3A_1089 = arith.addf %add3A_1081, %mul3A_1088 : vector<16xf32>
      %get3A_1090 = arith.index_cast %add3A_1039 : i32 to index
      %get3A_1091 = arith.constant 96 : index
      %get3A_1092 = tpu.vector_load %arg7[%get3A_1090, %get3A_1091] {strides = array<i32>} : memref<128x128xf32, #tpu.memory_space<vmem>>, vector<16xf32>,
      %get3A_1093 = arith.index_cast %add3A_1039 : i32 to index
      %get3A_1094 = arith.constant 96 : index
      %get3A_1095 = tpu.vector_load %arg8[%get3A_1093, %get3A_1094] {strides = array<i32>} : memref<128x128xf32, #tpu.memory_space<vmem>>, vector<16xf32>,
      %mul3A_1096 = arith.mulf %get3A_1092, %get3A_1095 : vector<16xf32>
      %add3A_1097 = arith.addf %add3A_1089, %mul3A_1096 : vector<16xf32>
      %get3A_1098 = arith.index_cast %add3A_1039 : i32 to index
      %get3A_1099 = arith.constant 112 : index
      %get3A_1100 = tpu.vector_load %arg7[%get3A_1098, %get3A_1099] {strides = array<i32>} : memref<128x128xf32, #tpu.memory_space<vmem>>, vector<16xf32>,
      %get3A_1101 = arith.index_cast %add3A_1039 : i32 to index
      %get3A_1102 = arith.constant 112 : index
      %get3A_1103 = tpu.vector_load %arg8[%get3A_1101, %get3A_1102] {strides = array<i32>} : memref<128x128xf32, #tpu.memory_space<vmem>>, vector<16xf32>,
      %mul3A_1104 = arith.mulf %get3A_1100, %get3A_1103 : vector<16xf32>
      %add3A_1105 = arith.addf %add3A_1097, %mul3A_1104 : vector<16xf32>
      %eq3A_1106 = arith.constant 13 : i32
      %eq3A_1107 = vector.broadcast %eq3A_1106 : i32 to vector<16xi32>
      %eq3A_1108 = arith.cmpi eq, %iota3A, %eq3A_1107 : vector<16xi32>
      %reduce_sum3A_1109 = arith.constant true
      %reduce_sum3A_1110 = vector.broadcast %reduce_sum3A_1109 : i1 to vector<16xi1>
      %reduce_sum3A_1111 = tpu.scan <sum>, %add3A_1105 masked %reduce_sum3A_1110 : vector<16xf32>, vector<16xi1> -> vector<16xf32>
      %reduce_sum3A_1112 = vector.extract %reduce_sum3A_1111[15] : f32 from vector<16xf32>
      %broadcast_in_dim3A_1113 = vector.broadcast %reduce_sum3A_1112 : f32 to vector<16xf32>
      %select_n3A_1114 = arith.select %eq3A_1108, %broadcast_in_dim3A_1113, %select_n3A_1035 : vector<16xi1>, vector<16xf32>
      %mul3A_1115 = arith.constant 16 : i32
      %mul3A_1116 = arith.muli %scan3A_11, %mul3A_1115 : i32
      %add3A_1117 = arith.constant 14 : i32
      %add3A_1118 = arith.addi %mul3A_1116, %add3A_1117 : i32
      %broadcast_in_dim3A_1119 = arith.constant 0.000000e+00 : f32
      %broadcast_in_dim3A_1120 = vector.broadcast %broadcast_in_dim3A_1119 : f32 to vector<16xf32>
      %get3A_1121 = arith.index_cast %add3A_1118 : i32 to index
      %get3A_1122 = arith.constant 0 : index
      %get3A_1123 = tpu.vector_load %arg7[%get3A_1121, %get3A_1122] {strides = array<i32>} : memref<128x128xf32, #tpu.memory_space<vmem>>, vector<16xf32>,
      %get3A_1124 = arith.index_cast %add3A_1118 : i32 to index
      %get3A_1125 = arith.constant 0 : index
      %get3A_1126 = tpu.vector_load %arg8[%get3A_1124, %get3A_1125] {strides = array<i32>} : memref<128x128xf32, #tpu.memory_space<vmem>>, vector<16xf32>,
      %mul3A_1127 = arith.mulf %get3A_1123, %get3A_1126 : vector<16xf32>
      %add3A_1128 = arith.addf %broadcast_in_dim3A_1120, %mul3A_1127 : vector<16xf32>
      %get3A_1129 = arith.index_cast %add3A_1118 : i32 to index
      %get3A_1130 = arith.constant 16 : index
      %get3A_1131 = tpu.vector_load %arg7[%get3A_1129, %get3A_1130] {strides = array<i32>} : memref<128x128xf32, #tpu.memory_space<vmem>>, vector<16xf32>,
      %get3A_1132 = arith.index_cast %add3A_1118 : i32 to index
      %get3A_1133 = arith.constant 16 : index
      %get3A_1134 = tpu.vector_load %arg8[%get3A_1132, %get3A_1133] {strides = array<i32>} : memref<128x128xf32, #tpu.memory_space<vmem>>, vector<16xf32>,
      %mul3A_1135 = arith.mulf %get3A_1131, %get3A_1134 : vector<16xf32>
      %add3A_1136 = arith.addf %add3A_1128, %mul3A_1135 : vector<16xf32>
      %get3A_1137 = arith.index_cast %add3A_1118 : i32 to index
      %get3A_1138 = arith.constant 32 : index
      %get3A_1139 = tpu.vector_load %arg7[%get3A_1137, %get3A_1138] {strides = array<i32>} : memref<128x128xf32, #tpu.memory_space<vmem>>, vector<16xf32>,
      %get3A_1140 = arith.index_cast %add3A_1118 : i32 to index
      %get3A_1141 = arith.constant 32 : index
      %get3A_1142 = tpu.vector_load %arg8[%get3A_1140, %get3A_1141] {strides = array<i32>} : memref<128x128xf32, #tpu.memory_space<vmem>>, vector<16xf32>,
      %mul3A_1143 = arith.mulf %get3A_1139, %get3A_1142 : vector<16xf32>
      %add3A_1144 = arith.addf %add3A_1136, %mul3A_1143 : vector<16xf32>
      %get3A_1145 = arith.index_cast %add3A_1118 : i32 to index
      %get3A_1146 = arith.constant 48 : index
      %get3A_1147 = tpu.vector_load %arg7[%get3A_1145, %get3A_1146] {strides = array<i32>} : memref<128x128xf32, #tpu.memory_space<vmem>>, vector<16xf32>,
      %get3A_1148 = arith.index_cast %add3A_1118 : i32 to index
      %get3A_1149 = arith.constant 48 : index
      %get3A_1150 = tpu.vector_load %arg8[%get3A_1148, %get3A_1149] {strides = array<i32>} : memref<128x128xf32, #tpu.memory_space<vmem>>, vector<16xf32>,
      %mul3A_1151 = arith.mulf %get3A_1147, %get3A_1150 : vector<16xf32>
      %add3A_1152 = arith.addf %add3A_1144, %mul3A_1151 : vector<16xf32>
      %get3A_1153 = arith.index_cast %add3A_1118 : i32 to index
      %get3A_1154 = arith.constant 64 : index
      %get3A_1155 = tpu.vector_load %arg7[%get3A_1153, %get3A_1154] {strides = array<i32>} : memref<128x128xf32, #tpu.memory_space<vmem>>, vector<16xf32>,
      %get3A_1156 = arith.index_cast %add3A_1118 : i32 to index
      %get3A_1157 = arith.constant 64 : index
      %get3A_1158 = tpu.vector_load %arg8[%get3A_1156, %get3A_1157] {strides = array<i32>} : memref<128x128xf32, #tpu.memory_space<vmem>>, vector<16xf32>,
      %mul3A_1159 = arith.mulf %get3A_1155, %get3A_1158 : vector<16xf32>
      %add3A_1160 = arith.addf %add3A_1152, %mul3A_1159 : vector<16xf32>
      %get3A_1161 = arith.index_cast %add3A_1118 : i32 to index
      %get3A_1162 = arith.constant 80 : index
      %get3A_1163 = tpu.vector_load %arg7[%get3A_1161, %get3A_1162] {strides = array<i32>} : memref<128x128xf32, #tpu.memory_space<vmem>>, vector<16xf32>,
      %get3A_1164 = arith.index_cast %add3A_1118 : i32 to index
      %get3A_1165 = arith.constant 80 : index
      %get3A_1166 = tpu.vector_load %arg8[%get3A_1164, %get3A_1165] {strides = array<i32>} : memref<128x128xf32, #tpu.memory_space<vmem>>, vector<16xf32>,
      %mul3A_1167 = arith.mulf %get3A_1163, %get3A_1166 : vector<16xf32>
      %add3A_1168 = arith.addf %add3A_1160, %mul3A_1167 : vector<16xf32>
      %get3A_1169 = arith.index_cast %add3A_1118 : i32 to index
      %get3A_1170 = arith.constant 96 : index
      %get3A_1171 = tpu.vector_load %arg7[%get3A_1169, %get3A_1170] {strides = array<i32>} : memref<128x128xf32, #tpu.memory_space<vmem>>, vector<16xf32>,
      %get3A_1172 = arith.index_cast %add3A_1118 : i32 to index
      %get3A_1173 = arith.constant 96 : index
      %get3A_1174 = tpu.vector_load %arg8[%get3A_1172, %get3A_1173] {strides = array<i32>} : memref<128x128xf32, #tpu.memory_space<vmem>>, vector<16xf32>,
      %mul3A_1175 = arith.mulf %get3A_1171, %get3A_1174 : vector<16xf32>
      %add3A_1176 = arith.addf %add3A_1168, %mul3A_1175 : vector<16xf32>
      %get3A_1177 = arith.index_cast %add3A_1118 : i32 to index
      %get3A_1178 = arith.constant 112 : index
      %get3A_1179 = tpu.vector_load %arg7[%get3A_1177, %get3A_1178] {strides = array<i32>} : memref<128x128xf32, #tpu.memory_space<vmem>>, vector<16xf32>,
      %get3A_1180 = arith.index_cast %add3A_1118 : i32 to index
      %get3A_1181 = arith.constant 112 : index
      %get3A_1182 = tpu.vector_load %arg8[%get3A_1180, %get3A_1181] {strides = array<i32>} : memref<128x128xf32, #tpu.memory_space<vmem>>, vector<16xf32>,
      %mul3A_1183 = arith.mulf %get3A_1179, %get3A_1182 : vector<16xf32>
      %add3A_1184 = arith.addf %add3A_1176, %mul3A_1183 : vector<16xf32>
      %eq3A_1185 = arith.constant 14 : i32
      %eq3A_1186 = vector.broadcast %eq3A_1185 : i32 to vector<16xi32>
      %eq3A_1187 = arith.cmpi eq, %iota3A, %eq3A_1186 : vector<16xi32>
      %reduce_sum3A_1188 = arith.constant true
      %reduce_sum3A_1189 = vector.broadcast %reduce_sum3A_1188 : i1 to vector<16xi1>
      %reduce_sum3A_1190 = tpu.scan <sum>, %add3A_1184 masked %reduce_sum3A_1189 : vector<16xf32>, vector<16xi1> -> vector<16xf32>
      %reduce_sum3A_1191 = vector.extract %reduce_sum3A_1190[15] : f32 from vector<16xf32>
      %broadcast_in_dim3A_1192 = vector.broadcast %reduce_sum3A_1191 : f32 to vector<16xf32>
      %select_n3A_1193 = arith.select %eq3A_1187, %broadcast_in_dim3A_1192, %select_n3A_1114 : vector<16xi1>, vector<16xf32>
      %mul3A_1194 = arith.constant 16 : i32
      %mul3A_1195 = arith.muli %scan3A_11, %mul3A_1194 : i32
      %add3A_1196 = arith.constant 15 : i32
      %add3A_1197 = arith.addi %mul3A_1195, %add3A_1196 : i32
      %broadcast_in_dim3A_1198 = arith.constant 0.000000e+00 : f32
      %broadcast_in_dim3A_1199 = vector.broadcast %broadcast_in_dim3A_1198 : f32 to vector<16xf32>
      %get3A_1200 = arith.index_cast %add3A_1197 : i32 to index
      %get3A_1201 = arith.constant 0 : index
      %get3A_1202 = tpu.vector_load %arg7[%get3A_1200, %get3A_1201] {strides = array<i32>} : memref<128x128xf32, #tpu.memory_space<vmem>>, vector<16xf32>,
      %get3A_1203 = arith.index_cast %add3A_1197 : i32 to index
      %get3A_1204 = arith.constant 0 : index
      %get3A_1205 = tpu.vector_load %arg8[%get3A_1203, %get3A_1204] {strides = array<i32>} : memref<128x128xf32, #tpu.memory_space<vmem>>, vector<16xf32>,
      %mul3A_1206 = arith.mulf %get3A_1202, %get3A_1205 : vector<16xf32>
      %add3A_1207 = arith.addf %broadcast_in_dim3A_1199, %mul3A_1206 : vector<16xf32>
      %get3A_1208 = arith.index_cast %add3A_1197 : i32 to index
      %get3A_1209 = arith.constant 16 : index
      %get3A_1210 = tpu.vector_load %arg7[%get3A_1208, %get3A_1209] {strides = array<i32>} : memref<128x128xf32, #tpu.memory_space<vmem>>, vector<16xf32>,
      %get3A_1211 = arith.index_cast %add3A_1197 : i32 to index
      %get3A_1212 = arith.constant 16 : index
      %get3A_1213 = tpu.vector_load %arg8[%get3A_1211, %get3A_1212] {strides = array<i32>} : memref<128x128xf32, #tpu.memory_space<vmem>>, vector<16xf32>,
      %mul3A_1214 = arith.mulf %get3A_1210, %get3A_1213 : vector<16xf32>
      %add3A_1215 = arith.addf %add3A_1207, %mul3A_1214 : vector<16xf32>
      %get3A_1216 = arith.index_cast %add3A_1197 : i32 to index
      %get3A_1217 = arith.constant 32 : index
      %get3A_1218 = tpu.vector_load %arg7[%get3A_1216, %get3A_1217] {strides = array<i32>} : memref<128x128xf32, #tpu.memory_space<vmem>>, vector<16xf32>,
      %get3A_1219 = arith.index_cast %add3A_1197 : i32 to index
      %get3A_1220 = arith.constant 32 : index
      %get3A_1221 = tpu.vector_load %arg8[%get3A_1219, %get3A_1220] {strides = array<i32>} : memref<128x128xf32, #tpu.memory_space<vmem>>, vector<16xf32>,
      %mul3A_1222 = arith.mulf %get3A_1218, %get3A_1221 : vector<16xf32>
      %add3A_1223 = arith.addf %add3A_1215, %mul3A_1222 : vector<16xf32>
      %get3A_1224 = arith.index_cast %add3A_1197 : i32 to index
      %get3A_1225 = arith.constant 48 : index
      %get3A_1226 = tpu.vector_load %arg7[%get3A_1224, %get3A_1225] {strides = array<i32>} : memref<128x128xf32, #tpu.memory_space<vmem>>, vector<16xf32>,
      %get3A_1227 = arith.index_cast %add3A_1197 : i32 to index
      %get3A_1228 = arith.constant 48 : index
      %get3A_1229 = tpu.vector_load %arg8[%get3A_1227, %get3A_1228] {strides = array<i32>} : memref<128x128xf32, #tpu.memory_space<vmem>>, vector<16xf32>,
      %mul3A_1230 = arith.mulf %get3A_1226, %get3A_1229 : vector<16xf32>
      %add3A_1231 = arith.addf %add3A_1223, %mul3A_1230 : vector<16xf32>
      %get3A_1232 = arith.index_cast %add3A_1197 : i32 to index
      %get3A_1233 = arith.constant 64 : index
      %get3A_1234 = tpu.vector_load %arg7[%get3A_1232, %get3A_1233] {strides = array<i32>} : memref<128x128xf32, #tpu.memory_space<vmem>>, vector<16xf32>,
      %get3A_1235 = arith.index_cast %add3A_1197 : i32 to index
      %get3A_1236 = arith.constant 64 : index
      %get3A_1237 = tpu.vector_load %arg8[%get3A_1235, %get3A_1236] {strides = array<i32>} : memref<128x128xf32, #tpu.memory_space<vmem>>, vector<16xf32>,
      %mul3A_1238 = arith.mulf %get3A_1234, %get3A_1237 : vector<16xf32>
      %add3A_1239 = arith.addf %add3A_1231, %mul3A_1238 : vector<16xf32>
      %get3A_1240 = arith.index_cast %add3A_1197 : i32 to index
      %get3A_1241 = arith.constant 80 : index
      %get3A_1242 = tpu.vector_load %arg7[%get3A_1240, %get3A_1241] {strides = array<i32>} : memref<128x128xf32, #tpu.memory_space<vmem>>, vector<16xf32>,
      %get3A_1243 = arith.index_cast %add3A_1197 : i32 to index
      %get3A_1244 = arith.constant 80 : index
      %get3A_1245 = tpu.vector_load %arg8[%get3A_1243, %get3A_1244] {strides = array<i32>} : memref<128x128xf32, #tpu.memory_space<vmem>>, vector<16xf32>,
      %mul3A_1246 = arith.mulf %get3A_1242, %get3A_1245 : vector<16xf32>
      %add3A_1247 = arith.addf %add3A_1239, %mul3A_1246 : vector<16xf32>
      %get3A_1248 = arith.index_cast %add3A_1197 : i32 to index
      %get3A_1249 = arith.constant 96 : index
      %get3A_1250 = tpu.vector_load %arg7[%get3A_1248, %get3A_1249] {strides = array<i32>} : memref<128x128xf32, #tpu.memory_space<vmem>>, vector<16xf32>,
      %get3A_1251 = arith.index_cast %add3A_1197 : i32 to index
      %get3A_1252 = arith.constant 96 : index
      %get3A_1253 = tpu.vector_load %arg8[%get3A_1251, %get3A_1252] {strides = array<i32>} : memref<128x128xf32, #tpu.memory_space<vmem>>, vector<16xf32>,
      %mul3A_1254 = arith.mulf %get3A_1250, %get3A_1253 : vector<16xf32>
      %add3A_1255 = arith.addf %add3A_1247, %mul3A_1254 : vector<16xf32>
      %get3A_1256 = arith.index_cast %add3A_1197 : i32 to index
      %get3A_1257 = arith.constant 112 : index
      %get3A_1258 = tpu.vector_load %arg7[%get3A_1256, %get3A_1257] {strides = array<i32>} : memref<128x128xf32, #tpu.memory_space<vmem>>, vector<16xf32>,
      %get3A_1259 = arith.index_cast %add3A_1197 : i32 to index
      %get3A_1260 = arith.constant 112 : index
      %get3A_1261 = tpu.vector_load %arg8[%get3A_1259, %get3A_1260] {strides = array<i32>} : memref<128x128xf32, #tpu.memory_space<vmem>>, vector<16xf32>,
      %mul3A_1262 = arith.mulf %get3A_1258, %get3A_1261 : vector<16xf32>
      %add3A_1263 = arith.addf %add3A_1255, %mul3A_1262 : vector<16xf32>
      %eq3A_1264 = arith.constant 15 : i32
      %eq3A_1265 = vector.broadcast %eq3A_1264 : i32 to vector<16xi32>
      %eq3A_1266 = arith.cmpi eq, %iota3A, %eq3A_1265 : vector<16xi32>
      %reduce_sum3A_1267 = arith.constant true
      %reduce_sum3A_1268 = vector.broadcast %reduce_sum3A_1267 : i1 to vector<16xi1>
      %reduce_sum3A_1269 = tpu.scan <sum>, %add3A_1263 masked %reduce_sum3A_1268 : vector<16xf32>, vector<16xi1> -> vector<16xf32>
      %reduce_sum3A_1270 = vector.extract %reduce_sum3A_1269[15] : f32 from vector<16xf32>
      %broadcast_in_dim3A_1271 = vector.broadcast %reduce_sum3A_1270 : f32 to vector<16xf32>
      %select_n3A_1272 = arith.select %eq3A_1266, %broadcast_in_dim3A_1271, %select_n3A_1193 : vector<16xi1>, vector<16xf32>
      %neg3A = arith.constant 0.000000e+00 : f32
      %neg3A_1273 = vector.broadcast %neg3A : f32 to vector<16xf32>
      %neg3A_1274 = arith.subf %neg3A_1273, %select_n3A_1272 : vector<16xf32>
      %exp3A = math.exp %neg3A_1274 : vector<16xf32>
      %add3A_1275 = arith.constant 1.000000e+00 : f32
      %add3A_1276 = vector.broadcast %add3A_1275 : f32 to vector<16xf32>
      %add3A_1277 = arith.addf %add3A_1276, %exp3A : vector<16xf32>
      %div3A = arith.constant 1.000000e+00 : f32
      %div3A_1278 = vector.broadcast %div3A : f32 to vector<16xf32>
      %div3A_1279 = arith.divf %div3A_1278, %add3A_1277 : vector<16xf32>
      %mul3A_1280 = arith.constant 16 : i32
      %mul3A_1281 = arith.muli %scan3A_11, %mul3A_1280 : i32
      %swap3A = arith.index_cast %mul3A_1281 : i32 to index
      %swap3A_1282 = tpu.vector_load %arg9[%swap3A] {strides = array<i32>} : memref<128xf32, #tpu.memory_space<vmem>>, vector<16xf32>,
      tpu.vector_store %arg9[%swap3A], %div3A_1279 {strides = array<i32>} : memref<128xf32, #tpu.memory_space<vmem>>, vector<16xf32>,
    }
    %scan3A_10 = arith.constant 8 : i32
    "tpu.region"() ({
      %run_scoped3A = tpu.sem_alloc : memref<!tpu.dma_semaphore, #tpu.memory_space<semaphore_mem>>
      %dma_start3A_11 = tpu.memref_slice %arg5[%mul3A_2] : memref<4096xf32, #tpu.memory_space<hbm>> -> memref<128xf32, #tpu.memory_space<hbm>>
      %dma_start3A_12 = tpu.memref_slice %arg5[%mul3A_2] : memref<4096xf32, #tpu.memory_space<hbm>> -> memref<128xf32, #tpu.memory_space<hbm>>
      tpu.enqueue_dma source(%arg9 : memref<128xf32, #tpu.memory_space<vmem>>) target(%dma_start3A_12 : memref<128xf32, #tpu.memory_space<hbm>>) target_semaphore(%run_scoped3A : memref<!tpu.dma_semaphore, #tpu.memory_space<semaphore_mem>>)
      %dma_wait3A_13 = tpu.memref_slice %arg5[%mul3A_2] : memref<4096xf32, #tpu.memory_space<hbm>> -> memref<128xf32, #tpu.memory_space<hbm>>
      %dma_wait3A_14 = tpu.memref_slice %arg5[%mul3A_2] : memref<4096xf32, #tpu.memory_space<hbm>> -> memref<128xf32, #tpu.memory_space<hbm>>
      tpu.wait_dma2 semaphore(%run_scoped3A : memref<!tpu.dma_semaphore, #tpu.memory_space<semaphore_mem>>) src(%arg9 : memref<128xf32, #tpu.memory_space<vmem>>) dst(%dma_wait3A_14 : memref<128xf32, #tpu.memory_space<hbm>>)
      tpu.yield
    }) : () -> ()
    return
  }
}

#map = affine_map<(d0, d1) -> (0, 0)>
#map1 = affine_map<(d0, d1) -> (0)>
#map2 = affine_map<(d0, d1) -> (0, 0, 0)>
module attributes {stable_mosaic.version = 14 : i64} {
  func.func @_agg2_body(%arg0: i32, %arg1: i32, %arg2: memref<10240x64xf32, #tpu.memory_space<hbm>>, %arg3: memref<10240x64xf32, #tpu.memory_space<hbm>>, %arg4: memref<327680xi32, #tpu.memory_space<hbm>>, %arg5: memref<327680xi32, #tpu.memory_space<hbm>>, %arg6: memref<2x10240x64xf32, #tpu.memory_space<hbm>>, %arg7: memref<128xi32, #tpu.memory_space<vmem>>, %arg8: memref<128xi32, #tpu.memory_space<vmem>>, %arg9: memref<128x64xf32, #tpu.memory_space<vmem>>, %arg10: memref<128x64xf32, #tpu.memory_space<vmem>>, %arg11: memref<10240x64xf32, #tpu.memory_space<vmem_shared>>, %arg12: memref<!tpu.dma_semaphore, #tpu.memory_space<semaphore_mem>>) attributes {dimension_semantics = [#tpu.dimension_semantics<core_parallel>, #tpu.dimension_semantics<subcore_parallel>], iteration_bounds = array<i64: 2, 16>, scalar_prefetch = 0 : i64, scratch_operands = 6 : i64, tpu.core_type = #tpu.core_type<sc_vector_subcore>, window_params = [{transform_indices = #map}, {transform_indices = #map}, {transform_indices = #map1}, {transform_indices = #map1}, {transform_indices = #map2}]} {
    %broadcast_in_dim3A = arith.constant 0.000000e+00 : f32
    %broadcast_in_dim3A_0 = vector.broadcast %broadcast_in_dim3A : f32 to vector<16xf32>
    %scan3A = arith.constant 0 : i32
    %scan3A_1 = arith.constant 128 : i32
    %scan3A_2 = arith.addi %scan3A, %scan3A_1 : i32
    %scan3A_3 = arith.constant 1 : i32
    scf.for %scan3A_19 = %scan3A to %scan3A_2 step %scan3A_3  : i32 {
      %swap3A = arith.index_cast %scan3A_19 : i32 to index
      %swap3A_20 = arith.constant 0 : index
      %swap3A_21 = tpu.vector_load %arg10[%swap3A, %swap3A_20] {strides = array<i32>} : memref<128x64xf32, #tpu.memory_space<vmem>>, vector<16xf32>,
      tpu.vector_store %arg10[%swap3A, %swap3A_20], %broadcast_in_dim3A_0 {strides = array<i32>} : memref<128x64xf32, #tpu.memory_space<vmem>>, vector<16xf32>,
      %swap3A_22 = arith.index_cast %scan3A_19 : i32 to index
      %swap3A_23 = arith.constant 16 : index
      %swap3A_24 = tpu.vector_load %arg10[%swap3A_22, %swap3A_23] {strides = array<i32>} : memref<128x64xf32, #tpu.memory_space<vmem>>, vector<16xf32>,
      tpu.vector_store %arg10[%swap3A_22, %swap3A_23], %broadcast_in_dim3A_0 {strides = array<i32>} : memref<128x64xf32, #tpu.memory_space<vmem>>, vector<16xf32>,
      %swap3A_25 = arith.index_cast %scan3A_19 : i32 to index
      %swap3A_26 = arith.constant 32 : index
      %swap3A_27 = tpu.vector_load %arg10[%swap3A_25, %swap3A_26] {strides = array<i32>} : memref<128x64xf32, #tpu.memory_space<vmem>>, vector<16xf32>,
      tpu.vector_store %arg10[%swap3A_25, %swap3A_26], %broadcast_in_dim3A_0 {strides = array<i32>} : memref<128x64xf32, #tpu.memory_space<vmem>>, vector<16xf32>,
      %swap3A_28 = arith.index_cast %scan3A_19 : i32 to index
      %swap3A_29 = arith.constant 48 : index
      %swap3A_30 = tpu.vector_load %arg10[%swap3A_28, %swap3A_29] {strides = array<i32>} : memref<128x64xf32, #tpu.memory_space<vmem>>, vector<16xf32>,
      tpu.vector_store %arg10[%swap3A_28, %swap3A_29], %broadcast_in_dim3A_0 {strides = array<i32>} : memref<128x64xf32, #tpu.memory_space<vmem>>, vector<16xf32>,
    }
    %scan3A_4 = arith.constant 128 : i32
    %scan3A_5 = arith.constant 0 : i32
    %scan3A_6 = arith.constant 5 : i32
    %scan3A_7 = arith.addi %scan3A_5, %scan3A_6 : i32
    %scan3A_8 = arith.constant 1 : i32
    scf.for %scan3A_19 = %scan3A_5 to %scan3A_7 step %scan3A_8  : i32 {
      %mul3A_20 = arith.constant 640 : i32
      %mul3A_21 = arith.muli %arg1, %mul3A_20 : i32
      %mul3A_22 = arith.constant 128 : i32
      %mul3A_23 = arith.muli %scan3A_19, %mul3A_22 : i32
      %add3A = arith.addi %mul3A_21, %mul3A_23 : i32
      "tpu.region"() ({
        %run_scoped3A = tpu.sem_alloc : memref<!tpu.dma_semaphore, #tpu.memory_space<semaphore_mem>>
        %dma_start3A = arith.constant 0 : i32
        %dma_start3A_24 = tpu.memref_slice %arg11[%add3A, %dma_start3A] : memref<10240x64xf32, #tpu.memory_space<vmem_shared>> -> memref<128x64xf32, #tpu.memory_space<vmem_shared>>
        %dma_start3A_25 = arith.constant 0 : i32
        %dma_start3A_26 = tpu.memref_slice %arg11[%add3A, %dma_start3A_25] : memref<10240x64xf32, #tpu.memory_space<vmem_shared>> -> memref<128x64xf32, #tpu.memory_space<vmem_shared>>
        tpu.enqueue_dma source(%arg10 : memref<128x64xf32, #tpu.memory_space<vmem>>) target(%dma_start3A_26 : memref<128x64xf32, #tpu.memory_space<vmem_shared>>) target_semaphore(%run_scoped3A : memref<!tpu.dma_semaphore, #tpu.memory_space<semaphore_mem>>)
        %dma_wait3A = arith.constant 0 : i32
        %dma_wait3A_27 = tpu.memref_slice %arg11[%add3A, %dma_wait3A] : memref<10240x64xf32, #tpu.memory_space<vmem_shared>> -> memref<128x64xf32, #tpu.memory_space<vmem_shared>>
        %dma_wait3A_28 = arith.constant 0 : i32
        %dma_wait3A_29 = tpu.memref_slice %arg11[%add3A, %dma_wait3A_28] : memref<10240x64xf32, #tpu.memory_space<vmem_shared>> -> memref<128x64xf32, #tpu.memory_space<vmem_shared>>
        tpu.wait_dma2 semaphore(%run_scoped3A : memref<!tpu.dma_semaphore, #tpu.memory_space<semaphore_mem>>) src(%arg10 : memref<128x64xf32, #tpu.memory_space<vmem>>) dst(%dma_wait3A_29 : memref<128x64xf32, #tpu.memory_space<vmem_shared>>)
        tpu.yield
      }) : () -> ()
    }
    %scan3A_9 = arith.constant 5 : i32
    %barrier3A = arith.constant 0 : index
    tpu.barrier barrier_id(%barrier3A)
    %eq3A = arith.constant 0 : i32
    %eq3A_10 = arith.cmpi eq, %arg0, %eq3A : i32
    %convert_element_type3A = arith.extui %eq3A_10 : i1 to i32
    %cond3A = arith.constant 0 : i32
    %cond3A_11 = arith.cmpi ne, %convert_element_type3A, %cond3A : i32
    scf.if %cond3A_11 {
      %scan3A_19 = arith.constant 0 : i32
      %scan3A_20 = arith.constant 160 : i32
      %scan3A_21 = arith.addi %scan3A_19, %scan3A_20 : i32
      %scan3A_22 = arith.constant 1 : i32
      scf.for %scan3A_24 = %scan3A_19 to %scan3A_21 step %scan3A_22  : i32 {
        %mul3A_25 = arith.constant 20480 : i32
        %mul3A_26 = arith.muli %arg1, %mul3A_25 : i32
        %mul3A_27 = arith.constant 128 : i32
        %mul3A_28 = arith.muli %scan3A_24, %mul3A_27 : i32
        %add3A = arith.addi %mul3A_26, %mul3A_28 : i32
        "tpu.region"() ({
          %run_scoped3A = tpu.sem_alloc : memref<!tpu.dma_semaphore, #tpu.memory_space<semaphore_mem>>
          %dma_start3A_33 = tpu.memref_slice %arg4[%add3A] : memref<327680xi32, #tpu.memory_space<hbm>> -> memref<128xi32, #tpu.memory_space<hbm>>
          %dma_start3A_34 = tpu.memref_slice %arg4[%add3A] : memref<327680xi32, #tpu.memory_space<hbm>> -> memref<128xi32, #tpu.memory_space<hbm>>
          tpu.enqueue_dma source(%dma_start3A_34 : memref<128xi32, #tpu.memory_space<hbm>>) target(%arg7 : memref<128xi32, #tpu.memory_space<vmem>>) target_semaphore(%run_scoped3A : memref<!tpu.dma_semaphore, #tpu.memory_space<semaphore_mem>>)
          %dma_wait3A_35 = tpu.memref_slice %arg4[%add3A] : memref<327680xi32, #tpu.memory_space<hbm>> -> memref<128xi32, #tpu.memory_space<hbm>>
          %dma_wait3A_36 = tpu.memref_slice %arg4[%add3A] : memref<327680xi32, #tpu.memory_space<hbm>> -> memref<128xi32, #tpu.memory_space<hbm>>
          tpu.wait_dma2 semaphore(%run_scoped3A : memref<!tpu.dma_semaphore, #tpu.memory_space<semaphore_mem>>) src(%dma_wait3A_36 : memref<128xi32, #tpu.memory_space<hbm>>) dst(%arg7 : memref<128xi32, #tpu.memory_space<vmem>>)
          tpu.yield
        }) : () -> ()
        "tpu.region"() ({
          %run_scoped3A = tpu.sem_alloc : memref<!tpu.dma_semaphore, #tpu.memory_space<semaphore_mem>>
          %dma_start3A_33 = tpu.memref_slice %arg5[%add3A] : memref<327680xi32, #tpu.memory_space<hbm>> -> memref<128xi32, #tpu.memory_space<hbm>>
          %dma_start3A_34 = tpu.memref_slice %arg5[%add3A] : memref<327680xi32, #tpu.memory_space<hbm>> -> memref<128xi32, #tpu.memory_space<hbm>>
          tpu.enqueue_dma source(%dma_start3A_34 : memref<128xi32, #tpu.memory_space<hbm>>) target(%arg8 : memref<128xi32, #tpu.memory_space<vmem>>) target_semaphore(%run_scoped3A : memref<!tpu.dma_semaphore, #tpu.memory_space<semaphore_mem>>)
          %dma_wait3A_35 = tpu.memref_slice %arg5[%add3A] : memref<327680xi32, #tpu.memory_space<hbm>> -> memref<128xi32, #tpu.memory_space<hbm>>
          %dma_wait3A_36 = tpu.memref_slice %arg5[%add3A] : memref<327680xi32, #tpu.memory_space<hbm>> -> memref<128xi32, #tpu.memory_space<hbm>>
          tpu.wait_dma2 semaphore(%run_scoped3A : memref<!tpu.dma_semaphore, #tpu.memory_space<semaphore_mem>>) src(%dma_wait3A_36 : memref<128xi32, #tpu.memory_space<hbm>>) dst(%arg8 : memref<128xi32, #tpu.memory_space<vmem>>)
          tpu.yield
        }) : () -> ()
        %dma_start3A = arith.constant 0 : i32
        %dma_start3A_29 = arith.constant 0 : i32
        %dma_start3A_30 = tpu.memref_slice %arg2[%dma_start3A, %dma_start3A_29] : memref<10240x64xf32, #tpu.memory_space<hbm>> -> memref<10240x64xf32, #tpu.memory_space<hbm>>
        tpu.enqueue_indirect_dma source(%dma_start3A_30 : memref<10240x64xf32, #tpu.memory_space<hbm>>) target(%arg9 : memref<128x64xf32, #tpu.memory_space<vmem>>) offsets(%arg7 : memref<128xi32, #tpu.memory_space<vmem>>) semaphore(%arg12 : memref<!tpu.dma_semaphore, #tpu.memory_space<semaphore_mem>>)
        %dma_wait3A = arith.constant 0 : i32
        %dma_wait3A_31 = arith.constant 0 : i32
        %dma_wait3A_32 = tpu.memref_slice %arg2[%dma_wait3A, %dma_wait3A_31] : memref<10240x64xf32, #tpu.memory_space<hbm>> -> memref<10240x64xf32, #tpu.memory_space<hbm>>
        tpu.wait_indirect_dma semaphore(%arg12 : memref<!tpu.dma_semaphore, #tpu.memory_space<semaphore_mem>>) src(%dma_wait3A_32 : memref<10240x64xf32, #tpu.memory_space<hbm>>) dst(%arg9 : memref<128x64xf32, #tpu.memory_space<vmem>>)
        "tpu.region"() ({
          %run_scoped3A = tpu.sem_alloc : memref<!tpu.dma_semaphore, #tpu.memory_space<semaphore_mem>>
          %dma_start3A_33 = arith.constant 0 : i32
          %dma_start3A_34 = arith.constant 0 : i32
          %dma_start3A_35 = tpu.memref_slice %arg11[%dma_start3A_33, %dma_start3A_34] : memref<10240x64xf32, #tpu.memory_space<vmem_shared>> -> memref<10240x64xf32, #tpu.memory_space<vmem_shared>>
          tpu.enqueue_indirect_dma source(%arg9 : memref<128x64xf32, #tpu.memory_space<vmem>>) target(%dma_start3A_35 : memref<10240x64xf32, #tpu.memory_space<vmem_shared>>) offsets(%arg8 : memref<128xi32, #tpu.memory_space<vmem>>) semaphore(%run_scoped3A : memref<!tpu.dma_semaphore, #tpu.memory_space<semaphore_mem>>) {add = true}
          %dma_wait3A_36 = arith.constant 0 : i32
          %dma_wait3A_37 = arith.constant 0 : i32
          %dma_wait3A_38 = tpu.memref_slice %arg11[%dma_wait3A_36, %dma_wait3A_37] : memref<10240x64xf32, #tpu.memory_space<vmem_shared>> -> memref<10240x64xf32, #tpu.memory_space<vmem_shared>>
          tpu.wait_indirect_dma semaphore(%run_scoped3A : memref<!tpu.dma_semaphore, #tpu.memory_space<semaphore_mem>>) src(%arg9 : memref<128x64xf32, #tpu.memory_space<vmem>>) dst(%dma_wait3A_38 : memref<10240x64xf32, #tpu.memory_space<vmem_shared>>)
          tpu.yield
        }) : () -> ()
      }
      %scan3A_23 = arith.constant 160 : i32
    } else {
    }
    %eq3A_12 = arith.constant 1 : i32
    %eq3A_13 = arith.cmpi eq, %arg0, %eq3A_12 : i32
    %convert_element_type3A_14 = arith.extui %eq3A_13 : i1 to i32
    %cond3A_15 = arith.constant 0 : i32
    %cond3A_16 = arith.cmpi ne, %convert_element_type3A_14, %cond3A_15 : i32
    scf.if %cond3A_16 {
      %scan3A_19 = arith.constant 0 : i32
      %scan3A_20 = arith.constant 160 : i32
      %scan3A_21 = arith.addi %scan3A_19, %scan3A_20 : i32
      %scan3A_22 = arith.constant 1 : i32
      scf.for %scan3A_24 = %scan3A_19 to %scan3A_21 step %scan3A_22  : i32 {
        %mul3A_25 = arith.constant 20480 : i32
        %mul3A_26 = arith.muli %arg1, %mul3A_25 : i32
        %mul3A_27 = arith.constant 128 : i32
        %mul3A_28 = arith.muli %scan3A_24, %mul3A_27 : i32
        %add3A = arith.addi %mul3A_26, %mul3A_28 : i32
        "tpu.region"() ({
          %run_scoped3A = tpu.sem_alloc : memref<!tpu.dma_semaphore, #tpu.memory_space<semaphore_mem>>
          %dma_start3A_33 = tpu.memref_slice %arg4[%add3A] : memref<327680xi32, #tpu.memory_space<hbm>> -> memref<128xi32, #tpu.memory_space<hbm>>
          %dma_start3A_34 = tpu.memref_slice %arg4[%add3A] : memref<327680xi32, #tpu.memory_space<hbm>> -> memref<128xi32, #tpu.memory_space<hbm>>
          tpu.enqueue_dma source(%dma_start3A_34 : memref<128xi32, #tpu.memory_space<hbm>>) target(%arg7 : memref<128xi32, #tpu.memory_space<vmem>>) target_semaphore(%run_scoped3A : memref<!tpu.dma_semaphore, #tpu.memory_space<semaphore_mem>>)
          %dma_wait3A_35 = tpu.memref_slice %arg4[%add3A] : memref<327680xi32, #tpu.memory_space<hbm>> -> memref<128xi32, #tpu.memory_space<hbm>>
          %dma_wait3A_36 = tpu.memref_slice %arg4[%add3A] : memref<327680xi32, #tpu.memory_space<hbm>> -> memref<128xi32, #tpu.memory_space<hbm>>
          tpu.wait_dma2 semaphore(%run_scoped3A : memref<!tpu.dma_semaphore, #tpu.memory_space<semaphore_mem>>) src(%dma_wait3A_36 : memref<128xi32, #tpu.memory_space<hbm>>) dst(%arg7 : memref<128xi32, #tpu.memory_space<vmem>>)
          tpu.yield
        }) : () -> ()
        "tpu.region"() ({
          %run_scoped3A = tpu.sem_alloc : memref<!tpu.dma_semaphore, #tpu.memory_space<semaphore_mem>>
          %dma_start3A_33 = tpu.memref_slice %arg5[%add3A] : memref<327680xi32, #tpu.memory_space<hbm>> -> memref<128xi32, #tpu.memory_space<hbm>>
          %dma_start3A_34 = tpu.memref_slice %arg5[%add3A] : memref<327680xi32, #tpu.memory_space<hbm>> -> memref<128xi32, #tpu.memory_space<hbm>>
          tpu.enqueue_dma source(%dma_start3A_34 : memref<128xi32, #tpu.memory_space<hbm>>) target(%arg8 : memref<128xi32, #tpu.memory_space<vmem>>) target_semaphore(%run_scoped3A : memref<!tpu.dma_semaphore, #tpu.memory_space<semaphore_mem>>)
          %dma_wait3A_35 = tpu.memref_slice %arg5[%add3A] : memref<327680xi32, #tpu.memory_space<hbm>> -> memref<128xi32, #tpu.memory_space<hbm>>
          %dma_wait3A_36 = tpu.memref_slice %arg5[%add3A] : memref<327680xi32, #tpu.memory_space<hbm>> -> memref<128xi32, #tpu.memory_space<hbm>>
          tpu.wait_dma2 semaphore(%run_scoped3A : memref<!tpu.dma_semaphore, #tpu.memory_space<semaphore_mem>>) src(%dma_wait3A_36 : memref<128xi32, #tpu.memory_space<hbm>>) dst(%arg8 : memref<128xi32, #tpu.memory_space<vmem>>)
          tpu.yield
        }) : () -> ()
        %dma_start3A = arith.constant 0 : i32
        %dma_start3A_29 = arith.constant 0 : i32
        %dma_start3A_30 = tpu.memref_slice %arg3[%dma_start3A, %dma_start3A_29] : memref<10240x64xf32, #tpu.memory_space<hbm>> -> memref<10240x64xf32, #tpu.memory_space<hbm>>
        tpu.enqueue_indirect_dma source(%dma_start3A_30 : memref<10240x64xf32, #tpu.memory_space<hbm>>) target(%arg9 : memref<128x64xf32, #tpu.memory_space<vmem>>) offsets(%arg7 : memref<128xi32, #tpu.memory_space<vmem>>) semaphore(%arg12 : memref<!tpu.dma_semaphore, #tpu.memory_space<semaphore_mem>>)
        %dma_wait3A = arith.constant 0 : i32
        %dma_wait3A_31 = arith.constant 0 : i32
        %dma_wait3A_32 = tpu.memref_slice %arg3[%dma_wait3A, %dma_wait3A_31] : memref<10240x64xf32, #tpu.memory_space<hbm>> -> memref<10240x64xf32, #tpu.memory_space<hbm>>
        tpu.wait_indirect_dma semaphore(%arg12 : memref<!tpu.dma_semaphore, #tpu.memory_space<semaphore_mem>>) src(%dma_wait3A_32 : memref<10240x64xf32, #tpu.memory_space<hbm>>) dst(%arg9 : memref<128x64xf32, #tpu.memory_space<vmem>>)
        "tpu.region"() ({
          %run_scoped3A = tpu.sem_alloc : memref<!tpu.dma_semaphore, #tpu.memory_space<semaphore_mem>>
          %dma_start3A_33 = arith.constant 0 : i32
          %dma_start3A_34 = arith.constant 0 : i32
          %dma_start3A_35 = tpu.memref_slice %arg11[%dma_start3A_33, %dma_start3A_34] : memref<10240x64xf32, #tpu.memory_space<vmem_shared>> -> memref<10240x64xf32, #tpu.memory_space<vmem_shared>>
          tpu.enqueue_indirect_dma source(%arg9 : memref<128x64xf32, #tpu.memory_space<vmem>>) target(%dma_start3A_35 : memref<10240x64xf32, #tpu.memory_space<vmem_shared>>) offsets(%arg8 : memref<128xi32, #tpu.memory_space<vmem>>) semaphore(%run_scoped3A : memref<!tpu.dma_semaphore, #tpu.memory_space<semaphore_mem>>) {add = true}
          %dma_wait3A_36 = arith.constant 0 : i32
          %dma_wait3A_37 = arith.constant 0 : i32
          %dma_wait3A_38 = tpu.memref_slice %arg11[%dma_wait3A_36, %dma_wait3A_37] : memref<10240x64xf32, #tpu.memory_space<vmem_shared>> -> memref<10240x64xf32, #tpu.memory_space<vmem_shared>>
          tpu.wait_indirect_dma semaphore(%run_scoped3A : memref<!tpu.dma_semaphore, #tpu.memory_space<semaphore_mem>>) src(%arg9 : memref<128x64xf32, #tpu.memory_space<vmem>>) dst(%dma_wait3A_38 : memref<10240x64xf32, #tpu.memory_space<vmem_shared>>)
          tpu.yield
        }) : () -> ()
      }
      %scan3A_23 = arith.constant 160 : i32
    } else {
    }
    %barrier3A_17 = arith.constant 0 : index
    tpu.barrier barrier_id(%barrier3A_17)
    %mul3A = arith.constant 640 : i32
    %mul3A_18 = arith.muli %arg1, %mul3A : i32
    "tpu.region"() ({
      %run_scoped3A = tpu.sem_alloc : memref<!tpu.dma_semaphore, #tpu.memory_space<semaphore_mem>>
      %dma_start3A = arith.constant 0 : i32
      %dma_start3A_19 = tpu.memref_slice %arg6[%arg0, %mul3A_18, %dma_start3A] : memref<2x10240x64xf32, #tpu.memory_space<hbm>> -> memref<1x640x64xf32, #tpu.memory_space<hbm>>
      %dma_start3A_20 = tpu.memref_squeeze %dma_start3A_19 : memref<1x640x64xf32, #tpu.memory_space<hbm>> -> memref<640x64xf32, #tpu.memory_space<hbm>>
      %dma_start3A_21 = arith.constant 0 : i32
      %dma_start3A_22 = tpu.memref_slice %arg11[%mul3A_18, %dma_start3A_21] : memref<10240x64xf32, #tpu.memory_space<vmem_shared>> -> memref<640x64xf32, #tpu.memory_space<vmem_shared>>
      tpu.enqueue_dma source(%dma_start3A_22 : memref<640x64xf32, #tpu.memory_space<vmem_shared>>) target(%dma_start3A_20 : memref<640x64xf32, #tpu.memory_space<hbm>>) target_semaphore(%run_scoped3A : memref<!tpu.dma_semaphore, #tpu.memory_space<semaphore_mem>>)
      %dma_wait3A = arith.constant 0 : i32
      %dma_wait3A_23 = tpu.memref_slice %arg6[%arg0, %mul3A_18, %dma_wait3A] : memref<2x10240x64xf32, #tpu.memory_space<hbm>> -> memref<1x640x64xf32, #tpu.memory_space<hbm>>
      %dma_wait3A_24 = tpu.memref_squeeze %dma_wait3A_23 : memref<1x640x64xf32, #tpu.memory_space<hbm>> -> memref<640x64xf32, #tpu.memory_space<hbm>>
      %dma_wait3A_25 = arith.constant 0 : i32
      %dma_wait3A_26 = tpu.memref_slice %arg11[%mul3A_18, %dma_wait3A_25] : memref<10240x64xf32, #tpu.memory_space<vmem_shared>> -> memref<640x64xf32, #tpu.memory_space<vmem_shared>>
      tpu.wait_dma2 semaphore(%run_scoped3A : memref<!tpu.dma_semaphore, #tpu.memory_space<semaphore_mem>>) src(%dma_wait3A_26 : memref<640x64xf32, #tpu.memory_space<vmem_shared>>) dst(%dma_wait3A_24 : memref<640x64xf32, #tpu.memory_space<hbm>>)
      tpu.yield
    }) : () -> ()
    return
  }
}

#map = affine_map<(d0, d1) -> (0, 0)>
#map1 = affine_map<(d0, d1) -> (0)>
#map2 = affine_map<(d0, d1) -> (0, 0, 0)>
module attributes {stable_mosaic.version = 14 : i64} {
  func.func @_agg1_body(%arg0: i32, %arg1: i32, %arg2: memref<10240x64xf32, #tpu.memory_space<hbm>>, %arg3: memref<10240x64xf32, #tpu.memory_space<hbm>>, %arg4: memref<327680xi32, #tpu.memory_space<hbm>>, %arg5: memref<327680xi32, #tpu.memory_space<hbm>>, %arg6: memref<4096xi32, #tpu.memory_space<hbm>>, %arg7: memref<100000x128xf32, #tpu.memory_space<hbm>>, %arg8: memref<2x10240x64xf32, #tpu.memory_space<hbm>>, %arg9: memref<10240x16xf32, #tpu.memory_space<hbm>>, %arg10: memref<4096x128xf32, #tpu.memory_space<hbm>>, %arg11: memref<128xi32, #tpu.memory_space<vmem>>, %arg12: memref<128xi32, #tpu.memory_space<vmem>>, %arg13: memref<128x64xf32, #tpu.memory_space<vmem>>, %arg14: memref<128x16xf32, #tpu.memory_space<vmem>>, %arg15: memref<128x64xf32, #tpu.memory_space<vmem>>, %arg16: memref<128x128xf32, #tpu.memory_space<vmem>>, %arg17: memref<10240x64xf32, #tpu.memory_space<vmem_shared>>, %arg18: memref<10240x16xf32, #tpu.memory_space<vmem_shared>>, %arg19: memref<!tpu.dma_semaphore, #tpu.memory_space<semaphore_mem>>) attributes {dimension_semantics = [#tpu.dimension_semantics<core_parallel>, #tpu.dimension_semantics<subcore_parallel>], iteration_bounds = array<i64: 2, 16>, scalar_prefetch = 0 : i64, scratch_operands = 9 : i64, tpu.core_type = #tpu.core_type<sc_vector_subcore>, window_params = [{transform_indices = #map}, {transform_indices = #map}, {transform_indices = #map1}, {transform_indices = #map1}, {transform_indices = #map1}, {transform_indices = #map}, {transform_indices = #map2}, {transform_indices = #map}, {transform_indices = #map}]} {
    %mul3A = arith.constant 2 : i32
    %mul3A_0 = arith.muli %arg1, %mul3A : i32
    %add3A = arith.addi %mul3A_0, %arg0 : i32
    %broadcast_in_dim3A = arith.constant 0.000000e+00 : f32
    %broadcast_in_dim3A_1 = vector.broadcast %broadcast_in_dim3A : f32 to vector<16xf32>
    %scan3A = arith.constant 0 : i32
    %scan3A_2 = arith.constant 128 : i32
    %scan3A_3 = arith.addi %scan3A, %scan3A_2 : i32
    %scan3A_4 = arith.constant 1 : i32
    scf.for %scan3A_46 = %scan3A to %scan3A_3 step %scan3A_4  : i32 {
      %swap3A = arith.index_cast %scan3A_46 : i32 to index
      %swap3A_47 = arith.constant 0 : index
      %swap3A_48 = tpu.vector_load %arg15[%swap3A, %swap3A_47] {strides = array<i32>} : memref<128x64xf32, #tpu.memory_space<vmem>>, vector<16xf32>,
      tpu.vector_store %arg15[%swap3A, %swap3A_47], %broadcast_in_dim3A_1 {strides = array<i32>} : memref<128x64xf32, #tpu.memory_space<vmem>>, vector<16xf32>,
      %swap3A_49 = arith.index_cast %scan3A_46 : i32 to index
      %swap3A_50 = arith.constant 16 : index
      %swap3A_51 = tpu.vector_load %arg15[%swap3A_49, %swap3A_50] {strides = array<i32>} : memref<128x64xf32, #tpu.memory_space<vmem>>, vector<16xf32>,
      tpu.vector_store %arg15[%swap3A_49, %swap3A_50], %broadcast_in_dim3A_1 {strides = array<i32>} : memref<128x64xf32, #tpu.memory_space<vmem>>, vector<16xf32>,
      %swap3A_52 = arith.index_cast %scan3A_46 : i32 to index
      %swap3A_53 = arith.constant 32 : index
      %swap3A_54 = tpu.vector_load %arg15[%swap3A_52, %swap3A_53] {strides = array<i32>} : memref<128x64xf32, #tpu.memory_space<vmem>>, vector<16xf32>,
      tpu.vector_store %arg15[%swap3A_52, %swap3A_53], %broadcast_in_dim3A_1 {strides = array<i32>} : memref<128x64xf32, #tpu.memory_space<vmem>>, vector<16xf32>,
      %swap3A_55 = arith.index_cast %scan3A_46 : i32 to index
      %swap3A_56 = arith.constant 48 : index
      %swap3A_57 = tpu.vector_load %arg15[%swap3A_55, %swap3A_56] {strides = array<i32>} : memref<128x64xf32, #tpu.memory_space<vmem>>, vector<16xf32>,
      tpu.vector_store %arg15[%swap3A_55, %swap3A_56], %broadcast_in_dim3A_1 {strides = array<i32>} : memref<128x64xf32, #tpu.memory_space<vmem>>, vector<16xf32>,
    }
    %scan3A_5 = arith.constant 128 : i32
    %broadcast_in_dim3A_6 = arith.constant 0.000000e+00 : f32
    %broadcast_in_dim3A_7 = vector.broadcast %broadcast_in_dim3A_6 : f32 to vector<16xf32>
    %scan3A_8 = arith.constant 0 : i32
    %scan3A_9 = arith.constant 128 : i32
    %scan3A_10 = arith.addi %scan3A_8, %scan3A_9 : i32
    %scan3A_11 = arith.constant 1 : i32
    scf.for %scan3A_46 = %scan3A_8 to %scan3A_10 step %scan3A_11  : i32 {
      %swap3A = arith.index_cast %scan3A_46 : i32 to index
      %swap3A_47 = arith.constant 0 : index
      %swap3A_48 = tpu.vector_load %arg14[%swap3A, %swap3A_47] {strides = array<i32>} : memref<128x16xf32, #tpu.memory_space<vmem>>, vector<16xf32>,
      tpu.vector_store %arg14[%swap3A, %swap3A_47], %broadcast_in_dim3A_7 {strides = array<i32>} : memref<128x16xf32, #tpu.memory_space<vmem>>, vector<16xf32>,
    }
    %scan3A_12 = arith.constant 128 : i32
    %scan3A_13 = arith.constant 0 : i32
    %scan3A_14 = arith.constant 5 : i32
    %scan3A_15 = arith.addi %scan3A_13, %scan3A_14 : i32
    %scan3A_16 = arith.constant 1 : i32
    scf.for %scan3A_46 = %scan3A_13 to %scan3A_15 step %scan3A_16  : i32 {
      %mul3A_47 = arith.constant 640 : i32
      %mul3A_48 = arith.muli %arg1, %mul3A_47 : i32
      %mul3A_49 = arith.constant 128 : i32
      %mul3A_50 = arith.muli %scan3A_46, %mul3A_49 : i32
      %add3A_51 = arith.addi %mul3A_48, %mul3A_50 : i32
      "tpu.region"() ({
        %run_scoped3A = tpu.sem_alloc : memref<!tpu.dma_semaphore, #tpu.memory_space<semaphore_mem>>
        %dma_start3A_52 = arith.constant 0 : i32
        %dma_start3A_53 = tpu.memref_slice %arg17[%add3A_51, %dma_start3A_52] : memref<10240x64xf32, #tpu.memory_space<vmem_shared>> -> memref<128x64xf32, #tpu.memory_space<vmem_shared>>
        %dma_start3A_54 = arith.constant 0 : i32
        %dma_start3A_55 = tpu.memref_slice %arg17[%add3A_51, %dma_start3A_54] : memref<10240x64xf32, #tpu.memory_space<vmem_shared>> -> memref<128x64xf32, #tpu.memory_space<vmem_shared>>
        tpu.enqueue_dma source(%arg15 : memref<128x64xf32, #tpu.memory_space<vmem>>) target(%dma_start3A_55 : memref<128x64xf32, #tpu.memory_space<vmem_shared>>) target_semaphore(%run_scoped3A : memref<!tpu.dma_semaphore, #tpu.memory_space<semaphore_mem>>)
        %dma_wait3A_56 = arith.constant 0 : i32
        %dma_wait3A_57 = tpu.memref_slice %arg17[%add3A_51, %dma_wait3A_56] : memref<10240x64xf32, #tpu.memory_space<vmem_shared>> -> memref<128x64xf32, #tpu.memory_space<vmem_shared>>
        %dma_wait3A_58 = arith.constant 0 : i32
        %dma_wait3A_59 = tpu.memref_slice %arg17[%add3A_51, %dma_wait3A_58] : memref<10240x64xf32, #tpu.memory_space<vmem_shared>> -> memref<128x64xf32, #tpu.memory_space<vmem_shared>>
        tpu.wait_dma2 semaphore(%run_scoped3A : memref<!tpu.dma_semaphore, #tpu.memory_space<semaphore_mem>>) src(%arg15 : memref<128x64xf32, #tpu.memory_space<vmem>>) dst(%dma_wait3A_59 : memref<128x64xf32, #tpu.memory_space<vmem_shared>>)
        tpu.yield
      }) : () -> ()
      "tpu.region"() ({
        %run_scoped3A = tpu.sem_alloc : memref<!tpu.dma_semaphore, #tpu.memory_space<semaphore_mem>>
        %dma_start3A_52 = arith.constant 0 : i32
        %dma_start3A_53 = tpu.memref_slice %arg18[%add3A_51, %dma_start3A_52] : memref<10240x16xf32, #tpu.memory_space<vmem_shared>> -> memref<128x16xf32, #tpu.memory_space<vmem_shared>>
        %dma_start3A_54 = arith.constant 0 : i32
        %dma_start3A_55 = tpu.memref_slice %arg18[%add3A_51, %dma_start3A_54] : memref<10240x16xf32, #tpu.memory_space<vmem_shared>> -> memref<128x16xf32, #tpu.memory_space<vmem_shared>>
        tpu.enqueue_dma source(%arg14 : memref<128x16xf32, #tpu.memory_space<vmem>>) target(%dma_start3A_55 : memref<128x16xf32, #tpu.memory_space<vmem_shared>>) target_semaphore(%run_scoped3A : memref<!tpu.dma_semaphore, #tpu.memory_space<semaphore_mem>>)
        %dma_wait3A_56 = arith.constant 0 : i32
        %dma_wait3A_57 = tpu.memref_slice %arg18[%add3A_51, %dma_wait3A_56] : memref<10240x16xf32, #tpu.memory_space<vmem_shared>> -> memref<128x16xf32, #tpu.memory_space<vmem_shared>>
        %dma_wait3A_58 = arith.constant 0 : i32
        %dma_wait3A_59 = tpu.memref_slice %arg18[%add3A_51, %dma_wait3A_58] : memref<10240x16xf32, #tpu.memory_space<vmem_shared>> -> memref<128x16xf32, #tpu.memory_space<vmem_shared>>
        tpu.wait_dma2 semaphore(%run_scoped3A : memref<!tpu.dma_semaphore, #tpu.memory_space<semaphore_mem>>) src(%arg14 : memref<128x16xf32, #tpu.memory_space<vmem>>) dst(%dma_wait3A_59 : memref<128x16xf32, #tpu.memory_space<vmem_shared>>)
        tpu.yield
      }) : () -> ()
    }
    %scan3A_17 = arith.constant 5 : i32
    %broadcast_in_dim3A_18 = arith.constant 1.000000e+00 : f32
    %broadcast_in_dim3A_19 = vector.broadcast %broadcast_in_dim3A_18 : f32 to vector<16xf32>
    %scan3A_20 = arith.constant 0 : i32
    %scan3A_21 = arith.constant 128 : i32
    %scan3A_22 = arith.addi %scan3A_20, %scan3A_21 : i32
    %scan3A_23 = arith.constant 1 : i32
    scf.for %scan3A_46 = %scan3A_20 to %scan3A_22 step %scan3A_23  : i32 {
      %swap3A = arith.index_cast %scan3A_46 : i32 to index
      %swap3A_47 = arith.constant 0 : index
      %swap3A_48 = tpu.vector_load %arg14[%swap3A, %swap3A_47] {strides = array<i32>} : memref<128x16xf32, #tpu.memory_space<vmem>>, vector<16xf32>,
      tpu.vector_store %arg14[%swap3A, %swap3A_47], %broadcast_in_dim3A_19 {strides = array<i32>} : memref<128x16xf32, #tpu.memory_space<vmem>>, vector<16xf32>,
    }
    %scan3A_24 = arith.constant 128 : i32
    %barrier3A = arith.constant 0 : index
    tpu.barrier barrier_id(%barrier3A)
    %eq3A = arith.constant 0 : i32
    %eq3A_25 = arith.cmpi eq, %arg0, %eq3A : i32
    %convert_element_type3A = arith.extui %eq3A_25 : i1 to i32
    %cond3A = arith.constant 0 : i32
    %cond3A_26 = arith.cmpi ne, %convert_element_type3A, %cond3A : i32
    scf.if %cond3A_26 {
      %scan3A_46 = arith.constant 0 : i32
      %scan3A_47 = arith.constant 160 : i32
      %scan3A_48 = arith.addi %scan3A_46, %scan3A_47 : i32
      %scan3A_49 = arith.constant 1 : i32
      scf.for %scan3A_51 = %scan3A_46 to %scan3A_48 step %scan3A_49  : i32 {
        %mul3A_52 = arith.constant 20480 : i32
        %mul3A_53 = arith.muli %arg1, %mul3A_52 : i32
        %mul3A_54 = arith.constant 128 : i32
        %mul3A_55 = arith.muli %scan3A_51, %mul3A_54 : i32
        %add3A_56 = arith.addi %mul3A_53, %mul3A_55 : i32
        "tpu.region"() ({
          %run_scoped3A = tpu.sem_alloc : memref<!tpu.dma_semaphore, #tpu.memory_space<semaphore_mem>>
          %dma_start3A_63 = tpu.memref_slice %arg4[%add3A_56] : memref<327680xi32, #tpu.memory_space<hbm>> -> memref<128xi32, #tpu.memory_space<hbm>>
          %dma_start3A_64 = tpu.memref_slice %arg4[%add3A_56] : memref<327680xi32, #tpu.memory_space<hbm>> -> memref<128xi32, #tpu.memory_space<hbm>>
          tpu.enqueue_dma source(%dma_start3A_64 : memref<128xi32, #tpu.memory_space<hbm>>) target(%arg11 : memref<128xi32, #tpu.memory_space<vmem>>) target_semaphore(%run_scoped3A : memref<!tpu.dma_semaphore, #tpu.memory_space<semaphore_mem>>)
          %dma_wait3A_65 = tpu.memref_slice %arg4[%add3A_56] : memref<327680xi32, #tpu.memory_space<hbm>> -> memref<128xi32, #tpu.memory_space<hbm>>
          %dma_wait3A_66 = tpu.memref_slice %arg4[%add3A_56] : memref<327680xi32, #tpu.memory_space<hbm>> -> memref<128xi32, #tpu.memory_space<hbm>>
          tpu.wait_dma2 semaphore(%run_scoped3A : memref<!tpu.dma_semaphore, #tpu.memory_space<semaphore_mem>>) src(%dma_wait3A_66 : memref<128xi32, #tpu.memory_space<hbm>>) dst(%arg11 : memref<128xi32, #tpu.memory_space<vmem>>)
          tpu.yield
        }) : () -> ()
        "tpu.region"() ({
          %run_scoped3A = tpu.sem_alloc : memref<!tpu.dma_semaphore, #tpu.memory_space<semaphore_mem>>
          %dma_start3A_63 = tpu.memref_slice %arg5[%add3A_56] : memref<327680xi32, #tpu.memory_space<hbm>> -> memref<128xi32, #tpu.memory_space<hbm>>
          %dma_start3A_64 = tpu.memref_slice %arg5[%add3A_56] : memref<327680xi32, #tpu.memory_space<hbm>> -> memref<128xi32, #tpu.memory_space<hbm>>
          tpu.enqueue_dma source(%dma_start3A_64 : memref<128xi32, #tpu.memory_space<hbm>>) target(%arg12 : memref<128xi32, #tpu.memory_space<vmem>>) target_semaphore(%run_scoped3A : memref<!tpu.dma_semaphore, #tpu.memory_space<semaphore_mem>>)
          %dma_wait3A_65 = tpu.memref_slice %arg5[%add3A_56] : memref<327680xi32, #tpu.memory_space<hbm>> -> memref<128xi32, #tpu.memory_space<hbm>>
          %dma_wait3A_66 = tpu.memref_slice %arg5[%add3A_56] : memref<327680xi32, #tpu.memory_space<hbm>> -> memref<128xi32, #tpu.memory_space<hbm>>
          tpu.wait_dma2 semaphore(%run_scoped3A : memref<!tpu.dma_semaphore, #tpu.memory_space<semaphore_mem>>) src(%dma_wait3A_66 : memref<128xi32, #tpu.memory_space<hbm>>) dst(%arg12 : memref<128xi32, #tpu.memory_space<vmem>>)
          tpu.yield
        }) : () -> ()
        %dma_start3A_57 = arith.constant 0 : i32
        %dma_start3A_58 = arith.constant 0 : i32
        %dma_start3A_59 = tpu.memref_slice %arg2[%dma_start3A_57, %dma_start3A_58] : memref<10240x64xf32, #tpu.memory_space<hbm>> -> memref<10240x64xf32, #tpu.memory_space<hbm>>
        tpu.enqueue_indirect_dma source(%dma_start3A_59 : memref<10240x64xf32, #tpu.memory_space<hbm>>) target(%arg13 : memref<128x64xf32, #tpu.memory_space<vmem>>) offsets(%arg11 : memref<128xi32, #tpu.memory_space<vmem>>) semaphore(%arg19 : memref<!tpu.dma_semaphore, #tpu.memory_space<semaphore_mem>>)
        %dma_wait3A_60 = arith.constant 0 : i32
        %dma_wait3A_61 = arith.constant 0 : i32
        %dma_wait3A_62 = tpu.memref_slice %arg2[%dma_wait3A_60, %dma_wait3A_61] : memref<10240x64xf32, #tpu.memory_space<hbm>> -> memref<10240x64xf32, #tpu.memory_space<hbm>>
        tpu.wait_indirect_dma semaphore(%arg19 : memref<!tpu.dma_semaphore, #tpu.memory_space<semaphore_mem>>) src(%dma_wait3A_62 : memref<10240x64xf32, #tpu.memory_space<hbm>>) dst(%arg13 : memref<128x64xf32, #tpu.memory_space<vmem>>)
        "tpu.region"() ({
          %run_scoped3A = tpu.sem_alloc : memref<!tpu.dma_semaphore, #tpu.memory_space<semaphore_mem>>
          %dma_start3A_63 = arith.constant 0 : i32
          %dma_start3A_64 = arith.constant 0 : i32
          %dma_start3A_65 = tpu.memref_slice %arg17[%dma_start3A_63, %dma_start3A_64] : memref<10240x64xf32, #tpu.memory_space<vmem_shared>> -> memref<10240x64xf32, #tpu.memory_space<vmem_shared>>
          tpu.enqueue_indirect_dma source(%arg13 : memref<128x64xf32, #tpu.memory_space<vmem>>) target(%dma_start3A_65 : memref<10240x64xf32, #tpu.memory_space<vmem_shared>>) offsets(%arg12 : memref<128xi32, #tpu.memory_space<vmem>>) semaphore(%run_scoped3A : memref<!tpu.dma_semaphore, #tpu.memory_space<semaphore_mem>>) {add = true}
          %dma_wait3A_66 = arith.constant 0 : i32
          %dma_wait3A_67 = arith.constant 0 : i32
          %dma_wait3A_68 = tpu.memref_slice %arg17[%dma_wait3A_66, %dma_wait3A_67] : memref<10240x64xf32, #tpu.memory_space<vmem_shared>> -> memref<10240x64xf32, #tpu.memory_space<vmem_shared>>
          tpu.wait_indirect_dma semaphore(%run_scoped3A : memref<!tpu.dma_semaphore, #tpu.memory_space<semaphore_mem>>) src(%arg13 : memref<128x64xf32, #tpu.memory_space<vmem>>) dst(%dma_wait3A_68 : memref<10240x64xf32, #tpu.memory_space<vmem_shared>>)
          tpu.yield
        }) : () -> ()
        "tpu.region"() ({
          %run_scoped3A = tpu.sem_alloc : memref<!tpu.dma_semaphore, #tpu.memory_space<semaphore_mem>>
          %dma_start3A_63 = arith.constant 0 : i32
          %dma_start3A_64 = arith.constant 0 : i32
          %dma_start3A_65 = tpu.memref_slice %arg18[%dma_start3A_63, %dma_start3A_64] : memref<10240x16xf32, #tpu.memory_space<vmem_shared>> -> memref<10240x16xf32, #tpu.memory_space<vmem_shared>>
          tpu.enqueue_indirect_dma source(%arg14 : memref<128x16xf32, #tpu.memory_space<vmem>>) target(%dma_start3A_65 : memref<10240x16xf32, #tpu.memory_space<vmem_shared>>) offsets(%arg12 : memref<128xi32, #tpu.memory_space<vmem>>) semaphore(%run_scoped3A : memref<!tpu.dma_semaphore, #tpu.memory_space<semaphore_mem>>) {add = true}
          %dma_wait3A_66 = arith.constant 0 : i32
          %dma_wait3A_67 = arith.constant 0 : i32
          %dma_wait3A_68 = tpu.memref_slice %arg18[%dma_wait3A_66, %dma_wait3A_67] : memref<10240x16xf32, #tpu.memory_space<vmem_shared>> -> memref<10240x16xf32, #tpu.memory_space<vmem_shared>>
          tpu.wait_indirect_dma semaphore(%run_scoped3A : memref<!tpu.dma_semaphore, #tpu.memory_space<semaphore_mem>>) src(%arg14 : memref<128x16xf32, #tpu.memory_space<vmem>>) dst(%dma_wait3A_68 : memref<10240x16xf32, #tpu.memory_space<vmem_shared>>)
          tpu.yield
        }) : () -> ()
      }
      %scan3A_50 = arith.constant 160 : i32
    } else {
    }
    %eq3A_27 = arith.constant 1 : i32
    %eq3A_28 = arith.cmpi eq, %arg0, %eq3A_27 : i32
    %convert_element_type3A_29 = arith.extui %eq3A_28 : i1 to i32
    %cond3A_30 = arith.constant 0 : i32
    %cond3A_31 = arith.cmpi ne, %convert_element_type3A_29, %cond3A_30 : i32
    scf.if %cond3A_31 {
      %scan3A_46 = arith.constant 0 : i32
      %scan3A_47 = arith.constant 160 : i32
      %scan3A_48 = arith.addi %scan3A_46, %scan3A_47 : i32
      %scan3A_49 = arith.constant 1 : i32
      scf.for %scan3A_51 = %scan3A_46 to %scan3A_48 step %scan3A_49  : i32 {
        %mul3A_52 = arith.constant 20480 : i32
        %mul3A_53 = arith.muli %arg1, %mul3A_52 : i32
        %mul3A_54 = arith.constant 128 : i32
        %mul3A_55 = arith.muli %scan3A_51, %mul3A_54 : i32
        %add3A_56 = arith.addi %mul3A_53, %mul3A_55 : i32
        "tpu.region"() ({
          %run_scoped3A = tpu.sem_alloc : memref<!tpu.dma_semaphore, #tpu.memory_space<semaphore_mem>>
          %dma_start3A_63 = tpu.memref_slice %arg4[%add3A_56] : memref<327680xi32, #tpu.memory_space<hbm>> -> memref<128xi32, #tpu.memory_space<hbm>>
          %dma_start3A_64 = tpu.memref_slice %arg4[%add3A_56] : memref<327680xi32, #tpu.memory_space<hbm>> -> memref<128xi32, #tpu.memory_space<hbm>>
          tpu.enqueue_dma source(%dma_start3A_64 : memref<128xi32, #tpu.memory_space<hbm>>) target(%arg11 : memref<128xi32, #tpu.memory_space<vmem>>) target_semaphore(%run_scoped3A : memref<!tpu.dma_semaphore, #tpu.memory_space<semaphore_mem>>)
          %dma_wait3A_65 = tpu.memref_slice %arg4[%add3A_56] : memref<327680xi32, #tpu.memory_space<hbm>> -> memref<128xi32, #tpu.memory_space<hbm>>
          %dma_wait3A_66 = tpu.memref_slice %arg4[%add3A_56] : memref<327680xi32, #tpu.memory_space<hbm>> -> memref<128xi32, #tpu.memory_space<hbm>>
          tpu.wait_dma2 semaphore(%run_scoped3A : memref<!tpu.dma_semaphore, #tpu.memory_space<semaphore_mem>>) src(%dma_wait3A_66 : memref<128xi32, #tpu.memory_space<hbm>>) dst(%arg11 : memref<128xi32, #tpu.memory_space<vmem>>)
          tpu.yield
        }) : () -> ()
        "tpu.region"() ({
          %run_scoped3A = tpu.sem_alloc : memref<!tpu.dma_semaphore, #tpu.memory_space<semaphore_mem>>
          %dma_start3A_63 = tpu.memref_slice %arg5[%add3A_56] : memref<327680xi32, #tpu.memory_space<hbm>> -> memref<128xi32, #tpu.memory_space<hbm>>
          %dma_start3A_64 = tpu.memref_slice %arg5[%add3A_56] : memref<327680xi32, #tpu.memory_space<hbm>> -> memref<128xi32, #tpu.memory_space<hbm>>
          tpu.enqueue_dma source(%dma_start3A_64 : memref<128xi32, #tpu.memory_space<hbm>>) target(%arg12 : memref<128xi32, #tpu.memory_space<vmem>>) target_semaphore(%run_scoped3A : memref<!tpu.dma_semaphore, #tpu.memory_space<semaphore_mem>>)
          %dma_wait3A_65 = tpu.memref_slice %arg5[%add3A_56] : memref<327680xi32, #tpu.memory_space<hbm>> -> memref<128xi32, #tpu.memory_space<hbm>>
          %dma_wait3A_66 = tpu.memref_slice %arg5[%add3A_56] : memref<327680xi32, #tpu.memory_space<hbm>> -> memref<128xi32, #tpu.memory_space<hbm>>
          tpu.wait_dma2 semaphore(%run_scoped3A : memref<!tpu.dma_semaphore, #tpu.memory_space<semaphore_mem>>) src(%dma_wait3A_66 : memref<128xi32, #tpu.memory_space<hbm>>) dst(%arg12 : memref<128xi32, #tpu.memory_space<vmem>>)
          tpu.yield
        }) : () -> ()
        %dma_start3A_57 = arith.constant 0 : i32
        %dma_start3A_58 = arith.constant 0 : i32
        %dma_start3A_59 = tpu.memref_slice %arg3[%dma_start3A_57, %dma_start3A_58] : memref<10240x64xf32, #tpu.memory_space<hbm>> -> memref<10240x64xf32, #tpu.memory_space<hbm>>
        tpu.enqueue_indirect_dma source(%dma_start3A_59 : memref<10240x64xf32, #tpu.memory_space<hbm>>) target(%arg13 : memref<128x64xf32, #tpu.memory_space<vmem>>) offsets(%arg11 : memref<128xi32, #tpu.memory_space<vmem>>) semaphore(%arg19 : memref<!tpu.dma_semaphore, #tpu.memory_space<semaphore_mem>>)
        %dma_wait3A_60 = arith.constant 0 : i32
        %dma_wait3A_61 = arith.constant 0 : i32
        %dma_wait3A_62 = tpu.memref_slice %arg3[%dma_wait3A_60, %dma_wait3A_61] : memref<10240x64xf32, #tpu.memory_space<hbm>> -> memref<10240x64xf32, #tpu.memory_space<hbm>>
        tpu.wait_indirect_dma semaphore(%arg19 : memref<!tpu.dma_semaphore, #tpu.memory_space<semaphore_mem>>) src(%dma_wait3A_62 : memref<10240x64xf32, #tpu.memory_space<hbm>>) dst(%arg13 : memref<128x64xf32, #tpu.memory_space<vmem>>)
        "tpu.region"() ({
          %run_scoped3A = tpu.sem_alloc : memref<!tpu.dma_semaphore, #tpu.memory_space<semaphore_mem>>
          %dma_start3A_63 = arith.constant 0 : i32
          %dma_start3A_64 = arith.constant 0 : i32
          %dma_start3A_65 = tpu.memref_slice %arg17[%dma_start3A_63, %dma_start3A_64] : memref<10240x64xf32, #tpu.memory_space<vmem_shared>> -> memref<10240x64xf32, #tpu.memory_space<vmem_shared>>
          tpu.enqueue_indirect_dma source(%arg13 : memref<128x64xf32, #tpu.memory_space<vmem>>) target(%dma_start3A_65 : memref<10240x64xf32, #tpu.memory_space<vmem_shared>>) offsets(%arg12 : memref<128xi32, #tpu.memory_space<vmem>>) semaphore(%run_scoped3A : memref<!tpu.dma_semaphore, #tpu.memory_space<semaphore_mem>>) {add = true}
          %dma_wait3A_66 = arith.constant 0 : i32
          %dma_wait3A_67 = arith.constant 0 : i32
          %dma_wait3A_68 = tpu.memref_slice %arg17[%dma_wait3A_66, %dma_wait3A_67] : memref<10240x64xf32, #tpu.memory_space<vmem_shared>> -> memref<10240x64xf32, #tpu.memory_space<vmem_shared>>
          tpu.wait_indirect_dma semaphore(%run_scoped3A : memref<!tpu.dma_semaphore, #tpu.memory_space<semaphore_mem>>) src(%arg13 : memref<128x64xf32, #tpu.memory_space<vmem>>) dst(%dma_wait3A_68 : memref<10240x64xf32, #tpu.memory_space<vmem_shared>>)
          tpu.yield
        }) : () -> ()
      }
      %scan3A_50 = arith.constant 160 : i32
    } else {
    }
    %mul3A_32 = arith.constant 128 : i32
    %mul3A_33 = arith.muli %add3A, %mul3A_32 : i32
    "tpu.region"() ({
      %run_scoped3A = tpu.sem_alloc : memref<!tpu.dma_semaphore, #tpu.memory_space<semaphore_mem>>
      %dma_start3A_46 = tpu.memref_slice %arg6[%mul3A_33] : memref<4096xi32, #tpu.memory_space<hbm>> -> memref<128xi32, #tpu.memory_space<hbm>>
      %dma_start3A_47 = tpu.memref_slice %arg6[%mul3A_33] : memref<4096xi32, #tpu.memory_space<hbm>> -> memref<128xi32, #tpu.memory_space<hbm>>
      tpu.enqueue_dma source(%dma_start3A_47 : memref<128xi32, #tpu.memory_space<hbm>>) target(%arg11 : memref<128xi32, #tpu.memory_space<vmem>>) target_semaphore(%run_scoped3A : memref<!tpu.dma_semaphore, #tpu.memory_space<semaphore_mem>>)
      %dma_wait3A_48 = tpu.memref_slice %arg6[%mul3A_33] : memref<4096xi32, #tpu.memory_space<hbm>> -> memref<128xi32, #tpu.memory_space<hbm>>
      %dma_wait3A_49 = tpu.memref_slice %arg6[%mul3A_33] : memref<4096xi32, #tpu.memory_space<hbm>> -> memref<128xi32, #tpu.memory_space<hbm>>
      tpu.wait_dma2 semaphore(%run_scoped3A : memref<!tpu.dma_semaphore, #tpu.memory_space<semaphore_mem>>) src(%dma_wait3A_49 : memref<128xi32, #tpu.memory_space<hbm>>) dst(%arg11 : memref<128xi32, #tpu.memory_space<vmem>>)
      tpu.yield
    }) : () -> ()
    %dma_start3A = arith.constant 0 : i32
    %dma_start3A_34 = arith.constant 0 : i32
    %dma_start3A_35 = tpu.memref_slice %arg7[%dma_start3A, %dma_start3A_34] : memref<100000x128xf32, #tpu.memory_space<hbm>> -> memref<100000x128xf32, #tpu.memory_space<hbm>>
    tpu.enqueue_indirect_dma source(%dma_start3A_35 : memref<100000x128xf32, #tpu.memory_space<hbm>>) target(%arg16 : memref<128x128xf32, #tpu.memory_space<vmem>>) offsets(%arg11 : memref<128xi32, #tpu.memory_space<vmem>>) semaphore(%arg19 : memref<!tpu.dma_semaphore, #tpu.memory_space<semaphore_mem>>)
    %dma_wait3A = arith.constant 0 : i32
    %dma_wait3A_36 = arith.constant 0 : i32
    %dma_wait3A_37 = tpu.memref_slice %arg7[%dma_wait3A, %dma_wait3A_36] : memref<100000x128xf32, #tpu.memory_space<hbm>> -> memref<100000x128xf32, #tpu.memory_space<hbm>>
    tpu.wait_indirect_dma semaphore(%arg19 : memref<!tpu.dma_semaphore, #tpu.memory_space<semaphore_mem>>) src(%dma_wait3A_37 : memref<100000x128xf32, #tpu.memory_space<hbm>>) dst(%arg16 : memref<128x128xf32, #tpu.memory_space<vmem>>)
    "tpu.region"() ({
      %run_scoped3A = tpu.sem_alloc : memref<!tpu.dma_semaphore, #tpu.memory_space<semaphore_mem>>
      %dma_start3A_46 = arith.constant 0 : i32
      %dma_start3A_47 = tpu.memref_slice %arg10[%mul3A_33, %dma_start3A_46] : memref<4096x128xf32, #tpu.memory_space<hbm>> -> memref<128x128xf32, #tpu.memory_space<hbm>>
      %dma_start3A_48 = arith.constant 0 : i32
      %dma_start3A_49 = tpu.memref_slice %arg10[%mul3A_33, %dma_start3A_48] : memref<4096x128xf32, #tpu.memory_space<hbm>> -> memref<128x128xf32, #tpu.memory_space<hbm>>
      tpu.enqueue_dma source(%arg16 : memref<128x128xf32, #tpu.memory_space<vmem>>) target(%dma_start3A_49 : memref<128x128xf32, #tpu.memory_space<hbm>>) target_semaphore(%run_scoped3A : memref<!tpu.dma_semaphore, #tpu.memory_space<semaphore_mem>>)
      %dma_wait3A_50 = arith.constant 0 : i32
      %dma_wait3A_51 = tpu.memref_slice %arg10[%mul3A_33, %dma_wait3A_50] : memref<4096x128xf32, #tpu.memory_space<hbm>> -> memref<128x128xf32, #tpu.memory_space<hbm>>
      %dma_wait3A_52 = arith.constant 0 : i32
      %dma_wait3A_53 = tpu.memref_slice %arg10[%mul3A_33, %dma_wait3A_52] : memref<4096x128xf32, #tpu.memory_space<hbm>> -> memref<128x128xf32, #tpu.memory_space<hbm>>
      tpu.wait_dma2 semaphore(%run_scoped3A : memref<!tpu.dma_semaphore, #tpu.memory_space<semaphore_mem>>) src(%arg16 : memref<128x128xf32, #tpu.memory_space<vmem>>) dst(%dma_wait3A_53 : memref<128x128xf32, #tpu.memory_space<hbm>>)
      tpu.yield
    }) : () -> ()
    %barrier3A_38 = arith.constant 0 : index
    tpu.barrier barrier_id(%barrier3A_38)
    %mul3A_39 = arith.constant 640 : i32
    %mul3A_40 = arith.muli %arg1, %mul3A_39 : i32
    "tpu.region"() ({
      %run_scoped3A = tpu.sem_alloc : memref<!tpu.dma_semaphore, #tpu.memory_space<semaphore_mem>>
      %dma_start3A_46 = arith.constant 0 : i32
      %dma_start3A_47 = tpu.memref_slice %arg8[%arg0, %mul3A_40, %dma_start3A_46] : memref<2x10240x64xf32, #tpu.memory_space<hbm>> -> memref<1x640x64xf32, #tpu.memory_space<hbm>>
      %dma_start3A_48 = tpu.memref_squeeze %dma_start3A_47 : memref<1x640x64xf32, #tpu.memory_space<hbm>> -> memref<640x64xf32, #tpu.memory_space<hbm>>
      %dma_start3A_49 = arith.constant 0 : i32
      %dma_start3A_50 = tpu.memref_slice %arg17[%mul3A_40, %dma_start3A_49] : memref<10240x64xf32, #tpu.memory_space<vmem_shared>> -> memref<640x64xf32, #tpu.memory_space<vmem_shared>>
      tpu.enqueue_dma source(%dma_start3A_50 : memref<640x64xf32, #tpu.memory_space<vmem_shared>>) target(%dma_start3A_48 : memref<640x64xf32, #tpu.memory_space<hbm>>) target_semaphore(%run_scoped3A : memref<!tpu.dma_semaphore, #tpu.memory_space<semaphore_mem>>)
      %dma_wait3A_51 = arith.constant 0 : i32
      %dma_wait3A_52 = tpu.memref_slice %arg8[%arg0, %mul3A_40, %dma_wait3A_51] : memref<2x10240x64xf32, #tpu.memory_space<hbm>> -> memref<1x640x64xf32, #tpu.memory_space<hbm>>
      %dma_wait3A_53 = tpu.memref_squeeze %dma_wait3A_52 : memref<1x640x64xf32, #tpu.memory_space<hbm>> -> memref<640x64xf32, #tpu.memory_space<hbm>>
      %dma_wait3A_54 = arith.constant 0 : i32
      %dma_wait3A_55 = tpu.memref_slice %arg17[%mul3A_40, %dma_wait3A_54] : memref<10240x64xf32, #tpu.memory_space<vmem_shared>> -> memref<640x64xf32, #tpu.memory_space<vmem_shared>>
      tpu.wait_dma2 semaphore(%run_scoped3A : memref<!tpu.dma_semaphore, #tpu.memory_space<semaphore_mem>>) src(%dma_wait3A_55 : memref<640x64xf32, #tpu.memory_space<vmem_shared>>) dst(%dma_wait3A_53 : memref<640x64xf32, #tpu.memory_space<hbm>>)
      tpu.yield
    }) : () -> ()
    %eq3A_41 = arith.constant 0 : i32
    %eq3A_42 = arith.cmpi eq, %arg0, %eq3A_41 : i32
    %convert_element_type3A_43 = arith.extui %eq3A_42 : i1 to i32
    %cond3A_44 = arith.constant 0 : i32
    %cond3A_45 = arith.cmpi ne, %convert_element_type3A_43, %cond3A_44 : i32
    scf.if %cond3A_45 {
      "tpu.region"() ({
        %run_scoped3A = tpu.sem_alloc : memref<!tpu.dma_semaphore, #tpu.memory_space<semaphore_mem>>
        %dma_start3A_46 = arith.constant 0 : i32
        %dma_start3A_47 = tpu.memref_slice %arg9[%mul3A_40, %dma_start3A_46] : memref<10240x16xf32, #tpu.memory_space<hbm>> -> memref<640x16xf32, #tpu.memory_space<hbm>>
        %dma_start3A_48 = arith.constant 0 : i32
        %dma_start3A_49 = tpu.memref_slice %arg18[%mul3A_40, %dma_start3A_48] : memref<10240x16xf32, #tpu.memory_space<vmem_shared>> -> memref<640x16xf32, #tpu.memory_space<vmem_shared>>
        tpu.enqueue_dma source(%dma_start3A_49 : memref<640x16xf32, #tpu.memory_space<vmem_shared>>) target(%dma_start3A_47 : memref<640x16xf32, #tpu.memory_space<hbm>>) target_semaphore(%run_scoped3A : memref<!tpu.dma_semaphore, #tpu.memory_space<semaphore_mem>>)
        %dma_wait3A_50 = arith.constant 0 : i32
        %dma_wait3A_51 = tpu.memref_slice %arg9[%mul3A_40, %dma_wait3A_50] : memref<10240x16xf32, #tpu.memory_space<hbm>> -> memref<640x16xf32, #tpu.memory_space<hbm>>
        %dma_wait3A_52 = arith.constant 0 : i32
        %dma_wait3A_53 = tpu.memref_slice %arg18[%mul3A_40, %dma_wait3A_52] : memref<10240x16xf32, #tpu.memory_space<vmem_shared>> -> memref<640x16xf32, #tpu.memory_space<vmem_shared>>
        tpu.wait_dma2 semaphore(%run_scoped3A : memref<!tpu.dma_semaphore, #tpu.memory_space<semaphore_mem>>) src(%dma_wait3A_53 : memref<640x16xf32, #tpu.memory_space<vmem_shared>>) dst(%dma_wait3A_51 : memref<640x16xf32, #tpu.memory_space<hbm>>)
        tpu.yield
      }) : () -> ()
    } else {
    }
    return
  }
}

module attributes {stable_mosaic.version = 14 : i64} {
  func.func @_renorm_body(%arg0: memref<10240x128xf32, #tpu.memory_space<vmem>>, %arg1: memref<10240x64xf32, #tpu.memory_space<vmem>>, %arg2: memref<10240x64xf32, #tpu.memory_space<vmem>>) attributes {dimension_semantics = [], scalar_prefetch = 0 : i64, scratch_operands = 0 : i64, tpu.core_type = #tpu.core_type<tc>} {
    %get3A = arith.constant 0 : index
    %get3A_0 = arith.constant 0 : index
    %get3A_1 = vector.load %arg0[%get3A, %get3A_0] : memref<10240x128xf32, #tpu.memory_space<vmem>>, vector<10240x128xf32>
    %mul3A = arith.mulf %get3A_1, %get3A_1 : vector<10240x128xf32>
    %reduce_sum3A = arith.constant dense<0.000000e+00> : vector<10240xf32>
    %reduce_sum3A_2 = vector.multi_reduction <add>, %mul3A, %reduce_sum3A [1] : vector<10240x128xf32> to vector<10240xf32>
    %broadcast_in_dim3A = vector.shape_cast %reduce_sum3A_2 : vector<10240xf32> to vector<10240x1xf32>
    %sqrt3A = math.sqrt %broadcast_in_dim3A : vector<10240x1xf32>
    %max3A = arith.constant 9.99999996E-13 : f32
    %max3A_3 = vector.broadcast %max3A : f32 to vector<10240x1xf32>
    %max3A_4 = arith.maximumf %sqrt3A, %max3A_3 : vector<10240x1xf32>
    %div3A = arith.constant 1.000000e+00 : f32
    %div3A_5 = vector.broadcast %div3A : f32 to vector<10240x1xf32>
    %div3A_6 = arith.divf %div3A_5, %max3A_4 : vector<10240x1xf32>
    %min3A = arith.constant 1.000000e+00 : f32
    %min3A_7 = vector.broadcast %min3A : f32 to vector<10240x1xf32>
    %min3A_8 = arith.minimumf %min3A_7, %div3A_6 : vector<10240x1xf32>
    %mul3A_9 = vector.broadcast %min3A_8 : vector<10240x1xf32> to vector<10240x128xf32>
    %mul3A_10 = arith.mulf %get3A_1, %mul3A_9 : vector<10240x128xf32>
    %slice3A = vector.extract_strided_slice %mul3A_10 {offsets = [0, 0], sizes = [10240, 64], strides = [1, 1]} : vector<10240x128xf32> to vector<10240x64xf32>
    %swap3A = arith.constant 0 : index
    %swap3A_11 = arith.constant 0 : index
    %swap3A_12 = vector.load %arg1[%swap3A, %swap3A_11] : memref<10240x64xf32, #tpu.memory_space<vmem>>, vector<10240x64xf32>
    tpu.vector_store %arg1[%swap3A, %swap3A_11], %slice3A {strides = array<i32>} : memref<10240x64xf32, #tpu.memory_space<vmem>>, vector<10240x64xf32>,
    %slice3A_13 = vector.extract_strided_slice %mul3A_10 {offsets = [0, 64], sizes = [10240, 64], strides = [1, 1]} : vector<10240x128xf32> to vector<10240x64xf32>
    %swap3A_14 = arith.constant 0 : index
    %swap3A_15 = arith.constant 0 : index
    %swap3A_16 = vector.load %arg2[%swap3A_14, %swap3A_15] : memref<10240x64xf32, #tpu.memory_space<vmem>>, vector<10240x64xf32>
    tpu.vector_store %arg2[%swap3A_14, %swap3A_15], %slice3A_13 {strides = array<i32>} : memref<10240x64xf32, #tpu.memory_space<vmem>>, vector<10240x64xf32>,
    return
  }
}

module attributes {stable_mosaic.version = 14 : i64} {
  func.func @_layer1_body(%arg0: memref<10240x64xf32, #tpu.memory_space<vmem>>, %arg1: memref<10240x64xf32, #tpu.memory_space<vmem>>, %arg2: memref<2x10240x64xf32, #tpu.memory_space<vmem>>, %arg3: memref<10240x16xf32, #tpu.memory_space<vmem>>, %arg4: memref<128x128xf32, #tpu.memory_space<vmem>>, %arg5: memref<128x128xf32, #tpu.memory_space<vmem>>, %arg6: memref<1x128xf32, #tpu.memory_space<vmem>>, %arg7: memref<10240x64xf32, #tpu.memory_space<vmem>>, %arg8: memref<10240x64xf32, #tpu.memory_space<vmem>>) attributes {dimension_semantics = [], scalar_prefetch = 0 : i64, scratch_operands = 0 : i64, tpu.core_type = #tpu.core_type<tc>} {
    %get3A = arith.constant 0 : index
    %get3A_0 = arith.constant 0 : index
    %get3A_1 = vector.load %arg0[%get3A, %get3A_0] : memref<10240x64xf32, #tpu.memory_space<vmem>>, vector<10240x64xf32>
    %get3A_2 = arith.constant 0 : index
    %get3A_3 = arith.constant 0 : index
    %get3A_4 = vector.load %arg1[%get3A_2, %get3A_3] : memref<10240x64xf32, #tpu.memory_space<vmem>>, vector<10240x64xf32>
    %concatenate3A = tpu.concatenate %get3A_1, %get3A_4 in 1 : vector<10240x64xf32>, vector<10240x64xf32> -> vector<10240x128xf32>
    %get3A_5 = arith.constant 0 : index
    %get3A_6 = arith.constant 0 : index
    %get3A_7 = arith.constant 0 : index
    %get3A_8 = vector.load %arg2[%get3A_5, %get3A_6, %get3A_7] : memref<2x10240x64xf32, #tpu.memory_space<vmem>>, vector<1x10240x64xf32>
    %get3A_9 = vector.shape_cast %get3A_8 : vector<1x10240x64xf32> to vector<10240x64xf32>
    %get3A_10 = arith.constant 1 : index
    %get3A_11 = arith.constant 0 : index
    %get3A_12 = arith.constant 0 : index
    %get3A_13 = vector.load %arg2[%get3A_10, %get3A_11, %get3A_12] : memref<2x10240x64xf32, #tpu.memory_space<vmem>>, vector<1x10240x64xf32>
    %get3A_14 = vector.shape_cast %get3A_13 : vector<1x10240x64xf32> to vector<10240x64xf32>
    %concatenate3A_15 = tpu.concatenate %get3A_9, %get3A_14 in 1 : vector<10240x64xf32>, vector<10240x64xf32> -> vector<10240x128xf32>
    %get3A_16 = arith.constant 0 : index
    %get3A_17 = arith.constant 0 : index
    %get3A_18 = vector.load %arg3[%get3A_16, %get3A_17] : memref<10240x16xf32, #tpu.memory_space<vmem>>, vector<10240x1xf32>
    %max3A = arith.constant 1.000000e+00 : f32
    %max3A_19 = vector.broadcast %max3A : f32 to vector<10240x1xf32>
    %max3A_20 = arith.maximumf %get3A_18, %max3A_19 : vector<10240x1xf32>
    %div3A = vector.broadcast %max3A_20 : vector<10240x1xf32> to vector<10240x128xf32>
    %div3A_21 = arith.divf %concatenate3A_15, %div3A : vector<10240x128xf32>
    %get3A_22 = arith.constant 0 : index
    %get3A_23 = arith.constant 0 : index
    %get3A_24 = vector.load %arg4[%get3A_22, %get3A_23] : memref<128x128xf32, #tpu.memory_space<vmem>>, vector<128x128xf32>
    %dot_general3A = arith.constant dense<0.000000e+00> : vector<10240x128xf32>
    %dot_general3A_25 = tpu.matmul %concatenate3A, %get3A_24, %dot_general3A {dimension_numbers = #tpu.dot_dimension_numbers<[1], [0], [0], [1], [0, 0, 1, 1], [], []>, transpose_lhs_hint = false} : vector<10240x128xf32>, vector<128x128xf32>, vector<10240x128xf32> -> vector<10240x128xf32>
    %get3A_26 = arith.constant 0 : index
    %get3A_27 = arith.constant 0 : index
    %get3A_28 = vector.load %arg5[%get3A_26, %get3A_27] : memref<128x128xf32, #tpu.memory_space<vmem>>, vector<128x128xf32>
    %dot_general3A_29 = arith.constant dense<0.000000e+00> : vector<10240x128xf32>
    %dot_general3A_30 = tpu.matmul %div3A_21, %get3A_28, %dot_general3A_29 {dimension_numbers = #tpu.dot_dimension_numbers<[1], [0], [0], [1], [0, 0, 1, 1], [], []>, transpose_lhs_hint = false} : vector<10240x128xf32>, vector<128x128xf32>, vector<10240x128xf32> -> vector<10240x128xf32>
    %add3A = arith.addf %dot_general3A_25, %dot_general3A_30 : vector<10240x128xf32>
    %get3A_31 = arith.constant 0 : index
    %get3A_32 = arith.constant 0 : index
    %get3A_33 = vector.load %arg6[%get3A_31, %get3A_32] : memref<1x128xf32, #tpu.memory_space<vmem>>, vector<1x128xf32>
    %add3A_34 = vector.broadcast %get3A_33 : vector<1x128xf32> to vector<10240x128xf32>
    %add3A_35 = arith.addf %add3A, %add3A_34 : vector<10240x128xf32>
    %max3A_36 = arith.constant 0.000000e+00 : f32
    %max3A_37 = vector.broadcast %max3A_36 : f32 to vector<10240x128xf32>
    %max3A_38 = arith.maximumf %add3A_35, %max3A_37 : vector<10240x128xf32>
    %iota3A = tpu.iota {dimensions = array<i32: 0>} : vector<10240x1xi32>
    %lt3A = arith.constant 10000 : i32
    %lt3A_39 = vector.broadcast %lt3A : i32 to vector<10240x1xi32>
    %lt3A_40 = arith.cmpi slt, %iota3A, %lt3A_39 : vector<10240x1xi32>
    %jit3A = arith.constant 0.000000e+00 : f32
    %broadcast_in_dim3A = vector.shape_cast %lt3A_40 : vector<10240x1xi1> to vector<10240x1xi1>
    %broadcast_in_dim3A_41 = vector.broadcast %broadcast_in_dim3A : vector<10240x1xi1> to vector<10240x128xi1>
    %broadcast_in_dim3A_42 = vector.broadcast %jit3A : f32 to vector<10240x128xf32>
    %select_n3A = arith.select %broadcast_in_dim3A_41, %max3A_38, %broadcast_in_dim3A_42 : vector<10240x128xi1>, vector<10240x128xf32>
    %slice3A = vector.extract_strided_slice %select_n3A {offsets = [0, 0], sizes = [10240, 64], strides = [1, 1]} : vector<10240x128xf32> to vector<10240x64xf32>
    %swap3A = arith.constant 0 : index
    %swap3A_43 = arith.constant 0 : index
    %swap3A_44 = vector.load %arg7[%swap3A, %swap3A_43] : memref<10240x64xf32, #tpu.memory_space<vmem>>, vector<10240x64xf32>
    tpu.vector_store %arg7[%swap3A, %swap3A_43], %slice3A {strides = array<i32>} : memref<10240x64xf32, #tpu.memory_space<vmem>>, vector<10240x64xf32>,
    %slice3A_45 = vector.extract_strided_slice %select_n3A {offsets = [0, 64], sizes = [10240, 64], strides = [1, 1]} : vector<10240x128xf32> to vector<10240x64xf32>
    %swap3A_46 = arith.constant 0 : index
    %swap3A_47 = arith.constant 0 : index
    %swap3A_48 = vector.load %arg8[%swap3A_46, %swap3A_47] : memref<10240x64xf32, #tpu.memory_space<vmem>>, vector<10240x64xf32>
    tpu.vector_store %arg8[%swap3A_46, %swap3A_47], %slice3A_45 {strides = array<i32>} : memref<10240x64xf32, #tpu.memory_space<vmem>>, vector<10240x64xf32>,
    return
  }
}

module attributes {stable_mosaic.version = 14 : i64} {
  func.func @_layer2_body(%arg0: memref<10240x64xf32, #tpu.memory_space<vmem>>, %arg1: memref<10240x64xf32, #tpu.memory_space<vmem>>, %arg2: memref<2x10240x64xf32, #tpu.memory_space<vmem>>, %arg3: memref<10240x16xf32, #tpu.memory_space<vmem>>, %arg4: memref<128x128xf32, #tpu.memory_space<vmem>>, %arg5: memref<128x128xf32, #tpu.memory_space<vmem>>, %arg6: memref<1x128xf32, #tpu.memory_space<vmem>>, %arg7: memref<4096x128xf32, #tpu.memory_space<vmem>>, %arg8: memref<10240x128xf32, #tpu.memory_space<vmem>>, %arg9: memref<4096x128xf32, #tpu.memory_space<vmem>>) attributes {dimension_semantics = [], scalar_prefetch = 0 : i64, scratch_operands = 0 : i64, tpu.core_type = #tpu.core_type<tc>} {
    %get3A = arith.constant 0 : index
    %get3A_0 = arith.constant 0 : index
    %get3A_1 = vector.load %arg0[%get3A, %get3A_0] : memref<10240x64xf32, #tpu.memory_space<vmem>>, vector<10240x64xf32>
    %get3A_2 = arith.constant 0 : index
    %get3A_3 = arith.constant 0 : index
    %get3A_4 = vector.load %arg1[%get3A_2, %get3A_3] : memref<10240x64xf32, #tpu.memory_space<vmem>>, vector<10240x64xf32>
    %concatenate3A = tpu.concatenate %get3A_1, %get3A_4 in 1 : vector<10240x64xf32>, vector<10240x64xf32> -> vector<10240x128xf32>
    %get3A_5 = arith.constant 0 : index
    %get3A_6 = arith.constant 0 : index
    %get3A_7 = arith.constant 0 : index
    %get3A_8 = vector.load %arg2[%get3A_5, %get3A_6, %get3A_7] : memref<2x10240x64xf32, #tpu.memory_space<vmem>>, vector<1x10240x64xf32>
    %get3A_9 = vector.shape_cast %get3A_8 : vector<1x10240x64xf32> to vector<10240x64xf32>
    %get3A_10 = arith.constant 1 : index
    %get3A_11 = arith.constant 0 : index
    %get3A_12 = arith.constant 0 : index
    %get3A_13 = vector.load %arg2[%get3A_10, %get3A_11, %get3A_12] : memref<2x10240x64xf32, #tpu.memory_space<vmem>>, vector<1x10240x64xf32>
    %get3A_14 = vector.shape_cast %get3A_13 : vector<1x10240x64xf32> to vector<10240x64xf32>
    %concatenate3A_15 = tpu.concatenate %get3A_9, %get3A_14 in 1 : vector<10240x64xf32>, vector<10240x64xf32> -> vector<10240x128xf32>
    %get3A_16 = arith.constant 0 : index
    %get3A_17 = arith.constant 0 : index
    %get3A_18 = vector.load %arg3[%get3A_16, %get3A_17] : memref<10240x16xf32, #tpu.memory_space<vmem>>, vector<10240x1xf32>
    %max3A = arith.constant 1.000000e+00 : f32
    %max3A_19 = vector.broadcast %max3A : f32 to vector<10240x1xf32>
    %max3A_20 = arith.maximumf %get3A_18, %max3A_19 : vector<10240x1xf32>
    %div3A = vector.broadcast %max3A_20 : vector<10240x1xf32> to vector<10240x128xf32>
    %div3A_21 = arith.divf %concatenate3A_15, %div3A : vector<10240x128xf32>
    %get3A_22 = arith.constant 0 : index
    %get3A_23 = arith.constant 0 : index
    %get3A_24 = vector.load %arg4[%get3A_22, %get3A_23] : memref<128x128xf32, #tpu.memory_space<vmem>>, vector<128x128xf32>
    %dot_general3A = arith.constant dense<0.000000e+00> : vector<10240x128xf32>
    %dot_general3A_25 = tpu.matmul %concatenate3A, %get3A_24, %dot_general3A {dimension_numbers = #tpu.dot_dimension_numbers<[1], [0], [0], [1], [0, 0, 1, 1], [], []>, transpose_lhs_hint = false} : vector<10240x128xf32>, vector<128x128xf32>, vector<10240x128xf32> -> vector<10240x128xf32>
    %get3A_26 = arith.constant 0 : index
    %get3A_27 = arith.constant 0 : index
    %get3A_28 = vector.load %arg5[%get3A_26, %get3A_27] : memref<128x128xf32, #tpu.memory_space<vmem>>, vector<128x128xf32>
    %dot_general3A_29 = arith.constant dense<0.000000e+00> : vector<10240x128xf32>
    %dot_general3A_30 = tpu.matmul %div3A_21, %get3A_28, %dot_general3A_29 {dimension_numbers = #tpu.dot_dimension_numbers<[1], [0], [0], [1], [0, 0, 1, 1], [], []>, transpose_lhs_hint = false} : vector<10240x128xf32>, vector<128x128xf32>, vector<10240x128xf32> -> vector<10240x128xf32>
    %add3A = arith.addf %dot_general3A_25, %dot_general3A_30 : vector<10240x128xf32>
    %get3A_31 = arith.constant 0 : index
    %get3A_32 = arith.constant 0 : index
    %get3A_33 = vector.load %arg6[%get3A_31, %get3A_32] : memref<1x128xf32, #tpu.memory_space<vmem>>, vector<1x128xf32>
    %add3A_34 = vector.broadcast %get3A_33 : vector<1x128xf32> to vector<10240x128xf32>
    %add3A_35 = arith.addf %add3A, %add3A_34 : vector<10240x128xf32>
    %swap3A = arith.constant 0 : index
    %swap3A_36 = arith.constant 0 : index
    %swap3A_37 = vector.load %arg8[%swap3A, %swap3A_36] : memref<10240x128xf32, #tpu.memory_space<vmem>>, vector<10240x128xf32>
    tpu.vector_store %arg8[%swap3A, %swap3A_36], %add3A_35 {strides = array<i32>} : memref<10240x128xf32, #tpu.memory_space<vmem>>, vector<10240x128xf32>,
    %get3A_38 = arith.constant 0 : index
    %get3A_39 = arith.constant 0 : index
    %get3A_40 = vector.load %arg7[%get3A_38, %get3A_39] : memref<4096x128xf32, #tpu.memory_space<vmem>>, vector<4096x128xf32>
    %mul3A = arith.mulf %get3A_40, %get3A_40 : vector<4096x128xf32>
    %reduce_sum3A = arith.constant dense<0.000000e+00> : vector<4096xf32>
    %reduce_sum3A_41 = vector.multi_reduction <add>, %mul3A, %reduce_sum3A [1] : vector<4096x128xf32> to vector<4096xf32>
    %broadcast_in_dim3A = vector.shape_cast %reduce_sum3A_41 : vector<4096xf32> to vector<4096x1xf32>
    %sqrt3A = math.sqrt %broadcast_in_dim3A : vector<4096x1xf32>
    %max3A_42 = arith.constant 9.99999996E-13 : f32
    %max3A_43 = vector.broadcast %max3A_42 : f32 to vector<4096x1xf32>
    %max3A_44 = arith.maximumf %sqrt3A, %max3A_43 : vector<4096x1xf32>
    %div3A_45 = arith.constant 1.000000e+00 : f32
    %div3A_46 = vector.broadcast %div3A_45 : f32 to vector<4096x1xf32>
    %div3A_47 = arith.divf %div3A_46, %max3A_44 : vector<4096x1xf32>
    %min3A = arith.constant 1.000000e+00 : f32
    %min3A_48 = vector.broadcast %min3A : f32 to vector<4096x1xf32>
    %min3A_49 = arith.minimumf %min3A_48, %div3A_47 : vector<4096x1xf32>
    %mul3A_50 = vector.broadcast %min3A_49 : vector<4096x1xf32> to vector<4096x128xf32>
    %mul3A_51 = arith.mulf %get3A_40, %mul3A_50 : vector<4096x128xf32>
    %swap3A_52 = arith.constant 0 : index
    %swap3A_53 = arith.constant 0 : index
    %swap3A_54 = vector.load %arg9[%swap3A_52, %swap3A_53] : memref<4096x128xf32, #tpu.memory_space<vmem>>, vector<4096x128xf32>
    tpu.vector_store %arg9[%swap3A_52, %swap3A_53], %mul3A_51 {strides = array<i32>} : memref<4096x128xf32, #tpu.memory_space<vmem>>, vector<4096x128xf32>,
    return
  }
}

</mosaic_0001>

<sc_bundles>
// kernel: kernel.11.cloned.1.call-start
scs
__scs_entry_jumppad:
0x0: {  	(pc) =	sbr.rel $0x88, $3  }
0x1: {  	(tag) =	ssettag $0x0;
	lr =	simm.s32 $0x1  }
0x2: {  	[smem:$0x3F96] =	sst lr;
	_ =	strace $0xD0000000  }
0x3: {  	_ = 	snop  }
0x4: {  	_ = 	snop  }
0x5: {  	_ = 	snop  }
0x6: {  	_ = 	snop  }
0x7: {  	_ = 	snop  }
__scs_overlays_trampoline_lowered:
0x8: {  	[smem:$0x3FA5] =	sst s0  }
0x9: {  	[smem:$0x3FA6] =	sst s1  }
0xa: {  	[smem:$0x3FA7] =	sst s2  }
0xb: {  	[smem:$0x3FA8] =	sst s3  }
0xc: {  	[smem:$0x3FA9] =	sst s4  }
0xd: {  	[smem:$0x3FAA] =	sst s5  }
0xe: {  	[smem:$0x3FAB] =	sst s6  }
0xf: {  	[smem:$0x3FAC] =	sst s7  }
0x10: {  	[smem:$0x3FAD] =	sst s8  }
0x11: {  	[smem:$0x3FAE] =	sst s9;
	s0 =	simm.s32 @!p0 $0x0  }
0x12: {  	s1 =	sld [smem:$0x3F94];
	s0 =	simm.s32 @p0 $0x1  }
0x13: {  	[smem:$0x3FAF] =	sst s0;
	s0 =	simm.s32 @!p1 $0x0  }
0x14: {  	s2 =	sld [smem:$0x3F93];
	s0 =	simm.s32 @p1 $0x1  }
0x15: {  	[smem:$0x3FB0] =	sst s0;
	s0 =	simm.s32 @!p2 $0x0  }
0x16: {  	s3 =	sld [smem:$0x3FDB];
	s0 =	simm.s32 @p2 $0x1  }
0x17: {  	s4 =	simm.s32 $0x1BF5;
	[smem:$0x3FB2] =	sst s0  }
0x18: {  	s0 =	sld [smem:$0x3F95];
	_ =	swait.ge [sflag:s4], $0x0  }
0x19: {  	s7 =	sld [smem:$0x3F96]  }
0x1a: {  	s8 =	sadd.s32 $0xFFFFE003, lr  }
0x1b: {  	s9 =	sadd.s32 $0xFFFFFEF7, lr;
	s5 =	simm.s32 $0xFFFFFFFF;
	p2 =	slt.u32 s8, $0xFFFFF086  }
0x1c: {  	p1 =	slt.u32 s9, $0xF7A;
	s5 =	simm.s32 @!p2 $0x0  }
0x1d: {  	s5 =	simm.s32 @p1 $0x1;
	p0 =	seq.s32 s7, s2  }
0x1e: {  	s7 =	smul.u32 @!p0 $0xF7A, s2;
	p2 =	seq.s32 @!p0 s5, $0x0  }
0x1f: {  	s9 =	smul.u32 $0xF7A, s1;
	s8 =	simm.s32 @!p0 $0x1BF5;
	p2 =	por !p2, p0  }
0x20: {  	[sflag:s8] =	ssyncset.s32 @!p0 $0xFFFFF086;
	s6 =	sadd.s32 @!p0 s3, s7;
	s7 =	simm.s32 @!p0 $0x108  }
0x21: {  	s3 =	sadd.s32 s3, s9;
	s6 =	sadd.s32 @!p0 $0x88, s6;
	s7 =	simm.s32 @p2 $0x1082  }
0x22: {  	[simem:s7], [sflag:s8] =	dma.local @!p0 [hbm:s6], $0xF7A  }
0x23: {  	s9 =	sor.u32 $0xD0000000, s2;
	s6 =	simm.s32 $0x108;
	_ =	swait.ge @!p0 [sflag:s8], $0x0  }
0x24: {  	s3 =	sadd.s32 $0x88, s3;
	s6 =	simm.s32 @!p1 $0x1082;
	[sflag:s4] =	ssyncset.s32 $0xFFFFF086  }
0x25: {  	[simem:s6], [sflag:s4] =	dma.local [hbm:s3], $0xF7A  }
0x26: {  	[smem:$0x3F96] =	sst s1;
	(tag) =	ssettag s2;
	_ =	strace s9  }
0x27: {  	s1 =	sld [smem:$0x3FA6]  }
0x28: {  	s2 =	sld [smem:$0x3FA7]  }
0x29: {  	s4 =	sld [smem:$0x3FA9]  }
0x2a: {  	p0 =	seq.s32 s5, $0x0;
	s5 =	sld [smem:$0x3FAA]  }
0x2b: {  	s6 =	sld [smem:$0x3FAB]  }
0x2c: {  	s7 =	sld [smem:$0x3FAC]  }
0x2d: {  	s3 =	simm.s32 $0x108;
	s8 =	sld [smem:$0x3FAD]  }
0x2e: {  	s3 =	simm.s32 @!p0 $0x1082;
	s9 =	sld [smem:$0x3FAE]  }
0x2f: {  	lr =	sadd.s32 s0, s3;
	s0 =	sld [smem:$0x3FA5]  }
0x30: {  	s3 =	sld [smem:$0x3FA8]  }
0x31: {  	[smem:$0x3FB1] =	sst s10  }
0x32: {  	s10 =	sld [smem:$0x3FAF];
	_ =	sdelay $0x3  }
0x33: {  	p0 =	seq.s32 s10, $0x1;
	s10 =	sld [smem:$0x3FB1];
	_ =	sdelay $0x3  }
0x34: {  	[smem:$0x3FB1] =	sst s10  }
0x35: {  	s10 =	sld [smem:$0x3FB0];
	_ =	sdelay $0x3  }
0x36: {  	p1 =	seq.s32 s10, $0x1;
	s10 =	sld [smem:$0x3FB1];
	_ =	sdelay $0x3  }
0x37: {  	[smem:$0x3FB1] =	sst s10  }
0x38: {  	s10 =	sld [smem:$0x3FB2]  }
0x39: {  	_ = 	snop;
	(pc) =	sbr.ind lr, $3  }
0x3a: {  	_ = 	snop  }
0x3b: {  	_ = 	snop  }
0x3c: {  	p2 =	seq.s32 s10, $0x1;
	s10 =	sld [smem:$0x3FB1]  }
0x3d: {  	_ =	shalt  }
0x3e: {  	_ =	shalt  }
0x3f: {  	_ =	shalt  }
0x40: {  	_ =	shalt  }
0x41: {  	_ =	shalt  }
0x42: {  	_ =	shalt  }
0x43: {  	_ =	shalt  }
0x44: {  	_ =	shalt  }
0x45: {  	_ =	shalt  }
0x46: {  	_ =	shalt  }
0x47: {  	_ =	shalt  }
0x48: {  	_ =	shalt  }
0x49: {  	_ =	shalt  }
0x4a: {  	_ =	shalt  }
0x4b: {  	_ =	shalt  }
0x4c: {  	_ =	shalt  }
0x4d: {  	_ =	shalt  }
0x4e: {  	_ =	shalt  }
0x4f: {  	_ =	shalt  }
0x50: {  	_ =	shalt  }
0x51: {  	_ =	shalt  }
0x52: {  	_ =	shalt  }
0x53: {  	_ =	shalt  }
0x54: {  	_ =	shalt  }
0x55: {  	_ =	shalt  }
0x56: {  	_ =	shalt  }
0x57: {  	_ =	shalt  }
0x58: {  	_ =	shalt  }
0x59: {  	_ =	shalt  }
0x5a: {  	_ =	shalt  }
0x5b: {  	_ =	shalt  }
0x5c: {  	_ =	shalt  }
0x5d: {  	_ =	shalt  }
0x5e: {  	_ =	shalt  }
0x5f: {  	_ =	shalt  }
0x60: {  	_ =	shalt  }
0x61: {  	_ =	shalt  }
0x62: {  	_ =	shalt  }
0x63: {  	_ =	shalt  }
0x64: {  	_ =	shalt  }
0x65: {  	_ =	shalt  }
0x66: {  	_ =	shalt  }
0x67: {  	_ =	shalt  }
0x68: {  	_ =	shalt  }
0x69: {  	_ =	shalt  }
0x6a: {  	_ =	shalt  }
0x6b: {  	_ =	shalt  }
0x6c: {  	_ =	shalt  }
0x6d: {  	_ =	shalt  }
0x6e: {  	_ =	shalt  }
0x6f: {  	_ =	shalt  }
0x70: {  	_ =	shalt  }
0x71: {  	_ =	shalt  }
0x72: {  	_ =	shalt  }
0x73: {  	_ =	shalt  }
0x74: {  	_ =	shalt  }
0x75: {  	_ =	shalt  }
0x76: {  	_ =	shalt  }
0x77: {  	_ =	shalt  }
0x78: {  	_ =	shalt  }
0x79: {  	_ =	shalt  }
0x7a: {  	_ =	shalt  }
0x7b: {  	_ =	shalt  }
0x7c: {  	_ =	shalt  }
0x7d: {  	_ =	shalt  }
0x7e: {  	_ =	shalt  }
0x7f: {  	_ =	shalt  }
0x80: {  	_ =	shalt  }
0x81: {  	_ =	shalt  }
0x82: {  	_ =	shalt  }
0x83: {  	_ =	shalt  }
0x84: {  	_ =	shalt  }
0x85: {  	_ =	shalt  }
0x86: {  	_ =	shalt  }
0x87: {  	_ =	shalt  }
.Lfunc_end0:
.L_simem_size_0:
called_computation.1_lowered:
.L_overlay_start_0:
0x88: {  	s2 =	sld [smem:$0x3FD9]  }
0x89: {  	s3 =	sld [smem:$0x3FFE];
	_ =	sdelay $0x1  }
0x8a: {  	s1 =	srdreg.scid  }
0x8b: {  	s0 =	sand.u32 $0x1, s1  }
0x8c: {  	s16 =	sshll.u32 s0, $0xA;
	s2 =	sadd.s32 s3, s2  }
0x8d: {  	s2 =	sadd.s32 s2, s16  }
0x8e: {  	[smem:$0x3FBD] =	sst s2  }
0x8f: {  	_ = 	snop  }
0x90: {  	(tm) =	ssettm $0x1  }
0x91: {  	s17 =	sld [smem:$0x3FFB];
	_ =	sdelay $0x3  }
0x92: {  	_ =	strace s17  }
0x93: {  	s2 =	sld [smem:$0x3FFC];
	_ =	sdelay $0x3  }
0x94: {  	_ =	strace s2  }
0x95: {  	s2 =	sld [smem:$0x3FFD];
	_ =	sdelay $0x3  }
0x96: {  	_ =	strace s2  }
0x97: {  	_ =	strace $0x8FFFFFFF  }
0x98: {  	s18 =	sld [smem:$0x3FDB];
	_ =	sdelay $0x1  }
0x99: {  	s19 =	simm.s32 $_scs_section_size  }
0x9a: {  	s4 =	simm.s32 $_size__tile_overlayer_lowered;
	s5 =	simm.s32 $_tile_overlayer_lowered  }
0x9b: {  	s22 =	simm.s32 $0x1BFF;
	s21 =	sshll.u32 s5, $0x1;
	s2 =	sadd.s32 s19, s18  }
0x9c: {  	s6 =	simm.s32 $0x0;
	s20 =	sshll.u32 s4, $0x1;
	s4 =	sadd.s32 s21, s2  }
0x9d: {  	[timem:s6], [sflag:s22] =	dma.local [hbm:s4], s20  }
0x9e: {  	_ =	swait.ge [sflag:s22], s20  }
0x9f: {  	s3 =	ssub.s32 $0x0, s20;
	[sflag:s22] =	ssyncset.done $0x0  }
0xa0: {  	[sflag:s22] =	ssyncadd.s32 s3;
	_ =	sdelay $0x1  }
0xa1: {  	s23 =	simm.s32 $0x1B8B  }
0xa2: {  	_ =	swait.ge [sflag:s23], $0x1  }
0xa3: {  	[sflag:s23] =	ssyncset.done $0x0  }
0xa4: {  	s25 =	simm.s32 $0x1B8E;
	s24 =	sld [smem:$0x3FFE];
	[sflag:s23] =	ssyncadd.s32 $0xFFFFFFFF  }
0xa5: {  	s26 =	simm.s32 $execute0_lowered;
	[smem:$0x3FD2] =	sst s25  }
0xa6: {  	s4 =	sshll.u32 s26, $0x1;
	_ =	strace $0x80000049;
	[dreg:$0x1] =	wrdreg $0xFFFFFFFF  }
0xa7: {  	s28 =	simm.s32 $_size_execute0_lowered;
	s2 =	sadd.s32 s2, s4;
	[dreg:$0x0] =	wrdreg $0x0  }
0xa8: {  	s4 =	sshll.u32 s28, $0x1;
	[dreg:$0x2] =	wrdreg s2  }
0xa9: {  	[dreg:$0x3] =	wrdreg s4  }
0xaa: {  	[dreg:$0x4] =	wrdreg $0xC0  }
0xab: {  	_ =	task [dreg:s6], $0x5FFFF  }
0xac: {  	[dreg:$0x1] =	wrdreg $0xFFFFFFFF  }
0xad: {  	[dreg:$0x0] =	wrdreg $0x60  }
0xae: {  	[dreg:$0x2] =	wrdreg s24  }
0xaf: {  	[dreg:$0x3] =	wrdreg $0x41000  }
0xb0: {  	[dreg:$0x4] =	wrdreg $0x9  }
0xb1: {  	_ =	task.clear_ibuf [dreg:s6], $0x5FFFF;
	_ =	strace $0x90000049  }
0xb2: {  	s29 =	simm.s32 $0x9;
	_ =	strace $0x8000004B  }
0xb3: {  	_ =	swait.ge [sflag:s29], $0x1  }
0xb4: {  	[sflag:s29] =	ssyncadd.s32 $0xFFFFFFFF  }
0xb5: {  	_ =	strace $0x9000004B  }
0xb6: {  	_ =	sfence  }
0xb7: {  	s30 =	sld [smem:$0x0];
	_ =	sdelay $0x2  }
0xb8: {  	s31 =	sshll.u32 s1, $0xD;
	s1 =	sshrl.u32 s1, $0x2  }
0xb9: {  	s3 =	sand.u32 $0x4000, s31;
	s1 =	sadd.s32 s1, s30  }
0xba: {  	s0 =	sor.u32 s3, s0;
	s1 =	sshll.u32 s1, $0x11  }
0xbb: {  	s0 =	sor.u32 s1, s0  }
0xbc: {  	s0 =	sadd.s32 $0x8F2B, s0  }
0xbd: {  	[sflag:s0] =	ssyncadd.remote.s32 $0x1  }
0xbe: {  	_ =	sfence.sel $0xFFFF  }
0xbf: {  	[dreg:$0x0] =	wrdreg $0xFFFFFFFF;
	(pc) =	sbr.abs _section_cstart, $3  }
0xc0: {  	[dreg:$0x1] =	wrdreg $0xFFFFFFFF  }
0xc1: {  	_ =	task.clear_ibuf [dreg:s6], $0x2FFFF;
	_ =	strace $0x9FFFFFFF  }
0xc2: {  	(tm) =	ssettm $0x7FFFFFFF  }
0xc3: {  	_ =	shalt  }
tec
execute0_lowered:
.L_overlay_start_1:
0x0: {  	(tag) =	ssettag $0x1  }
0x1: {  	s6 =	rddreg [dreg:$0x0]  }
0x2: {  	s1 =	rddreg [dreg:$0x1]  }
0x3: {  	s0 =	rddreg [dreg:$0x2]  }
0x4: {  	s3 =	simm.s32 $0x0;
	s2 =	srdreg.scid;
	s15 =	simm.s32 $0x2100  }
0x5: {  	s16 =	simm.s32 $0x2;
	s17 =	simm.s32 $0x80;
	s18 =	simm.s32 $0x100  }
0x6: {  	s19 =	simm.s32 $0x1;
	[smem:$0x7FF] =	sst s3;
	s7 =	sand.u32 $0x1, s2  }
0x7: {  	s21 =	simm.s32 $0x0;
	s2 =	stileid.u32;
	s8 =	smul.u32 $0xA0000, s7  }
0x8: {  	s4 =	sadd.s32 $0x7C800, s6;
	s5 =	sadd.s32 $0x90800, s6;
	s9 =	smul.u32 $0xA000, s2  }
0x9: {  	_ =	strace $0x8000004A;
	s10 =	smul.u32 $0xA00, s2;
	s11 =	ssub.s32 $0x2, s7  }
0xa: {  	s12 =	smul.u32 $0x28000, s2;
	p0 =	seq.s32 s7, $0x1;
	s30 =	sshrl.u32 s11, $0x1  }
0xb: {  	s8 =	sadd.s32 s9, s8;
	s14 =	sadd.s32 s10, s6;
	s10 =	ssub.s32 s11, s30  }
.Ltmp0:
0xc: {  	s31 =	sshrl.u32 s12, $0x2;
	s20 =	sadd.s32 s9, s1;
	(pc) =	sbr.rel .LBB2_1-.Ltmp0, $4  }
0xd: {  	s8 =	sshrl.u32 s8, $0x3;
	s13 =	sadd.s32 $0x3800, s14;
	s14 =	sadd.s32 $0xD800, s14  }
0xe: {  	s20 =	sshrl.u32 s20, $0x3;
	s8 =	sadd.s32 s8, s6;
	s6 =	sadd.s32 s31, s1  }
0xf: {  	s7 =	sadd.s32 $0xCC800, s8;
	s8 =	smax.u32 s10, $0x1;
	s9 =	sadd.s32 $0x2000, s6  }
0x10: {  	v0 =	vimm.f32 $0.0e+00;
	s10 =	sadd.s32 $0x4000, s6;
	s11 =	sadd.s32 $0x6000, s6;
	s12 =	sadd.s32 $0x8000, s6  }
.LBB2_6:
0x11: {  	s23 =	sadd.s32 s22, s14;
	[sflag:s16] =	ssyncadd.s32 $0xFFFFE000  }
0x12: {  	[tilespmem:s3], [sflag:$0x2] =	stream.linear.gather [hbm4b:s23+s3], $0x80, $0x38;
	[tilespmem:$0xE100] =	vst v63  }
0x13: {  	_ =	swait.ge [sflag:s16], $0x80  }
0x14: {  	[sflag:s16] =	ssyncset.done $0x0  }
0x15: {  	s31 =	sadd.s32 s22, s13;
	[sflag:s16] =	ssyncadd.s32 $0xFFFFFF80  }
0x16: {  	[tilespmem:s17], [sflag:$0x2] =	stream.linear.gather [hbm4b:s31+s3], $0x80, $0x38;
	[tilespmem:$0xE100] =	vst v63  }
0x17: {  	_ =	swait.ge [sflag:s16], $0x80  }
0x18: {  	[sflag:s16] =	ssyncset.done $0x0  }
0x19: {  	[sflag:s16] =	ssyncadd.s32 $0xFFFFFF80  }
0x1a: {  	[tilespmem:s18], [sflag:$0x1] =	stream.indirect.gather [hbm4b:s4+s17], $0x40, s3, s17, $0xb8;
	[tilespmem:$0xE100] =	vst v63  }
0x1b: {  	_ =	swait.ge [sflag:s19], $0x2000  }
0x1c: {  	[sflag:s19] =	ssyncset.done $0x0  }
0x1d: {  	[sflag:s19] =	ssyncadd.s32 $0xFFFFE000  }
0x1e: {  	[spmem:s1] =	stream.indirect.scatter.add.f32 [tilespmem:s18], [sflag:$0x2], $0x40, s17, s17, $0xb8;
	[tilespmem:$0xE100] =	vst v63  }
0x1f: {  	_ =	swait.ge [sflag:s16], $0x2000  }
0x20: {  	[sflag:s16] =	ssyncset.done $0x0  }
0x21: {  	[sflag:s16] =	ssyncadd.s32 $0xFFFFE000  }
.LBB2_10:
0x22: {  	s21 =	sadd.s32 $0x1, s21  }
0x23: {  	s22 =	sshll.u32 s2, $0x6;
	p1 =	sne.s32 s21, s8  }
.Ltmp1:
0x24: {  	[bflag:$0x0] =	sbarrier.arrive $0xFFFF;
	s22 =	sor.u32 $0x1C02, s22;
	(pc) =	sbr.rel @!p1 .LBB2_11-.Ltmp1, $4  }
0x25: {  	[hbm:s7], [sflag:s22] =	dma.local [spmem:s20], $0x1400  }
0x26: {  	_ =	swait.ge [sflag:s16], $0x1400  }
0x27: {  	[sflag:s16] =	ssyncset.done $0x0  }
0x28: {  	[sflag:s16] =	ssyncadd.s32 $0xFFFFEC00  }
.LBB2_1:
0x29: {  	s23 =	simm.s32 $0x100;
	s22 =	simm.s32 $0x0  }
.LBB2_2:
0x2a: {  	p1 =	sne.s32 s23, $0x7F00;
	[tilespmem:s22+$0x2130] =	vst v0;
	s24 =	smov.u32 s23;
	s23 =	sadd.s32 $0x100, s23  }
.Ltmp2:
0x2b: {  	[tilespmem:s22+$0x2120] =	vst v0;
	(pc) =	sbr.rel @p1 .LBB2_2-.Ltmp2, $3  }
0x2c: {  	[tilespmem:s22+$0x2100] =	vst v0  }
0x2d: {  	[tilespmem:s22+$0x2110] =	vst v0;
	_ =	sdelay $0x1  }
0x2e: {  	s22 =	sshra.s32 s24, $0x2  }
0x2f: {  	[tilespmem:s22+$0x2130] =	vst v0  }
0x30: {  	[tilespmem:s22+$0x2120] =	vst v0  }
0x31: {  	[tilespmem:s22+$0x2100] =	vst v0  }
0x32: {  	[tilespmem:s22+$0x2110] =	vst v0  }
0x33: {  	[spmem:s6] =	stream.linear.scatter [tilespmem:s15], [sflag:$0x2], $0x2000, $0x38;
	[tilespmem:$0xE100] =	vst v63  }
0x34: {  	_ =	swait.ge [sflag:s16], $0x2000  }
0x35: {  	[sflag:s16] =	ssyncset.done $0x0  }
0x36: {  	[sflag:s16] =	ssyncadd.s32 $0xFFFFE000  }
0x37: {  	[spmem:s9] =	stream.linear.scatter [tilespmem:s15], [sflag:$0x2], $0x2000, $0x38;
	[tilespmem:$0xE100] =	vst v63  }
0x38: {  	_ =	swait.ge [sflag:s16], $0x2000  }
0x39: {  	[sflag:s16] =	ssyncset.done $0x0  }
0x3a: {  	[sflag:s16] =	ssyncadd.s32 $0xFFFFE000  }
0x3b: {  	[spmem:s10] =	stream.linear.scatter [tilespmem:s15], [sflag:$0x2], $0x2000, $0x38;
	[tilespmem:$0xE100] =	vst v63  }
0x3c: {  	_ =	swait.ge [sflag:s16], $0x2000  }
0x3d: {  	[sflag:s16] =	ssyncset.done $0x0  }
0x3e: {  	[sflag:s16] =	ssyncadd.s32 $0xFFFFE000  }
0x3f: {  	[spmem:s11] =	stream.linear.scatter [tilespmem:s15], [sflag:$0x2], $0x2000, $0x38;
	[tilespmem:$0xE100] =	vst v63  }
0x40: {  	_ =	swait.ge [sflag:s16], $0x2000  }
0x41: {  	[sflag:s16] =	ssyncset.done $0x0  }
0x42: {  	[sflag:s16] =	ssyncadd.s32 $0xFFFFE000  }
0x43: {  	[spmem:s12] =	stream.linear.scatter [tilespmem:s15], [sflag:$0x2], $0x2000, $0x38;
	[tilespmem:$0xE100] =	vst v63  }
.Ltmp3:
0x44: {  	_ =	swait.ge [sflag:s16], $0x2000;
	(pc) =	sbr.rel @!p0 .LBB2_4-.Ltmp3, $4  }
0x45: {  	[sflag:s16] =	ssyncset.done $0x0  }
0x46: {  	[sflag:s16] =	ssyncadd.s32 $0xFFFFE000  }
0x47: {  	[bflag:$0x0] =	sbarrier.arrive $0xFFFF  }
0x48: {  	s22 =	sadd.s32 $0x0, s14  }
0x49: {  	[tilespmem:s3], [sflag:$0x2] =	stream.linear.gather [hbm4b:s22+s3], $0x80, $0x38;
	[tilespmem:$0xE100] =	vst v63  }
0x4a: {  	_ =	swait.ge [sflag:s16], $0x80  }
0x4b: {  	[sflag:s16] =	ssyncset.done $0x0  }
0x4c: {  	s31 =	sadd.s32 $0x0, s13;
	[sflag:s16] =	ssyncadd.s32 $0xFFFFFF80  }
0x4d: {  	[tilespmem:s17], [sflag:$0x2] =	stream.linear.gather [hbm4b:s31+s3], $0x80, $0x38;
	[tilespmem:$0xE100] =	vst v63  }
0x4e: {  	_ =	swait.ge [sflag:s16], $0x80  }
0x4f: {  	[sflag:s16] =	ssyncset.done $0x0  }
0x50: {  	[sflag:s16] =	ssyncadd.s32 $0xFFFFFF80  }
0x51: {  	[tilespmem:s18], [sflag:$0x1] =	stream.indirect.gather [hbm4b:s5+s17], $0x40, s3, s17, $0xb8;
	[tilespmem:$0xE100] =	vst v63  }
0x52: {  	_ =	swait.ge [sflag:s19], $0x2000  }
0x53: {  	[sflag:s19] =	ssyncset.done $0x0  }
0x54: {  	[sflag:s19] =	ssyncadd.s32 $0xFFFFE000  }
0x55: {  	[spmem:s1] =	stream.indirect.scatter.add.f32 [tilespmem:s18], [sflag:$0x2], $0x40, s17, s17, $0xb8;
	[tilespmem:$0xE100] =	vst v63  }
0x56: {  	_ =	swait.ge [sflag:s16], $0x2000  }
0x57: {  	s22 =	simm.s32 $0x10;
	s23 =	simm.s32 $0x20;
	[sflag:s16] =	ssyncset.done $0x0  }
.LBB2_8:
0x58: {  	s24 =	sadd.s32 s22, s14  }
0x59: {  	[sflag:s16] =	ssyncadd.s32 $0xFFFFE000;
	s25 =	smov.u32 s23;
	s26 =	sadd.s32 $0x10, s23  }
0x5a: {  	[tilespmem:s3], [sflag:$0x2] =	stream.linear.gather [hbm4b:s24+s3], $0x80, $0x38;
	[tilespmem:$0xE100] =	vst v63  }
0x5b: {  	p1 =	sne.s32 s23, $0x9F0;
	_ =	swait.ge [sflag:s16], $0x80  }
0x5c: {  	[sflag:s16] =	ssyncset.done $0x0  }
0x5d: {  	s23 =	sadd.s32 s22, s13;
	s22 =	smov.u32 s25;
	[sflag:s16] =	ssyncadd.s32 $0xFFFFFF80  }
0x5e: {  	[tilespmem:s17], [sflag:$0x2] =	stream.linear.gather [hbm4b:s23+s3], $0x80, $0x38;
	[tilespmem:$0xE100] =	vst v63  }
0x5f: {  	_ =	swait.ge [sflag:s16], $0x80  }
0x60: {  	[sflag:s16] =	ssyncset.done $0x0  }
0x61: {  	[sflag:s16] =	ssyncadd.s32 $0xFFFFFF80  }
0x62: {  	[tilespmem:s18], [sflag:$0x1] =	stream.indirect.gather [hbm4b:s5+s17], $0x40, s3, s17, $0xb8;
	[tilespmem:$0xE100] =	vst v63  }
0x63: {  	_ =	swait.ge [sflag:s19], $0x2000  }
.Ltmp4:
0x64: {  	[sflag:s19] =	ssyncset.done $0x0;
	(pc) =	sbr.rel @p1 .LBB2_8-.Ltmp4, $4  }
0x65: {  	[sflag:s19] =	ssyncadd.s32 $0xFFFFE000  }
0x66: {  	[spmem:s1] =	stream.indirect.scatter.add.f32 [tilespmem:s18], [sflag:$0x2], $0x40, s17, s17, $0xb8;
	[tilespmem:$0xE100] =	vst v63  }
0x67: {  	_ =	swait.ge [sflag:s16], $0x2000  }
0x68: {  	s23 =	smov.u32 s26;
	[sflag:s16] =	ssyncset.done $0x0  }
0x69: {  	s23 =	sadd.s32 s22, s14;
	[sflag:s16] =	ssyncadd.s32 $0xFFFFE000  }
0x6a: {  	[tilespmem:s3], [sflag:$0x2] =	stream.linear.gather [hbm4b:s23+s3], $0x80, $0x38;
	[tilespmem:$0xE100] =	vst v63  }
0x6b: {  	_ =	swait.ge [sflag:s16], $0x80  }
0x6c: {  	[sflag:s16] =	ssyncset.done $0x0  }
0x6d: {  	s31 =	sadd.s32 s22, s13;
	[sflag:s16] =	ssyncadd.s32 $0xFFFFFF80  }
0x6e: {  	[tilespmem:s17], [sflag:$0x2] =	stream.linear.gather [hbm4b:s31+s3], $0x80, $0x38;
	[tilespmem:$0xE100] =	vst v63  }
0x6f: {  	_ =	swait.ge [sflag:s16], $0x80  }
0x70: {  	[sflag:s16] =	ssyncset.done $0x0  }
0x71: {  	[sflag:s16] =	ssyncadd.s32 $0xFFFFFF80  }
0x72: {  	[tilespmem:s18], [sflag:$0x1] =	stream.indirect.gather [hbm4b:s5+s17], $0x40, s3, s17, $0xb8;
	[tilespmem:$0xE100] =	vst v63  }
0x73: {  	_ =	swait.ge [sflag:s19], $0x2000  }
0x74: {  	[sflag:s19] =	ssyncset.done $0x0  }
.Ltmp5:
0x75: {  	[sflag:s19] =	ssyncadd.s32 $0xFFFFE000;
	(pc) =	sbr.rel .LBB2_10-.Ltmp5, $4  }
0x76: {  	[spmem:s1] =	stream.indirect.scatter.add.f32 [tilespmem:s18], [sflag:$0x2], $0x40, s17, s17, $0xb8;
	[tilespmem:$0xE100] =	vst v63  }
0x77: {  	_ =	swait.ge [sflag:s16], $0x2000  }
0x78: {  	[sflag:s16] =	ssyncset.done $0x0  }
0x79: {  	[sflag:s16] =	ssyncadd.s32 $0xFFFFE000  }
.LBB2_4:
0x7a: {  	[tilespmem:s3], [sflag:$0x2] =	stream.linear.gather [hbm4b:s22+s3], $0x80, $0x38;
	[tilespmem:$0xE100] =	vst v63  }
0x7b: {  	_ =	swait.ge [sflag:s16], $0x80  }
0x7c: {  	[sflag:s16] =	ssyncset.done $0x0  }
0x7d: {  	s31 =	sadd.s32 $0x0, s13;
	[sflag:s16] =	ssyncadd.s32 $0xFFFFFF80  }
0x7e: {  	[tilespmem:s17], [sflag:$0x2] =	stream.linear.gather [hbm4b:s31+s3], $0x80, $0x38;
	[tilespmem:$0xE100] =	vst v63  }
0x7f: {  	_ =	swait.ge [sflag:s16], $0x80  }
0x80: {  	[sflag:s16] =	ssyncset.done $0x0  }
0x81: {  	[sflag:s16] =	ssyncadd.s32 $0xFFFFFF80  }
0x82: {  	[tilespmem:s18], [sflag:$0x1] =	stream.indirect.gather [hbm4b:s4+s17], $0x40, s3, s17, $0xb8;
	[tilespmem:$0xE100] =	vst v63  }
0x83: {  	_ =	swait.ge [sflag:s19], $0x2000  }
0x84: {  	[sflag:s19] =	ssyncset.done $0x0  }
0x85: {  	[sflag:s19] =	ssyncadd.s32 $0xFFFFE000  }
0x86: {  	[spmem:s1] =	stream.indirect.scatter.add.f32 [tilespmem:s18], [sflag:$0x2], $0x40, s17, s17, $0xb8;
	[tilespmem:$0xE100] =	vst v63  }
0x87: {  	_ =	swait.ge [sflag:s16], $0x2000  }
0x88: {  	s22 =	simm.s32 $0x10;
	s23 =	simm.s32 $0x20;
	[sflag:s16] =	ssyncset.done $0x0  }
.LBB2_5:
0x89: {  	s24 =	sadd.s32 s22, s14  }
0x8a: {  	[sflag:s16] =	ssyncadd.s32 $0xFFFFE000;
	s25 =	smov.u32 s23;
	s26 =	sadd.s32 $0x10, s23  }
0x8b: {  	[tilespmem:s3], [sflag:$0x2] =	stream.linear.gather [hbm4b:s24+s3], $0x80, $0x38;
	[tilespmem:$0xE100] =	vst v63  }
0x8c: {  	p1 =	seq.s32 s23, $0x9F0;
	_ =	swait.ge [sflag:s16], $0x80  }
0x8d: {  	[sflag:s16] =	ssyncset.done $0x0  }
0x8e: {  	s23 =	sadd.s32 s22, s13;
	s22 =	smov.u32 s25;
	[sflag:s16] =	ssyncadd.s32 $0xFFFFFF80  }
0x8f: {  	[tilespmem:s17], [sflag:$0x2] =	stream.linear.gather [hbm4b:s23+s3], $0x80, $0x38;
	[tilespmem:$0xE100] =	vst v63  }
0x90: {  	_ =	swait.ge [sflag:s16], $0x80  }
0x91: {  	[sflag:s16] =	ssyncset.done $0x0  }
0x92: {  	[sflag:s16] =	ssyncadd.s32 $0xFFFFFF80  }
0x93: {  	[tilespmem:s18], [sflag:$0x1] =	stream.indirect.gather [hbm4b:s4+s17], $0x40, s3, s17, $0xb8;
	[tilespmem:$0xE100] =	vst v63  }
0x94: {  	_ =	swait.ge [sflag:s19], $0x2000  }
.Ltmp6:
0x95: {  	[sflag:s19] =	ssyncset.done $0x0;
	(pc) =	sbr.rel @!p1 .LBB2_5-.Ltmp6, $4  }
0x96: {  	[sflag:s19] =	ssyncadd.s32 $0xFFFFE000  }
0x97: {  	[spmem:s1] =	stream.indirect.scatter.add.f32 [tilespmem:s18], [sflag:$0x2], $0x40, s17, s17, $0xb8;
	[tilespmem:$0xE100] =	vst v63  }
0x98: {  	_ =	swait.ge [sflag:s16], $0x2000  }
0x99: {  	s23 =	smov.u32 s26;
	[sflag:s16] =	ssyncset.done $0x0  }
.Ltmp7:
0x9a: {  	_ = 	snop;
	(pc) =	sbr.rel .LBB2_6-.Ltmp7, $1  }
0x9b: {  	_ =	sdelay $0x3  }
.LBB2_11:
0x9c: {  	_ =	sfence.sel $0x180000  }
0x9d: {  	[bflag:$0x0] =	sbarrier.arrive $0xFFFF  }
0x9e: {  	p0 =	sne.s32 s2, $0x0;
	_ =	strace $0x9000004A  }
0x9f: {  	s0 =	sadd.s32 @!p0 $0x100000, s0;
	[bflag:$0x2] =	sbarrier.arrive $0xFFFF  }
0xa0: {  	[sflag:s0] =	ssyncadd.tile.s32 @!p0 $0x1;
	_ =	shalt  }
.Lfunc_end2:
_tile_overlayer_lowered:
.L_overlay_start_2:
0xa1: {  	(tag) =	ssettag $0x2  }
0xa2: {  	s0 =	rddreg [dreg:$0x0];
	s2 =	stileid.u32  }
0xa3: {  	s1 =	rddreg [dreg:$0x1];
	p0 =	sne.s32 s2, $0x0  }
0xa4: {  	s3 =	rddreg [dreg:$0x2];
	[bflag:$0x3] =	sbarrier.arrive $0xFFFF;
	s2 =	simm.s32 @!p0 $0x1C02  }
0xa5: {  	[timem:s3], [sflag:s2] =	dma.local @!p0 [hbm:s0], s1  }
0xa6: {  	s0 =	simm.s32 @!p0 $0x2  }
0xa7: {  	_ =	swait.ge @!p0 [sflag:s0], s1  }
0xa8: {  	s1 =	ssub.s32 @!p0 $0x0, s1;
	[sflag:s0] =	ssyncset.done @!p0 $0x0  }
0xa9: {  	[sflag:s0] =	ssyncadd.s32 @!p0 s1  }
0xaa: {  	[bflag:$0x3] =	sbarrier.arrive $0xFFFF  }
0xab: {  	_ =	shalt  }

// kernel: kernel.14.cloned.1.call-start
scs
__scs_entry_jumppad:
0x0: {  	(pc) =	sbr.rel $0x88, $3  }
0x1: {  	(tag) =	ssettag $0x0;
	lr =	simm.s32 $0x1  }
0x2: {  	[smem:$0x3F96] =	sst lr;
	_ =	strace $0xD0000000  }
0x3: {  	_ = 	snop  }
0x4: {  	_ = 	snop  }
0x5: {  	_ = 	snop  }
0x6: {  	_ = 	snop  }
0x7: {  	_ = 	snop  }
__scs_overlays_trampoline_lowered:
0x8: {  	[smem:$0x3FA5] =	sst s0  }
0x9: {  	[smem:$0x3FA6] =	sst s1  }
0xa: {  	[smem:$0x3FA7] =	sst s2  }
0xb: {  	[smem:$0x3FA8] =	sst s3  }
0xc: {  	[smem:$0x3FA9] =	sst s4  }
0xd: {  	[smem:$0x3FAA] =	sst s5  }
0xe: {  	[smem:$0x3FAB] =	sst s6  }
0xf: {  	[smem:$0x3FAC] =	sst s7  }
0x10: {  	[smem:$0x3FAD] =	sst s8  }
0x11: {  	[smem:$0x3FAE] =	sst s9;
	s0 =	simm.s32 @!p0 $0x0  }
0x12: {  	s1 =	sld [smem:$0x3F94];
	s0 =	simm.s32 @p0 $0x1  }
0x13: {  	[smem:$0x3FAF] =	sst s0;
	s0 =	simm.s32 @!p1 $0x0  }
0x14: {  	s2 =	sld [smem:$0x3F93];
	s0 =	simm.s32 @p1 $0x1  }
0x15: {  	[smem:$0x3FB0] =	sst s0;
	s0 =	simm.s32 @!p2 $0x0  }
0x16: {  	s3 =	sld [smem:$0x3FDB];
	s0 =	simm.s32 @p2 $0x1  }
0x17: {  	s4 =	simm.s32 $0x1BF5;
	[smem:$0x3FB2] =	sst s0  }
0x18: {  	s0 =	sld [smem:$0x3F95];
	_ =	swait.ge [sflag:s4], $0x0  }
0x19: {  	s7 =	sld [smem:$0x3F96]  }
0x1a: {  	s8 =	sadd.s32 $0xFFFFE003, lr  }
0x1b: {  	s9 =	sadd.s32 $0xFFFFFEF7, lr;
	s5 =	simm.s32 $0xFFFFFFFF;
	p2 =	slt.u32 s8, $0xFFFFF086  }
0x1c: {  	p1 =	slt.u32 s9, $0xF7A;
	s5 =	simm.s32 @!p2 $0x0  }
0x1d: {  	s5 =	simm.s32 @p1 $0x1;
	p0 =	seq.s32 s7, s2  }
0x1e: {  	s7 =	smul.u32 @!p0 $0xF7A, s2;
	p2 =	seq.s32 @!p0 s5, $0x0  }
0x1f: {  	s9 =	smul.u32 $0xF7A, s1;
	s8 =	simm.s32 @!p0 $0x1BF5;
	p2 =	por !p2, p0  }
0x20: {  	[sflag:s8] =	ssyncset.s32 @!p0 $0xFFFFF086;
	s6 =	sadd.s32 @!p0 s3, s7;
	s7 =	simm.s32 @!p0 $0x108  }
0x21: {  	s3 =	sadd.s32 s3, s9;
	s6 =	sadd.s32 @!p0 $0x88, s6;
	s7 =	simm.s32 @p2 $0x1082  }
0x22: {  	[simem:s7], [sflag:s8] =	dma.local @!p0 [hbm:s6], $0xF7A  }
0x23: {  	s9 =	sor.u32 $0xD0000000, s2;
	s6 =	simm.s32 $0x108;
	_ =	swait.ge @!p0 [sflag:s8], $0x0  }
0x24: {  	s3 =	sadd.s32 $0x88, s3;
	s6 =	simm.s32 @!p1 $0x1082;
	[sflag:s4] =	ssyncset.s32 $0xFFFFF086  }
0x25: {  	[simem:s6], [sflag:s4] =	dma.local [hbm:s3], $0xF7A  }
0x26: {  	[smem:$0x3F96] =	sst s1;
	(tag) =	ssettag s2;
	_ =	strace s9  }
0x27: {  	s1 =	sld [smem:$0x3FA6]  }
0x28: {  	s2 =	sld [smem:$0x3FA7]  }
0x29: {  	s4 =	sld [smem:$0x3FA9]  }
0x2a: {  	p0 =	seq.s32 s5, $0x0;
	s5 =	sld [smem:$0x3FAA]  }
0x2b: {  	s6 =	sld [smem:$0x3FAB]  }
0x2c: {  	s7 =	sld [smem:$0x3FAC]  }
0x2d: {  	s3 =	simm.s32 $0x108;
	s8 =	sld [smem:$0x3FAD]  }
0x2e: {  	s3 =	simm.s32 @!p0 $0x1082;
	s9 =	sld [smem:$0x3FAE]  }
0x2f: {  	lr =	sadd.s32 s0, s3;
	s0 =	sld [smem:$0x3FA5]  }
0x30: {  	s3 =	sld [smem:$0x3FA8]  }
0x31: {  	[smem:$0x3FB1] =	sst s10  }
0x32: {  	s10 =	sld [smem:$0x3FAF];
	_ =	sdelay $0x3  }
0x33: {  	p0 =	seq.s32 s10, $0x1;
	s10 =	sld [smem:$0x3FB1];
	_ =	sdelay $0x3  }
0x34: {  	[smem:$0x3FB1] =	sst s10  }
0x35: {  	s10 =	sld [smem:$0x3FB0];
	_ =	sdelay $0x3  }
0x36: {  	p1 =	seq.s32 s10, $0x1;
	s10 =	sld [smem:$0x3FB1];
	_ =	sdelay $0x3  }
0x37: {  	[smem:$0x3FB1] =	sst s10  }
0x38: {  	s10 =	sld [smem:$0x3FB2]  }
0x39: {  	_ = 	snop;
	(pc) =	sbr.ind lr, $3  }
0x3a: {  	_ = 	snop  }
0x3b: {  	_ = 	snop  }
0x3c: {  	p2 =	seq.s32 s10, $0x1;
	s10 =	sld [smem:$0x3FB1]  }
0x3d: {  	_ =	shalt  }
0x3e: {  	_ =	shalt  }
0x3f: {  	_ =	shalt  }
0x40: {  	_ =	shalt  }
0x41: {  	_ =	shalt  }
0x42: {  	_ =	shalt  }
0x43: {  	_ =	shalt  }
0x44: {  	_ =	shalt  }
0x45: {  	_ =	shalt  }
0x46: {  	_ =	shalt  }
0x47: {  	_ =	shalt  }
0x48: {  	_ =	shalt  }
0x49: {  	_ =	shalt  }
0x4a: {  	_ =	shalt  }
0x4b: {  	_ =	shalt  }
0x4c: {  	_ =	shalt  }
0x4d: {  	_ =	shalt  }
0x4e: {  	_ =	shalt  }
0x4f: {  	_ =	shalt  }
0x50: {  	_ =	shalt  }
0x51: {  	_ =	shalt  }
0x52: {  	_ =	shalt  }
0x53: {  	_ =	shalt  }
0x54: {  	_ =	shalt  }
0x55: {  	_ =	shalt  }
0x56: {  	_ =	shalt  }
0x57: {  	_ =	shalt  }
0x58: {  	_ =	shalt  }
0x59: {  	_ =	shalt  }
0x5a: {  	_ =	shalt  }
0x5b: {  	_ =	shalt  }
0x5c: {  	_ =	shalt  }
0x5d: {  	_ =	shalt  }
0x5e: {  	_ =	shalt  }
0x5f: {  	_ =	shalt  }
0x60: {  	_ =	shalt  }
0x61: {  	_ =	shalt  }
0x62: {  	_ =	shalt  }
0x63: {  	_ =	shalt  }
0x64: {  	_ =	shalt  }
0x65: {  	_ =	shalt  }
0x66: {  	_ =	shalt  }
0x67: {  	_ =	shalt  }
0x68: {  	_ =	shalt  }
0x69: {  	_ =	shalt  }
0x6a: {  	_ =	shalt  }
0x6b: {  	_ =	shalt  }
0x6c: {  	_ =	shalt  }
0x6d: {  	_ =	shalt  }
0x6e: {  	_ =	shalt  }
0x6f: {  	_ =	shalt  }
0x70: {  	_ =	shalt  }
0x71: {  	_ =	shalt  }
0x72: {  	_ =	shalt  }
0x73: {  	_ =	shalt  }
0x74: {  	_ =	shalt  }
0x75: {  	_ =	shalt  }
0x76: {  	_ =	shalt  }
0x77: {  	_ =	shalt  }
0x78: {  	_ =	shalt  }
0x79: {  	_ =	shalt  }
0x7a: {  	_ =	shalt  }
0x7b: {  	_ =	shalt  }
0x7c: {  	_ =	shalt  }
0x7d: {  	_ =	shalt  }
0x7e: {  	_ =	shalt  }
0x7f: {  	_ =	shalt  }
0x80: {  	_ =	shalt  }
0x81: {  	_ =	shalt  }
0x82: {  	_ =	shalt  }
0x83: {  	_ =	shalt  }
0x84: {  	_ =	shalt  }
0x85: {  	_ =	shalt  }
0x86: {  	_ =	shalt  }
0x87: {  	_ =	shalt  }
.Lfunc_end0:
.L_simem_size_0:
called_computation.2_lowered:
.L_overlay_start_0:
0x88: {  	s2 =	sld [smem:$0x3FD9]  }
0x89: {  	s3 =	sld [smem:$0x3FFE];
	_ =	sdelay $0x1  }
0x8a: {  	s1 =	srdreg.scid  }
0x8b: {  	s0 =	sand.u32 $0x1, s1  }
0x8c: {  	s17 =	sshll.u32 s0, $0xA;
	s2 =	sadd.s32 s3, s2  }
0x8d: {  	s2 =	sadd.s32 s2, s17  }
0x8e: {  	[smem:$0x3FBD] =	sst s2  }
0x8f: {  	_ = 	snop  }
0x90: {  	s2 =	sld [smem:$0x3FC8]  }
0x91: {  	s18 =	sld [smem:$0x3FD0];
	(tm) =	ssettm $0x1  }
0x92: {  	s4 =	sld [smem:$0x3FFB];
	_ =	sdelay $0x3  }
0x93: {  	_ =	strace s4  }
0x94: {  	s4 =	sld [smem:$0x3FFC];
	_ =	sdelay $0x3  }
0x95: {  	_ =	strace s4  }
0x96: {  	s4 =	sld [smem:$0x3FFD];
	_ =	sdelay $0x3  }
0x97: {  	_ =	strace s4  }
0x98: {  	_ =	strace $0x8FFFFFFF  }
0x99: {  	s19 =	sld [smem:$0x3FDB];
	_ =	sdelay $0x1  }
0x9a: {  	s5 =	simm.s32 $_scs_section_size  }
0x9b: {  	s6 =	simm.s32 $_size__tile_overlayer_lowered;
	s7 =	simm.s32 $_tile_overlayer_lowered  }
0x9c: {  	s22 =	simm.s32 $0x1BFF;
	s21 =	sshll.u32 s7, $0x1;
	s4 =	sadd.s32 s5, s19  }
0x9d: {  	s8 =	simm.s32 $0x0;
	s20 =	sshll.u32 s6, $0x1;
	s6 =	sadd.s32 s21, s4  }
0x9e: {  	[timem:s8], [sflag:s22] =	dma.local [hbm:s6], s20  }
0x9f: {  	_ =	swait.ge [sflag:s22], s20  }
0xa0: {  	s5 =	ssub.s32 $0x0, s20;
	[sflag:s22] =	ssyncset.done $0x0  }
0xa1: {  	[sflag:s22] =	ssyncadd.s32 s5;
	_ =	sdelay $0x1  }
0xa2: {  	s23 =	simm.s32 $0x1B8B  }
0xa3: {  	_ =	swait.ge [sflag:s23], $0x1  }
0xa4: {  	[sflag:s23] =	ssyncset.done $0x0  }
0xa5: {  	s25 =	simm.s32 $0x1B8E;
	s24 =	sld [smem:$0x3FFE];
	[sflag:s23] =	ssyncadd.s32 $0xFFFFFFFF  }
0xa6: {  	s26 =	simm.s32 $execute0_lowered;
	[smem:$0x3FD2] =	sst s25  }
0xa7: {  	s6 =	sshll.u32 s26, $0x1;
	_ =	strace $0x8000004C;
	[dreg:$0x1] =	wrdreg $0xFFFFFFFF  }
0xa8: {  	s28 =	simm.s32 $_size_execute0_lowered;
	s4 =	sadd.s32 s4, s6;
	[dreg:$0x0] =	wrdreg $0x0  }
0xa9: {  	s6 =	sshll.u32 s28, $0x1;
	[dreg:$0x2] =	wrdreg s4  }
0xaa: {  	[dreg:$0x3] =	wrdreg s6  }
0xab: {  	[dreg:$0x4] =	wrdreg $0xC0  }
0xac: {  	_ =	task [dreg:s8], $0x5FFFF  }
0xad: {  	[dreg:$0x1] =	wrdreg $0xFFFFFFFF  }
0xae: {  	[dreg:$0x0] =	wrdreg $0x60  }
0xaf: {  	[dreg:$0x2] =	wrdreg s24  }
0xb0: {  	[dreg:$0x3] =	wrdreg s2  }
0xb1: {  	[dreg:$0x4] =	wrdreg s18  }
0xb2: {  	[dreg:$0x5] =	wrdreg $0x9  }
0xb3: {  	_ =	task.clear_ibuf [dreg:s8], $0x6FFFF;
	_ =	strace $0x9000004C  }
0xb4: {  	s29 =	simm.s32 $0x9;
	_ =	strace $0x8000004E  }
0xb5: {  	_ =	swait.ge [sflag:s29], $0x1  }
0xb6: {  	[sflag:s29] =	ssyncadd.s32 $0xFFFFFFFF  }
0xb7: {  	_ =	strace $0x9000004E  }
0xb8: {  	_ =	sfence  }
0xb9: {  	s30 =	sld [smem:$0x0];
	_ =	sdelay $0x2  }
0xba: {  	s31 =	sshll.u32 s1, $0xD;
	s1 =	sshrl.u32 s1, $0x2  }
0xbb: {  	s3 =	sand.u32 $0x4000, s31;
	s1 =	sadd.s32 s1, s30  }
0xbc: {  	s0 =	sor.u32 s3, s0;
	s1 =	sshll.u32 s1, $0x11  }
0xbd: {  	s0 =	sor.u32 s1, s0  }
0xbe: {  	s0 =	sadd.s32 $0x8F2B, s0  }
0xbf: {  	[sflag:s0] =	ssyncadd.remote.s32 $0x1  }
0xc0: {  	_ =	sfence.sel $0xFFFF  }
0xc1: {  	[dreg:$0x0] =	wrdreg $0xFFFFFFFF;
	(pc) =	sbr.abs _section_cstart, $3  }
0xc2: {  	[dreg:$0x1] =	wrdreg $0xFFFFFFFF  }
0xc3: {  	_ =	task.clear_ibuf [dreg:s8], $0x2FFFF;
	_ =	strace $0x9FFFFFFF  }
0xc4: {  	(tm) =	ssettm $0x7FFFFFFF  }
0xc5: {  	_ =	shalt  }
tec
execute0_lowered:
.L_overlay_start_1:
0x0: {  	(tag) =	ssettag $0x1  }
0x1: {  	s4 =	rddreg [dreg:$0x0]  }
0x2: {  	s5 =	rddreg [dreg:$0x1]  }
0x3: {  	s6 =	rddreg [dreg:$0x2]  }
0x4: {  	s0 =	rddreg [dreg:$0x3];
	s2 =	simm.s32 $0x0;
	s3 =	srdreg.scid  }
0x5: {  	s1 =	stileid.u32;
	s11 =	simm.s32 $0x4080;
	s12 =	simm.s32 $0x8080  }
0x6: {  	s13 =	simm.s32 $0x0;
	[smem:$0x7FF] =	sst s2;
	s7 =	sand.u32 $0x1, s3  }
0x7: {  	s8 =	sshll.u32 s1, $0x8;
	s3 =	sadd.s32 $0x3800, s4;
	s9 =	sshll.u32 s7, $0x7  }
0x8: {  	vm0 =	vmmov $0x1;
	vm1 =	vmmov $0x3;
	vm2 =	vmmov $0x7;
	_ =	strace $0x8000004D;
	s7 =	ssub.s32 $0x2, s7;
	s8 =	sor.u32 s9, s8  }
0x9: {  	vm3 =	vmmov $0xf;
	vm4 =	vmmov $0x1f;
	vm5 =	vmmov $0x3f;
	s10 =	sshrl.u32 s7, $0x1;
	s9 =	sshll.u32 s8, $0x4;
	s8 =	sshrl.u32 s8, $0x3  }
0xa: {  	vm6 =	vmmov $0x7f;
	vm7 =	vmmov $0xff;
	vm8 =	vmmov $0x1ff;
	s7 =	ssub.s32 s7, s10;
	s10 =	simm.s32 $0x1;
	s9 =	sadd.s32 s9, s4  }
0xb: {  	vm9 =	vmmov $0x3ff;
	vm10 =	vmmov $0x7ff;
	vm11 =	vmmov $0xfff;
	s4 =	sadd.s32 s5, s8;
	s6 =	sadd.s32 s6, s8;
	s7 =	smax.u32 s7, $0x1  }
0xc: {  	vm12 =	vmmov $0x1fff;
	vm13 =	vmmov $0x3fff;
	vm14 =	vmmov $0x7fff;
	s8 =	simm.s32 $0x2;
	s5 =	sadd.s32 $0x2B800, s9;
	s9 =	simm.s32 $0x80  }
.LBB2_1:
0xd: {  	[tilespmem:s2], [sflag:$0x2] =	stream.linear.gather [hbm4b:s4+s2], $0x80, $0x38;
	[tilespmem:$0x8100] =	vst v63  }
0xe: {  	_ =	swait.ge [sflag:s8], $0x80  }
0xf: {  	[sflag:s8] =	ssyncset.done $0x0  }
0x10: {  	[sflag:s8] =	ssyncadd.s32 $0xFFFFFF80  }
0x11: {  	[tilespmem:s9], [sflag:$0x1] =	stream.indirect.gather [hbm4b:s3+s9], $0x80, s2, s9, $0xb8;
	[tilespmem:$0x8100] =	vst v63  }
0x12: {  	_ =	swait.ge [sflag:s10], $0x4000  }
0x13: {  	[sflag:s10] =	ssyncset.done $0x0  }
0x14: {  	[sflag:s10] =	ssyncadd.s32 $0xFFFFC000  }
0x15: {  	[tilespmem:s11], [sflag:$0x2] =	stream.linear.gather [hbm4b:s5+s2], $0x4000, $0x38;
	[tilespmem:$0x8100] =	vst v63  }
0x16: {  	_ =	swait.ge [sflag:s8], $0x4000  }
0x17: {  	[sflag:s8] =	ssyncset.done $0x0  }
0x18: {  	s14 =	simm.s32 $0x0;
	[sflag:s8] =	ssyncadd.s32 $0xFFFFC000  }
0x19: {  	v0 =	vld [tilespmem:s14+$0x850];
	_ =	sdelay $0x4  }
0x1a: {  	[tilespmem:$0x1F830] =	vst v0;
	v0 =	vld [tilespmem:s14+$0x4850];
	_ =	sdelay $0x4  }
0x1b: {  	[tilespmem:$0x1F840] =	vst v0;
	v0 =	vld [tilespmem:s14+$0x840];
	_ =	sdelay $0x4  }
0x1c: {  	[tilespmem:$0x1F850] =	vst v0;
	v0 =	vld [tilespmem:s14+$0x4840];
	_ =	sdelay $0x4  }
0x1d: {  	[tilespmem:$0x1F860] =	vst v0;
	v0 =	vld [tilespmem:s14+$0x760];
	_ =	sdelay $0x4  }
0x1e: {  	[tilespmem:$0x1F870] =	vst v0;
	v0 =	vld [tilespmem:s14+$0x7D0];
	_ =	sdelay $0x4  }
0x1f: {  	[tilespmem:$0x1F950] =	vst v0;
	v0 =	vld [tilespmem:s14+$0x47D0];
	_ =	sdelay $0x4  }
0x20: {  	[tilespmem:$0x1F960] =	vst v0;
	v0 =	vld [tilespmem:s14+$0x830];
	_ =	sdelay $0x4  }
0x21: {  	[tilespmem:$0x1F980] =	vst v0;
	v0 =	vld [tilespmem:s14+$0x4830];
	_ =	sdelay $0x4  }
0x22: {  	[tilespmem:$0x1F990] =	vst v0;
	v0 =	vld [tilespmem:s14+$0x670];
	_ =	sdelay $0x4  }
0x23: {  	[tilespmem:$0x1F970] =	vst v0;
	v0 =	vld [tilespmem:s14+$0x6E0];
	_ =	sdelay $0x4  }
0x24: {  	[tilespmem:$0x1F9B0] =	vst v0;
	v0 =	vld [tilespmem:s14+$0x46E0];
	_ =	sdelay $0x4  }
0x25: {  	[tilespmem:$0x1F9C0] =	vst v0;
	v0 =	vld [tilespmem:s14+$0x750];
	_ =	sdelay $0x4  }
0x26: {  	[tilespmem:$0x1F880] =	vst v0;
	v0 =	vld [tilespmem:s14+$0x4750];
	_ =	sdelay $0x4  }
0x27: {  	[tilespmem:$0x1F890] =	vst v0;
	v0 =	vld [tilespmem:s14+$0x7B0];
	_ =	sdelay $0x4  }
0x28: {  	[tilespmem:$0x1FA10] =	vst v0;
	v0 =	vld [tilespmem:s14+$0x810];
	_ =	sdelay $0x4  }
0x29: {  	[tilespmem:$0x1FA20] =	vst v0;
	v0 =	vld [tilespmem:s14+$0x4810];
	_ =	sdelay $0x4  }
0x2a: {  	[tilespmem:$0x1FA30] =	vst v0;
	v0 =	vld [tilespmem:s14+$0x570];
	_ =	sdelay $0x4  }
0x2b: {  	[tilespmem:$0x1FA40] =	vst v0;
	v0 =	vld [tilespmem:s14+$0x4570];
	_ =	sdelay $0x4  }
0x2c: {  	[tilespmem:$0x1FA50] =	vst v0;
	v0 =	vld [tilespmem:s14+$0x5E0];
	_ =	sdelay $0x4  }
0x2d: {  	[tilespmem:$0x1F8A0] =	vst v0;
	v0 =	vld [tilespmem:s14+$0x650];
	_ =	sdelay $0x4  }
0x2e: {  	[tilespmem:$0x1FA60] =	vst v0;
	v0 =	vld [tilespmem:s14+$0x4650];
	_ =	sdelay $0x4  }
0x2f: {  	[tilespmem:$0x1FA70] =	vst v0;
	v0 =	vld [tilespmem:s14+$0x6C0];
	_ =	sdelay $0x4  }
0x30: {  	[tilespmem:$0x1FA80] =	vst v0;
	v0 =	vld [tilespmem:s14+$0x46C0];
	_ =	sdelay $0x4  }
0x31: {  	[tilespmem:$0x1FA90] =	vst v0;
	v0 =	vld [tilespmem:s14+$0x730];
	_ =	sdelay $0x4  }
0x32: {  	[tilespmem:$0x1FAA0] =	vst v0;
	v0 =	vld [tilespmem:s14+$0x4730];
	_ =	sdelay $0x4  }
0x33: {  	[tilespmem:$0x1FAB0] =	vst v0;
	v0 =	vld [tilespmem:s14+$0x560];
	_ =	sdelay $0x4  }
0x34: {  	[tilespmem:$0x1FAD0] =	vst v0;
	v0 =	vld [tilespmem:s14+$0x4560];
	_ =	sdelay $0x4  }
0x35: {  	[tilespmem:$0x1FAE0] =	vst v0;
	v0 =	vld [tilespmem:s14+$0x5D0];
	_ =	sdelay $0x4  }
0x36: {  	[tilespmem:$0x1F8B0] =	vst v0;
	v0 =	vld [tilespmem:s14+$0x45D0];
	_ =	sdelay $0x4  }
0x37: {  	[tilespmem:$0x1F8C0] =	vst v0;
	v0 =	vld [tilespmem:s14+$0x6B0];
	_ =	sdelay $0x4  }
0x38: {  	[tilespmem:$0x1FAF0] =	vst v0;
	v0 =	vld [tilespmem:s14+$0x720];
	_ =	sdelay $0x4  }
0x39: {  	[tilespmem:$0x1FB00] =	vst v0;
	v0 =	vld [tilespmem:s14+$0x4720];
	_ =	sdelay $0x4  }
0x3a: {  	[tilespmem:$0x1FB10] =	vst v0;
	v0 =	vld [tilespmem:s14+$0x5C0];
	_ =	sdelay $0x4  }
0x3b: {  	[tilespmem:$0x1FB30] =	vst v0;
	v0 =	vld [tilespmem:s14+$0x45C0];
	_ =	sdelay $0x4  }
0x3c: {  	[tilespmem:$0x1FB40] =	vst v0;
	v0 =	vld [tilespmem:s14+$0x710];
	_ =	sdelay $0x4  }
0x3d: {  	[tilespmem:$0x1FB50] =	vst v0;
	v0 =	vld [tilespmem:s14+$0x460];
	_ =	sdelay $0x4  }
0x3e: {  	[tilespmem:$0x1F8D0] =	vst v0;
	v0 =	vld [tilespmem:s14+$0x540];
	_ =	sdelay $0x4  }
0x3f: {  	[tilespmem:$0x1FB80] =	vst v0;
	v0 =	vld [tilespmem:s14+$0x4540];
	_ =	sdelay $0x4  }
0x40: {  	[tilespmem:$0x1FB90] =	vst v0;
	v0 =	vld [tilespmem:s14+$0x5B0];
	_ =	sdelay $0x4  }
0x41: {  	[tilespmem:$0x1FBD0] =	vst v0;
	v0 =	vld [tilespmem:s14+$0x45B0];
	_ =	sdelay $0x4  }
0x42: {  	[tilespmem:$0x1FBE0] =	vst v0;
	v0 =	vld [tilespmem:s14+$0x620];
	_ =	sdelay $0x4  }
0x43: {  	[tilespmem:$0x1FBA0] =	vst v0;
	v0 =	vld [tilespmem:s14+$0x4620];
	_ =	sdelay $0x4  }
0x44: {  	[tilespmem:$0x1FBB0] =	vst v0;
	v0 =	vld [tilespmem:s14+$0x370];
	_ =	sdelay $0x4  }
0x45: {  	[tilespmem:$0x1FBC0] =	vst v0;
	v0 =	vld [tilespmem:s14+$0x3E0];
	_ =	sdelay $0x4  }
0x46: {  	[tilespmem:$0x1FC00] =	vst v0;
	v0 =	vld [tilespmem:s14+$0x43E0];
	_ =	sdelay $0x4  }
0x47: {  	[tilespmem:$0x1FC10] =	vst v0;
	v0 =	vld [tilespmem:s14+$0x450];
	_ =	sdelay $0x4  }
0x48: {  	[tilespmem:$0x1F8E0] =	vst v0;
	v0 =	vld [tilespmem:s14+$0x4450];
	_ =	sdelay $0x4  }
0x49: {  	[tilespmem:$0x1F8F0] =	vst v0;
	v0 =	vld [tilespmem:s14+$0x4C0];
	_ =	sdelay $0x4  }
0x4a: {  	[tilespmem:$0x1FC20] =	vst v0;
	v0 =	vld [tilespmem:s14+$0x44C0];
	_ =	sdelay $0x4  }
0x4b: {  	[tilespmem:$0x1FC30] =	vst v0;
	v0 =	vld [tilespmem:s14+$0x530];
	_ =	sdelay $0x4  }
0x4c: {  	[tilespmem:$0x1FC50] =	vst v0;
	v0 =	vld [tilespmem:s14+$0x4530];
	_ =	sdelay $0x4  }
0x4d: {  	[tilespmem:$0x1FC60] =	vst v0;
	v0 =	vld [tilespmem:s14+$0x5A0];
	_ =	sdelay $0x4  }
0x4e: {  	[tilespmem:$0x1FC70] =	vst v0;
	v0 =	vld [tilespmem:s14+$0x45A0];
	_ =	sdelay $0x4  }
0x4f: {  	[tilespmem:$0x1FC80] =	vst v0;
	v0 =	vld [tilespmem:s14+$0x360];
	_ =	sdelay $0x4  }
0x50: {  	[tilespmem:$0x1FCA0] =	vst v0;
	v0 =	vld [tilespmem:s14+$0x4360];
	_ =	sdelay $0x4  }
0x51: {  	[tilespmem:$0x1FCB0] =	vst v0;
	v0 =	vld [tilespmem:s14+$0x3D0];
	_ =	sdelay $0x4  }
0x52: {  	[tilespmem:$0x1FCC0] =	vst v0;
	v0 =	vld [tilespmem:s14+$0x43D0];
	_ =	sdelay $0x4  }
0x53: {  	[tilespmem:$0x1FCD0] =	vst v0;
	v0 =	vld [tilespmem:s14+$0x440];
	_ =	sdelay $0x4  }
0x54: {  	[tilespmem:$0x1FD00] =	vst v0;
	v0 =	vld [tilespmem:s14+$0x4440];
	_ =	sdelay $0x4  }
0x55: {  	[tilespmem:$0x1FD10] =	vst v0;
	v0 =	vld [tilespmem:s14+$0x4B0];
	_ =	sdelay $0x4  }
0x56: {  	[tilespmem:$0x1FD30] =	vst v0;
	v0 =	vld [tilespmem:s14+$0x44B0];
	_ =	sdelay $0x4  }
0x57: {  	[tilespmem:$0x1FD40] =	vst v0;
	v0 =	vld [tilespmem:s14+$0x520];
	_ =	sdelay $0x4  }
0x58: {  	[tilespmem:$0x1FCE0] =	vst v0;
	v0 =	vld [tilespmem:s14+$0x4520];
	_ =	sdelay $0x4  }
0x59: {  	[tilespmem:$0x1FCF0] =	vst v0;
	v0 =	vld [tilespmem:s14+$0x590];
	_ =	sdelay $0x4  }
0x5a: {  	[tilespmem:$0x1FD50] =	vst v0;
	v0 =	vld [tilespmem:s14+$0x4590];
	_ =	sdelay $0x4  }
0x5b: {  	[tilespmem:$0x1FD60] =	vst v0;
	v0 =	vld [tilespmem:s14+$0x270];
	_ =	sdelay $0x4  }
0x5c: {  	[tilespmem:$0x1FD70] =	vst v0;
	v0 =	vld [tilespmem:s14+$0x4270];
	_ =	sdelay $0x4  }
0x5d: {  	[tilespmem:$0x1FD80] =	vst v0;
	v0 =	vld [tilespmem:s14+$0x2E0];
	_ =	sdelay $0x4  }
0x5e: {  	[tilespmem:$0x1F900] =	vst v0;
	v0 =	vld [tilespmem:s14+$0x350];
	_ =	sdelay $0x4  }
0x5f: {  	[tilespmem:$0x1FD90] =	vst v0;
	v0 =	vld [tilespmem:s14+$0x4350];
	_ =	sdelay $0x4  }
0x60: {  	[tilespmem:$0x1FDA0] =	vst v0;
	v0 =	vld [tilespmem:s14+$0x3C0];
	_ =	sdelay $0x4  }
0x61: {  	[tilespmem:$0x1FDB0] =	vst v0;
	v0 =	vld [tilespmem:s14+$0x43C0];
	_ =	sdelay $0x4  }
0x62: {  	[tilespmem:$0x1FDC0] =	vst v0;
	v0 =	vld [tilespmem:s14+$0x430];
	_ =	sdelay $0x4  }
0x63: {  	[tilespmem:$0x1FE30] =	vst v0;
	v0 =	vld [tilespmem:s14+$0x4430];
	_ =	sdelay $0x4  }
0x64: {  	[tilespmem:$0x1FE40] =	vst v0;
	v0 =	vld [tilespmem:s14+$0x4A0];
	_ =	sdelay $0x4  }
0x65: {  	[tilespmem:$0x1FDF0] =	vst v0;
	v0 =	vld [tilespmem:s14+$0x44A0];
	_ =	sdelay $0x4  }
0x66: {  	[tilespmem:$0x1FE00] =	vst v0;
	v0 =	vld [tilespmem:s14+$0x580];
	_ =	sdelay $0x4  }
0x67: {  	[tilespmem:$0x1FDD0] =	vst v0;
	v0 =	vld [tilespmem:s14+$0x4580];
	_ =	sdelay $0x4  }
0x68: {  	[tilespmem:$0x1FDE0] =	vst v0;
	v0 =	vld [tilespmem:s14+$0x1F0];
	_ =	sdelay $0x4  }
0x69: {  	[tilespmem:$0x1FE10] =	vst v0;
	v0 =	vld [tilespmem:s14+$0x41F0];
	_ =	sdelay $0x4  }
0x6a: {  	[tilespmem:$0x1FE20] =	vst v0;
	v0 =	vld [tilespmem:s14+$0x260];
	_ =	sdelay $0x4  }
0x6b: {  	[tilespmem:$0x1FE50] =	vst v0;
	v0 =	vld [tilespmem:s14+$0x4260];
	_ =	sdelay $0x4  }
0x6c: {  	[tilespmem:$0x1FE60] =	vst v0;
	v0 =	vld [tilespmem:s14+$0x2D0];
	_ =	sdelay $0x4  }
0x6d: {  	[tilespmem:$0x1F910] =	vst v0;
	v0 =	vld [tilespmem:s14+$0x42D0];
	_ =	sdelay $0x4  }
0x6e: {  	[tilespmem:$0x1F920] =	vst v0;
	v0 =	vld [tilespmem:s14+$0x340];
	_ =	sdelay $0x4  }
0x6f: {  	[tilespmem:$0x1FE70] =	vst v0;
	v0 =	vld [tilespmem:s14+$0x4340];
	_ =	sdelay $0x4  }
0x70: {  	[tilespmem:$0x1FE80] =	vst v0;
	v0 =	vld [tilespmem:s14+$0x3B0];
	_ =	sdelay $0x4  }
0x71: {  	[tilespmem:$0x1FE90] =	vst v0;
	v0 =	vld [tilespmem:s14+$0x43B0];
	_ =	sdelay $0x4  }
0x72: {  	[tilespmem:$0x1FEA0] =	vst v0;
	v0 =	vld [tilespmem:s14+$0x420];
	_ =	sdelay $0x4  }
0x73: {  	[tilespmem:$0x1FEB0] =	vst v0;
	v0 =	vld [tilespmem:s14+$0x4420];
	_ =	sdelay $0x4  }
0x74: {  	[tilespmem:$0x1FEC0] =	vst v0;
	v0 =	vld [tilespmem:s14+$0xF0];
	_ =	sdelay $0x4  }
0x75: {  	[tilespmem:$0x1FED0] =	vst v0;
	v0 =	vld [tilespmem:s14+$0x40F0];
	_ =	sdelay $0x4  }
0x76: {  	[tilespmem:$0x1FEE0] =	vst v0;
	v0 =	vld [tilespmem:s14+$0x1E0];
	_ =	sdelay $0x4  }
0x77: {  	[tilespmem:$0x1FF10] =	vst v0;
	v0 =	vld [tilespmem:s14+$0x41E0];
	_ =	sdelay $0x1  }
0x78: {  	v2 =	vld [tilespmem:s14+$0x7F0]  }
0x79: {  	v4 =	vld [tilespmem:s14+$0x47F0]  }
0x7a: {  	v1 =	vld [tilespmem:s14+$0x7E0]  }
0x7b: {  	[tilespmem:$0x1FF20] =	vst v0;
	v0 =	vld [tilespmem:s14+$0x250]  }
0x7c: {  	v6 =	vld [tilespmem:s14+$0x47E0]  }
0x7d: {  	v30 =	vld [tilespmem:s14+$0x6F0]  }
0x7e: {  	v59 =	vld [tilespmem:s14+$0x46F0]  }
0x7f: {  	v50 =	vld [tilespmem:s14+$0x4670]  }
0x80: {  	[tilespmem:$0x1FF30] =	vst v0;
	v0 =	vld [tilespmem:s14+$0x4250]  }
0x81: {  	v53 =	vld [tilespmem:s14+$0x7C0]  }
0x82: {  	v42 =	vld [tilespmem:s14+$0x47C0]  }
0x83: {  	v60 =	vld [tilespmem:s14+$0x820]  }
0x84: {  	v45 =	vld [tilespmem:s14+$0x4820]  }
0x85: {  	[tilespmem:$0x1FF40] =	vst v0;
	v0 =	vld [tilespmem:s14+$0x2C0]  }
0x86: {  	v3 =	vld [tilespmem:s14+$0x660]  }
0x87: {  	v48 =	vld [tilespmem:s14+$0x4660]  }
0x88: {  	v46 =	vld [tilespmem:s14+$0x6D0]  }
0x89: {  	v39 =	vld [tilespmem:s14+$0x46D0]  }
0x8a: {  	[tilespmem:$0x1F930] =	vst v0;
	v0 =	vld [tilespmem:s14+$0x42C0]  }
0x8b: {  	v51 =	vld [tilespmem:s14+$0x740]  }
0x8c: {  	v40 =	vld [tilespmem:s14+$0x4740]  }
0x8d: {  	v8 =	vld [tilespmem:s14+$0x780]  }
0x8e: {  	v7 =	vld [tilespmem:s14+$0x4780]  }
0x8f: {  	[tilespmem:$0x1F940] =	vst v0;
	v0 =	vld [tilespmem:s14+$0x330]  }
0x90: {  	v22 =	vld [tilespmem:s14+$0x47B0]  }
0x91: {  	v27 =	vld [tilespmem:s14+$0x7A0]  }
0x92: {  	v26 =	vld [tilespmem:s14+$0x47A0]  }
0x93: {  	v25 =	vld [tilespmem:s14+$0x800]  }
0x94: {  	v7 =	vmul.f32 v7, v8;
	v8 =	vmul.f32 v45, v60;
	[tilespmem:$0x1FF60] =	vst v0;
	v0 =	vld [tilespmem:s14+$0x4330]  }
0x95: {  	v24 =	vld [tilespmem:s14+$0x4800]  }
0x96: {  	[tilespmem:$0x1F9E0] =	vst v8;
	v8 =	vld [tilespmem:s14+$0x42B0]  }
0x97: {  	v47 =	vld [tilespmem:s14+$0x4F0]  }
0x98: {  	v29 =	vld [tilespmem:s14+$0x44F0]  }
0x99: {  	[tilespmem:$0x1FF70] =	vst v0;
	v0 =	vld [tilespmem:s14+$0x3A0]  }
0x9a: {  	v41 =	vld [tilespmem:s14+$0x640]  }
0x9b: {  	[tilespmem:$0x1F9F0] =	vst v8;
	v8 =	vmul.f32 v48, v3;
	v3 =	vld [tilespmem:s14+$0x320]  }
0x9c: {  	v37 =	vld [tilespmem:s14+$0x4640]  }
0x9d: {  	v49 =	vld [tilespmem:s14+$0x46B0]  }
0x9e: {  	[tilespmem:$0x1FEF0] =	vst v0;
	v0 =	vld [tilespmem:s14+$0x43A0]  }
0x9f: {  	v17 =	vld [tilespmem:s14+$0x790]  }
0xa0: {  	v16 =	vld [tilespmem:s14+$0x4790];
	[tilespmem:$0x1FF50] =	vst v3;
	v3 =	vmul.f32 v40, v51  }
0xa1: {  	v52 =	vld [tilespmem:s14+$0x550]  }
0xa2: {  	[tilespmem:$0x1FA00] =	vst v3;
	v3 =	vld [tilespmem:$0x1FA10]  }
0xa3: {  	[tilespmem:$0x1FF00] =	vst v0;
	v0 =	vld [tilespmem:s14+$0x410]  }
0xa4: {  	v44 =	vld [tilespmem:s14+$0x4550]  }
0xa5: {  	v57 =	vld [tilespmem:s14+$0x630]  }
0xa6: {  	v54 =	vld [tilespmem:s14+$0x4630]  }
0xa7: {  	v45 =	vmul.f32 v39, v46;
	v39 =	vmul.f32 v22, v3;
	v3 =	vld [tilespmem:$0x1FA20]  }
0xa8: {  	[tilespmem:$0x1FF80] =	vst v0;
	v0 =	vld [tilespmem:s14+$0x4410]  }
0xa9: {  	v22 =	vld [tilespmem:$0x1FA30]  }
0xaa: {  	v61 =	vld [tilespmem:s14+$0x6A0]  }
0xab: {  	v38 =	vld [tilespmem:s14+$0x46A0]  }
0xac: {  	v55 =	vld [tilespmem:s14+$0x3F0];
	v16 =	vmul.f32 v16, v17;
	v7 =	vadd.f32 $0.0e+00, v7  }
0xad: {  	[tilespmem:$0x1FF90] =	vst v0;
	v0 =	vld [tilespmem:s14+$0xE0]  }
0xae: {  	v7 =	vadd.f32 v16, v7;
	v16 =	vmul.f32 v26, v27;
	v26 =	vmul.f32 v22, v3;
	v3 =	vld [tilespmem:$0x1FA40]  }
0xaf: {  	v22 =	vld [tilespmem:$0x1FA50]  }
0xb0: {  	v18 =	vld [tilespmem:s14+$0x690]  }
0xb1: {  	v15 =	vld [tilespmem:s14+$0x4690]  }
0xb2: {  	[tilespmem:$0x1FFA0] =	vst v0;
	v0 =	vld [tilespmem:s14+$0x40E0]  }
0xb3: {  	v32 =	vld [tilespmem:s14+$0x700]  }
0xb4: {  	v22 =	vmul.f32 v22, v3;
	v3 =	vld [tilespmem:$0x1FA60]  }
0xb5: {  	v17 =	vmul.f32 v24, v25;
	v24 =	vld [tilespmem:$0x1FA70]  }
0xb6: {  	v28 =	vld [tilespmem:s14+$0x4700]  }
0xb7: {  	[tilespmem:$0x1FFB0] =	vst v0;
	v0 =	vld [tilespmem:s14+$0x1D0]  }
0xb8: {  	v56 =	vld [tilespmem:s14+$0x4370]  }
0xb9: {  	v27 =	vadd.f32 $0.0e+00, v17;
	v17 =	vld [tilespmem:$0x1FA80]  }
0xba: {  	v3 =	vmul.f32 v24, v3;
	v24 =	vld [tilespmem:$0x1FA90]  }
0xbb: {  	v63 =	vld [tilespmem:s14+$0x680]  }
0xbc: {  	[tilespmem:$0x1FFC0] =	vst v0;
	v0 =	vld [tilespmem:s14+$0x41D0]  }
0xbd: {  	v5 =	vld [tilespmem:s14+$0x4680]  }
0xbe: {  	v2 =	vmul.f32 v4, v2;
	v4 =	vld [tilespmem:$0x1F960]  }
0xbf: {  	v46 =	vmul.f32 v24, v17;
	v17 =	vld [tilespmem:$0x1FAA0]  }
0xc0: {  	v24 =	vld [tilespmem:$0x1FAB0]  }
0xc1: {  	[tilespmem:$0x1FFD0] =	vst v0;
	v0 =	vld [tilespmem:$0x1F950]  }
0xc2: {  	v21 =	vld [tilespmem:s14+$0x610];
	v7 =	vadd.f32 v16, v7  }
0xc3: {  	v62 =	vld [tilespmem:s14+$0x4610]  }
0xc4: {  	v12 =	vld [tilespmem:s14+$0x600];
	v53 =	vmul.f32 v42, v53;
	v7 =	vadd.f32 v39, v7  }
0xc5: {  	v5 =	vmul.f32 v5, v63;
	v63 =	vadd.f32 v26, v27;
	v17 =	vmul.f32 v24, v17;
	v27 =	vld [tilespmem:$0x1FB00]  }
0xc6: {  	v7 =	vadd.f32 v53, v7;
	v24 =	vmul.f32 v29, v47;
	v29 =	vld [tilespmem:$0x1FB10];
	v0 =	vmul.f32 v4, v0  }
0xc7: {  	v11 =	vld [tilespmem:s14+$0x4600]  }
0xc8: {  	v1 =	vmul.f32 v6, v1;
	v16 =	vld [tilespmem:$0x1FAD0];
	v0 =	vadd.f32 v0, v7  }
0xc9: {  	v4 =	vld [tilespmem:s14+$0x240]  }
0xca: {  	v0 =	vadd.f32 v1, v0;
	v1 =	vld [tilespmem:s14+$0x42A0]  }
0xcb: {  	[tilespmem:$0x1FAC0] =	vst v17;
	v17 =	vld [tilespmem:$0x1FAE0];
	v27 =	vmul.f32 v29, v27  }
0xcc: {  	v6 =	vmul.f32 v59, v30;
	v15 =	vmul.f32 v15, v18;
	v5 =	vadd.f32 $0.0e+00, v5;
	v30 =	vld [tilespmem:$0x1F990]  }
0xcd: {  	[tilespmem:$0x1FB20] =	vst v27;
	v27 =	vld [tilespmem:$0x1FB30];
	v7 =	vmul.f32 v11, v12  }
0xce: {  	v5 =	vadd.f32 v15, v5;
	[tilespmem:$0x1FFE0] =	vst v4;
	v4 =	vld [tilespmem:$0x1F970]  }
0xcf: {  	v15 =	vmul.f32 v38, v61;
	v29 =	vld [tilespmem:$0x1FB40];
	v7 =	vadd.f32 $0.0e+00, v7;
	[tilespmem:$0x1FB70] =	vst v1;
	v1 =	vmul.f32 v62, v21  }
0xd0: {  	v26 =	vmul.f32 v17, v16;
	v16 =	vmul.f32 v37, v41;
	v17 =	vld [tilespmem:$0x1FAF0]  }
0xd1: {  	v41 =	vmul.f32 v44, v52;
	v44 =	vadd.f32 v2, v0;
	v0 =	vadd.f32 v1, v7;
	v7 =	vld [tilespmem:$0x1FBC0]  }
0xd2: {  	v5 =	vadd.f32 v15, v5;
	v15 =	vld [tilespmem:$0x1FB80]  }
0xd3: {  	v50 =	vmul.f32 v50, v4;
	v4 =	vld [tilespmem:$0x1F980]  }
0xd4: {  	v61 =	vmul.f32 v29, v27;
	v27 =	vld [tilespmem:$0x1FBE0]  }
0xd5: {  	v21 =	vld [tilespmem:$0x1FB90]  }
0xd6: {  	v39 =	vmul.f32 v56, v7;
	v7 =	vld [tilespmem:$0x1FBD0]  }
0xd7: {  	v43 =	vld [tilespmem:s14+$0x43F0]  }
0xd8: {  	v2 =	vld [tilespmem:$0x1FBB0];
	v4 =	vmul.f32 v30, v4  }
0xd9: {  	v1 =	vld [tilespmem:$0x1FBA0]  }
0xda: {  	v18 =	vmul.f32 v49, v17;
	v21 =	vmul.f32 v21, v15;
	[tilespmem:$0x1F9A0] =	vst v4;
	v4 =	vld [tilespmem:s14+$0x4240]  }
0xdb: {  	v10 =	vld [tilespmem:s14+$0x500];
	v15 =	vmul.f32 v28, v32;
	v7 =	vmul.f32 v27, v7  }
0xdc: {  	v27 =	vld [tilespmem:$0x1FC10]  }
0xdd: {  	v5 =	vadd.f32 v18, v5;
	[tilespmem:$0x1FBF0] =	vst v7;
	v7 =	vadd.f32 $0.0e+00, v15;
	v15 =	vld [tilespmem:$0x1FC00]  }
0xde: {  	v30 =	vld [tilespmem:$0x1F9C0]  }
0xdf: {  	v1 =	vmul.f32 v2, v1;
	v2 =	vadd.f32 v46, v5;
	[tilespmem:$0x1FFF0] =	vst v4;
	v4 =	vld [tilespmem:$0x1F9B0]  }
0xe0: {  	v9 =	vld [tilespmem:s14+$0x4500]  }
0xe1: {  	v0 =	vadd.f32 v1, v0;
	v1 =	vadd.f32 v45, v2;
	v2 =	vld [tilespmem:$0x1FC20]  }
0xe2: {  	v57 =	vmul.f32 v54, v57;
	v54 =	vmul.f32 v27, v15;
	v15 =	vld [tilespmem:$0x1FC30];
	_ =	sdelay $0x1  }
0xe3: {  	v58 =	vld [tilespmem:s14+$0x4710];
	v4 =	vmul.f32 v30, v4  }
0xe4: {  	v11 =	vld [tilespmem:$0x1FB50]  }
0xe5: {  	v49 =	vmul.f32 v43, v55;
	v1 =	vadd.f32 v4, v1;
	v4 =	vld [tilespmem:$0x1FC70]  }
0xe6: {  	v43 =	vmul.f32 v15, v2;
	v2 =	vmul.f32 v9, v10;
	v10 =	vld [tilespmem:$0x1FC80];
	_ =	sdelay $0x4  }
0xe7: {  	v20 =	vld [tilespmem:s14+$0x510];
	v11 =	vmul.f32 v58, v11;
	v4 =	vmul.f32 v10, v4  }
0xe8: {  	v10 =	vld [tilespmem:$0x1FCB0]  }
0xe9: {  	v7 =	vadd.f32 v11, v7;
	[tilespmem:$0x1FC90] =	vst v4;
	v4 =	vld [tilespmem:$0x1FCA0]  }
0xea: {  	v19 =	vld [tilespmem:s14+$0x4510]  }
0xeb: {  	[tilespmem:$0x1FC40] =	vst v7;
	v7 =	vld [tilespmem:$0x1FC50]  }
0xec: {  	v9 =	vld [tilespmem:$0x1FC60]  }
0xed: {  	v0 =	vadd.f32 v57, v0;
	v57 =	vadd.f32 v6, v1;
	v1 =	vld [tilespmem:$0x1FCC0]  }
0xee: {  	v52 =	vmul.f32 v10, v4;
	v4 =	vld [tilespmem:$0x1FCD0];
	_ =	sdelay $0x2  }
0xef: {  	v2 =	vadd.f32 $0.0e+00, v2;
	v7 =	vmul.f32 v9, v7;
	v9 =	vmul.f32 v19, v20;
	_ =	sdelay $0x1  }
0xf0: {  	v32 =	vmul.f32 v4, v1;
	v1 =	vadd.f32 v9, v2;
	v2 =	vld [tilespmem:$0x1FCE0]  }
0xf1: {  	v4 =	vld [tilespmem:$0x1FCF0];
	_ =	sdelay $0x3  }
0xf2: {  	v0 =	vadd.f32 v16, v0  }
0xf3: {  	v2 =	vmul.f32 v4, v2  }
0xf4: {  	v0 =	vadd.f32 v3, v0;
	v3 =	vld [tilespmem:$0x1FD60]  }
0xf5: {  	v1 =	vadd.f32 v2, v1;
	v2 =	vld [tilespmem:$0x1FD50];
	_ =	sdelay $0x1  }
0xf6: {  	v6 =	vld [tilespmem:$0x1FD10]  }
0xf7: {  	v4 =	vld [tilespmem:$0x1FD00];
	_ =	sdelay $0x1  }
0xf8: {  	v10 =	vmul.f32 v3, v2;
	v2 =	vld [tilespmem:$0x1FD70]  }
0xf9: {  	v3 =	vld [tilespmem:$0x1FD80];
	_ =	sdelay $0x1  }
0xfa: {  	v4 =	vmul.f32 v6, v4  }
0xfb: {  	v6 =	vld [tilespmem:$0x1FD40]  }
0xfc: {  	[tilespmem:$0x1FD20] =	vst v4;
	v4 =	vld [tilespmem:$0x1FD30]  }
0xfd: {  	v37 =	vmul.f32 v3, v2;
	v2 =	vld [tilespmem:$0x1FD90]  }
0xfe: {  	v3 =	vld [tilespmem:$0x1FDA0];
	_ =	sdelay $0x1  }
0xff: {  	v14 =	vld [tilespmem:s14+$0x480]  }
0x100: {  	v13 =	vld [tilespmem:s14+$0x4480]  }
0x101: {  	v4 =	vmul.f32 v6, v4;
	v6 =	vld [tilespmem:$0x1FDC0]  }
0x102: {  	v27 =	vmul.f32 v3, v2;
	v3 =	vld [tilespmem:$0x1FDB0];
	_ =	sdelay $0x1  }
0x103: {  	v31 =	vld [tilespmem:s14+$0x490]  }
0x104: {  	v23 =	vld [tilespmem:s14+$0x4490];
	_ =	sdelay $0x1  }
0x105: {  	v9 =	vmul.f32 v13, v14;
	v14 =	vmul.f32 v6, v3;
	v3 =	vld [tilespmem:$0x1FDD0]  }
0x106: {  	v6 =	vld [tilespmem:$0x1FDE0];
	_ =	sdelay $0x1  }
0x107: {  	v1 =	vadd.f32 v7, v1;
	v7 =	vadd.f32 $0.0e+00, v9;
	v2 =	vmul.f32 v23, v31;
	_ =	sdelay $0x1  }
0x108: {  	v7 =	vadd.f32 v2, v7;
	v2 =	vld [tilespmem:$0x1FDF0]  }
0x109: {  	v11 =	vmul.f32 v6, v3;
	v3 =	vld [tilespmem:$0x1FE00];
	_ =	sdelay $0x3  }
0x10a: {  	v19 =	vadd.f32 v21, v1;
	v1 =	vld [tilespmem:$0x1FE10]  }
0x10b: {  	v16 =	vmul.f32 v3, v2;
	v3 =	vld [tilespmem:$0x1FE20];
	_ =	sdelay $0x2  }
0x10c: {  	v35 =	vld [tilespmem:s14+$0x4E0]  }
0x10d: {  	v33 =	vld [tilespmem:s14+$0x44E0]  }
0x10e: {  	v38 =	vmul.f32 v3, v1;
	v1 =	vld [tilespmem:$0x1FE30]  }
0x10f: {  	v3 =	vld [tilespmem:$0x1FE40];
	_ =	sdelay $0x4  }
0x110: {  	v17 =	vmul.f32 v33, v35;
	v35 =	vmul.f32 v3, v1;
	v1 =	vld [tilespmem:$0x1FE50]  }
0x111: {  	v3 =	vld [tilespmem:$0x1FE60]  }
0x112: {  	v36 =	vld [tilespmem:s14+$0x4D0]  }
0x113: {  	v34 =	vld [tilespmem:s14+$0x44D0]  }
0x114: {  	v12 =	vld [tilespmem:s14+$0x2A0]  }
0x115: {  	v6 =	vld [tilespmem:$0x1FE80]  }
0x116: {  	v1 =	vmul.f32 v3, v1;
	v3 =	vld [tilespmem:$0x1FE70];
	_ =	sdelay $0x2  }
0x117: {  	[tilespmem:$0x1FB60] =	vst v12;
	v12 =	vmul.f32 v34, v36;
	v36 =	vld [tilespmem:s14+$0x4380]  }
0x118: {  	v5 =	vld [tilespmem:s14+$0x380]  }
0x119: {  	v21 =	vmul.f32 v6, v3;
	v3 =	vld [tilespmem:$0x1FE90]  }
0x11a: {  	v6 =	vld [tilespmem:$0x1FEA0]  }
0x11b: {  	v25 =	vld [tilespmem:s14+$0x390]  }
0x11c: {  	v40 =	vld [tilespmem:s14+$0x4390]  }
0x11d: {  	v0 =	vadd.f32 v8, v0;
	v8 =	vld [tilespmem:s14+$0x300];
	v20 =	vadd.f32 $0.0e+00, v11  }
0x11e: {  	v9 =	vld [tilespmem:s14+$0x4300];
	v19 =	vadd.f32 v41, v19  }
0x11f: {  	v5 =	vmul.f32 v36, v5;
	v36 =	vadd.f32 v10, v20;
	v10 =	vmul.f32 v6, v3;
	v3 =	vld [tilespmem:$0x1FEB0]  }
0x120: {  	v6 =	vadd.f32 v26, v19;
	v19 =	vld [tilespmem:$0x1FEC0];
	_ =	sdelay $0x2  }
0x121: {  	v16 =	vadd.f32 v16, v7  }
0x122: {  	v9 =	vmul.f32 v9, v8;
	v8 =	vadd.f32 v22, v6;
	v6 =	vld [tilespmem:$0x1FEE0]  }
0x123: {  	v4 =	vadd.f32 v4, v16;
	v16 =	vmul.f32 v40, v25;
	v40 =	vmul.f32 v19, v3;
	v3 =	vld [tilespmem:$0x1FED0]  }
0x124: {  	v59 =	vld [tilespmem:s14+$0x4320]  }
0x125: {  	v42 =	vld [tilespmem:s14+$0x4400]  }
0x126: {  	v60 =	vld [tilespmem:s14+$0xC0]  }
0x127: {  	v48 =	vld [tilespmem:s14+$0x40D0]  }
0x128: {  	v41 =	vmul.f32 v6, v3;
	v3 =	vld [tilespmem:$0x1FEF0]  }
0x129: {  	v6 =	vld [tilespmem:$0x1FF00]  }
0x12a: {  	v51 =	vld [tilespmem:s14+$0xD0]  }
0x12b: {  	v53 =	vld [tilespmem:s14+$0x230];
	v4 =	vadd.f32 v43, v4  }
0x12c: {  	v47 =	vld [tilespmem:s14+$0x1C0]  }
0x12d: {  	v12 =	vadd.f32 v12, v4;
	v4 =	vld [tilespmem:$0x1FF20]  }
0x12e: {  	v6 =	vmul.f32 v6, v3;
	v3 =	vld [tilespmem:$0x1FF10]  }
0x12f: {  	v33 =	vld [tilespmem:s14+$0x41C0]  }
0x130: {  	v55 =	vld [tilespmem:s14+$0x1B0]  }
0x131: {  	v18 =	vld [tilespmem:s14+$0x310]  }
0x132: {  	v19 =	vadd.f32 $0.0e+00, v9;
	v9 =	vld [tilespmem:$0x1FF40]  }
0x133: {  	v4 =	vmul.f32 v4, v3;
	v3 =	vld [tilespmem:$0x1FF30]  }
0x134: {  	v29 =	vld [tilespmem:s14+$0x4230]  }
0x135: {  	v28 =	vld [tilespmem:s14+$0x4310]  }
0x136: {  	v34 =	vld [tilespmem:s14+$0x40C0]  }
0x137: {  	v58 =	vld [tilespmem:s14+$0x220]  }
0x138: {  	v5 =	vadd.f32 $0.0e+00, v5;
	v9 =	vmul.f32 v9, v3;
	v3 =	vld [tilespmem:$0x1FF50]  }
0x139: {  	v62 =	vld [tilespmem:s14+$0x4220]  }
0x13a: {  	v56 =	vld [tilespmem:s14+$0x41B0];
	v18 =	vmul.f32 v28, v18;
	v5 =	vadd.f32 v16, v5  }
0x13b: {  	v46 =	vld [tilespmem:s14+$0x4180]  }
0x13c: {  	v5 =	vadd.f32 v6, v5;
	v6 =	vadd.f32 v18, v19;
	v19 =	vld [tilespmem:$0x1FF70]  }
0x13d: {  	v18 =	vmul.f32 v59, v3;
	v3 =	vld [tilespmem:$0x1FF60]  }
0x13e: {  	v45 =	vld [tilespmem:s14+$0x4290]  }
0x13f: {  	v30 =	vld [tilespmem:s14+$0x2B0]  }
0x140: {  	v28 =	vld [tilespmem:s14+$0x190]  }
0x141: {  	v10 =	vadd.f32 v10, v5;
	v5 =	vld [tilespmem:$0x1FF90]  }
0x142: {  	v59 =	vmul.f32 v19, v3;
	v3 =	vld [tilespmem:$0x1FF80]  }
0x143: {  	v50 =	vadd.f32 v50, v0;
	v0 =	vld [tilespmem:s14+$0xB0]  }
0x144: {  	[tilespmem:$0x1F9D0] =	vst v30;
	v30 =	vld [tilespmem:s14+$0x400]  }
0x145: {  	v15 =	vld [tilespmem:s14+$0x290]  }
0x146: {  	v13 =	vld [tilespmem:s14+$0x4210]  }
0x147: {  	v6 =	vadd.f32 v18, v6;
	v18 =	vmul.f32 v5, v3;
	v3 =	vld [tilespmem:$0x1FFA0]  }
0x148: {  	v5 =	vld [tilespmem:$0x1FFB0]  }
0x149: {  	v31 =	vld [tilespmem:s14+$0x210]  }
0x14a: {  	v23 =	vld [tilespmem:s14+$0x40A0];
	v12 =	vadd.f32 v17, v12  }
0x14b: {  	v11 =	vld [tilespmem:s14+$0x1A0]  }
0x14c: {  	v19 =	vadd.f32 v24, v12;
	v12 =	vadd.f32 v14, v10;
	v10 =	vld [tilespmem:$0x1FFD0]  }
0x14d: {  	v5 =	vmul.f32 v5, v3;
	v3 =	vld [tilespmem:$0x1FFC0]  }
0x14e: {  	v20 =	vld [tilespmem:s14+$0x280]  }
0x14f: {  	v2 =	vld [tilespmem:s14+$0x40B0]  }
0x150: {  	v7 =	vld [tilespmem:s14+$0x41A0]  }
0x151: {  	v17 =	vld [tilespmem:s14+$0x200]  }
0x152: {  	v14 =	vmul.f32 v10, v3;
	v3 =	vld [tilespmem:$0x1FFE0]  }
0x153: {  	v10 =	vld [tilespmem:$0x1FFF0]  }
0x154: {  	v22 =	vmul.f32 v42, v30;
	v42 =	vld [tilespmem:s14+$0x180]  }
0x155: {  	v30 =	vld [tilespmem:s14+$0x4200]  }
0x156: {  	v25 =	vld [tilespmem:s14+$0x4280]  }
0x157: {  	v16 =	vld [tilespmem:s14+$0xA0]  }
0x158: {  	v43 =	vld [tilespmem:s14+$0x4190];
	v24 =	vadd.f32 $0.0e+00, v22;
	v22 =	vmul.f32 v10, v3;
	v3 =	vadd.f32 v59, v6  }
0x159: {  	v26 =	vld [tilespmem:s14+$0x4080];
	v42 =	vmul.f32 v46, v42;
	v32 =	vadd.f32 v32, v12;
	v12 =	vmul.f32 v33, v47  }
0x15a: {  	v33 =	vmul.f32 v30, v17;
	v6 =	vadd.f32 v18, v24;
	v24 =	vld [tilespmem:s14+$0x90];
	v21 =	vadd.f32 v21, v3  }
0x15b: {  	(xrf2) =	vadd.scan.msk.f32 $0xffff, v44;
	v17 =	vmul.f32 v56, v55;
	v18 =	vmul.f32 v29, v53;
	v59 =	vadd.f32 v54, v32;
	v29 =	vld [tilespmem:s14+$0x80]  }
0x15c: {  	(xrf2) =	vadd.scan.msk.f32 $0xffff, v57;
	v30 =	vmul.f32 v62, v58;
	v10 =	vmul.f32 v48, v51;
	v47 =	vadd.f32 v27, v21;
	v27 =	vld [tilespmem:s14+$0x4090]  }
0x15d: {  	s16 =	simm.s32 $0x1;
	s15 =	simm.s32 $0x0;
	(xrf2) =	vadd.scan.msk.f32 $0xffff, v50;
	v48 =	vmul.f32 v13, v31;
	v13 =	vadd.f32 v49, v59;
	v49 =	vadd.f32 $0.0e+00, v33;
	v21 =	vld [tilespmem:s14+$0x100]  }
.LBB2_2:
0x15e: {  	_ = 	snop  }
0x15f: {  	v48 =	vadd.f32 v48, v49  }
0x160: {  	v31 =	vadd.f32 v52, v47;
	v20 =	vmul.f32 v25, v20  }
0x161: {  	v15 =	vmul.f32 v45, v15;
	v25 =	vmul.f32 v26, v29;
	v29 =	vadd.f32 v30, v48  }
0x162: {  	v30 =	vadd.f32 v39, v31;
	v31 =	vmul.f32 v7, v11;
	v11 =	vadd.f32 $0.0e+00, v20  }
0x163: {  	v24 =	vmul.f32 v27, v24;
	v20 =	vadd.f32 $0.0e+00, v25;
	v18 =	vadd.f32 v18, v29  }
0x164: {  	(xrf2) =	vadd.scan.msk.f32 $0xffff, v8;
	v42 =	vadd.f32 $0.0e+00, v42;
	v28 =	vmul.f32 v43, v28;
	v27 =	vld [tilespmem:s14+$0x130];
	v11 =	vadd.f32 v15, v11  }
0x165: {  	v16 =	vmul.f32 v23, v16;
	v3, _, _ =	vpop (xrf2);
	(xrf2) =	vadd.scan.msk.f32 $0xffff, v19;
	v19 =	vld [tilespmem:s14+$0x4130];
	v15 =	vadd.f32 v24, v20;
	v18 =	vadd.f32 v22, v18  }
0x166: {  	v28 =	vadd.f32 v28, v42  }
0x167: {  	v2 =	vmul.f32 v2, v0;
	v15 =	vadd.f32 v16, v15;
	v9 =	vadd.f32 v9, v18  }
0x168: {  	v28 =	vadd.f32 v31, v28  }
0x169: {  	v2 =	vadd.f32 v2, v15;
	v15 =	vmul.f32 v34, v60;
	v1 =	vadd.f32 v1, v9  }
0x16a: {  	v17 =	vadd.f32 v17, v28;
	v9 =	vmul.f32 v19, v27;
	v19 =	vld [tilespmem:$0x1FB70]  }
0x16b: {  	v2 =	vadd.f32 v15, v2;
	v15 =	vadd.f32 v37, v1;
	v1 =	vld [tilespmem:$0x1FB60];
	_ =	sdelay $0x1  }
0x16c: {  	v12 =	vadd.f32 v12, v17;
	_ =	sdelay $0x1  }
0x16d: {  	v44 =	vld [tilespmem:s14+$0x4100];
	v12 =	vadd.f32 v14, v12  }
0x16e: {  	v33 =	vld [tilespmem:s14+$0x110];
	v19 =	vmul.f32 v19, v1  }
0x16f: {  	v4 =	vadd.f32 v4, v12;
	v12 =	vld [tilespmem:$0x1F9D0]  }
0x170: {  	v11 =	vadd.f32 v19, v11;
	v19 =	vld [tilespmem:$0x1F9F0]  }
0x171: {  	v26 =	vld [tilespmem:s14+$0x4110]  }
0x172: {  	v8 =	vld [tilespmem:s14+$0x120]  }
0x173: {  	v25 =	vld [tilespmem:s14+$0x4120]  }
0x174: {  	v21 =	vmul.f32 v44, v21  }
0x175: {  	v22 =	vld [tilespmem:s14+$0x140];
	v2 =	vadd.f32 v10, v2;
	v12 =	vmul.f32 v19, v12  }
0x176: {  	v20 =	vadd.f32 $0.0e+00, v21;
	v21 =	vmul.f32 v26, v33;
	v16 =	vld [tilespmem:s14+$0x4140]  }
0x177: {  	v2 =	vadd.f32 v5, v2;
	v5 =	vadd.f32 v12, v11;
	v11 =	vld [tilespmem:$0x1F930]  }
0x178: {  	v7, _, _ =	vpop (xrf2);
	(xrf2) =	vadd.scan.msk.f32 $0xffff, v13;
	v13 =	vadd.f32 v21, v20;
	v8 =	vmul.f32 v25, v8;
	v12 =	vld [tilespmem:$0x1F940]  }
0x179: {  	v18 =	vld [tilespmem:s14+$0x150]  }
0x17a: {  	v17 =	vld [tilespmem:s14+$0x4150];
	v8 =	vadd.f32 v8, v13  }
0x17b: {  	v13 =	vld [tilespmem:s14+$0x160]  }
0x17c: {  	v14 =	vld [tilespmem:s14+$0x4160];
	v8 =	vadd.f32 v9, v8  }
0x17d: {  	v0, _, _ =	vpop (xrf2);
	(xrf2) =	vadd.scan.msk.f32 $0xffff, v30;
	v9 =	vmul.f32 v16, v22;
	v16 =	vld [tilespmem:s14+$0x170];
	v4 =	vadd.f32 v38, v4;
	v11 =	vmul.f32 v12, v11  }
0x17e: {  	v10 =	vld [tilespmem:s14+$0x4170];
	v1, _, _ =	vpop (xrf2);
	(xrf2) =	vadd.scan.msk.f32 $0xffff, v15  }
0x17f: {  	v8 =	vadd.f32 v9, v8;
	v9 =	vmul.f32 v17, v18;
	v17, _, _ =	vpop (xrf2);
	(xrf2) =	vadd.scan.msk.f32 $0xffff, v4;
	v4 =	vadd.f32 v11, v5;
	v5 =	vld [tilespmem:$0x1F910]  }
0x180: {  	v11 =	vld [tilespmem:$0x1F920]  }
0x181: {  	v8 =	vadd.f32 v9, v8;
	v9 =	vmul.f32 v14, v13;
	_ =	sdelay $0x1  }
0x182: {  	v2 =	vadd.f32 v41, v2;
	v8 =	vadd.f32 v9, v8;
	v9 =	vmul.f32 v10, v16  }
0x183: {  	v15 =	vld [tilespmem:s14+$0x42E0]  }
0x184: {  	v14, _, _ =	vpop (xrf2);
	(xrf2) =	vadd.scan.msk.f32 $0xffff, v2;
	v2 =	vadd.f32 v9, v8;
	v8 =	vld [tilespmem:$0x1FD20];
	v5 =	vmul.f32 v11, v5  }
0x185: {  	v6 =	vadd.f32 v40, v6;
	v13 =	vld [tilespmem:s14+$0x42F0]  }
0x186: {  	v4 =	vadd.f32 v5, v4;
	v5 =	vld [tilespmem:$0x1F900]  }
0x187: {  	v6 =	vadd.f32 v35, v6;
	v9 =	vld [tilespmem:$0x1F8F0]  }
0x188: {  	v12 =	vld [tilespmem:s14+$0x2F0]  }
0x189: {  	v6 =	vadd.f32 v8, v6;
	v8 =	vld [tilespmem:$0x1F8E0];
	_ =	sdelay $0x1  }
0x18a: {  	v16 =	vld [tilespmem:$0x1FC90];
	v5 =	vmul.f32 v15, v5;
	_ =	sdelay $0x1  }
0x18b: {  	v4 =	vadd.f32 v5, v4;
	v5 =	vmul.f32 v13, v12;
	v12 =	vld [tilespmem:$0x1FBF0]  }
0x18c: {  	v10 =	vld [tilespmem:s14+$0x470];
	v8 =	vmul.f32 v9, v8  }
0x18d: {  	v19 =	vld [tilespmem:$0x1FC40]  }
0x18e: {  	v16 =	vadd.f32 v16, v36;
	v6 =	vadd.f32 v8, v6;
	v8 =	vld [tilespmem:$0x1F8D0]  }
0x18f: {  	v11 =	vld [tilespmem:s14+$0x4460]  }
0x190: {  	v18, _, _ =	vpop (xrf2);
	(xrf2) =	vadd.scan.msk.f32 $0xffff, v2;
	v2 =	vadd.f32 v5, v4;
	v5 =	vld [tilespmem:$0x1F8B0];
	v12 =	vadd.f32 v12, v16  }
0x191: {  	v16 =	vld [tilespmem:$0x1FB20]  }
0x192: {  	v4 =	vadd.f32 v61, v12;
	v12 =	vld [tilespmem:$0x1F8C0]  }
0x193: {  	v15 =	vld [tilespmem:s14+$0x4470]  }
0x194: {  	v9 =	vld [tilespmem:s14+$0x45E0]  }
0x195: {  	v8 =	vmul.f32 v11, v8;
	v11 =	vld [tilespmem:s14+$0x45F0]  }
0x196: {  	v13 =	vld [tilespmem:s14+$0x5F0]  }
0x197: {  	v16 =	vadd.f32 v16, v19;
	v5 =	vmul.f32 v12, v5;
	v12 =	vld [tilespmem:s14+$0x4760];
	v19, _, _ =	vpop (xrf2)  }
0x198: {  	v6 =	vadd.f32 v8, v6;
	v8 =	vmul.f32 v15, v10;
	v10 =	vld [tilespmem:$0x1FAC0];
	_ =	sdelay $0x1  }
0x199: {  	(xrf2) =	vadd.scan.msk.f32 $0xffff, v2;
	v2 =	vadd.f32 v8, v6;
	v6 =	vld [tilespmem:$0x1FA00];
	_ =	sdelay $0x2  }
0x19a: {  	v10 =	vadd.f32 v10, v16  }
0x19b: {  	v8 =	vld [tilespmem:$0x1F880]  }
0x19c: {  	v6 =	vadd.f32 v6, v10;
	v10 =	vld [tilespmem:$0x1F890]  }
0x19d: {  	v4 =	vadd.f32 v5, v4;
	v5 =	vld [tilespmem:$0x1F8A0];
	_ =	sdelay $0x3  }
0x19e: {  	v8 =	vmul.f32 v10, v8  }
0x19f: {  	v16 =	vld [tilespmem:$0x1F9E0];
	v5 =	vmul.f32 v9, v5  }
0x1a0: {  	v6 =	vadd.f32 v8, v6;
	v8 =	vld [tilespmem:$0x1F870]  }
0x1a1: {  	v4 =	vadd.f32 v5, v4;
	v5 =	vmul.f32 v11, v13;
	v11 =	vld [tilespmem:$0x1F850]  }
0x1a2: {  	v13 =	vld [tilespmem:$0x1F860]  }
0x1a3: {  	v20, _, _ =	vpop (xrf2);
	(xrf2) =	vadd.scan.msk.f32 $0xffff, v2;
	v2 =	vadd.f32 v5, v4;
	v4 =	vld [tilespmem:$0x1F830]  }
0x1a4: {  	v5 =	vld [tilespmem:$0x1F840]  }
0x1a5: {  	v8 =	vmul.f32 v12, v8;
	v12 =	vld [tilespmem:$0x1F9A0]  }
0x1a6: {  	v15 =	vld [tilespmem:s14+$0x770]  }
0x1a7: {  	v9 =	vld [tilespmem:s14+$0x4770]  }
0x1a8: {  	v16 =	vadd.f32 v16, v63;
	v10 =	vld [tilespmem:s14+$0x860]  }
0x1a9: {  	v11 =	vmul.f32 v13, v11;
	v13 =	vld [tilespmem:s14+$0x4860]  }
0x1aa: {  	v4 =	vmul.f32 v5, v4;
	v5 =	vld [tilespmem:s14+$0x4870];
	v12 =	vadd.f32 v12, v16  }
0x1ab: {  	v16 =	vld [tilespmem:s14+$0x870]  }
0x1ac: {  	v15 =	vmul.f32 v9, v15;
	v6 =	vadd.f32 v8, v6;
	v9 =	vadd.f32 v11, v12  }
0x1ad: {  	v21, _, _ =	vpop (xrf2);
	(xrf2) =	vadd.scan.msk.f32 $0xffff, v2  }
0x1ae: {  	v2 =	vadd.f32 v15, v6;
	v6 =	vmul.f32 v13, v10;
	v8, _, _ =	vpop (xrf2);
	v4 =	vadd.f32 v4, v9  }
0x1af: {  	v11 =	vbroadcast v8, $0xF;
	v9 =	vbroadcast v21, $0xF  }
0x1b0: {  	v10 =	vbroadcast v20, $0xF;
	(xrf2) =	vadd.scan.msk.f32 $0xffff, v2;
	v5 =	vmul.f32 v5, v16;
	v4 =	vadd.f32 v6, v4  }
0x1b1: {  	v8, _, _ =	vpop (xrf2);
	v2 =	vsel vm0, v9, v11;
	v6 =	vbroadcast v19, $0xF  }
0x1b2: {  	v9 =	vbroadcast v8, $0xF;
	v2 =	vsel vm1, v2, v10;
	v4 =	vadd.f32 v5, v4  }
0x1b3: {  	v2 =	vsel vm2, v2, v6;
	v5 =	vbroadcast v18, $0xF  }
0x1b4: {  	v8, _, _ =	vpop (xrf2);
	v6 =	vbroadcast v14, $0xF;
	v2 =	vsel vm3, v2, v9;
	(xrf2) =	vadd.scan.msk.f32 $0xffff, v4  }
0x1b5: {  	v8 =	vbroadcast v8, $0xF;
	v2 =	vsel vm4, v2, v5  }
0x1b6: {  	v5 =	vbroadcast v17, $0xF;
	v2 =	vsel vm5, v2, v6  }
0x1b7: {  	v1 =	vbroadcast v1, $0xF;
	v2 =	vsel vm6, v2, v8;
	v4, _, _ =	vpop (xrf2)  }
0x1b8: {  	v2 =	vsel vm7, v2, v5;
	v5 =	vbroadcast v4, $0xF  }
0x1b9: {  	v0 =	vbroadcast v0, $0xF;
	v1 =	vsel vm8, v2, v1  }
0x1ba: {  	v4, _, _ =	vpop (xrf2);
	v2 =	vbroadcast v7, $0xF;
	v1 =	vsel vm9, v1, v5  }
0x1bb: {  	v4 =	vbroadcast v4, $0xF;
	v0 =	vsel vm10, v1, v0  }
0x1bc: {  	v0 =	vsel vm11, v0, v2;
	v2 =	vbroadcast v3, $0xF  }
0x1bd: {  	v0 =	vsel vm12, v0, v4  }
0x1be: {  	v0 =	vsel vm13, v0, v2;
	v1, _, _ =	vpop (xrf2)  }
0x1bf: {  	v0 =	vsel vm14, v0, v1  }
0x1c0: {  	v0 =	vsub.f32 $0.0e+00, v0;
	_ =	sdelay $0x1  }
0x1c1: {  	v0 =	vmul.f32 $1.442695020e+00, v0;
	_ =	sdelay $0x1  }
0x1c2: {  	(erf) = vpow2.f32 v0;
	_ =	sdelay $0x8  }
0x1c3: {  	v0 =	vpop (erf)  }
0x1c4: {  	v0 =	vadd.f32 $1.000000000e+00, v0;
	_ =	sdelay $0x1  }
0x1c5: {  	(erf) = vrcp.f32 v0;
	_ =	sdelay $0x7  }
0x1c6: {  	s31 =	sshll.u32 s15, $0x4  }
0x1c7: {  	s17 =	sand.u32 $0x3FFFFFF0, s31;
	v0 =	vpop (erf)  }
0x1c8: {  	s14 =	sshll.u32 s16, $0xB;
	[tilespmem:s17+$0x8080] =	vst v0  }
0x1c9: {  	v1 =	vld [tilespmem:s14+$0x3F0];
	_ =	sdelay $0x4  }
0x1ca: {  	[tilespmem:$0x1F430] =	vst v1;
	v1 =	vld [tilespmem:s14+$0x43F0];
	_ =	sdelay $0x4  }
0x1cb: {  	[tilespmem:$0x1F440] =	vst v1;
	v1 =	vld [tilespmem:s14+$0x460];
	_ =	sdelay $0x4  }
0x1cc: {  	[tilespmem:$0x1F8D0] =	vst v1;
	v1 =	vld [tilespmem:s14+$0x4D0];
	_ =	sdelay $0x4  }
0x1cd: {  	[tilespmem:$0x1F450] =	vst v1;
	v1 =	vld [tilespmem:s14+$0x44D0];
	_ =	sdelay $0x4  }
0x1ce: {  	[tilespmem:$0x1F460] =	vst v1;
	v1 =	vld [tilespmem:s14+$0x540];
	_ =	sdelay $0x4  }
0x1cf: {  	[tilespmem:$0x1F470] =	vst v1;
	v1 =	vld [tilespmem:s14+$0x4540];
	_ =	sdelay $0x4  }
0x1d0: {  	[tilespmem:$0x1F480] =	vst v1;
	v1 =	vld [tilespmem:s14+$0x5B0];
	_ =	sdelay $0x4  }
0x1d1: {  	[tilespmem:$0x1F4C0] =	vst v1;
	v1 =	vld [tilespmem:s14+$0x45B0];
	_ =	sdelay $0x4  }
0x1d2: {  	[tilespmem:$0x1F4D0] =	vst v1;
	v1 =	vld [tilespmem:s14+$0x620];
	_ =	sdelay $0x4  }
0x1d3: {  	[tilespmem:$0x1F490] =	vst v1;
	v1 =	vld [tilespmem:s14+$0x4620];
	_ =	sdelay $0x4  }
0x1d4: {  	[tilespmem:$0x1F4A0] =	vst v1;
	v1 =	vld [tilespmem:s14+$0x370];
	_ =	sdelay $0x4  }
0x1d5: {  	[tilespmem:$0x1F4B0] =	vst v1;
	v1 =	vld [tilespmem:s14+$0x3E0];
	_ =	sdelay $0x4  }
0x1d6: {  	[tilespmem:$0x1F4E0] =	vst v1;
	v1 =	vld [tilespmem:s14+$0x43E0];
	_ =	sdelay $0x4  }
0x1d7: {  	[tilespmem:$0x1F4F0] =	vst v1;
	v1 =	vld [tilespmem:s14+$0x450];
	_ =	sdelay $0x4  }
0x1d8: {  	[tilespmem:$0x1F8E0] =	vst v1;
	v1 =	vld [tilespmem:s14+$0x4450];
	_ =	sdelay $0x4  }
0x1d9: {  	[tilespmem:$0x1F8F0] =	vst v1;
	v1 =	vld [tilespmem:s14+$0x4C0];
	_ =	sdelay $0x4  }
0x1da: {  	[tilespmem:$0x1F500] =	vst v1;
	v1 =	vld [tilespmem:s14+$0x44C0];
	_ =	sdelay $0x4  }
0x1db: {  	[tilespmem:$0x1F510] =	vst v1;
	v1 =	vld [tilespmem:s14+$0x530];
	_ =	sdelay $0x4  }
0x1dc: {  	[tilespmem:$0x1F520] =	vst v1;
	v1 =	vld [tilespmem:s14+$0x4530];
	_ =	sdelay $0x4  }
0x1dd: {  	[tilespmem:$0x1F530] =	vst v1;
	v1 =	vld [tilespmem:s14+$0x5A0];
	_ =	sdelay $0x4  }
0x1de: {  	[tilespmem:$0x1F540] =	vst v1;
	v1 =	vld [tilespmem:s14+$0x45A0];
	_ =	sdelay $0x3  }
0x1df: {  	v0 =	vld [tilespmem:s14+$0x850]  }
0x1e0: {  	[tilespmem:$0x1F550] =	vst v1;
	v1 =	vld [tilespmem:s14+$0x360];
	_ =	sdelay $0x3  }
0x1e1: {  	[tilespmem:$0x1F830] =	vst v0;
	v0 =	vld [tilespmem:s14+$0x4850]  }
0x1e2: {  	[tilespmem:$0x1F560] =	vst v1;
	v1 =	vld [tilespmem:s14+$0x4360];
	_ =	sdelay $0x3  }
0x1e3: {  	[tilespmem:$0x1F840] =	vst v0;
	v0 =	vld [tilespmem:s14+$0x840]  }
0x1e4: {  	[tilespmem:$0x1F570] =	vst v1;
	v1 =	vld [tilespmem:s14+$0x3D0];
	_ =	sdelay $0x3  }
0x1e5: {  	[tilespmem:$0x1F850] =	vst v0;
	v0 =	vld [tilespmem:s14+$0x4840]  }
0x1e6: {  	[tilespmem:$0x1F580] =	vst v1;
	v1 =	vld [tilespmem:s14+$0x43D0];
	_ =	sdelay $0x3  }
0x1e7: {  	[tilespmem:$0x1F860] =	vst v0;
	v0 =	vld [tilespmem:s14+$0x760]  }
0x1e8: {  	[tilespmem:$0x1F590] =	vst v1;
	v1 =	vld [tilespmem:s14+$0x440];
	_ =	sdelay $0x3  }
0x1e9: {  	[tilespmem:$0x1F870] =	vst v0;
	v0 =	vld [tilespmem:s14+$0x750]  }
0x1ea: {  	[tilespmem:$0x1F5B0] =	vst v1;
	v1 =	vld [tilespmem:s14+$0x4440];
	_ =	sdelay $0x3  }
0x1eb: {  	[tilespmem:$0x1F880] =	vst v0;
	v0 =	vld [tilespmem:s14+$0x4750]  }
0x1ec: {  	[tilespmem:$0x1F5C0] =	vst v1;
	v1 =	vld [tilespmem:s14+$0x4B0];
	_ =	sdelay $0x3  }
0x1ed: {  	[tilespmem:$0x1F890] =	vst v0;
	v0 =	vld [tilespmem:s14+$0x46D0]  }
0x1ee: {  	[tilespmem:$0x1F5D0] =	vst v1;
	v1 =	vld [tilespmem:s14+$0x44B0];
	_ =	sdelay $0x3  }
0x1ef: {  	[tilespmem:$0x1F1D0] =	vst v0;
	v0 =	vld [tilespmem:s14+$0x740]  }
0x1f0: {  	[tilespmem:$0x1F5E0] =	vst v1;
	v1 =	vld [tilespmem:s14+$0x520];
	_ =	sdelay $0x3  }
0x1f1: {  	[tilespmem:$0x1F1E0] =	vst v0;
	v0 =	vld [tilespmem:s14+$0x4740]  }
0x1f2: {  	[tilespmem:$0x1F5A0] =	vst v1;
	v1 =	vld [tilespmem:s14+$0x590];
	_ =	sdelay $0x3  }
0x1f3: {  	[tilespmem:$0x1F1F0] =	vst v0;
	v0 =	vld [tilespmem:s14+$0x7B0]  }
0x1f4: {  	[tilespmem:$0x1F5F0] =	vst v1;
	v1 =	vld [tilespmem:s14+$0x4590];
	_ =	sdelay $0x3  }
0x1f5: {  	[tilespmem:$0x1F200] =	vst v0;
	v0 =	vld [tilespmem:s14+$0x47B0]  }
0x1f6: {  	[tilespmem:$0x1F600] =	vst v1;
	v1 =	vld [tilespmem:s14+$0x270];
	_ =	sdelay $0x3  }
0x1f7: {  	[tilespmem:$0x1F210] =	vst v0;
	v0 =	vld [tilespmem:s14+$0x4810]  }
0x1f8: {  	[tilespmem:$0x1F610] =	vst v1;
	v1 =	vld [tilespmem:s14+$0x2E0];
	_ =	sdelay $0x3  }
0x1f9: {  	[tilespmem:$0x1F260] =	vst v0;
	v0 =	vld [tilespmem:s14+$0x4570]  }
0x1fa: {  	[tilespmem:$0x1F900] =	vst v1;
	v1 =	vld [tilespmem:s14+$0x350];
	_ =	sdelay $0x3  }
0x1fb: {  	[tilespmem:$0x1F270] =	vst v0;
	v0 =	vld [tilespmem:s14+$0x5E0]  }
0x1fc: {  	[tilespmem:$0x1F620] =	vst v1;
	v1 =	vld [tilespmem:s14+$0x4350];
	_ =	sdelay $0x3  }
0x1fd: {  	[tilespmem:$0x1F8A0] =	vst v0;
	v0 =	vld [tilespmem:s14+$0x650]  }
0x1fe: {  	[tilespmem:$0x1F630] =	vst v1;
	v1 =	vld [tilespmem:s14+$0x3C0];
	_ =	sdelay $0x3  }
0x1ff: {  	[tilespmem:$0x1F280] =	vst v0;
	v0 =	vld [tilespmem:s14+$0x4650]  }
0x200: {  	[tilespmem:$0x1F640] =	vst v1;
	v1 =	vld [tilespmem:s14+$0x43C0];
	_ =	sdelay $0x3  }
0x201: {  	[tilespmem:$0x1F290] =	vst v0;
	v0 =	vld [tilespmem:s14+$0x6C0]  }
0x202: {  	[tilespmem:$0x1F650] =	vst v1;
	v1 =	vld [tilespmem:s14+$0x430];
	_ =	sdelay $0x3  }
0x203: {  	[tilespmem:$0x1F2A0] =	vst v0;
	v0 =	vld [tilespmem:s14+$0x46C0]  }
0x204: {  	[tilespmem:$0x1F690] =	vst v1;
	v1 =	vld [tilespmem:s14+$0x4430];
	_ =	sdelay $0x3  }
0x205: {  	[tilespmem:$0x1F2B0] =	vst v0;
	v0 =	vld [tilespmem:s14+$0x730]  }
0x206: {  	[tilespmem:$0x1F6A0] =	vst v1;
	v1 =	vld [tilespmem:s14+$0x4A0];
	_ =	sdelay $0x3  }
0x207: {  	[tilespmem:$0x1F2C0] =	vst v0;
	v0 =	vld [tilespmem:s14+$0x4730]  }
0x208: {  	[tilespmem:$0x1F660] =	vst v1;
	v1 =	vld [tilespmem:s14+$0x44A0];
	_ =	sdelay $0x3  }
0x209: {  	[tilespmem:$0x1F2D0] =	vst v0;
	v0 =	vld [tilespmem:s14+$0x7A0]  }
0x20a: {  	[tilespmem:$0x1F670] =	vst v1;
	v1 =	vld [tilespmem:s14+$0x1F0];
	_ =	sdelay $0x3  }
0x20b: {  	[tilespmem:$0x1F240] =	vst v0;
	v0 =	vld [tilespmem:s14+$0x47A0]  }
0x20c: {  	[tilespmem:$0x1F680] =	vst v1;
	v1 =	vld [tilespmem:s14+$0x260];
	_ =	sdelay $0x3  }
0x20d: {  	[tilespmem:$0x1F250] =	vst v0;
	v0 =	vld [tilespmem:s14+$0x800]  }
0x20e: {  	[tilespmem:$0x1F6B0] =	vst v1;
	v1 =	vld [tilespmem:s14+$0x4260];
	_ =	sdelay $0x3  }
0x20f: {  	[tilespmem:$0x1F220] =	vst v0;
	v0 =	vld [tilespmem:s14+$0x4800]  }
0x210: {  	[tilespmem:$0x1F6C0] =	vst v1;
	v1 =	vld [tilespmem:s14+$0x2D0];
	_ =	sdelay $0x3  }
0x211: {  	[tilespmem:$0x1F230] =	vst v0;
	v0 =	vld [tilespmem:s14+$0x4F0]  }
0x212: {  	[tilespmem:$0x1F910] =	vst v1;
	v1 =	vld [tilespmem:s14+$0x42D0];
	_ =	sdelay $0x3  }
0x213: {  	[tilespmem:$0x1F2E0] =	vst v0;
	v0 =	vld [tilespmem:s14+$0x44F0]  }
0x214: {  	[tilespmem:$0x1F920] =	vst v1;
	v1 =	vld [tilespmem:s14+$0x340];
	_ =	sdelay $0x3  }
0x215: {  	[tilespmem:$0x1F2F0] =	vst v0;
	v0 =	vld [tilespmem:s14+$0x560]  }
0x216: {  	[tilespmem:$0x1F6D0] =	vst v1;
	v1 =	vld [tilespmem:s14+$0x3B0];
	_ =	sdelay $0x3  }
0x217: {  	[tilespmem:$0x1F300] =	vst v0;
	v0 =	vld [tilespmem:s14+$0x4560]  }
0x218: {  	[tilespmem:$0x1F6E0] =	vst v1;
	v1 =	vld [tilespmem:s14+$0x43B0];
	_ =	sdelay $0x3  }
0x219: {  	[tilespmem:$0x1F310] =	vst v0;
	v0 =	vld [tilespmem:s14+$0x5D0]  }
0x21a: {  	[tilespmem:$0x1F6F0] =	vst v1;
	v1 =	vld [tilespmem:s14+$0x420];
	_ =	sdelay $0x3  }
0x21b: {  	[tilespmem:$0x1F8B0] =	vst v0;
	v0 =	vld [tilespmem:s14+$0x45D0]  }
0x21c: {  	[tilespmem:$0x1F700] =	vst v1;
	v1 =	vld [tilespmem:s14+$0x4420];
	_ =	sdelay $0x3  }
0x21d: {  	[tilespmem:$0x1F8C0] =	vst v0;
	v0 =	vld [tilespmem:s14+$0x640]  }
0x21e: {  	[tilespmem:$0x1F710] =	vst v1;
	v1 =	vld [tilespmem:s14+$0xF0];
	_ =	sdelay $0x3  }
0x21f: {  	[tilespmem:$0x1F320] =	vst v0;
	v0 =	vld [tilespmem:s14+$0x4640]  }
0x220: {  	[tilespmem:$0x1F720] =	vst v1;
	v1 =	vld [tilespmem:s14+$0x1E0];
	_ =	sdelay $0x3  }
0x221: {  	[tilespmem:$0x1F330] =	vst v0;
	v0 =	vld [tilespmem:s14+$0x6B0]  }
0x222: {  	[tilespmem:$0x1F730] =	vst v1;
	v1 =	vld [tilespmem:s14+$0x41E0];
	_ =	sdelay $0x3  }
0x223: {  	[tilespmem:$0x1F340] =	vst v0;
	v0 =	vld [tilespmem:s14+$0x46B0]  }
0x224: {  	[tilespmem:$0x1F740] =	vst v1;
	v1 =	vld [tilespmem:s14+$0x250];
	_ =	sdelay $0x3  }
0x225: {  	[tilespmem:$0x1F350] =	vst v0;
	v0 =	vld [tilespmem:s14+$0x720]  }
0x226: {  	[tilespmem:$0x1F750] =	vst v1;
	v1 =	vld [tilespmem:s14+$0x4250];
	_ =	sdelay $0x3  }
0x227: {  	[tilespmem:$0x1F380] =	vst v0;
	v0 =	vld [tilespmem:s14+$0x4720]  }
0x228: {  	[tilespmem:$0x1F760] =	vst v1;
	v1 =	vld [tilespmem:s14+$0x2C0];
	_ =	sdelay $0x3  }
0x229: {  	[tilespmem:$0x1F390] =	vst v0;
	v0 =	vld [tilespmem:s14+$0x4E0]  }
0x22a: {  	[tilespmem:$0x1F930] =	vst v1;
	v1 =	vld [tilespmem:s14+$0x42C0];
	_ =	sdelay $0x3  }
0x22b: {  	[tilespmem:$0x1F360] =	vst v0;
	v0 =	vld [tilespmem:s14+$0x44E0]  }
0x22c: {  	[tilespmem:$0x1F940] =	vst v1;
	v1 =	vld [tilespmem:s14+$0x330];
	_ =	sdelay $0x3  }
0x22d: {  	[tilespmem:$0x1F370] =	vst v0;
	v0 =	vld [tilespmem:s14+$0x550]  }
0x22e: {  	[tilespmem:$0x1F770] =	vst v1;
	v1 =	vld [tilespmem:s14+$0x4330];
	_ =	sdelay $0x3  }
0x22f: {  	[tilespmem:$0x1F3A0] =	vst v0;
	v0 =	vld [tilespmem:s14+$0x4550]  }
0x230: {  	[tilespmem:$0x1F780] =	vst v1;
	v1 =	vld [tilespmem:s14+$0x410];
	_ =	sdelay $0x3  }
0x231: {  	[tilespmem:$0x1F3B0] =	vst v0;
	v0 =	vld [tilespmem:s14+$0x5C0]  }
0x232: {  	[tilespmem:$0x1F790] =	vst v1;
	v1 =	vld [tilespmem:s14+$0x4410];
	_ =	sdelay $0x3  }
0x233: {  	[tilespmem:$0x1F3D0] =	vst v0;
	v0 =	vld [tilespmem:s14+$0x45C0]  }
0x234: {  	[tilespmem:$0x1F7A0] =	vst v1;
	v1 =	vld [tilespmem:s14+$0xE0];
	_ =	sdelay $0x3  }
0x235: {  	[tilespmem:$0x1F3E0] =	vst v0;
	v0 =	vld [tilespmem:s14+$0x630]  }
0x236: {  	[tilespmem:$0x1F7B0] =	vst v1;
	v1 =	vld [tilespmem:s14+$0x40E0];
	_ =	sdelay $0x3  }
0x237: {  	[tilespmem:$0x1F3F0] =	vst v0;
	v0 =	vld [tilespmem:s14+$0x4630]  }
0x238: {  	[tilespmem:$0x1F7C0] =	vst v1;
	v1 =	vld [tilespmem:s14+$0x1D0];
	_ =	sdelay $0x3  }
0x239: {  	[tilespmem:$0x1F400] =	vst v0;
	v0 =	vld [tilespmem:s14+$0x6A0]  }
0x23a: {  	[tilespmem:$0x1F7D0] =	vst v1;
	v1 =	vld [tilespmem:s14+$0x41D0];
	_ =	sdelay $0x3  }
0x23b: {  	[tilespmem:$0x1F3C0] =	vst v0;
	v0 =	vld [tilespmem:s14+$0x710]  }
0x23c: {  	[tilespmem:$0x1F7E0] =	vst v1;
	v1 =	vld [tilespmem:s14+$0x240];
	_ =	sdelay $0x1  }
0x23d: {  	v12 =	vld [tilespmem:s14+$0x830]  }
0x23e: {  	v18 =	vld [tilespmem:s14+$0x4830]  }
0x23f: {  	[tilespmem:$0x1F410] =	vst v0;
	v0 =	vld [tilespmem:s14+$0x4710]  }
0x240: {  	[tilespmem:$0x1F7F0] =	vst v1;
	v1 =	vld [tilespmem:s14+$0x4240]  }
0x241: {  	v32 =	vld [tilespmem:s14+$0x820]  }
0x242: {  	v49 =	vld [tilespmem:s14+$0x4820]  }
0x243: {  	v4 =	vld [tilespmem:s14+$0x4780]  }
0x244: {  	[tilespmem:$0x1F420] =	vst v0;
	v0 =	vld [tilespmem:s14+$0x780]  }
0x245: {  	[tilespmem:$0x1F800] =	vst v1;
	v1 =	vmul.f32 v18, v12;
	_ =	sdelay $0x1  }
0x246: {  	[tilespmem:$0x1F9A0] =	vst v1;
	v1 =	vld [tilespmem:s14+$0x2B0]  }
0x247: {  	v5 =	vld [tilespmem:s14+$0x7E0]  }
0x248: {  	v6 =	vld [tilespmem:s14+$0x47E0];
	v4 =	vmul.f32 v4, v0;
	v0 =	vmul.f32 v49, v32  }
0x249: {  	v56 =	vld [tilespmem:s14+$0x6D0]  }
0x24a: {  	[tilespmem:$0x1F9E0] =	vst v0;
	v0 =	vld [tilespmem:$0x1F1D0]  }
0x24b: {  	[tilespmem:$0x1F9D0] =	vst v1;
	v1 =	vld [tilespmem:s14+$0x42B0];
	_ =	sdelay $0x3  }
0x24c: {  	v44 =	vmul.f32 v6, v5;
	v6 =	vmul.f32 v0, v56;
	v0 =	vld [tilespmem:$0x1F1E0]  }
0x24d: {  	[tilespmem:$0x1F9F0] =	vst v1;
	v1 =	vld [tilespmem:$0x1F1F0];
	_ =	sdelay $0x4  }
0x24e: {  	v0 =	vmul.f32 v1, v0  }
0x24f: {  	v1 =	vld [tilespmem:$0x1F210]  }
0x250: {  	[tilespmem:$0x1FA00] =	vst v0;
	v0 =	vld [tilespmem:$0x1F200];
	_ =	sdelay $0x2  }
0x251: {  	v16 =	vld [tilespmem:s14+$0x790]  }
0x252: {  	v29 =	vld [tilespmem:s14+$0x4790]  }
0x253: {  	v12 =	vmul.f32 v1, v0;
	v0 =	vld [tilespmem:$0x1F220]  }
0x254: {  	v1 =	vld [tilespmem:$0x1F230];
	_ =	sdelay $0x2  }
0x255: {  	v42 =	vld [tilespmem:s14+$0x660]  }
0x256: {  	v55 =	vld [tilespmem:s14+$0x4660]  }
0x257: {  	v16 =	vmul.f32 v29, v16;
	v29 =	vmul.f32 v1, v0;
	v0 =	vld [tilespmem:$0x1F240]  }
0x258: {  	v1 =	vld [tilespmem:$0x1F250];
	_ =	sdelay $0x1  }
0x259: {  	v2 =	vld [tilespmem:s14+$0x7F0]  }
0x25a: {  	v3 =	vld [tilespmem:s14+$0x47F0]  }
0x25b: {  	v57 =	vld [tilespmem:s14+$0x810]  }
0x25c: {  	v49 =	vmul.f32 v55, v42;
	v42 =	vmul.f32 v1, v0;
	v0 =	vld [tilespmem:$0x1F260];
	_ =	sdelay $0x1  }
0x25d: {  	v9 =	vld [tilespmem:s14+$0x7D0]  }
0x25e: {  	v17 =	vld [tilespmem:s14+$0x47D0]  }
0x25f: {  	v60 =	vld [tilespmem:s14+$0x570]  }
0x260: {  	v46 =	vmul.f32 v3, v2;
	v3 =	vmul.f32 v0, v57;
	v0 =	vld [tilespmem:$0x1F270];
	_ =	sdelay $0x1  }
0x261: {  	v7 =	vld [tilespmem:s14+$0x6F0]  }
0x262: {  	v8 =	vld [tilespmem:s14+$0x46F0]  }
0x263: {  	v1 =	vld [tilespmem:$0x1F290]  }
0x264: {  	v51 =	vmul.f32 v17, v9;
	v17 =	vmul.f32 v0, v60;
	v0 =	vld [tilespmem:$0x1F280];
	_ =	sdelay $0x1  }
0x265: {  	v19 =	vld [tilespmem:s14+$0x670]  }
0x266: {  	v22 =	vld [tilespmem:s14+$0x4670]  }
0x267: {  	v21 =	vld [tilespmem:s14+$0x6E0]  }
0x268: {  	v15 =	vmul.f32 v8, v7;
	v7 =	vmul.f32 v1, v0;
	v0 =	vld [tilespmem:$0x1F2A0]  }
0x269: {  	v1 =	vld [tilespmem:$0x1F2B0]  }
0x26a: {  	v26 =	vld [tilespmem:s14+$0x46E0]  }
0x26b: {  	v27 =	vld [tilespmem:s14+$0x7C0]  }
0x26c: {  	v43 =	vld [tilespmem:s14+$0x47C0];
	v4 =	vadd.f32 $0.0e+00, v4  }
0x26d: {  	v31 =	vld [tilespmem:s14+$0x46A0]  }
0x26e: {  	v16 =	vadd.f32 v16, v4;
	v4 =	vmul.f32 v1, v0;
	v0 =	vld [tilespmem:$0x1F2C0]  }
0x26f: {  	v1 =	vld [tilespmem:$0x1F2D0]  }
0x270: {  	v53 =	vld [tilespmem:s14+$0x690];
	v2 =	vadd.f32 $0.0e+00, v29  }
0x271: {  	v62 =	vld [tilespmem:s14+$0x4690]  }
0x272: {  	v34 =	vld [tilespmem:s14+$0x700];
	v2 =	vadd.f32 v3, v2  }
0x273: {  	v3 =	vld [tilespmem:$0x1F310]  }
0x274: {  	[tilespmem:$0x1F820] =	vst v2;
	v2 =	vld [tilespmem:$0x1F300];
	v0 =	vmul.f32 v1, v0  }
0x275: {  	v33 =	vld [tilespmem:s14+$0x4700]  }
0x276: {  	[tilespmem:$0x1FAC0] =	vst v0;
	v0 =	vld [tilespmem:s14+$0xD0]  }
0x277: {  	v39 =	vld [tilespmem:s14+$0x4370]  }
0x278: {  	v5 =	vld [tilespmem:$0x1F2F0]  }
0x279: {  	v1 =	vadd.f32 v42, v16;
	v16 =	vmul.f32 v3, v2;
	v2 =	vld [tilespmem:$0x1F320]  }
0x27a: {  	v3 =	vld [tilespmem:$0x1F330]  }
0x27b: {  	[tilespmem:$0x1F810] =	vst v0;
	v0 =	vld [tilespmem:$0x1F2E0]  }
0x27c: {  	v48 =	vld [tilespmem:s14+$0x610]  }
0x27d: {  	v50 =	vld [tilespmem:s14+$0x4610]  }
0x27e: {  	v63 =	vld [tilespmem:s14+$0x680]  }
0x27f: {  	v8 =	vld [tilespmem:$0x1F350]  }
0x280: {  	v55 =	vmul.f32 v5, v0;
	v5 =	vmul.f32 v3, v2;
	v2 =	vld [tilespmem:$0x1F340]  }
0x281: {  	v61 =	vld [tilespmem:s14+$0x4680]  }
0x282: {  	v45 =	vld [tilespmem:s14+$0x4520]  }
0x283: {  	v58 =	vld [tilespmem:s14+$0x600]  }
0x284: {  	v30 =	vld [tilespmem:s14+$0x4600]  }
0x285: {  	v3 =	vmul.f32 v62, v53;
	v62 =	vmul.f32 v8, v2;
	v2 =	vld [tilespmem:$0x1F360]  }
0x286: {  	v8 =	vld [tilespmem:$0x1F370]  }
0x287: {  	v37 =	vld [tilespmem:s14+$0x4270]  }
0x288: {  	v25 =	vld [tilespmem:s14+$0x510]  }
0x289: {  	v23 =	vld [tilespmem:s14+$0x4510]  }
0x28a: {  	v36 =	vld [tilespmem:s14+$0x580]  }
0x28b: {  	v53 =	vmul.f32 v8, v2;
	v2 =	vld [tilespmem:$0x1F380]  }
0x28c: {  	v8 =	vld [tilespmem:$0x1F390]  }
0x28d: {  	v35 =	vld [tilespmem:s14+$0x4580]  }
0x28e: {  	v38 =	vld [tilespmem:s14+$0x41F0]  }
0x28f: {  	v40 =	vld [tilespmem:s14+$0x4340]  }
0x290: {  	v24 =	vld [tilespmem:s14+$0x490]  }
0x291: {  	v20 =	vld [tilespmem:s14+$0x4490];
	v2 =	vmul.f32 v8, v2  }
0x292: {  	v8 =	vld [tilespmem:$0x1F3B0]  }
0x293: {  	[tilespmem:$0x1FB20] =	vst v2;
	v2 =	vld [tilespmem:$0x1F3A0]  }
0x294: {  	v14 =	vld [tilespmem:s14+$0x500]  }
0x295: {  	v13 =	vld [tilespmem:s14+$0x4500]  }
0x296: {  	v41 =	vld [tilespmem:s14+$0x40F0]  }
0x297: {  	v47 =	vld [tilespmem:s14+$0x3A0]  }
0x298: {  	v0 =	vmul.f32 v61, v63;
	v8 =	vmul.f32 v8, v2;
	v2 =	vld [tilespmem:$0x1F3C0]  }
0x299: {  	v28 =	vld [tilespmem:s14+$0x43A0];
	v59 =	vmul.f32 v43, v27;
	v1 =	vadd.f32 v12, v1  }
0x29a: {  	v11 =	vld [tilespmem:s14+$0x480];
	v0 =	vadd.f32 $0.0e+00, v0  }
0x29b: {  	v10 =	vld [tilespmem:s14+$0x4480];
	v1 =	vadd.f32 v59, v1  }
0x29c: {  	v0 =	vadd.f32 v3, v0;
	v3 =	vld [tilespmem:$0x1F3E0]  }
0x29d: {  	v30 =	vmul.f32 v30, v58;
	v1 =	vadd.f32 v51, v1;
	v31 =	vmul.f32 v31, v2;
	v2 =	vld [tilespmem:$0x1F3D0]  }
0x29e: {  	v54 =	vmul.f32 v22, v19;
	v43 =	vld [tilespmem:s14+$0x320]  }
0x29f: {  	v22 =	vld [tilespmem:s14+$0x4320];
	v30 =	vadd.f32 $0.0e+00, v30;
	v59 =	vmul.f32 v50, v48;
	v1 =	vadd.f32 v44, v1  }
0x2a0: {  	v44 =	vld [tilespmem:$0x1F4A0]  }
0x2a1: {  	v50 =	vadd.f32 v46, v1;
	v1 =	vadd.f32 v59, v30;
	v30 =	vld [tilespmem:$0x1F490]  }
0x2a2: {  	v12 =	vmul.f32 v3, v2;
	v2 =	vld [tilespmem:$0x1F3F0]  }
0x2a3: {  	v3 =	vld [tilespmem:$0x1F400]  }
0x2a4: {  	v19 =	vld [tilespmem:s14+$0x400]  }
0x2a5: {  	v52 =	vmul.f32 v26, v21;
	v26 =	vld [tilespmem:s14+$0x40D0];
	v0 =	vadd.f32 v31, v0  }
0x2a6: {  	v48 =	vld [tilespmem:$0x1F4D0]  }
0x2a7: {  	v33 =	vmul.f32 v33, v34;
	v34 =	vmul.f32 v44, v30;
	v30 =	vld [tilespmem:$0x1F4C0];
	v0 =	vadd.f32 v62, v0  }
0x2a8: {  	v2 =	vmul.f32 v3, v2;
	v3 =	vld [tilespmem:s14+$0x2A0]  }
0x2a9: {  	v27 =	vld [tilespmem:s14+$0x41C0];
	v0 =	vadd.f32 v4, v0  }
0x2aa: {  	v21 =	vld [tilespmem:s14+$0x4230]  }
0x2ab: {  	v9 =	vld [tilespmem:$0x1F420];
	v0 =	vadd.f32 v6, v0  }
0x2ac: {  	v61 =	vld [tilespmem:$0x1F4F0];
	v1 =	vadd.f32 v34, v1;
	v30 =	vmul.f32 v48, v30  }
0x2ad: {  	v0 =	vadd.f32 v52, v0;
	[tilespmem:$0x1FB60] =	vst v3;
	v3 =	vld [tilespmem:$0x1F410]  }
0x2ae: {  	[tilespmem:$0x1FBF0] =	vst v30;
	v30 =	vld [tilespmem:$0x1F4E0];
	v1 =	vadd.f32 v2, v1  }
0x2af: {  	v32 =	vadd.f32 v15, v0;
	v0 =	vld [tilespmem:$0x1F580]  }
0x2b0: {  	v1 =	vadd.f32 v5, v1;
	v5 =	vld [tilespmem:$0x1F590]  }
0x2b1: {  	v13 =	vmul.f32 v13, v14;
	v56 =	vld [tilespmem:s14+$0x4390]  }
0x2b2: {  	v51 =	vmul.f32 v9, v3;
	v3 =	vld [tilespmem:s14+$0x42A0]  }
0x2b3: {  	v18 =	vld [tilespmem:s14+$0x390];
	v2 =	vadd.f32 $0.0e+00, v13;
	v13 =	vmul.f32 v23, v25  }
0x2b4: {  	v29 =	vld [tilespmem:s14+$0x1C0]  }
0x2b5: {  	v30 =	vmul.f32 v61, v30;
	v61 =	vmul.f32 v5, v0;
	v0 =	vadd.f32 v13, v2;
	v2 =	vld [tilespmem:$0x1F5A0]  }
0x2b6: {  	v9 =	vld [tilespmem:$0x1F440]  }
0x2b7: {  	[tilespmem:$0x1FB70] =	vst v3;
	v3 =	vld [tilespmem:$0x1F430]  }
0x2b8: {  	v57 =	vld [tilespmem:s14+$0x4400]  }
0x2b9: {  	v60 =	vld [tilespmem:s14+$0xC0]  }
0x2ba: {  	v42 =	vld [tilespmem:s14+$0x230]  }
0x2bb: {  	v1 =	vadd.f32 v7, v1;
	v7 =	vmul.f32 v10, v11;
	v10 =	vld [tilespmem:$0x1F600]  }
0x2bc: {  	v2 =	vmul.f32 v45, v2;
	v58 =	vmul.f32 v9, v3;
	v3 =	vld [tilespmem:$0x1F450]  }
0x2bd: {  	v9 =	vld [tilespmem:$0x1F460]  }
0x2be: {  	v0 =	vadd.f32 v2, v0;
	v2 =	vld [tilespmem:$0x1F5F0]  }
0x2bf: {  	v63 =	vld [tilespmem:$0x1F480]  }
0x2c0: {  	v23 =	vld [tilespmem:$0x1F540]  }
0x2c1: {  	v25 =	vld [tilespmem:$0x1F550]  }
0x2c2: {  	v31 =	vmul.f32 v9, v3;
	v3 =	vld [tilespmem:$0x1F470]  }
0x2c3: {  	v10 =	vmul.f32 v10, v2;
	v2 =	vld [tilespmem:$0x1F610]  }
0x2c4: {  	v46 =	vld [tilespmem:s14+$0x380]  }
0x2c5: {  	v6 =	vld [tilespmem:$0x1F500]  }
0x2c6: {  	v11 =	vld [tilespmem:$0x1F630]  }
0x2c7: {  	v3 =	vmul.f32 v63, v3;
	v63 =	vld [tilespmem:$0x1F510]  }
0x2c8: {  	v23 =	vmul.f32 v25, v23;
	v37 =	vmul.f32 v37, v2;
	v2 =	vld [tilespmem:$0x1F620]  }
0x2c9: {  	v25 =	vld [tilespmem:$0x1F570]  }
0x2ca: {  	[tilespmem:$0x1FC90] =	vst v23;
	v23 =	vld [tilespmem:$0x1F560]  }
0x2cb: {  	v59 =	vadd.f32 $0.0e+00, v33;
	v33 =	vld [tilespmem:s14+$0x41B0]  }
0x2cc: {  	v44 =	vld [tilespmem:$0x1F530];
	v1 =	vadd.f32 v49, v1;
	v6 =	vmul.f32 v63, v6  }
0x2cd: {  	v34 =	vld [tilespmem:s14+$0x40C0];
	v7 =	vadd.f32 $0.0e+00, v7;
	v63 =	vmul.f32 v11, v2;
	v11 =	vmul.f32 v20, v24  }
0x2ce: {  	v54 =	vadd.f32 v54, v1;
	v1 =	vld [tilespmem:$0x1F660]  }
0x2cf: {  	v14 =	vadd.f32 v51, v59;
	v52 =	vmul.f32 v25, v23;
	v25 =	vadd.f32 v11, v7;
	v7 =	vld [tilespmem:$0x1F670]  }
0x2d0: {  	v48 =	vld [tilespmem:s14+$0x1B0]  }
0x2d1: {  	[tilespmem:$0x1FC40] =	vst v14;
	v14 =	vld [tilespmem:$0x1F520]  }
0x2d2: {  	v4 =	vld [tilespmem:$0x1F4B0]  }
0x2d3: {  	v62 =	vld [tilespmem:s14+$0x4310]  }
0x2d4: {  	v49 =	vmul.f32 v7, v1;
	v1 =	vld [tilespmem:$0x1F680]  }
0x2d5: {  	v2 =	vld [tilespmem:$0x1F640]  }
0x2d6: {  	v14 =	vmul.f32 v44, v14;
	v20 =	vld [tilespmem:$0x1F650]  }
0x2d7: {  	v39 =	vmul.f32 v39, v4;
	v4 =	vld [tilespmem:s14+$0x4380]  }
0x2d8: {  	v14 =	vadd.f32 v14, v0;
	v7 =	vld [tilespmem:$0x1F6A0]  }
0x2d9: {  	v38 =	vmul.f32 v38, v1;
	v1 =	vld [tilespmem:$0x1F690]  }
0x2da: {  	v5 =	vld [tilespmem:$0x1F5B0];
	v3 =	vadd.f32 v3, v14  }
0x2db: {  	v13 =	vld [tilespmem:$0x1F5C0];
	v24 =	vmul.f32 v20, v2;
	v20 =	vmul.f32 v35, v36  }
0x2dc: {  	v3 =	vadd.f32 v8, v3;
	v8 =	vld [tilespmem:$0x1F6D0]  }
0x2dd: {  	v14 =	vadd.f32 $0.0e+00, v20;
	v20 =	vld [tilespmem:$0x1F6C0]  }
0x2de: {  	v35 =	vmul.f32 v7, v1;
	v1 =	vld [tilespmem:$0x1F6B0]  }
0x2df: {  	v15 =	vld [tilespmem:s14+$0x290]  }
0x2e0: {  	v4 =	vmul.f32 v4, v46;
	v46 =	vld [tilespmem:s14+$0x4210]  }
0x2e1: {  	v51 =	vld [tilespmem:s14+$0x220]  }
0x2e2: {  	v5 =	vmul.f32 v13, v5;
	v36 =	vadd.f32 v10, v14;
	v10 =	vld [tilespmem:$0x1F6F0]  }
0x2e3: {  	v1 =	vmul.f32 v20, v1;
	v20 =	vadd.f32 v49, v25;
	v49 =	vmul.f32 v40, v8;
	v8 =	vld [tilespmem:$0x1F6E0]  }
0x2e4: {  	v13 =	vld [tilespmem:$0x1F5E0]  }
0x2e5: {  	[tilespmem:$0x1FD20] =	vst v5;
	v5 =	vld [tilespmem:$0x1F5D0]  }
0x2e6: {  	v59 =	vld [tilespmem:s14+$0x210]  }
0x2e7: {  	v3 =	vadd.f32 v16, v3;
	v16 =	vld [tilespmem:$0x1F710]  }
0x2e8: {  	v10 =	vmul.f32 v10, v8;
	v8 =	vld [tilespmem:$0x1F700]  }
0x2e9: {  	v23 =	vld [tilespmem:s14+$0x4300]  }
0x2ea: {  	v5 =	vmul.f32 v13, v5;
	v13 =	vld [tilespmem:s14+$0x300]  }
0x2eb: {  	v45 =	vld [tilespmem:s14+$0x4290]  }
0x2ec: {  	v9 =	vld [tilespmem:s14+$0x310]  }
0x2ed: {  	v40 =	vmul.f32 v16, v8;
	v8 =	vadd.f32 v17, v3;
	v3 =	vld [tilespmem:$0x1F720]  }
0x2ee: {  	v44 =	vld [tilespmem:s14+$0x4220]  }
0x2ef: {  	v0 =	vld [tilespmem:s14+$0xB0];
	v13 =	vmul.f32 v23, v13;
	v5 =	vadd.f32 v5, v20  }
0x2f0: {  	v4 =	vadd.f32 $0.0e+00, v4;
	v23 =	vld [tilespmem:s14+$0x40A0];
	v14 =	vmul.f32 v56, v18  }
0x2f1: {  	v13 =	vadd.f32 $0.0e+00, v13;
	v11 =	vld [tilespmem:s14+$0x1A0];
	v5 =	vadd.f32 v6, v5;
	v6 =	vmul.f32 v28, v47  }
0x2f2: {  	v2 =	vld [tilespmem:s14+$0x40B0];
	v41 =	vmul.f32 v41, v3;
	v3 =	vadd.f32 v14, v4;
	v14 =	vmul.f32 v62, v9  }
0x2f3: {  	v18 =	vld [tilespmem:s14+$0x4200]  }
0x2f4: {  	v3 =	vadd.f32 v6, v3;
	v6 =	vadd.f32 v14, v13;
	v14 =	vld [tilespmem:$0x1F770]  }
0x2f5: {  	v13 =	vmul.f32 v22, v43;
	v22 =	vld [tilespmem:$0x1F780]  }
0x2f6: {  	v7 =	vld [tilespmem:s14+$0x41A0]  }
0x2f7: {  	v25 =	vld [tilespmem:s14+$0x4280]  }
0x2f8: {  	v20 =	vld [tilespmem:s14+$0x280]  }
0x2f9: {  	v6 =	vadd.f32 v13, v6;
	v13 =	vld [tilespmem:$0x1F790]  }
0x2fa: {  	v5 =	vadd.f32 v31, v5;
	v31 =	vmul.f32 v22, v14;
	v14 =	vld [tilespmem:$0x1F7A0]  }
0x2fb: {  	v28 =	vld [tilespmem:s14+$0x190]  }
0x2fc: {  	v5 =	vadd.f32 v53, v5;
	v53 =	vld [tilespmem:s14+$0x180]  }
0x2fd: {  	v4 =	vld [tilespmem:$0x1F730]  }
0x2fe: {  	v3 =	vadd.f32 v10, v3;
	v10 =	vmul.f32 v57, v19;
	v19 =	vadd.f32 v55, v5;
	v5 =	vld [tilespmem:$0x1F7B0]  }
0x2ff: {  	v13 =	vmul.f32 v14, v13;
	v14 =	vld [tilespmem:$0x1F7C0]  }
0x300: {  	v9 =	vld [tilespmem:$0x1F740]  }
0x301: {  	v16 =	vld [tilespmem:s14+$0xA0]  }
0x302: {  	v17 =	vld [tilespmem:$0x1F760]  }
0x303: {  	v56 =	vadd.f32 $0.0e+00, v10;
	v10 =	vld [tilespmem:$0x1F7D0]  }
0x304: {  	v5 =	vmul.f32 v14, v5;
	v14 =	vld [tilespmem:$0x1F7E0]  }
0x305: {  	v4 =	vmul.f32 v9, v4;
	v9 =	vld [tilespmem:$0x1F750]  }
0x306: {  	v43 =	vld [tilespmem:s14+$0x4190]  }
0x307: {  	v22 =	vld [tilespmem:$0x1F800]  }
0x308: {  	v31 =	vadd.f32 v31, v6;
	v6 =	vld [tilespmem:$0x1F810]  }
0x309: {  	v3 =	vadd.f32 v24, v3;
	v14 =	vmul.f32 v14, v10;
	v10 =	vld [tilespmem:$0x1F7F0]  }
0x30a: {  	v9 =	vmul.f32 v17, v9;
	v17 =	vld [tilespmem:s14+$0x200]  }
0x30b: {  	v57 =	vld [tilespmem:s14+$0x4180];
	v3 =	vadd.f32 v61, v3  }
0x30c: {  	p0 =	sne.s32 s16, $0x7;
	v24 =	vld [tilespmem:s14+$0x90];
	v31 =	vadd.f32 v49, v31  }
.Ltmp0:
0x30d: {  	v61 =	vmovc v12;
	v12 =	vmul.f32 v27, v29;
	v29 =	vld [tilespmem:s14+$0x80];
	v3 =	vadd.f32 v30, v3;
	v30 =	vmul.f32 v44, v51;
	(pc) =	sbr.rel @p0 .LBB2_2-.Ltmp0, $4  }
0x30e: {  	v27 =	vld [tilespmem:s14+$0x4090];
	v47 =	vadd.f32 v63, v31;
	v22 =	vmul.f32 v22, v10;
	v10 =	vmul.f32 v26, v6  }
0x30f: {  	(xrf2) =	vadd.scan.msk.f32 $0xffff, v50;
	v63 =	vld [tilespmem:$0x1F820];
	v6 =	vadd.f32 v13, v56;
	v13 =	vmul.f32 v18, v17;
	v17 =	vmul.f32 v33, v48  }
0x310: {  	(xrf2) =	vadd.scan.msk.f32 $0xffff, v32;
	v26 =	vld [tilespmem:s14+$0x4080];
	v18 =	vmul.f32 v21, v42;
	v48 =	vmul.f32 v46, v59  }
0x311: {  	s15 =	smov.u32 s16;
	s16 =	sadd.s32 $0x1, s16;
	(xrf2) =	vadd.scan.msk.f32 $0xffff, v54;
	v21 =	vld [tilespmem:s14+$0x100];
	v42 =	vmul.f32 v57, v53;
	v49 =	vadd.f32 $0.0e+00, v13;
	v13 =	vadd.f32 v58, v3  }
0x312: {  	v32 =	vld [tilespmem:s14+$0x4100]  }
0x313: {  	v33 =	vld [tilespmem:s14+$0x110]  }
0x314: {  	v28 =	vmul.f32 v43, v28;
	v43 =	vld [tilespmem:s14+$0x120]  }
0x315: {  	v15 =	vmul.f32 v45, v15;
	v45 =	vld [tilespmem:s14+$0x4120]  }
0x316: {  	v46 =	vld [tilespmem:s14+$0x130]  }
0x317: {  	v31 =	vadd.f32 v52, v47;
	v47 =	vld [tilespmem:s14+$0x4130]  }
0x318: {  	v50 =	vld [tilespmem:s14+$0x140]  }
0x319: {  	v52 =	vld [tilespmem:s14+$0x4140]  }
0x31a: {  	v55 =	vld [tilespmem:s14+$0x150]  }
0x31b: {  	v57 =	vld [tilespmem:s14+$0x4150]  }
0x31c: {  	v58 =	vld [tilespmem:s14+$0x160]  }
0x31d: {  	v59 =	vld [tilespmem:$0x1FB60]  }
0x31e: {  	v56 =	vmul.f32 v34, v60;
	v60 =	vld [tilespmem:$0x1FB70]  }
0x31f: {  	v16 =	vmul.f32 v23, v16;
	v23 =	vld [tilespmem:s14+$0x4170]  }
0x320: {  	v34 =	vld [tilespmem:s14+$0x4460]  }
0x321: {  	v6 =	vadd.f32 v40, v6;
	v40 =	vld [tilespmem:$0x1F900]  }
0x322: {  	v24 =	vmul.f32 v27, v24;
	v27 =	vld [tilespmem:$0x1F940]  }
0x323: {  	v62 =	vadd.f32 $0.0e+00, v42;
	v6 =	vadd.f32 v35, v6;
	v35 =	vld [tilespmem:$0x1F9A0]  }
0x324: {  	v20 =	vmul.f32 v25, v20;
	v26 =	vmul.f32 v26, v29;
	v29 =	vadd.f32 v39, v31;
	v39 =	vld [tilespmem:s14+$0x4110]  }
0x325: {  	v25 =	vadd.f32 v28, v62;
	v62 =	vld [tilespmem:s14+$0x4160]  }
0x326: {  	v42 =	vadd.f32 $0.0e+00, v20;
	v28 =	vld [tilespmem:s14+$0x2F0]  }
0x327: {  	v31 =	vld [tilespmem:s14+$0x42F0]  }
0x328: {  	v7 =	vmul.f32 v7, v11;
	v11 =	vadd.f32 v15, v42;
	v42 =	vld [tilespmem:s14+$0x4470]  }
0x329: {  	v44 =	vadd.f32 $0.0e+00, v26;
	v26 =	vld [tilespmem:$0x1F930]  }
0x32a: {  	v3 =	vadd.f32 v48, v49;
	v21 =	vmul.f32 v32, v21;
	v32 =	vld [tilespmem:$0x1F910]  }
0x32b: {  	v54 =	vmul.f32 v45, v43;
	v43 =	vld [tilespmem:$0x1FD20]  }
0x32c: {  	v3 =	vadd.f32 v30, v3;
	v45 =	vld [tilespmem:$0x1F8F0]  }
0x32d: {  	v15 =	vmul.f32 v47, v46;
	v46 =	vld [tilespmem:s14+$0x45E0]  }
0x32e: {  	v0 =	vmul.f32 v2, v0;
	v3 =	vadd.f32 v18, v3;
	v2 =	vmul.f32 v57, v55;
	v57 =	vld [tilespmem:$0x1F8C0]  }
0x32f: {  	v49 =	vadd.f32 $0.0e+00, v21;
	v21 =	vld [tilespmem:$0x1F9D0]  }
0x330: {  	v18 =	vadd.f32 v24, v44;
	v3 =	vadd.f32 v22, v3;
	v22 =	vld [tilespmem:$0x1F9F0]  }
0x331: {  	v24 =	vld [tilespmem:s14+$0x42E0]  }
0x332: {  	v44 =	vld [tilespmem:$0x1F8E0];
	v16 =	vadd.f32 v16, v18  }
0x333: {  	v48 =	vmul.f32 v39, v33;
	v33 =	vld [tilespmem:$0x1F920]  }
0x334: {  	v30 =	vmul.f32 v62, v58;
	v58 =	vld [tilespmem:s14+$0x4760];
	v0 =	vadd.f32 v0, v16  }
0x335: {  	v62 =	vld [tilespmem:s14+$0x770]  }
0x336: {  	v7 =	vadd.f32 v7, v25;
	v18 =	vld [tilespmem:s14+$0x170];
	v0 =	vadd.f32 v56, v0  }
0x337: {  	v51 =	vadd.f32 v9, v3;
	v3 =	vmul.f32 v52, v50;
	v50 =	vld [tilespmem:s14+$0x5F0]  }
0x338: {  	v7 =	vadd.f32 v17, v7;
	v52 =	vld [tilespmem:$0x1FB20];
	v0 =	vadd.f32 v10, v0  }
0x339: {  	v53 =	vadd.f32 v48, v49;
	v49 =	vld [tilespmem:$0x1FBF0];
	v16 =	vmul.f32 v60, v59  }
0x33a: {  	(xrf2) =	vadd.scan.msk.f32 $0xffff, v8;
	v7 =	vadd.f32 v12, v7;
	v8 =	vmul.f32 v27, v26;
	v27 =	vld [tilespmem:$0x1F880];
	v0 =	vadd.f32 v5, v0  }
0x33b: {  	v48 =	vmul.f32 v31, v28;
	v28 =	vld [tilespmem:$0x1F890];
	v20 =	vadd.f32 v16, v11;
	v11 =	vmul.f32 v22, v21  }
0x33c: {  	v9 =	vadd.f32 v54, v53;
	v0 =	vadd.f32 v41, v0;
	v41 =	vld [tilespmem:$0x1FC90]  }
0x33d: {  	v31 =	vld [tilespmem:$0x1F850];
	v1 =	vadd.f32 v1, v51;
	v25 =	vadd.f32 v11, v20  }
0x33e: {  	v7 =	vadd.f32 v14, v7;
	v51 =	vld [tilespmem:$0x1F8D0];
	v9 =	vadd.f32 v15, v9  }
0x33f: {  	v53 =	vld [tilespmem:$0x1FC40];
	v1 =	vadd.f32 v37, v1;
	v5 =	vadd.f32 v8, v25;
	v8 =	vmul.f32 v33, v32  }
0x340: {  	v54 =	vld [tilespmem:s14+$0x45F0];
	v4 =	vadd.f32 v4, v7;
	v3 =	vadd.f32 v3, v9  }
0x341: {  	(xrf2) =	vadd.scan.msk.f32 $0xffff, v19;
	v56 =	vld [tilespmem:$0x1F8B0];
	v39 =	vadd.f32 v8, v5;
	v5 =	vmul.f32 v24, v40;
	v8 =	vadd.f32 v41, v36  }
0x342: {  	(xrf2) =	vadd.scan.msk.f32 $0xffff, v13;
	v21 =	vld [tilespmem:$0x1F8A0];
	v4 =	vadd.f32 v38, v4;
	v2 =	vadd.f32 v2, v3  }
0x343: {  	(xrf2) =	vadd.scan.msk.f32 $0xffff, v29;
	v22 =	vld [tilespmem:$0x1F9E0];
	v47 =	vadd.f32 v5, v39;
	v5 =	vadd.f32 v49, v8  }
0x344: {  	v37 =	vmul.f32 v23, v18;
	v38 =	vld [tilespmem:s14+$0x470];
	(xrf2) =	vadd.scan.msk.f32 $0xffff, v1;
	v2 =	vadd.f32 v30, v2  }
0x345: {  	(xrf2) =	vadd.scan.msk.f32 $0xffff, v4;
	v4 =	vmul.f32 v45, v44;
	v3 =	vadd.f32 v43, v6;
	v55 =	vadd.f32 v61, v5;
	v61 =	vld [tilespmem:$0x1FAC0]  }
0x346: {  	v25 =	vld [tilespmem:$0x1FA00];
	v2 =	vadd.f32 v37, v2  }
0x347: {  	v32 =	vld [tilespmem:$0x1F860];
	v3 =	vadd.f32 v4, v3;
	v4 =	vmul.f32 v34, v51;
	(xrf2) =	vadd.scan.msk.f32 $0xffff, v0  }
0x348: {  	v10 =	vadd.f32 v52, v53;
	v11, _, _ =	vpop (xrf2);
	v12 =	vmul.f32 v57, v56;
	v34 =	vld [tilespmem:$0x1F870];
	(xrf2) =	vadd.scan.msk.f32 $0xffff, v2  }
0x349: {  	v40 =	vld [tilespmem:$0x1F840];
	v59 =	vmul.f32 v42, v38;
	v3 =	vadd.f32 v4, v3;
	v0 =	vadd.f32 v48, v47;
	v5, _, _ =	vpop (xrf2)  }
0x34a: {  	v39 =	vld [tilespmem:$0x1F830];
	v60, _, _ =	vpop (xrf2);
	v9 =	vadd.f32 v61, v10  }
0x34b: {  	v6 =	vmul.f32 v46, v21;
	v24 =	vld [tilespmem:s14+$0x4770];
	v3 =	vadd.f32 v59, v3;
	v1 =	vadd.f32 v12, v55;
	(xrf2) =	vadd.scan.msk.f32 $0xffff, v0;
	v23, _, _ =	vpop (xrf2)  }
0x34c: {  	v29 =	vld [tilespmem:s14+$0x860];
	v15 =	vmul.f32 v28, v27;
	v12 =	vadd.f32 v22, v63;
	v26, _, _ =	vpop (xrf2);
	v4 =	vadd.f32 v25, v9  }
0x34d: {  	v33 =	vld [tilespmem:s14+$0x4860];
	v2 =	vmul.f32 v54, v50;
	v13 =	vmul.f32 v58, v34;
	v1 =	vadd.f32 v6, v1;
	v30, _, _ =	vpop (xrf2)  }
0x34e: {  	v37 =	vld [tilespmem:s14+$0x870];
	v8 =	vmul.f32 v32, v31;
	(xrf2) =	vadd.scan.msk.f32 $0xffff, v3;
	v12 =	vadd.f32 v35, v12;
	v36, _, _ =	vpop (xrf2);
	v4 =	vadd.f32 v15, v4  }
0x34f: {  	v41 =	vld [tilespmem:s14+$0x4870];
	v18 =	vmul.f32 v40, v39;
	v1 =	vadd.f32 v2, v1;
	v38, _, _ =	vpop (xrf2)  }
0x350: {  	v0 =	vmul.f32 v24, v62;
	v8 =	vadd.f32 v8, v12;
	v42, _, _ =	vpop (xrf2);
	v4 =	vadd.f32 v13, v4  }
0x351: {  	(xrf2) =	vadd.scan.msk.f32 $0xffff, v1;
	v43, _, _ =	vpop (xrf2)  }
0x352: {  	v45 =	vmul.f32 v33, v29;
	v44 =	vadd.f32 v18, v8;
	v46, _, _ =	vpop (xrf2);
	v0 =	vadd.f32 v0, v4  }
0x353: {  	v1 =	vbroadcast v43, $0xF;
	v12 =	vbroadcast v46, $0xF  }
0x354: {  	v3 =	vmul.f32 v41, v37;
	v47 =	vbroadcast v42, $0xF;
	v4 =	vadd.f32 v45, v44;
	(xrf2) =	vadd.scan.msk.f32 $0xffff, v0  }
0x355: {  	v2 =	vbroadcast v38, $0xF;
	v48, _, _ =	vpop (xrf2);
	v1 =	vsel vm0, v1, v12  }
0x356: {  	v50 =	vbroadcast v48, $0xF;
	v0 =	vsel vm1, v1, v47;
	v49 =	vadd.f32 v3, v4  }
0x357: {  	v51 =	vbroadcast v36, $0xF;
	v0 =	vsel vm2, v0, v2  }
0x358: {  	v52 =	vbroadcast v30, $0xF;
	v53, _, _ =	vpop (xrf2);
	v0 =	vsel vm3, v0, v50;
	(xrf2) =	vadd.scan.msk.f32 $0xffff, v49  }
0x359: {  	v1 =	vbroadcast v53, $0xF;
	v0 =	vsel vm4, v0, v51  }
0x35a: {  	v54 =	vbroadcast v26, $0xF;
	v0 =	vsel vm5, v0, v52  }
0x35b: {  	v55 =	vbroadcast v23, $0xF;
	v56, _, _ =	vpop (xrf2);
	v0 =	vsel vm6, v0, v1  }
0x35c: {  	v57 =	vbroadcast v56, $0xF;
	v0 =	vsel vm7, v0, v54  }
0x35d: {  	v58 =	vbroadcast v60, $0xF;
	v0 =	vsel vm8, v0, v55  }
0x35e: {  	v59 =	vbroadcast v5, $0xF;
	v0 =	vsel vm9, v0, v57;
	v60, _, _ =	vpop (xrf2)  }
0x35f: {  	v0 =	vsel vm10, v0, v58;
	v61 =	vbroadcast v60, $0xF  }
0x360: {  	v62 =	vbroadcast v11, $0xF;
	v0 =	vsel vm11, v0, v59  }
0x361: {  	v0 =	vsel vm12, v0, v61  }
0x362: {  	v63, _, _ =	vpop (xrf2);
	v0 =	vsel vm13, v0, v62  }
0x363: {  	v0 =	vsel vm14, v0, v63  }
0x364: {  	v0 =	vsub.f32 $0.0e+00, v0;
	_ =	sdelay $0x1  }
0x365: {  	v0 =	vmul.f32 $1.442695020e+00, v0;
	_ =	sdelay $0x1  }
0x366: {  	(erf) = vpow2.f32 v0;
	_ =	sdelay $0x8  }
0x367: {  	v0 =	vpop (erf)  }
0x368: {  	v0 =	vadd.f32 $1.000000000e+00, v0;
	_ =	sdelay $0x1  }
0x369: {  	(erf) = vrcp.f32 v0;
	_ =	sdelay $0x7  }
0x36a: {  	s31 =	sshll.u32 s15, $0x4;
	s13 =	sadd.s32 $0x1, s13  }
0x36b: {  	p0 =	sne.s32 s13, s7;
	s14 =	sand.u32 $0x3FFFFFF0, s31;
	v0 =	vpop (erf)  }
.Ltmp1:
0x36c: {  	[tilespmem:s14+$0x8080] =	vst v0;
	(pc) =	sbr.rel @p0 .LBB2_1-.Ltmp1, $4  }
0x36d: {  	[hbm4b:s6+s2] =	stream.linear.scatter [tilespmem:s12], [sflag:$0x2], $0x80, $0x38;
	[tilespmem:$0x8100] =	vst v63  }
0x36e: {  	_ =	swait.ge [sflag:s8], $0x80  }
0x36f: {  	[sflag:s8] =	ssyncset.done $0x0  }
0x370: {  	[sflag:s8] =	ssyncadd.s32 $0xFFFFFF80  }
0x371: {  	_ =	sfence.sel $0x180000  }
0x372: {  	[bflag:$0x0] =	sbarrier.arrive $0xFFFF  }
0x373: {  	p0 =	sne.s32 s1, $0x0;
	_ =	strace $0x9000004D  }
0x374: {  	s0 =	sadd.s32 @!p0 $0x100000, s0;
	[bflag:$0x2] =	sbarrier.arrive $0xFFFF  }
0x375: {  	[sflag:s0] =	ssyncadd.tile.s32 @!p0 $0x1;
	_ =	shalt  }
.Lfunc_end2:
_tile_overlayer_lowered:
.L_overlay_start_2:
0x376: {  	(tag) =	ssettag $0x2  }
0x377: {  	s0 =	rddreg [dreg:$0x0];
	s2 =	stileid.u32  }
0x378: {  	s1 =	rddreg [dreg:$0x1];
	p0 =	sne.s32 s2, $0x0  }
0x379: {  	s3 =	rddreg [dreg:$0x2];
	[bflag:$0x3] =	sbarrier.arrive $0xFFFF;
	s2 =	simm.s32 @!p0 $0x1C02  }
0x37a: {  	[timem:s3], [sflag:s2] =	dma.local @!p0 [hbm:s0], s1  }
0x37b: {  	s0 =	simm.s32 @!p0 $0x2  }
0x37c: {  	_ =	swait.ge @!p0 [sflag:s0], s1  }
0x37d: {  	s1 =	ssub.s32 @!p0 $0x0, s1;
	[sflag:s0] =	ssyncset.done @!p0 $0x0  }
0x37e: {  	[sflag:s0] =	ssyncadd.s32 @!p0 s1  }
0x37f: {  	[bflag:$0x3] =	sbarrier.arrive $0xFFFF  }
0x380: {  	_ =	shalt  }

// kernel: kernel.8.cloned.1.call-start
scs
__scs_entry_jumppad:
0x0: {  	(pc) =	sbr.rel $0x88, $3  }
0x1: {  	(tag) =	ssettag $0x0;
	lr =	simm.s32 $0x1  }
0x2: {  	[smem:$0x3F96] =	sst lr;
	_ =	strace $0xD0000000  }
0x3: {  	_ = 	snop  }
0x4: {  	_ = 	snop  }
0x5: {  	_ = 	snop  }
0x6: {  	_ = 	snop  }
0x7: {  	_ = 	snop  }
__scs_overlays_trampoline_lowered:
0x8: {  	[smem:$0x3FA5] =	sst s0  }
0x9: {  	[smem:$0x3FA6] =	sst s1  }
0xa: {  	[smem:$0x3FA7] =	sst s2  }
0xb: {  	[smem:$0x3FA8] =	sst s3  }
0xc: {  	[smem:$0x3FA9] =	sst s4  }
0xd: {  	[smem:$0x3FAA] =	sst s5  }
0xe: {  	[smem:$0x3FAB] =	sst s6  }
0xf: {  	[smem:$0x3FAC] =	sst s7  }
0x10: {  	[smem:$0x3FAD] =	sst s8  }
0x11: {  	[smem:$0x3FAE] =	sst s9;
	s0 =	simm.s32 @!p0 $0x0  }
0x12: {  	s1 =	sld [smem:$0x3F94];
	s0 =	simm.s32 @p0 $0x1  }
0x13: {  	[smem:$0x3FAF] =	sst s0;
	s0 =	simm.s32 @!p1 $0x0  }
0x14: {  	s2 =	sld [smem:$0x3F93];
	s0 =	simm.s32 @p1 $0x1  }
0x15: {  	[smem:$0x3FB0] =	sst s0;
	s0 =	simm.s32 @!p2 $0x0  }
0x16: {  	s3 =	sld [smem:$0x3FDB];
	s0 =	simm.s32 @p2 $0x1  }
0x17: {  	s4 =	simm.s32 $0x1BF5;
	[smem:$0x3FB2] =	sst s0  }
0x18: {  	s0 =	sld [smem:$0x3F95];
	_ =	swait.ge [sflag:s4], $0x0  }
0x19: {  	s7 =	sld [smem:$0x3F96]  }
0x1a: {  	s8 =	sadd.s32 $0xFFFFE003, lr  }
0x1b: {  	s9 =	sadd.s32 $0xFFFFFEF7, lr;
	s5 =	simm.s32 $0xFFFFFFFF;
	p2 =	slt.u32 s8, $0xFFFFF086  }
0x1c: {  	p1 =	slt.u32 s9, $0xF7A;
	s5 =	simm.s32 @!p2 $0x0  }
0x1d: {  	s5 =	simm.s32 @p1 $0x1;
	p0 =	seq.s32 s7, s2  }
0x1e: {  	s7 =	smul.u32 @!p0 $0xF7A, s2;
	p2 =	seq.s32 @!p0 s5, $0x0  }
0x1f: {  	s9 =	smul.u32 $0xF7A, s1;
	s8 =	simm.s32 @!p0 $0x1BF5;
	p2 =	por !p2, p0  }
0x20: {  	[sflag:s8] =	ssyncset.s32 @!p0 $0xFFFFF086;
	s6 =	sadd.s32 @!p0 s3, s7;
	s7 =	simm.s32 @!p0 $0x108  }
0x21: {  	s3 =	sadd.s32 s3, s9;
	s6 =	sadd.s32 @!p0 $0x88, s6;
	s7 =	simm.s32 @p2 $0x1082  }
0x22: {  	[simem:s7], [sflag:s8] =	dma.local @!p0 [hbm:s6], $0xF7A  }
0x23: {  	s9 =	sor.u32 $0xD0000000, s2;
	s6 =	simm.s32 $0x108;
	_ =	swait.ge @!p0 [sflag:s8], $0x0  }
0x24: {  	s3 =	sadd.s32 $0x88, s3;
	s6 =	simm.s32 @!p1 $0x1082;
	[sflag:s4] =	ssyncset.s32 $0xFFFFF086  }
0x25: {  	[simem:s6], [sflag:s4] =	dma.local [hbm:s3], $0xF7A  }
0x26: {  	[smem:$0x3F96] =	sst s1;
	(tag) =	ssettag s2;
	_ =	strace s9  }
0x27: {  	s1 =	sld [smem:$0x3FA6]  }
0x28: {  	s2 =	sld [smem:$0x3FA7]  }
0x29: {  	s4 =	sld [smem:$0x3FA9]  }
0x2a: {  	p0 =	seq.s32 s5, $0x0;
	s5 =	sld [smem:$0x3FAA]  }
0x2b: {  	s6 =	sld [smem:$0x3FAB]  }
0x2c: {  	s7 =	sld [smem:$0x3FAC]  }
0x2d: {  	s3 =	simm.s32 $0x108;
	s8 =	sld [smem:$0x3FAD]  }
0x2e: {  	s3 =	simm.s32 @!p0 $0x1082;
	s9 =	sld [smem:$0x3FAE]  }
0x2f: {  	lr =	sadd.s32 s0, s3;
	s0 =	sld [smem:$0x3FA5]  }
0x30: {  	s3 =	sld [smem:$0x3FA8]  }
0x31: {  	[smem:$0x3FB1] =	sst s10  }
0x32: {  	s10 =	sld [smem:$0x3FAF];
	_ =	sdelay $0x3  }
0x33: {  	p0 =	seq.s32 s10, $0x1;
	s10 =	sld [smem:$0x3FB1];
	_ =	sdelay $0x3  }
0x34: {  	[smem:$0x3FB1] =	sst s10  }
0x35: {  	s10 =	sld [smem:$0x3FB0];
	_ =	sdelay $0x3  }
0x36: {  	p1 =	seq.s32 s10, $0x1;
	s10 =	sld [smem:$0x3FB1];
	_ =	sdelay $0x3  }
0x37: {  	[smem:$0x3FB1] =	sst s10  }
0x38: {  	s10 =	sld [smem:$0x3FB2]  }
0x39: {  	_ = 	snop;
	(pc) =	sbr.ind lr, $3  }
0x3a: {  	_ = 	snop  }
0x3b: {  	_ = 	snop  }
0x3c: {  	p2 =	seq.s32 s10, $0x1;
	s10 =	sld [smem:$0x3FB1]  }
0x3d: {  	_ =	shalt  }
0x3e: {  	_ =	shalt  }
0x3f: {  	_ =	shalt  }
0x40: {  	_ =	shalt  }
0x41: {  	_ =	shalt  }
0x42: {  	_ =	shalt  }
0x43: {  	_ =	shalt  }
0x44: {  	_ =	shalt  }
0x45: {  	_ =	shalt  }
0x46: {  	_ =	shalt  }
0x47: {  	_ =	shalt  }
0x48: {  	_ =	shalt  }
0x49: {  	_ =	shalt  }
0x4a: {  	_ =	shalt  }
0x4b: {  	_ =	shalt  }
0x4c: {  	_ =	shalt  }
0x4d: {  	_ =	shalt  }
0x4e: {  	_ =	shalt  }
0x4f: {  	_ =	shalt  }
0x50: {  	_ =	shalt  }
0x51: {  	_ =	shalt  }
0x52: {  	_ =	shalt  }
0x53: {  	_ =	shalt  }
0x54: {  	_ =	shalt  }
0x55: {  	_ =	shalt  }
0x56: {  	_ =	shalt  }
0x57: {  	_ =	shalt  }
0x58: {  	_ =	shalt  }
0x59: {  	_ =	shalt  }
0x5a: {  	_ =	shalt  }
0x5b: {  	_ =	shalt  }
0x5c: {  	_ =	shalt  }
0x5d: {  	_ =	shalt  }
0x5e: {  	_ =	shalt  }
0x5f: {  	_ =	shalt  }
0x60: {  	_ =	shalt  }
0x61: {  	_ =	shalt  }
0x62: {  	_ =	shalt  }
0x63: {  	_ =	shalt  }
0x64: {  	_ =	shalt  }
0x65: {  	_ =	shalt  }
0x66: {  	_ =	shalt  }
0x67: {  	_ =	shalt  }
0x68: {  	_ =	shalt  }
0x69: {  	_ =	shalt  }
0x6a: {  	_ =	shalt  }
0x6b: {  	_ =	shalt  }
0x6c: {  	_ =	shalt  }
0x6d: {  	_ =	shalt  }
0x6e: {  	_ =	shalt  }
0x6f: {  	_ =	shalt  }
0x70: {  	_ =	shalt  }
0x71: {  	_ =	shalt  }
0x72: {  	_ =	shalt  }
0x73: {  	_ =	shalt  }
0x74: {  	_ =	shalt  }
0x75: {  	_ =	shalt  }
0x76: {  	_ =	shalt  }
0x77: {  	_ =	shalt  }
0x78: {  	_ =	shalt  }
0x79: {  	_ =	shalt  }
0x7a: {  	_ =	shalt  }
0x7b: {  	_ =	shalt  }
0x7c: {  	_ =	shalt  }
0x7d: {  	_ =	shalt  }
0x7e: {  	_ =	shalt  }
0x7f: {  	_ =	shalt  }
0x80: {  	_ =	shalt  }
0x81: {  	_ =	shalt  }
0x82: {  	_ =	shalt  }
0x83: {  	_ =	shalt  }
0x84: {  	_ =	shalt  }
0x85: {  	_ =	shalt  }
0x86: {  	_ =	shalt  }
0x87: {  	_ =	shalt  }
.Lfunc_end0:
.L_simem_size_0:
called_computation_lowered:
.L_overlay_start_0:
0x88: {  	s2 =	sld [smem:$0x3FD9]  }
0x89: {  	s3 =	sld [smem:$0x3FFE];
	_ =	sdelay $0x1  }
0x8a: {  	s1 =	srdreg.scid  }
0x8b: {  	s0 =	sand.u32 $0x1, s1  }
0x8c: {  	s17 =	sshll.u32 s0, $0xA;
	s2 =	sadd.s32 s3, s2  }
0x8d: {  	s2 =	sadd.s32 s2, s17  }
0x8e: {  	[smem:$0x3FBD] =	sst s2  }
0x8f: {  	_ = 	snop  }
0x90: {  	s2 =	sld [smem:$0x3FC9]  }
0x91: {  	s18 =	sld [smem:$0x3FC6];
	(tm) =	ssettm $0x1  }
0x92: {  	s4 =	sld [smem:$0x3FFB];
	_ =	sdelay $0x3  }
0x93: {  	_ =	strace s4  }
0x94: {  	s4 =	sld [smem:$0x3FFC];
	_ =	sdelay $0x3  }
0x95: {  	_ =	strace s4  }
0x96: {  	s4 =	sld [smem:$0x3FFD];
	_ =	sdelay $0x3  }
0x97: {  	_ =	strace s4  }
0x98: {  	_ =	strace $0x8FFFFFFF  }
0x99: {  	s19 =	sld [smem:$0x3FDB];
	_ =	sdelay $0x1  }
0x9a: {  	s5 =	simm.s32 $_scs_section_size  }
0x9b: {  	s6 =	simm.s32 $_size__tile_overlayer_lowered;
	s7 =	simm.s32 $_tile_overlayer_lowered  }
0x9c: {  	s22 =	simm.s32 $0x1BFF;
	s21 =	sshll.u32 s7, $0x1;
	s4 =	sadd.s32 s5, s19  }
0x9d: {  	s8 =	simm.s32 $0x0;
	s20 =	sshll.u32 s6, $0x1;
	s6 =	sadd.s32 s21, s4  }
0x9e: {  	[timem:s8], [sflag:s22] =	dma.local [hbm:s6], s20  }
0x9f: {  	_ =	swait.ge [sflag:s22], s20  }
0xa0: {  	s5 =	ssub.s32 $0x0, s20;
	[sflag:s22] =	ssyncset.done $0x0  }
0xa1: {  	[sflag:s22] =	ssyncadd.s32 s5;
	_ =	sdelay $0x1  }
0xa2: {  	s23 =	simm.s32 $0x1B8B  }
0xa3: {  	_ =	swait.ge [sflag:s23], $0x1  }
0xa4: {  	[sflag:s23] =	ssyncset.done $0x0  }
0xa5: {  	s25 =	simm.s32 $0x1B8E;
	s24 =	sld [smem:$0x3FFE];
	[sflag:s23] =	ssyncadd.s32 $0xFFFFFFFF  }
0xa6: {  	s26 =	simm.s32 $execute0_lowered;
	[smem:$0x3FD2] =	sst s25  }
0xa7: {  	s6 =	sshll.u32 s26, $0x1;
	_ =	strace $0x80000046;
	[dreg:$0x1] =	wrdreg $0xFFFFFFFF  }
0xa8: {  	s28 =	simm.s32 $_size_execute0_lowered;
	s4 =	sadd.s32 s4, s6;
	[dreg:$0x0] =	wrdreg $0x0  }
0xa9: {  	s6 =	sshll.u32 s28, $0x1;
	[dreg:$0x2] =	wrdreg s4  }
0xaa: {  	[dreg:$0x3] =	wrdreg s6  }
0xab: {  	[dreg:$0x4] =	wrdreg $0xC0  }
0xac: {  	_ =	task [dreg:s8], $0x5FFFF  }
0xad: {  	[dreg:$0x1] =	wrdreg $0xFFFFFFFF  }
0xae: {  	[dreg:$0x0] =	wrdreg $0x60  }
0xaf: {  	[dreg:$0x2] =	wrdreg s24  }
0xb0: {  	[dreg:$0x3] =	wrdreg s2  }
0xb1: {  	[dreg:$0x4] =	wrdreg s18  }
0xb2: {  	[dreg:$0x5] =	wrdreg $0x89000  }
0xb3: {  	[dreg:$0x6] =	wrdreg $0x129000  }
0xb4: {  	[dreg:$0x7] =	wrdreg $0x9  }
0xb5: {  	_ =	task.clear_ibuf [dreg:s8], $0x8FFFF;
	_ =	strace $0x90000046  }
0xb6: {  	s29 =	simm.s32 $0x9;
	_ =	strace $0x80000048  }
0xb7: {  	_ =	swait.ge [sflag:s29], $0x1  }
0xb8: {  	[sflag:s29] =	ssyncadd.s32 $0xFFFFFFFF  }
0xb9: {  	_ =	strace $0x90000048  }
0xba: {  	_ =	sfence  }
0xbb: {  	s30 =	sld [smem:$0x0];
	_ =	sdelay $0x2  }
0xbc: {  	s31 =	sshll.u32 s1, $0xD;
	s1 =	sshrl.u32 s1, $0x2  }
0xbd: {  	s3 =	sand.u32 $0x4000, s31;
	s1 =	sadd.s32 s1, s30  }
0xbe: {  	s0 =	sor.u32 s3, s0;
	s1 =	sshll.u32 s1, $0x11  }
0xbf: {  	s0 =	sor.u32 s1, s0  }
0xc0: {  	s0 =	sadd.s32 $0x8F2B, s0  }
0xc1: {  	[sflag:s0] =	ssyncadd.remote.s32 $0x1  }
0xc2: {  	_ =	sfence.sel $0xFFFF  }
0xc3: {  	[dreg:$0x0] =	wrdreg $0xFFFFFFFF;
	(pc) =	sbr.abs _section_cstart, $3  }
0xc4: {  	[dreg:$0x1] =	wrdreg $0xFFFFFFFF  }
0xc5: {  	_ =	task.clear_ibuf [dreg:s8], $0x2FFFF;
	_ =	strace $0x9FFFFFFF  }
0xc6: {  	(tm) =	ssettm $0x7FFFFFFF  }
0xc7: {  	_ =	shalt  }
tec
execute0_lowered:
.L_overlay_start_1:
0x0: {  	(tag) =	ssettag $0x1  }
0x1: {  	s0 =	rddreg [dreg:$0x0]  }
0x2: {  	s1 =	rddreg [dreg:$0x1]  }
0x3: {  	s3 =	rddreg [dreg:$0x3];
	s16 =	stileid.u32  }
0x4: {  	s2 =	srdreg.scid;
	s8 =	smul.u32 $0xA000, s16  }
0x5: {  	s4 =	rddreg [dreg:$0x4];
	s5 =	simm.s32 $0x0;
	s10 =	smul.u32 $0xA00, s16  }
0x6: {  	s28 =	simm.s32 $0x2900;
	s29 =	simm.s32 $0x2;
	s12 =	smul.u32 $0x2800, s16  }
0x7: {  	s30 =	simm.s32 $0x2100;
	s31 =	simm.s32 $0x80;
	s20 =	smul.u32 $0x280, s16  }
0x8: {  	s2 =	sand.u32 $0x1, s2;
	[smem:$0x7FF] =	sst s5;
	s26 =	smul.u32 $0x28000, s16  }
0x9: {  	s6 =	sadd.s32 $0x17800, s0;
	s11 =	sshll.u32 s16, $0x8;
	s7 =	smul.u32 $0xA0000, s2  }
0xa: {  	_ =	strace $0x80000047;
	s13 =	sshll.u32 s2, $0x7;
	s15 =	ssub.s32 $0x2, s2  }
0xb: {  	p0 =	sne.s32 s2, $0x0;
	s2 =	simm.s32 $0x4900;
	s10 =	sadd.s32 s10, s0  }
0xc: {  	s11 =	sor.u32 s13, s11;
	s24 =	sshrl.u32 s12, $0x3;
	s25 =	sshrl.u32 s15, $0x1  }
0xd: {  	s17 =	sshrl.u32 s8, $0x2;
	s18 =	sadd.s32 $0x80, s20;
	s21 =	sadd.s32 $0x100, s20  }
0xe: {  	s9 =	sadd.s32 s8, s7;
	s7 =	sadd.s32 $0x2B800, s0;
	s14 =	sshll.u32 s11, $0x4  }
0xf: {  	s13 =	sadd.s32 s24, s0;
	s11 =	sshrl.u32 s11, $0x3;
	s19 =	sshll.u32 s18, $0x6  }
0x10: {  	s22 =	sshll.u32 s21, $0x6;
	s9 =	sshrl.u32 s9, $0x3;
	s1 =	sadd.s32 s1, s11  }
0x11: {  	s9 =	sadd.s32 s9, s0;
	s0 =	sadd.s32 s14, s0;
	s14 =	ssub.s32 s15, s25  }
0x12: {  	[dreg:$0x6] =	wrdreg s1;
	s1 =	sadd.s32 s8, s3;
	s15 =	sadd.s32 $0x3F800, s13  }
0x13: {  	s8 =	sshll.u32 s18, $0x4;
	s25 =	sadd.s32 $0x200, s20;
	s0 =	sadd.s32 $0x6C800, s0  }
0x14: {  	s11 =	sadd.s32 $0x44800, s9;
	[dreg:$0x9] =	wrdreg s15;
	s9 =	sadd.s32 s12, s4  }
0x15: {  	s16 =	smax.u32 s14, $0x1;
	s14 =	sadd.s32 s17, s4;
	[dreg:$0x7] =	wrdreg s0  }
0x16: {  	s15 =	sadd.s32 s19, s3;
	s17 =	sadd.s32 s22, s3;
	[dreg:$0x8] =	wrdreg s11  }
0x17: {  	[dreg:$0xa] =	wrdreg s16;
	s0 =	sshrl.u32 s26, $0x2;
	s16 =	sadd.s32 s8, s4  }
0x18: {  	s26 =	sshll.u32 s25, $0x6;
	s8 =	sshll.u32 s25, $0x4;
	s25 =	sshrl.u32 s1, $0x3  }
0x19: {  	s1 =	simm.s32 $0x100;
	s0 =	sadd.s32 s0, s3;
	s22 =	sadd.s32 s8, s4  }
.Ltmp0:
0x1a: {  	[dreg:$0xb] =	wrdreg s0;
	s0 =	sshll.u32 s21, $0x4;
	(pc) =	sbr.rel .LBB2_1-.Ltmp0, $4  }
0x1b: {  	s8 =	simm.s32 $0x0;
	s21 =	sadd.s32 $0x180, s20;
	s18 =	sadd.s32 s0, s4  }
0x1c: {  	s23 =	sshll.u32 s21, $0x6;
	s24 =	sshll.u32 s21, $0x4;
	s21 =	sadd.s32 s26, s3  }
0x1d: {  	s26 =	sshrl.u32 @!p0 s9, $0x3;
	s0 =	simm.s32 $0x1;
	s19 =	sadd.s32 s23, s3  }
0x1e: {  	v0 =	vimm.f32 $0.0e+00;
	v1 =	vimm.f32 $1.000000000e+00;
	s20 =	sadd.s32 s24, s4;
	s23 =	sadd.s32 $0x3800, s10;
	s24 =	sadd.s32 $0xD800, s10  }
.LBB2_13:
0x1f: {  	s10 =	sadd.s32 s9, s24;
	[sflag:s29] =	ssyncadd.s32 $0xFFFFE000  }
0x20: {  	[tilespmem:s5], [sflag:$0x2] =	stream.linear.gather [hbm4b:s10+s5], $0x80, $0x38;
	[tilespmem:$0x15100] =	vst v63  }
0x21: {  	_ =	swait.ge [sflag:s29], $0x80  }
0x22: {  	[sflag:s29] =	ssyncset.done $0x0  }
0x23: {  	s13 =	sadd.s32 s9, s23;
	[sflag:s29] =	ssyncadd.s32 $0xFFFFFF80  }
0x24: {  	[tilespmem:s31], [sflag:$0x2] =	stream.linear.gather [hbm4b:s13+s5], $0x80, $0x38;
	[tilespmem:$0x15100] =	vst v63  }
0x25: {  	_ =	swait.ge [sflag:s29], $0x80  }
0x26: {  	[sflag:s29] =	ssyncset.done $0x0  }
0x27: {  	[sflag:s29] =	ssyncadd.s32 $0xFFFFFF80  }
0x28: {  	[tilespmem:s1], [sflag:$0x1] =	stream.indirect.gather [hbm4b:s7+s31], $0x40, s5, s31, $0xb8;
	[tilespmem:$0x15100] =	vst v63  }
0x29: {  	_ =	swait.ge [sflag:s0], $0x2000  }
0x2a: {  	[sflag:s0] =	ssyncset.done $0x0  }
0x2b: {  	[sflag:s0] =	ssyncadd.s32 $0xFFFFE000  }
0x2c: {  	[spmem:s3] =	stream.indirect.scatter.add.f32 [tilespmem:s1], [sflag:$0x2], $0x40, s31, s31, $0xb8;
	[tilespmem:$0x15100] =	vst v63  }
0x2d: {  	_ =	swait.ge [sflag:s29], $0x2000  }
0x2e: {  	[sflag:s29] =	ssyncset.done $0x0  }
0x2f: {  	[sflag:s29] =	ssyncadd.s32 $0xFFFFE000  }
.LBB2_14:
0x30: {  	s9 =	rddreg [dreg:$0x6]  }
0x31: {  	[tilespmem:s5], [sflag:$0x2] =	stream.linear.gather [hbm4b:s9+s5], $0x80, $0x38;
	[tilespmem:$0x15100] =	vst v63  }
0x32: {  	_ =	swait.ge [sflag:s29], $0x80  }
0x33: {  	[sflag:s29] =	ssyncset.done $0x0  }
0x34: {  	[sflag:s29] =	ssyncadd.s32 $0xFFFFFF80  }
0x35: {  	s10 =	rddreg [dreg:$0x2]  }
0x36: {  	[tilespmem:s2], [sflag:$0x1] =	stream.indirect.gather [hbm4b:s10+s31], $0x80, s5, s31, $0xb8;
	[tilespmem:$0x15100] =	vst v63  }
0x37: {  	_ =	swait.ge [sflag:s0], $0x4000  }
0x38: {  	[sflag:s0] =	ssyncset.done $0x0  }
0x39: {  	s11 =	rddreg [dreg:$0x7];
	[sflag:s0] =	ssyncadd.s32 $0xFFFFC000  }
0x3a: {  	[hbm4b:s11+s5] =	stream.linear.scatter [tilespmem:s2], [sflag:$0x2], $0x4000, $0x38;
	[tilespmem:$0x15100] =	vst v63  }
0x3b: {  	_ =	swait.ge [sflag:s29], $0x4000  }
0x3c: {  	[sflag:s29] =	ssyncset.done $0x0  }
0x3d: {  	s12 =	stileid.u32;
	[sflag:s29] =	ssyncadd.s32 $0xFFFFC000  }
0x3e: {  	s9 =	sshll.u32 s12, $0x6;
	[bflag:$0x0] =	sbarrier.arrive $0xFFFF  }
0x3f: {  	s9 =	sor.u32 $0x1C02, s9;
	s10 =	rddreg [dreg:$0x8]  }
0x40: {  	[hbm:s10], [sflag:s9] =	dma.local [spmem:s25], $0x1400  }
0x41: {  	_ =	swait.ge [sflag:s29], $0x1400  }
0x42: {  	[sflag:s29] =	ssyncset.done $0x0  }
0x43: {  	s10 =	rddreg [dreg:$0x9];
	[sflag:s29] =	ssyncadd.s32 $0xFFFFEC00  }
0x44: {  	[hbm:s10], [sflag:s9] =	dma.local @!p0 [spmem:s26], $0x500  }
0x45: {  	s9 =	simm.s32 @!p0 $0x2  }
0x46: {  	_ =	swait.ge @!p0 [sflag:s9], $0x500  }
0x47: {  	s8 =	sadd.s32 $0x1, s8;
	s13 =	rddreg [dreg:$0xa]  }
0x48: {  	p1 =	sne.s32 s8, s13  }
.Ltmp1:
0x49: {  	_ = 	snop;
	(pc) =	sbr.rel @!p1 .LBB2_15-.Ltmp1, $3  }
0x4a: {  	_ =	sdelay $0x1  }
0x4b: {  	[sflag:s9] =	ssyncset.done @!p0 $0x0  }
0x4c: {  	[sflag:s9] =	ssyncadd.s32 @!p0 $0xFFFFFB00  }
.LBB2_1:
0x4d: {  	s9 =	simm.s32 $0x0  }
.LBB2_2:
0x4e: {  	p1 =	sne.s32 s9, $0x7F00  }
.Ltmp2:
0x4f: {  	s10 =	sshra.s32 s9, $0x2;
	(pc) =	sbr.rel @p1 .LBB2_2-.Ltmp2, $4  }
0x50: {  	[tilespmem:s10+$0x2900] =	vst v0  }
0x51: {  	[tilespmem:s10+$0x2910] =	vst v0  }
0x52: {  	[tilespmem:s10+$0x2920] =	vst v0  }
0x53: {  	s9 =	sadd.s32 $0x100, s9;
	[tilespmem:s10+$0x2930] =	vst v0  }
0x54: {  	s9 =	simm.s32 $0x40;
	s10 =	simm.s32 $0x0  }
.LBB2_4:
0x55: {  	p1 =	sne.s32 s9, $0x1FC0;
	[tilespmem:s10+$0x2100] =	vst v0;
	s10 =	smov.u32 s9;
	s9 =	sadd.s32 $0x40, s9  }
.Ltmp3:
0x56: {  	(pc) =	sbr.rel @p1 .LBB2_4-.Ltmp3, $2  }
0x57: {  	_ =	sdelay $0x2  }
0x58: {  	s10 =	sshra.s32 s10, $0x2  }
0x59: {  	[tilespmem:s10+$0x2100] =	vst v0;
	s9 =	rddreg [dreg:$0xb]  }
0x5a: {  	[spmem:s9] =	stream.linear.scatter [tilespmem:s28], [sflag:$0x2], $0x2000, $0x38;
	[tilespmem:$0x15100] =	vst v63  }
0x5b: {  	_ =	swait.ge [sflag:s29], $0x2000  }
0x5c: {  	[sflag:s29] =	ssyncset.done $0x0  }
0x5d: {  	[sflag:s29] =	ssyncadd.s32 $0xFFFFE000  }
0x5e: {  	[spmem:s14] =	stream.linear.scatter [tilespmem:s30], [sflag:$0x2], $0x800, $0x38;
	[tilespmem:$0x15100] =	vst v63  }
0x5f: {  	_ =	swait.ge [sflag:s29], $0x800  }
0x60: {  	[sflag:s29] =	ssyncset.done $0x0  }
0x61: {  	[sflag:s29] =	ssyncadd.s32 $0xFFFFF800  }
0x62: {  	[spmem:s15] =	stream.linear.scatter [tilespmem:s28], [sflag:$0x2], $0x2000, $0x38;
	[tilespmem:$0x15100] =	vst v63  }
0x63: {  	_ =	swait.ge [sflag:s29], $0x2000  }
0x64: {  	[sflag:s29] =	ssyncset.done $0x0  }
0x65: {  	[sflag:s29] =	ssyncadd.s32 $0xFFFFE000  }
0x66: {  	[spmem:s16] =	stream.linear.scatter [tilespmem:s30], [sflag:$0x2], $0x800, $0x38;
	[tilespmem:$0x15100] =	vst v63  }
0x67: {  	_ =	swait.ge [sflag:s29], $0x800  }
0x68: {  	[sflag:s29] =	ssyncset.done $0x0  }
0x69: {  	[sflag:s29] =	ssyncadd.s32 $0xFFFFF800  }
0x6a: {  	[spmem:s17] =	stream.linear.scatter [tilespmem:s28], [sflag:$0x2], $0x2000, $0x38;
	[tilespmem:$0x15100] =	vst v63  }
0x6b: {  	_ =	swait.ge [sflag:s29], $0x2000  }
0x6c: {  	[sflag:s29] =	ssyncset.done $0x0  }
0x6d: {  	[sflag:s29] =	ssyncadd.s32 $0xFFFFE000  }
0x6e: {  	[spmem:s18] =	stream.linear.scatter [tilespmem:s30], [sflag:$0x2], $0x800, $0x38;
	[tilespmem:$0x15100] =	vst v63  }
0x6f: {  	_ =	swait.ge [sflag:s29], $0x800  }
0x70: {  	[sflag:s29] =	ssyncset.done $0x0  }
0x71: {  	[sflag:s29] =	ssyncadd.s32 $0xFFFFF800  }
0x72: {  	[spmem:s19] =	stream.linear.scatter [tilespmem:s28], [sflag:$0x2], $0x2000, $0x38;
	[tilespmem:$0x15100] =	vst v63  }
0x73: {  	_ =	swait.ge [sflag:s29], $0x2000  }
0x74: {  	[sflag:s29] =	ssyncset.done $0x0  }
0x75: {  	[sflag:s29] =	ssyncadd.s32 $0xFFFFE000  }
0x76: {  	[spmem:s20] =	stream.linear.scatter [tilespmem:s30], [sflag:$0x2], $0x800, $0x38;
	[tilespmem:$0x15100] =	vst v63  }
0x77: {  	_ =	swait.ge [sflag:s29], $0x800  }
0x78: {  	[sflag:s29] =	ssyncset.done $0x0  }
0x79: {  	[sflag:s29] =	ssyncadd.s32 $0xFFFFF800  }
0x7a: {  	[spmem:s21] =	stream.linear.scatter [tilespmem:s28], [sflag:$0x2], $0x2000, $0x38;
	[tilespmem:$0x15100] =	vst v63  }
0x7b: {  	_ =	swait.ge [sflag:s29], $0x2000  }
0x7c: {  	[sflag:s29] =	ssyncset.done $0x0  }
0x7d: {  	[sflag:s29] =	ssyncadd.s32 $0xFFFFE000  }
0x7e: {  	[spmem:s22] =	stream.linear.scatter [tilespmem:s30], [sflag:$0x2], $0x800, $0x38;
	[tilespmem:$0x15100] =	vst v63  }
0x7f: {  	_ =	swait.ge [sflag:s29], $0x800  }
0x80: {  	[sflag:s29] =	ssyncset.done $0x0  }
0x81: {  	s10 =	simm.s32 $0x0;
	s9 =	simm.s32 $0x40;
	[sflag:s29] =	ssyncadd.s32 $0xFFFFF800  }
.LBB2_6:
0x82: {  	p1 =	sne.s32 s9, $0x1FC0;
	[tilespmem:s10+$0x2100] =	vst v1;
	s10 =	smov.u32 s9;
	s9 =	sadd.s32 $0x40, s9  }
.Ltmp4:
0x83: {  	(pc) =	sbr.rel @p1 .LBB2_6-.Ltmp4, $2  }
0x84: {  	_ =	sdelay $0x2  }
0x85: {  	s10 =	sshra.s32 s10, $0x2  }
.Ltmp5:
0x86: {  	(pc) =	sbr.rel @p0 .LBB2_11-.Ltmp5, $4  }
0x87: {  	_ = 	snop  }
0x88: {  	[tilespmem:s10+$0x2100] =	vst v1  }
0x89: {  	[bflag:$0x0] =	sbarrier.arrive $0xFFFF  }
0x8a: {  	s9 =	sadd.s32 $0x0, s24  }
0x8b: {  	[tilespmem:s5], [sflag:$0x2] =	stream.linear.gather [hbm4b:s9+s5], $0x80, $0x38;
	[tilespmem:$0x15100] =	vst v63  }
0x8c: {  	_ =	swait.ge [sflag:s29], $0x80  }
0x8d: {  	[sflag:s29] =	ssyncset.done $0x0  }
0x8e: {  	s13 =	sadd.s32 $0x0, s23;
	[sflag:s29] =	ssyncadd.s32 $0xFFFFFF80  }
0x8f: {  	[tilespmem:s31], [sflag:$0x2] =	stream.linear.gather [hbm4b:s13+s5], $0x80, $0x38;
	[tilespmem:$0x15100] =	vst v63  }
0x90: {  	_ =	swait.ge [sflag:s29], $0x80  }
0x91: {  	[sflag:s29] =	ssyncset.done $0x0  }
0x92: {  	[sflag:s29] =	ssyncadd.s32 $0xFFFFFF80  }
0x93: {  	[tilespmem:s1], [sflag:$0x1] =	stream.indirect.gather [hbm4b:s6+s31], $0x40, s5, s31, $0xb8;
	[tilespmem:$0x15100] =	vst v63  }
0x94: {  	_ =	swait.ge [sflag:s0], $0x2000  }
0x95: {  	[sflag:s0] =	ssyncset.done $0x0  }
0x96: {  	[sflag:s0] =	ssyncadd.s32 $0xFFFFE000  }
0x97: {  	[spmem:s3] =	stream.indirect.scatter.add.f32 [tilespmem:s1], [sflag:$0x2], $0x40, s31, s31, $0xb8;
	[tilespmem:$0x15100] =	vst v63  }
0x98: {  	_ =	swait.ge [sflag:s29], $0x2000  }
0x99: {  	[sflag:s29] =	ssyncset.done $0x0  }
0x9a: {  	[sflag:s29] =	ssyncadd.s32 $0xFFFFE000  }
0x9b: {  	[spmem:s4] =	stream.indirect.scatter.add.f32 [tilespmem:s30], [sflag:$0x2], $0x10, s31, s31, $0xb8;
	[tilespmem:$0x15100] =	vst v63  }
0x9c: {  	_ =	swait.ge [sflag:s29], $0x800  }
0x9d: {  	s9 =	simm.s32 $0x10;
	s10 =	simm.s32 $0x20;
	[sflag:s29] =	ssyncset.done $0x0  }
.LBB2_9:
0x9e: {  	s11 =	sadd.s32 s9, s24  }
0x9f: {  	[sflag:s29] =	ssyncadd.s32 $0xFFFFF800;
	s12 =	smov.u32 s10;
	s13 =	sadd.s32 $0x10, s10  }
0xa0: {  	[tilespmem:s5], [sflag:$0x2] =	stream.linear.gather [hbm4b:s11+s5], $0x80, $0x38;
	[tilespmem:$0x15100] =	vst v63  }
0xa1: {  	p1 =	seq.s32 s10, $0x9F0;
	_ =	swait.ge [sflag:s29], $0x80  }
0xa2: {  	[sflag:s29] =	ssyncset.done $0x0  }
0xa3: {  	s10 =	sadd.s32 s9, s23;
	s9 =	smov.u32 s12;
	[sflag:s29] =	ssyncadd.s32 $0xFFFFFF80  }
0xa4: {  	[tilespmem:s31], [sflag:$0x2] =	stream.linear.gather [hbm4b:s10+s5], $0x80, $0x38;
	[tilespmem:$0x15100] =	vst v63  }
0xa5: {  	_ =	swait.ge [sflag:s29], $0x80  }
0xa6: {  	[sflag:s29] =	ssyncset.done $0x0  }
0xa7: {  	[sflag:s29] =	ssyncadd.s32 $0xFFFFFF80  }
0xa8: {  	[tilespmem:s1], [sflag:$0x1] =	stream.indirect.gather [hbm4b:s6+s31], $0x40, s5, s31, $0xb8;
	[tilespmem:$0x15100] =	vst v63  }
0xa9: {  	_ =	swait.ge [sflag:s0], $0x2000  }
0xaa: {  	[sflag:s0] =	ssyncset.done $0x0  }
0xab: {  	[sflag:s0] =	ssyncadd.s32 $0xFFFFE000  }
0xac: {  	[spmem:s3] =	stream.indirect.scatter.add.f32 [tilespmem:s1], [sflag:$0x2], $0x40, s31, s31, $0xb8;
	[tilespmem:$0x15100] =	vst v63  }
0xad: {  	_ =	swait.ge [sflag:s29], $0x2000  }
.Ltmp6:
0xae: {  	[sflag:s29] =	ssyncset.done $0x0;
	(pc) =	sbr.rel @!p1 .LBB2_9-.Ltmp6, $4  }
0xaf: {  	[sflag:s29] =	ssyncadd.s32 $0xFFFFE000  }
0xb0: {  	[spmem:s4] =	stream.indirect.scatter.add.f32 [tilespmem:s30], [sflag:$0x2], $0x10, s31, s31, $0xb8;
	[tilespmem:$0x15100] =	vst v63  }
0xb1: {  	_ =	swait.ge [sflag:s29], $0x800  }
0xb2: {  	s10 =	smov.u32 s13;
	[sflag:s29] =	ssyncset.done $0x0  }
0xb3: {  	s10 =	sadd.s32 s9, s24;
	[sflag:s29] =	ssyncadd.s32 $0xFFFFF800  }
0xb4: {  	[tilespmem:s5], [sflag:$0x2] =	stream.linear.gather [hbm4b:s10+s5], $0x80, $0x38;
	[tilespmem:$0x15100] =	vst v63  }
0xb5: {  	_ =	swait.ge [sflag:s29], $0x80  }
0xb6: {  	[sflag:s29] =	ssyncset.done $0x0  }
0xb7: {  	s13 =	sadd.s32 s9, s23;
	[sflag:s29] =	ssyncadd.s32 $0xFFFFFF80  }
0xb8: {  	[tilespmem:s31], [sflag:$0x2] =	stream.linear.gather [hbm4b:s13+s5], $0x80, $0x38;
	[tilespmem:$0x15100] =	vst v63  }
0xb9: {  	_ =	swait.ge [sflag:s29], $0x80  }
0xba: {  	[sflag:s29] =	ssyncset.done $0x0  }
0xbb: {  	[sflag:s29] =	ssyncadd.s32 $0xFFFFFF80  }
0xbc: {  	[tilespmem:s1], [sflag:$0x1] =	stream.indirect.gather [hbm4b:s6+s31], $0x40, s5, s31, $0xb8;
	[tilespmem:$0x15100] =	vst v63  }
0xbd: {  	_ =	swait.ge [sflag:s0], $0x2000  }
0xbe: {  	[sflag:s0] =	ssyncset.done $0x0  }
0xbf: {  	[sflag:s0] =	ssyncadd.s32 $0xFFFFE000  }
0xc0: {  	[spmem:s3] =	stream.indirect.scatter.add.f32 [tilespmem:s1], [sflag:$0x2], $0x40, s31, s31, $0xb8;
	[tilespmem:$0x15100] =	vst v63  }
0xc1: {  	_ =	swait.ge [sflag:s29], $0x2000  }
0xc2: {  	[sflag:s29] =	ssyncset.done $0x0  }
.Ltmp7:
0xc3: {  	[sflag:s29] =	ssyncadd.s32 $0xFFFFE000;
	(pc) =	sbr.rel .LBB2_14-.Ltmp7, $4  }
0xc4: {  	[spmem:s4] =	stream.indirect.scatter.add.f32 [tilespmem:s30], [sflag:$0x2], $0x10, s31, s31, $0xb8;
	[tilespmem:$0x15100] =	vst v63  }
0xc5: {  	_ =	swait.ge [sflag:s29], $0x800  }
0xc6: {  	[sflag:s29] =	ssyncset.done $0x0  }
0xc7: {  	[sflag:s29] =	ssyncadd.s32 $0xFFFFF800  }
.LBB2_11:
0xc8: {  	[tilespmem:s5], [sflag:$0x2] =	stream.linear.gather [hbm4b:s9+s5], $0x80, $0x38;
	[tilespmem:$0x15100] =	vst v63  }
0xc9: {  	_ =	swait.ge [sflag:s29], $0x80  }
0xca: {  	[sflag:s29] =	ssyncset.done $0x0  }
0xcb: {  	s13 =	sadd.s32 $0x0, s23;
	[sflag:s29] =	ssyncadd.s32 $0xFFFFFF80  }
0xcc: {  	[tilespmem:s31], [sflag:$0x2] =	stream.linear.gather [hbm4b:s13+s5], $0x80, $0x38;
	[tilespmem:$0x15100] =	vst v63  }
0xcd: {  	_ =	swait.ge [sflag:s29], $0x80  }
0xce: {  	[sflag:s29] =	ssyncset.done $0x0  }
0xcf: {  	[sflag:s29] =	ssyncadd.s32 $0xFFFFFF80  }
0xd0: {  	[tilespmem:s1], [sflag:$0x1] =	stream.indirect.gather [hbm4b:s7+s31], $0x40, s5, s31, $0xb8;
	[tilespmem:$0x15100] =	vst v63  }
0xd1: {  	_ =	swait.ge [sflag:s0], $0x2000  }
0xd2: {  	[sflag:s0] =	ssyncset.done $0x0  }
0xd3: {  	[sflag:s0] =	ssyncadd.s32 $0xFFFFE000  }
0xd4: {  	[spmem:s3] =	stream.indirect.scatter.add.f32 [tilespmem:s1], [sflag:$0x2], $0x40, s31, s31, $0xb8;
	[tilespmem:$0x15100] =	vst v63  }
0xd5: {  	_ =	swait.ge [sflag:s29], $0x2000  }
0xd6: {  	s9 =	simm.s32 $0x10;
	s10 =	simm.s32 $0x20;
	[sflag:s29] =	ssyncset.done $0x0  }
.LBB2_12:
0xd7: {  	s11 =	sadd.s32 s9, s24  }
0xd8: {  	[sflag:s29] =	ssyncadd.s32 $0xFFFFE000;
	s12 =	smov.u32 s10;
	s13 =	sadd.s32 $0x10, s10  }
0xd9: {  	[tilespmem:s5], [sflag:$0x2] =	stream.linear.gather [hbm4b:s11+s5], $0x80, $0x38;
	[tilespmem:$0x15100] =	vst v63  }
0xda: {  	p1 =	sne.s32 s10, $0x9F0;
	_ =	swait.ge [sflag:s29], $0x80  }
0xdb: {  	[sflag:s29] =	ssyncset.done $0x0  }
0xdc: {  	s10 =	sadd.s32 s9, s23;
	s9 =	smov.u32 s12;
	[sflag:s29] =	ssyncadd.s32 $0xFFFFFF80  }
0xdd: {  	[tilespmem:s31], [sflag:$0x2] =	stream.linear.gather [hbm4b:s10+s5], $0x80, $0x38;
	[tilespmem:$0x15100] =	vst v63  }
0xde: {  	_ =	swait.ge [sflag:s29], $0x80  }
0xdf: {  	[sflag:s29] =	ssyncset.done $0x0  }
0xe0: {  	[sflag:s29] =	ssyncadd.s32 $0xFFFFFF80  }
0xe1: {  	[tilespmem:s1], [sflag:$0x1] =	stream.indirect.gather [hbm4b:s7+s31], $0x40, s5, s31, $0xb8;
	[tilespmem:$0x15100] =	vst v63  }
0xe2: {  	_ =	swait.ge [sflag:s0], $0x2000  }
.Ltmp8:
0xe3: {  	[sflag:s0] =	ssyncset.done $0x0;
	(pc) =	sbr.rel @p1 .LBB2_12-.Ltmp8, $4  }
0xe4: {  	[sflag:s0] =	ssyncadd.s32 $0xFFFFE000  }
0xe5: {  	[spmem:s3] =	stream.indirect.scatter.add.f32 [tilespmem:s1], [sflag:$0x2], $0x40, s31, s31, $0xb8;
	[tilespmem:$0x15100] =	vst v63  }
0xe6: {  	_ =	swait.ge [sflag:s29], $0x2000  }
0xe7: {  	s10 =	smov.u32 s13;
	[sflag:s29] =	ssyncset.done $0x0  }
.Ltmp9:
0xe8: {  	_ = 	snop;
	(pc) =	sbr.rel .LBB2_13-.Ltmp9, $1  }
0xe9: {  	_ =	sdelay $0x3  }
.LBB2_15:
0xea: {  	_ =	sfence.sel $0x180000  }
0xeb: {  	[bflag:$0x0] =	sbarrier.arrive $0xFFFF  }
0xec: {  	_ =	strace $0x90000047  }
0xed: {  	s0 =	stileid.u32;
	[bflag:$0x2] =	sbarrier.arrive $0xFFFF  }
0xee: {  	p0 =	sne.s32 s0, $0x0;
	s0 =	rddreg [dreg:$0x5]  }
0xef: {  	s0 =	sadd.s32 @!p0 $0x100000, s0  }
0xf0: {  	[sflag:s0] =	ssyncadd.tile.s32 @!p0 $0x1;
	_ =	shalt  }
.Lfunc_end2:
_tile_overlayer_lowered:
.L_overlay_start_2:
0xf1: {  	(tag) =	ssettag $0x2  }
0xf2: {  	s0 =	rddreg [dreg:$0x0];
	s2 =	stileid.u32  }
0xf3: {  	s1 =	rddreg [dreg:$0x1];
	p0 =	sne.s32 s2, $0x0  }
0xf4: {  	s3 =	rddreg [dreg:$0x2];
	[bflag:$0x3] =	sbarrier.arrive $0xFFFF;
	s2 =	simm.s32 @!p0 $0x1C02  }
0xf5: {  	[timem:s3], [sflag:s2] =	dma.local @!p0 [hbm:s0], s1  }
0xf6: {  	s0 =	simm.s32 @!p0 $0x2  }
0xf7: {  	_ =	swait.ge @!p0 [sflag:s0], s1  }
0xf8: {  	s1 =	ssub.s32 @!p0 $0x0, s1;
	[sflag:s0] =	ssyncset.done @!p0 $0x0  }
0xf9: {  	[sflag:s0] =	ssyncadd.s32 @!p0 s1  }
0xfa: {  	[bflag:$0x3] =	sbarrier.arrive $0xFFFF  }
0xfb: {  	_ =	shalt  }

</sc_bundles>
